<compile_context>
chip_gen: v7x
topology: tpu7x:2x2x1
jax: 0.10.2.dev20260603
libtpu: 0.0.44.dev20260713+nightly
codegen_flags: <defaults>
</compile_context>

<pallas_src>
import functools

import jax
import jax.numpy as jnp
from jax import lax
from jax.experimental import pallas as pl
from jax.experimental.pallas import tpu as pltpu
from jax.experimental.pallas import tpu_sc as plsc

_USER_NUM = 1000000
_ITEM_NUM = 100000
_D = 32
_B = 16384

_NC = 2
_NS = 16
_NW = _NC * _NS
_BPW = _B // _NW
_L = 16
_NG = _BPW // _L
_CHUNK = 128
_NCHUNK = _BPW // _CHUNK
_COL = 128
_LASTCOL = (_USER_NUM // _COL) * _COL


def _sigmoid(x):
    return 1.0 / (1.0 + jnp.exp(-x))


def _item_body(item, diff_w, exerk_w, out_sd, out_disc,
               idx_c, diff_v, ek_v, sd_v, disc_v, sem, sem2):
    wid = lax.axis_index("s") * _NC + lax.axis_index("c")
    base = wid * _BPW

    for c in range(_NCHUNK):
        pltpu.sync_copy(item.at[pl.ds(base + c * _CHUNK, _CHUNK)], idx_c.at[c])
    for c in range(_NCHUNK):
        for k in range(_CHUNK // _L):
            sl = pl.ds(k * _L, _L)
            v = idx_c[c, sl]
            idx_c[c, sl] = jnp.minimum(jnp.maximum(v, 0), _ITEM_NUM - 1)

    copies = []
    for c in range(_NCHUNK):
        rs = pl.ds(c * _CHUNK, _CHUNK)
        copies.append(pltpu.async_copy(diff_w.at[idx_c.at[c]],
                                       diff_v.at[rs], sem))
        copies.append(pltpu.async_copy(exerk_w.at[idx_c.at[c]],
                                       ek_v.at[rs], sem2))
    for cp in copies:
        cp.wait()

    iota = lax.iota(jnp.int32, _L)
    zero = jnp.zeros((_L,), jnp.float32)

    def group(g, carry):
        sl = pl.ds(g * _L, _L)
        rid = g * _L + iota
        s0 = zero
        s1 = zero
        s2 = zero
        s3 = zero
        for d in range(0, _D, 4):
            s0 = s0 + _sigmoid(plsc.load_gather(
                diff_v, [rid, jnp.full((_L,), d, jnp.int32)]))
            s1 = s1 + _sigmoid(plsc.load_gather(
                diff_v, [rid, jnp.full((_L,), d + 1, jnp.int32)]))
            s2 = s2 + _sigmoid(plsc.load_gather(
                diff_v, [rid, jnp.full((_L,), d + 2, jnp.int32)]))
            s3 = s3 + _sigmoid(plsc.load_gather(
                diff_v, [rid, jnp.full((_L,), d + 3, jnp.int32)]))
        sd_v[sl] = (s0 + s1) + (s2 + s3)
        disc_v[sl] = 2.0 * _sigmoid(ek_v[sl])
        return carry

    lax.fori_loop(0, _NG, group, 0)

    pltpu.sync_copy(sd_v, out_sd.at[pl.ds(base, _BPW)])
    pltpu.sync_copy(disc_v, out_disc.at[pl.ds(base, _BPW)])


@functools.partial(
    pl.kernel,
    mesh=plsc.VectorSubcoreMesh(core_axis_name="c", subcore_axis_name="s"),
    compiler_params=pltpu.CompilerParams(
        needs_layout_passes=False, use_tc_tiling_on_sc=False),
    out_type=[
        jax.ShapeDtypeStruct((_B,), jnp.float32),
        jax.ShapeDtypeStruct((_B,), jnp.float32),
    ],
    scratch_types=[
        pltpu.VMEM((_NCHUNK, _CHUNK), jnp.int32),
        pltpu.VMEM((_BPW, _D), jnp.float32),
        pltpu.VMEM((_BPW,), jnp.float32),
        pltpu.VMEM((_BPW,), jnp.float32),
        pltpu.VMEM((_BPW,), jnp.float32),
        pltpu.SemaphoreType.DMA,
        pltpu.SemaphoreType.DMA,
    ],
)
def _item_sc(*refs):
    _item_body(*refs)


def _user_body(user, pro_t, stu_t, sd_in, disc_in, wvec,
               out_o, out_a0, out_a1, out_a2, out_a3,
               idx_u, pb0, pb1, pb2, pb3, pb4, pb5, pb6, pb7,
               pb8, pb9, pb10, pb11,
               sb0, sb1, sb2, sb3, sb4, sb5, sb6, sb7,
               sb8, sb9, sb10, sb11, stp, sts,
               sd_v, disc_v, o_v, a0_v, a1_v, a2_v, a3_v, wv,
               sem_p, sem_s):
    wid = lax.axis_index("s") * _NC + lax.axis_index("c")
    base = wid * _BPW

    pltpu.sync_copy(user.at[pl.ds(base, _BPW)], idx_u)
    pltpu.sync_copy(sd_in.at[pl.ds(base, _BPW)], sd_v)
    pltpu.sync_copy(disc_in.at[pl.ds(base, _BPW)], disc_v)
    pltpu.sync_copy(wvec, wv)

    for k in range(_BPW // _L):
        sl = pl.ds(k * _L, _L)
        u = idx_u[sl]
        idx_u[sl] = jnp.minimum(jnp.maximum(u, 0), _USER_NUM - 1)

    wlo = wv[pl.ds(0, _L)]
    whi = wv[pl.ds(_L, _L)]
    wa00, wa01, wa10, wa11 = wlo[0], wlo[1], wlo[2], wlo[3]
    wa20, wa21, wa30, wa31 = wlo[4], wlo[5], wlo[6], wlo[7]
    ba0, ba1, ba2, ba3 = wlo[8], wlo[9], wlo[10], wlo[11]
    wg0, wg1, wg2, wg3 = wlo[12], wlo[13], wlo[14], wlo[15]
    ws0, ws1, ws2, ws3 = whi[0], whi[1], whi[2], whi[3]
    bg0, bs0 = whi[4], whi[5]

    iota = lax.iota(jnp.int32, _L)
    zero = jnp.zeros((_L,), jnp.float32)
    zero_i = jnp.zeros((_L,), jnp.int32)

    def fetch(col, pbuf, sbuf):
        cola = pl.multiple_of(col, _COL)
        pltpu.async_copy(pro_t.at[:, pl.ds(cola, _COL)], pbuf, sem_p)
        pltpu.async_copy(stu_t.at[:, pl.ds(cola, _COL)], sbuf, sem_s)

    def drain(pbuf, sbuf):
        pltpu.make_async_copy(
            pro_t.at[:, pl.ds(0, _COL)], pbuf, sem_p).wait()
        pltpu.make_async_copy(
            stu_t.at[:, pl.ds(0, _COL)], sbuf, sem_s).wait()

    pbufs = (pb0, pb1, pb2, pb3, pb4, pb5, pb6, pb7, pb8, pb9, pb10, pb11)
    sbufs = (sb0, sb1, sb2, sb3, sb4, sb5, sb6, sb7, sb8, sb9, sb10, sb11)
    _R = 12

    u_vec0 = idx_u[pl.ds(0, _L)]
    col_vec0 = (u_vec0 // _COL) * _COL
    for j in range(_R - 1):
        fetch(col_vec0[j], pbufs[j], sbufs[j])

    def group(g, u_vec):
        sl = pl.ds(g * _L, _L)
        col_vec = (u_vec // _COL) * _COL
        off_vec = u_vec - col_vec
        gn = jnp.minimum(g + 1, _NG - 1)
        u_next = idx_u[pl.ds(gn * _L, _L)]
        col_next = (u_next // _COL) * _COL
        for j in range(_L):
            if j + _R - 1 < _L:
                fetch(col_vec[j + _R - 1], pbufs[(j + _R - 1) % _R],
                      sbufs[(j + _R - 1) % _R])
            else:
                fetch(col_next[j + _R - 1 - _L], pbufs[(j + _R - 1) % _R],
                      sbufs[(j + _R - 1) % _R])
            pbuf, sbuf = pbufs[j % _R], sbufs[j % _R]
            drain(pbuf, sbuf)
            offj = zero_i + off_vec[j]
            stp[j, pl.ds(0, _L)] = plsc.load_gather(pbuf, [iota, offj])
            stp[j, pl.ds(_L, _L)] = plsc.load_gather(pbuf, [iota + _L, offj])
            sts[j, pl.ds(0, _L)] = plsc.load_gather(sbuf, [iota, offj])
            sts[j, pl.ds(_L, _L)] = plsc.load_gather(sbuf, [iota + _L, offj])

        p0 = zero
        p1 = zero
        s0 = zero
        s1 = zero
        for d in range(0, _D, 2):
            cd0 = jnp.full((_L,), d, jnp.int32)
            cd1 = jnp.full((_L,), d + 1, jnp.int32)
            p0 = p0 + _sigmoid(plsc.load_gather(stp, [iota, cd0]))
            p1 = p1 + _sigmoid(plsc.load_gather(stp, [iota, cd1]))
            s0 = s0 + _sigmoid(plsc.load_gather(sts, [iota, cd0]))
            s1 = s1 + _sigmoid(plsc.load_gather(sts, [iota, cd1]))
        spro = p0 + p1
        sstu = s0 + s1

        sd = sd_v[sl]
        disc = disc_v[sl]
        o = _sigmoid(disc * (spro - sd))
        m_stu = sstu * (1.0 / _D)
        m_diff = sd * (1.0 / _D)
        a0 = _sigmoid(wa00 * m_stu + wa01 * m_diff + ba0)
        a1 = _sigmoid(wa10 * m_stu + wa11 * m_diff + ba1)
        a2 = _sigmoid(wa20 * m_stu + wa21 * m_diff + ba2)
        a3 = _sigmoid(wa30 * m_stu + wa31 * m_diff + ba3)
        gv = _sigmoid(wg0 * a0 + wg1 * a1 + wg2 * a2 + wg3 * a3 + bg0)
        sv = _sigmoid(ws0 * a0 + ws1 * a1 + ws2 * a2 + ws3 * a3 + bs0)
        o_v[sl] = (1.0 - sv) * o + gv * (1.0 - o)
        a0_v[sl] = a0
        a1_v[sl] = a1
        a2_v[sl] = a2
        a3_v[sl] = a3
        return u_next

    lax.fori_loop(0, _NG, group, u_vec0)

    for j in range(_R - 1):
        drain(pbufs[j], sbufs[j])

    pltpu.sync_copy(o_v, out_o.at[pl.ds(base, _BPW)])
    pltpu.sync_copy(a0_v, out_a0.at[pl.ds(base, _BPW)])
    pltpu.sync_copy(a1_v, out_a1.at[pl.ds(base, _BPW)])
    pltpu.sync_copy(a2_v, out_a2.at[pl.ds(base, _BPW)])
    pltpu.sync_copy(a3_v, out_a3.at[pl.ds(base, _BPW)])


@functools.partial(
    pl.kernel,
    mesh=plsc.VectorSubcoreMesh(core_axis_name="c", subcore_axis_name="s"),
    compiler_params=pltpu.CompilerParams(
        needs_layout_passes=False, disable_bounds_checks=True),
    out_type=[jax.ShapeDtypeStruct((_B,), jnp.float32)] * 5,
    scratch_types=[
        pltpu.VMEM((_BPW,), jnp.int32),
        *[pltpu.VMEM((_D, _COL), jnp.float32)] * 24,
        pltpu.VMEM((_L, _D), jnp.float32),
        pltpu.VMEM((_L, _D), jnp.float32),
        pltpu.VMEM((_BPW,), jnp.float32),
        pltpu.VMEM((_BPW,), jnp.float32),
        pltpu.VMEM((_BPW,), jnp.float32),
        pltpu.VMEM((_BPW,), jnp.float32),
        pltpu.VMEM((_BPW,), jnp.float32),
        pltpu.VMEM((_BPW,), jnp.float32),
        pltpu.VMEM((_BPW,), jnp.float32),
        pltpu.VMEM((2 * _L,), jnp.float32),
        pltpu.SemaphoreType.DMA,
        pltpu.SemaphoreType.DMA,
    ],
)
def _user_sc(*refs):
    _user_body(*refs)


def kernel(user, item, pro_w, stu_w, diff_w, exerk_w,
           W_aff, b_aff, W_g, b_g, W_s, b_s):
    user = user.astype(jnp.int32)
    item = item.astype(jnp.int32)
    wvec = jnp.concatenate([
        W_aff.reshape(-1), b_aff, W_g.reshape(-1), W_s.reshape(-1),
        b_g, b_s, jnp.zeros((10,), jnp.float32)])
    sd, disc = _item_sc(item, diff_w, exerk_w.reshape(-1))
    o, a0, a1, a2, a3 = _user_sc(user, pro_w.T, stu_w.T, sd, disc, wvec)
    affect = jnp.stack([a0, a1, a2, a3], axis=1)
    return (o, affect)

# --- scband reference (transcript-rebuilt; emitter-appended) ---
"""Pipeline reference for scband-mirtaffect-net-28054726377728 (READ-ONLY COPY).

The authoritative reference and input builder live on the scoring server;
editing this copy changes nothing except your own understanding.
"""

import jax, jax.numpy as jnp
import numpy as np

USER_NUM = 1000000
ITEM_NUM = 100000
D = 32
B = 16384


def _xavier(key, shape):
    fan_in = shape[-1] if len(shape) > 1 else shape[0]
    fan_out = shape[0]
    std = float(np.sqrt(2.0 / (fan_in + fan_out)))
    return jax.random.normal(key, shape, dtype=jnp.float32) * std


def setup_inputs(seed: int = 0) -> dict:
    key = jax.random.key(seed)
    ks = jax.random.split(key, 12)
    user = jax.random.randint(ks[0], (B,), 0, USER_NUM)
    item = jax.random.randint(ks[1], (B,), 0, ITEM_NUM)
    pro_w = _xavier(ks[2], (USER_NUM, D))
    stu_w = _xavier(ks[3], (USER_NUM, D))
    diff_w = _xavier(ks[4], (ITEM_NUM, D))
    exerk_w = _xavier(ks[5], (ITEM_NUM, 1))
    W_aff = _xavier(ks[6], (4, 2))
    b_aff = jnp.zeros((4,), dtype=jnp.float32)
    W_g = _xavier(ks[7], (1, 4))
    b_g = jnp.zeros((1,), dtype=jnp.float32)
    W_s = _xavier(ks[8], (1, 4))
    b_s = jnp.zeros((1,), dtype=jnp.float32)
    return {"user": user, "item": item, "pro_w": pro_w, "stu_w": stu_w,
            "diff_w": diff_w, "exerk_w": exerk_w, "W_aff": W_aff, "b_aff": b_aff,
            "W_g": W_g, "b_g": b_g, "W_s": W_s, "b_s": b_s}


def reference(user, item, pro_w, stu_w, diff_w, exerk_w, W_aff, b_aff, W_g, b_g, W_s, b_s):
    user = jnp.clip(user, 0, USER_NUM - 1)
    item = jnp.clip(item, 0, ITEM_NUM - 1)
    pro = jax.nn.sigmoid(jnp.take(pro_w, user, axis=0))
    stu_affect = jax.nn.sigmoid(jnp.take(stu_w, user, axis=0))
    diff = jax.nn.sigmoid(jnp.take(diff_w, item, axis=0))
    exer_k = jnp.take(exerk_w, item, axis=0)
    disc = 2.0 * jax.nn.sigmoid(exer_k)
    perf = (pro - diff) * disc
    input_x = jnp.sum(perf, axis=1)
    o = jax.nn.sigmoid(input_x)
    affect_input = jnp.concatenate([jnp.mean(stu_affect, axis=1, keepdims=True),
                                    jnp.mean(diff, axis=1, keepdims=True)], axis=1)
    affect = jax.nn.sigmoid(affect_input @ W_aff.T + b_aff)
    g = jax.nn.sigmoid(affect @ W_g.T + b_g)
    s = jax.nn.sigmoid(affect @ W_s.T + b_s)
    output = (1.0 - s[:, 0]) * o + g[:, 0] * (1.0 - o)
    return (output, affect)

if __name__ == "__main__":
    import jax
    _d = setup_inputs()
    print(jax.jit(kernel)(*tuple(_d.values())))

</pallas_src>

<mosaic_0001>
#map = affine_map<(d0, d1) -> (0)>
#map1 = affine_map<(d0, d1) -> (0, 0)>
module attributes {stable_mosaic.version = 14 : i64} {
  func.func @_item_sc(%arg0: i32, %arg1: i32, %arg2: memref<16384xi32, #tpu.memory_space<hbm>>, %arg3: memref<100000x32xf32, #tpu.memory_space<hbm>>, %arg4: memref<100000xf32, #tpu.memory_space<hbm>>, %arg5: memref<16384xf32, #tpu.memory_space<hbm>>, %arg6: memref<16384xf32, #tpu.memory_space<hbm>>, %arg7: memref<4x128xi32, #tpu.memory_space<vmem>>, %arg8: memref<512x32xf32, #tpu.memory_space<vmem>>, %arg9: memref<512xf32, #tpu.memory_space<vmem>>, %arg10: memref<512xf32, #tpu.memory_space<vmem>>, %arg11: memref<512xf32, #tpu.memory_space<vmem>>, %arg12: memref<!tpu.dma_semaphore, #tpu.memory_space<semaphore_mem>>, %arg13: memref<!tpu.dma_semaphore, #tpu.memory_space<semaphore_mem>>) attributes {dimension_semantics = [#tpu.dimension_semantics<core_parallel>, #tpu.dimension_semantics<subcore_parallel>], iteration_bounds = array<i64: 2, 16>, scalar_prefetch = 0 : i64, scratch_operands = 7 : i64, tpu.core_type = #tpu.core_type<sc_vector_subcore>, window_params = [{transform_indices = #map}, {transform_indices = #map1}, {transform_indices = #map}, {transform_indices = #map}, {transform_indices = #map}]} {
    %mul3A = arith.constant 2 : i32
    %mul3A_0 = arith.muli %arg1, %mul3A : i32
    %add3A = arith.addi %mul3A_0, %arg0 : i32
    %mul3A_1 = arith.constant 512 : i32
    %mul3A_2 = arith.muli %add3A, %mul3A_1 : i32
    %add3A_3 = arith.constant 0 : i32
    %add3A_4 = arith.addi %mul3A_2, %add3A_3 : i32
    %run_scoped3A = arith.constant 0 : i32
    "tpu.region"() ({
      %run_scoped3A_606 = tpu.sem_alloc : memref<!tpu.dma_semaphore, #tpu.memory_space<semaphore_mem>>
      %dma_start3A_607 = arith.constant 0 : i32
      %dma_start3A_608 = tpu.memref_slice %arg7[%run_scoped3A, %dma_start3A_607] : memref<4x128xi32, #tpu.memory_space<vmem>> -> memref<1x128xi32, #tpu.memory_space<vmem>>
      %dma_start3A_609 = tpu.memref_squeeze %dma_start3A_608 : memref<1x128xi32, #tpu.memory_space<vmem>> -> memref<128xi32, #tpu.memory_space<vmem>>
      %dma_start3A_610 = tpu.memref_slice %arg2[%add3A_4] : memref<16384xi32, #tpu.memory_space<hbm>> -> memref<128xi32, #tpu.memory_space<hbm>>
      %dma_start3A_611 = arith.constant 0 : i32
      %dma_start3A_612 = tpu.memref_slice %arg7[%run_scoped3A, %dma_start3A_611] : memref<4x128xi32, #tpu.memory_space<vmem>> -> memref<1x128xi32, #tpu.memory_space<vmem>>
      %dma_start3A_613 = tpu.memref_squeeze %dma_start3A_612 : memref<1x128xi32, #tpu.memory_space<vmem>> -> memref<128xi32, #tpu.memory_space<vmem>>
      %dma_start3A_614 = tpu.memref_slice %arg2[%add3A_4] : memref<16384xi32, #tpu.memory_space<hbm>> -> memref<128xi32, #tpu.memory_space<hbm>>
      tpu.enqueue_dma source(%dma_start3A_614 : memref<128xi32, #tpu.memory_space<hbm>>) target(%dma_start3A_613 : memref<128xi32, #tpu.memory_space<vmem>>) target_semaphore(%run_scoped3A_606 : memref<!tpu.dma_semaphore, #tpu.memory_space<semaphore_mem>>)
      %dma_wait3A_615 = arith.constant 0 : i32
      %dma_wait3A_616 = tpu.memref_slice %arg7[%run_scoped3A, %dma_wait3A_615] : memref<4x128xi32, #tpu.memory_space<vmem>> -> memref<1x128xi32, #tpu.memory_space<vmem>>
      %dma_wait3A_617 = tpu.memref_squeeze %dma_wait3A_616 : memref<1x128xi32, #tpu.memory_space<vmem>> -> memref<128xi32, #tpu.memory_space<vmem>>
      %dma_wait3A_618 = tpu.memref_slice %arg2[%add3A_4] : memref<16384xi32, #tpu.memory_space<hbm>> -> memref<128xi32, #tpu.memory_space<hbm>>
      %dma_wait3A_619 = arith.constant 0 : i32
      %dma_wait3A_620 = tpu.memref_slice %arg7[%run_scoped3A, %dma_wait3A_619] : memref<4x128xi32, #tpu.memory_space<vmem>> -> memref<1x128xi32, #tpu.memory_space<vmem>>
      %dma_wait3A_621 = tpu.memref_squeeze %dma_wait3A_620 : memref<1x128xi32, #tpu.memory_space<vmem>> -> memref<128xi32, #tpu.memory_space<vmem>>
      %dma_wait3A_622 = tpu.memref_slice %arg2[%add3A_4] : memref<16384xi32, #tpu.memory_space<hbm>> -> memref<128xi32, #tpu.memory_space<hbm>>
      tpu.wait_dma2 semaphore(%run_scoped3A_606 : memref<!tpu.dma_semaphore, #tpu.memory_space<semaphore_mem>>) src(%dma_wait3A_622 : memref<128xi32, #tpu.memory_space<hbm>>) dst(%dma_wait3A_621 : memref<128xi32, #tpu.memory_space<vmem>>)
      tpu.yield
    }) : () -> ()
    %add3A_5 = arith.constant 128 : i32
    %add3A_6 = arith.addi %mul3A_2, %add3A_5 : i32
    %run_scoped3A_7 = arith.constant 1 : i32
    "tpu.region"() ({
      %run_scoped3A_606 = tpu.sem_alloc : memref<!tpu.dma_semaphore, #tpu.memory_space<semaphore_mem>>
      %dma_start3A_607 = arith.constant 0 : i32
      %dma_start3A_608 = tpu.memref_slice %arg7[%run_scoped3A_7, %dma_start3A_607] : memref<4x128xi32, #tpu.memory_space<vmem>> -> memref<1x128xi32, #tpu.memory_space<vmem>>
      %dma_start3A_609 = tpu.memref_squeeze %dma_start3A_608 : memref<1x128xi32, #tpu.memory_space<vmem>> -> memref<128xi32, #tpu.memory_space<vmem>>
      %dma_start3A_610 = tpu.memref_slice %arg2[%add3A_6] : memref<16384xi32, #tpu.memory_space<hbm>> -> memref<128xi32, #tpu.memory_space<hbm>>
      %dma_start3A_611 = arith.constant 0 : i32
      %dma_start3A_612 = tpu.memref_slice %arg7[%run_scoped3A_7, %dma_start3A_611] : memref<4x128xi32, #tpu.memory_space<vmem>> -> memref<1x128xi32, #tpu.memory_space<vmem>>
      %dma_start3A_613 = tpu.memref_squeeze %dma_start3A_612 : memref<1x128xi32, #tpu.memory_space<vmem>> -> memref<128xi32, #tpu.memory_space<vmem>>
      %dma_start3A_614 = tpu.memref_slice %arg2[%add3A_6] : memref<16384xi32, #tpu.memory_space<hbm>> -> memref<128xi32, #tpu.memory_space<hbm>>
      tpu.enqueue_dma source(%dma_start3A_614 : memref<128xi32, #tpu.memory_space<hbm>>) target(%dma_start3A_613 : memref<128xi32, #tpu.memory_space<vmem>>) target_semaphore(%run_scoped3A_606 : memref<!tpu.dma_semaphore, #tpu.memory_space<semaphore_mem>>)
      %dma_wait3A_615 = arith.constant 0 : i32
      %dma_wait3A_616 = tpu.memref_slice %arg7[%run_scoped3A_7, %dma_wait3A_615] : memref<4x128xi32, #tpu.memory_space<vmem>> -> memref<1x128xi32, #tpu.memory_space<vmem>>
      %dma_wait3A_617 = tpu.memref_squeeze %dma_wait3A_616 : memref<1x128xi32, #tpu.memory_space<vmem>> -> memref<128xi32, #tpu.memory_space<vmem>>
      %dma_wait3A_618 = tpu.memref_slice %arg2[%add3A_6] : memref<16384xi32, #tpu.memory_space<hbm>> -> memref<128xi32, #tpu.memory_space<hbm>>
      %dma_wait3A_619 = arith.constant 0 : i32
      %dma_wait3A_620 = tpu.memref_slice %arg7[%run_scoped3A_7, %dma_wait3A_619] : memref<4x128xi32, #tpu.memory_space<vmem>> -> memref<1x128xi32, #tpu.memory_space<vmem>>
      %dma_wait3A_621 = tpu.memref_squeeze %dma_wait3A_620 : memref<1x128xi32, #tpu.memory_space<vmem>> -> memref<128xi32, #tpu.memory_space<vmem>>
      %dma_wait3A_622 = tpu.memref_slice %arg2[%add3A_6] : memref<16384xi32, #tpu.memory_space<hbm>> -> memref<128xi32, #tpu.memory_space<hbm>>
      tpu.wait_dma2 semaphore(%run_scoped3A_606 : memref<!tpu.dma_semaphore, #tpu.memory_space<semaphore_mem>>) src(%dma_wait3A_622 : memref<128xi32, #tpu.memory_space<hbm>>) dst(%dma_wait3A_621 : memref<128xi32, #tpu.memory_space<vmem>>)
      tpu.yield
    }) : () -> ()
    %add3A_8 = arith.constant 256 : i32
    %add3A_9 = arith.addi %mul3A_2, %add3A_8 : i32
    %run_scoped3A_10 = arith.constant 2 : i32
    "tpu.region"() ({
      %run_scoped3A_606 = tpu.sem_alloc : memref<!tpu.dma_semaphore, #tpu.memory_space<semaphore_mem>>
      %dma_start3A_607 = arith.constant 0 : i32
      %dma_start3A_608 = tpu.memref_slice %arg7[%run_scoped3A_10, %dma_start3A_607] : memref<4x128xi32, #tpu.memory_space<vmem>> -> memref<1x128xi32, #tpu.memory_space<vmem>>
      %dma_start3A_609 = tpu.memref_squeeze %dma_start3A_608 : memref<1x128xi32, #tpu.memory_space<vmem>> -> memref<128xi32, #tpu.memory_space<vmem>>
      %dma_start3A_610 = tpu.memref_slice %arg2[%add3A_9] : memref<16384xi32, #tpu.memory_space<hbm>> -> memref<128xi32, #tpu.memory_space<hbm>>
      %dma_start3A_611 = arith.constant 0 : i32
      %dma_start3A_612 = tpu.memref_slice %arg7[%run_scoped3A_10, %dma_start3A_611] : memref<4x128xi32, #tpu.memory_space<vmem>> -> memref<1x128xi32, #tpu.memory_space<vmem>>
      %dma_start3A_613 = tpu.memref_squeeze %dma_start3A_612 : memref<1x128xi32, #tpu.memory_space<vmem>> -> memref<128xi32, #tpu.memory_space<vmem>>
      %dma_start3A_614 = tpu.memref_slice %arg2[%add3A_9] : memref<16384xi32, #tpu.memory_space<hbm>> -> memref<128xi32, #tpu.memory_space<hbm>>
      tpu.enqueue_dma source(%dma_start3A_614 : memref<128xi32, #tpu.memory_space<hbm>>) target(%dma_start3A_613 : memref<128xi32, #tpu.memory_space<vmem>>) target_semaphore(%run_scoped3A_606 : memref<!tpu.dma_semaphore, #tpu.memory_space<semaphore_mem>>)
      %dma_wait3A_615 = arith.constant 0 : i32
      %dma_wait3A_616 = tpu.memref_slice %arg7[%run_scoped3A_10, %dma_wait3A_615] : memref<4x128xi32, #tpu.memory_space<vmem>> -> memref<1x128xi32, #tpu.memory_space<vmem>>
      %dma_wait3A_617 = tpu.memref_squeeze %dma_wait3A_616 : memref<1x128xi32, #tpu.memory_space<vmem>> -> memref<128xi32, #tpu.memory_space<vmem>>
      %dma_wait3A_618 = tpu.memref_slice %arg2[%add3A_9] : memref<16384xi32, #tpu.memory_space<hbm>> -> memref<128xi32, #tpu.memory_space<hbm>>
      %dma_wait3A_619 = arith.constant 0 : i32
      %dma_wait3A_620 = tpu.memref_slice %arg7[%run_scoped3A_10, %dma_wait3A_619] : memref<4x128xi32, #tpu.memory_space<vmem>> -> memref<1x128xi32, #tpu.memory_space<vmem>>
      %dma_wait3A_621 = tpu.memref_squeeze %dma_wait3A_620 : memref<1x128xi32, #tpu.memory_space<vmem>> -> memref<128xi32, #tpu.memory_space<vmem>>
      %dma_wait3A_622 = tpu.memref_slice %arg2[%add3A_9] : memref<16384xi32, #tpu.memory_space<hbm>> -> memref<128xi32, #tpu.memory_space<hbm>>
      tpu.wait_dma2 semaphore(%run_scoped3A_606 : memref<!tpu.dma_semaphore, #tpu.memory_space<semaphore_mem>>) src(%dma_wait3A_622 : memref<128xi32, #tpu.memory_space<hbm>>) dst(%dma_wait3A_621 : memref<128xi32, #tpu.memory_space<vmem>>)
      tpu.yield
    }) : () -> ()
    %add3A_11 = arith.constant 384 : i32
    %add3A_12 = arith.addi %mul3A_2, %add3A_11 : i32
    %run_scoped3A_13 = arith.constant 3 : i32
    "tpu.region"() ({
      %run_scoped3A_606 = tpu.sem_alloc : memref<!tpu.dma_semaphore, #tpu.memory_space<semaphore_mem>>
      %dma_start3A_607 = arith.constant 0 : i32
      %dma_start3A_608 = tpu.memref_slice %arg7[%run_scoped3A_13, %dma_start3A_607] : memref<4x128xi32, #tpu.memory_space<vmem>> -> memref<1x128xi32, #tpu.memory_space<vmem>>
      %dma_start3A_609 = tpu.memref_squeeze %dma_start3A_608 : memref<1x128xi32, #tpu.memory_space<vmem>> -> memref<128xi32, #tpu.memory_space<vmem>>
      %dma_start3A_610 = tpu.memref_slice %arg2[%add3A_12] : memref<16384xi32, #tpu.memory_space<hbm>> -> memref<128xi32, #tpu.memory_space<hbm>>
      %dma_start3A_611 = arith.constant 0 : i32
      %dma_start3A_612 = tpu.memref_slice %arg7[%run_scoped3A_13, %dma_start3A_611] : memref<4x128xi32, #tpu.memory_space<vmem>> -> memref<1x128xi32, #tpu.memory_space<vmem>>
      %dma_start3A_613 = tpu.memref_squeeze %dma_start3A_612 : memref<1x128xi32, #tpu.memory_space<vmem>> -> memref<128xi32, #tpu.memory_space<vmem>>
      %dma_start3A_614 = tpu.memref_slice %arg2[%add3A_12] : memref<16384xi32, #tpu.memory_space<hbm>> -> memref<128xi32, #tpu.memory_space<hbm>>
      tpu.enqueue_dma source(%dma_start3A_614 : memref<128xi32, #tpu.memory_space<hbm>>) target(%dma_start3A_613 : memref<128xi32, #tpu.memory_space<vmem>>) target_semaphore(%run_scoped3A_606 : memref<!tpu.dma_semaphore, #tpu.memory_space<semaphore_mem>>)
      %dma_wait3A_615 = arith.constant 0 : i32
      %dma_wait3A_616 = tpu.memref_slice %arg7[%run_scoped3A_13, %dma_wait3A_615] : memref<4x128xi32, #tpu.memory_space<vmem>> -> memref<1x128xi32, #tpu.memory_space<vmem>>
      %dma_wait3A_617 = tpu.memref_squeeze %dma_wait3A_616 : memref<1x128xi32, #tpu.memory_space<vmem>> -> memref<128xi32, #tpu.memory_space<vmem>>
      %dma_wait3A_618 = tpu.memref_slice %arg2[%add3A_12] : memref<16384xi32, #tpu.memory_space<hbm>> -> memref<128xi32, #tpu.memory_space<hbm>>
      %dma_wait3A_619 = arith.constant 0 : i32
      %dma_wait3A_620 = tpu.memref_slice %arg7[%run_scoped3A_13, %dma_wait3A_619] : memref<4x128xi32, #tpu.memory_space<vmem>> -> memref<1x128xi32, #tpu.memory_space<vmem>>
      %dma_wait3A_621 = tpu.memref_squeeze %dma_wait3A_620 : memref<1x128xi32, #tpu.memory_space<vmem>> -> memref<128xi32, #tpu.memory_space<vmem>>
      %dma_wait3A_622 = tpu.memref_slice %arg2[%add3A_12] : memref<16384xi32, #tpu.memory_space<hbm>> -> memref<128xi32, #tpu.memory_space<hbm>>
      tpu.wait_dma2 semaphore(%run_scoped3A_606 : memref<!tpu.dma_semaphore, #tpu.memory_space<semaphore_mem>>) src(%dma_wait3A_622 : memref<128xi32, #tpu.memory_space<hbm>>) dst(%dma_wait3A_621 : memref<128xi32, #tpu.memory_space<vmem>>)
      tpu.yield
    }) : () -> ()
    %get3A = arith.constant 0 : i32
    %get3A_14 = arith.index_cast %get3A : i32 to index
    %get3A_15 = arith.constant 0 : index
    %get3A_16 = tpu.vector_load %arg7[%get3A_14, %get3A_15] {strides = array<i32>} : memref<4x128xi32, #tpu.memory_space<vmem>>, vector<16xi32>,
    %max3A = arith.constant 0 : i32
    %max3A_17 = vector.broadcast %max3A : i32 to vector<16xi32>
    %max3A_18 = arith.maxsi %get3A_16, %max3A_17 : vector<16xi32>
    %min3A = arith.constant 99999 : i32
    %min3A_19 = vector.broadcast %min3A : i32 to vector<16xi32>
    %min3A_20 = arith.minsi %max3A_18, %min3A_19 : vector<16xi32>
    %swap3A = arith.constant 0 : i32
    %swap3A_21 = arith.index_cast %swap3A : i32 to index
    %swap3A_22 = arith.constant 0 : index
    %swap3A_23 = tpu.vector_load %arg7[%swap3A_21, %swap3A_22] {strides = array<i32>} : memref<4x128xi32, #tpu.memory_space<vmem>>, vector<16xi32>,
    tpu.vector_store %arg7[%swap3A_21, %swap3A_22], %min3A_20 {strides = array<i32>} : memref<4x128xi32, #tpu.memory_space<vmem>>, vector<16xi32>,
    %get3A_24 = arith.constant 0 : i32
    %get3A_25 = arith.index_cast %get3A_24 : i32 to index
    %get3A_26 = arith.constant 16 : index
    %get3A_27 = tpu.vector_load %arg7[%get3A_25, %get3A_26] {strides = array<i32>} : memref<4x128xi32, #tpu.memory_space<vmem>>, vector<16xi32>,
    %max3A_28 = arith.constant 0 : i32
    %max3A_29 = vector.broadcast %max3A_28 : i32 to vector<16xi32>
    %max3A_30 = arith.maxsi %get3A_27, %max3A_29 : vector<16xi32>
    %min3A_31 = arith.constant 99999 : i32
    %min3A_32 = vector.broadcast %min3A_31 : i32 to vector<16xi32>
    %min3A_33 = arith.minsi %max3A_30, %min3A_32 : vector<16xi32>
    %swap3A_34 = arith.constant 0 : i32
    %swap3A_35 = arith.index_cast %swap3A_34 : i32 to index
    %swap3A_36 = arith.constant 16 : index
    %swap3A_37 = tpu.vector_load %arg7[%swap3A_35, %swap3A_36] {strides = array<i32>} : memref<4x128xi32, #tpu.memory_space<vmem>>, vector<16xi32>,
    tpu.vector_store %arg7[%swap3A_35, %swap3A_36], %min3A_33 {strides = array<i32>} : memref<4x128xi32, #tpu.memory_space<vmem>>, vector<16xi32>,
    %get3A_38 = arith.constant 0 : i32
    %get3A_39 = arith.index_cast %get3A_38 : i32 to index
    %get3A_40 = arith.constant 32 : index
    %get3A_41 = tpu.vector_load %arg7[%get3A_39, %get3A_40] {strides = array<i32>} : memref<4x128xi32, #tpu.memory_space<vmem>>, vector<16xi32>,
    %max3A_42 = arith.constant 0 : i32
    %max3A_43 = vector.broadcast %max3A_42 : i32 to vector<16xi32>
    %max3A_44 = arith.maxsi %get3A_41, %max3A_43 : vector<16xi32>
    %min3A_45 = arith.constant 99999 : i32
    %min3A_46 = vector.broadcast %min3A_45 : i32 to vector<16xi32>
    %min3A_47 = arith.minsi %max3A_44, %min3A_46 : vector<16xi32>
    %swap3A_48 = arith.constant 0 : i32
    %swap3A_49 = arith.index_cast %swap3A_48 : i32 to index
    %swap3A_50 = arith.constant 32 : index
    %swap3A_51 = tpu.vector_load %arg7[%swap3A_49, %swap3A_50] {strides = array<i32>} : memref<4x128xi32, #tpu.memory_space<vmem>>, vector<16xi32>,
    tpu.vector_store %arg7[%swap3A_49, %swap3A_50], %min3A_47 {strides = array<i32>} : memref<4x128xi32, #tpu.memory_space<vmem>>, vector<16xi32>,
    %get3A_52 = arith.constant 0 : i32
    %get3A_53 = arith.index_cast %get3A_52 : i32 to index
    %get3A_54 = arith.constant 48 : index
    %get3A_55 = tpu.vector_load %arg7[%get3A_53, %get3A_54] {strides = array<i32>} : memref<4x128xi32, #tpu.memory_space<vmem>>, vector<16xi32>,
    %max3A_56 = arith.constant 0 : i32
    %max3A_57 = vector.broadcast %max3A_56 : i32 to vector<16xi32>
    %max3A_58 = arith.maxsi %get3A_55, %max3A_57 : vector<16xi32>
    %min3A_59 = arith.constant 99999 : i32
    %min3A_60 = vector.broadcast %min3A_59 : i32 to vector<16xi32>
    %min3A_61 = arith.minsi %max3A_58, %min3A_60 : vector<16xi32>
    %swap3A_62 = arith.constant 0 : i32
    %swap3A_63 = arith.index_cast %swap3A_62 : i32 to index
    %swap3A_64 = arith.constant 48 : index
    %swap3A_65 = tpu.vector_load %arg7[%swap3A_63, %swap3A_64] {strides = array<i32>} : memref<4x128xi32, #tpu.memory_space<vmem>>, vector<16xi32>,
    tpu.vector_store %arg7[%swap3A_63, %swap3A_64], %min3A_61 {strides = array<i32>} : memref<4x128xi32, #tpu.memory_space<vmem>>, vector<16xi32>,
    %get3A_66 = arith.constant 0 : i32
    %get3A_67 = arith.index_cast %get3A_66 : i32 to index
    %get3A_68 = arith.constant 64 : index
    %get3A_69 = tpu.vector_load %arg7[%get3A_67, %get3A_68] {strides = array<i32>} : memref<4x128xi32, #tpu.memory_space<vmem>>, vector<16xi32>,
    %max3A_70 = arith.constant 0 : i32
    %max3A_71 = vector.broadcast %max3A_70 : i32 to vector<16xi32>
    %max3A_72 = arith.maxsi %get3A_69, %max3A_71 : vector<16xi32>
    %min3A_73 = arith.constant 99999 : i32
    %min3A_74 = vector.broadcast %min3A_73 : i32 to vector<16xi32>
    %min3A_75 = arith.minsi %max3A_72, %min3A_74 : vector<16xi32>
    %swap3A_76 = arith.constant 0 : i32
    %swap3A_77 = arith.index_cast %swap3A_76 : i32 to index
    %swap3A_78 = arith.constant 64 : index
    %swap3A_79 = tpu.vector_load %arg7[%swap3A_77, %swap3A_78] {strides = array<i32>} : memref<4x128xi32, #tpu.memory_space<vmem>>, vector<16xi32>,
    tpu.vector_store %arg7[%swap3A_77, %swap3A_78], %min3A_75 {strides = array<i32>} : memref<4x128xi32, #tpu.memory_space<vmem>>, vector<16xi32>,
    %get3A_80 = arith.constant 0 : i32
    %get3A_81 = arith.index_cast %get3A_80 : i32 to index
    %get3A_82 = arith.constant 80 : index
    %get3A_83 = tpu.vector_load %arg7[%get3A_81, %get3A_82] {strides = array<i32>} : memref<4x128xi32, #tpu.memory_space<vmem>>, vector<16xi32>,
    %max3A_84 = arith.constant 0 : i32
    %max3A_85 = vector.broadcast %max3A_84 : i32 to vector<16xi32>
    %max3A_86 = arith.maxsi %get3A_83, %max3A_85 : vector<16xi32>
    %min3A_87 = arith.constant 99999 : i32
    %min3A_88 = vector.broadcast %min3A_87 : i32 to vector<16xi32>
    %min3A_89 = arith.minsi %max3A_86, %min3A_88 : vector<16xi32>
    %swap3A_90 = arith.constant 0 : i32
    %swap3A_91 = arith.index_cast %swap3A_90 : i32 to index
    %swap3A_92 = arith.constant 80 : index
    %swap3A_93 = tpu.vector_load %arg7[%swap3A_91, %swap3A_92] {strides = array<i32>} : memref<4x128xi32, #tpu.memory_space<vmem>>, vector<16xi32>,
    tpu.vector_store %arg7[%swap3A_91, %swap3A_92], %min3A_89 {strides = array<i32>} : memref<4x128xi32, #tpu.memory_space<vmem>>, vector<16xi32>,
    %get3A_94 = arith.constant 0 : i32
    %get3A_95 = arith.index_cast %get3A_94 : i32 to index
    %get3A_96 = arith.constant 96 : index
    %get3A_97 = tpu.vector_load %arg7[%get3A_95, %get3A_96] {strides = array<i32>} : memref<4x128xi32, #tpu.memory_space<vmem>>, vector<16xi32>,
    %max3A_98 = arith.constant 0 : i32
    %max3A_99 = vector.broadcast %max3A_98 : i32 to vector<16xi32>
    %max3A_100 = arith.maxsi %get3A_97, %max3A_99 : vector<16xi32>
    %min3A_101 = arith.constant 99999 : i32
    %min3A_102 = vector.broadcast %min3A_101 : i32 to vector<16xi32>
    %min3A_103 = arith.minsi %max3A_100, %min3A_102 : vector<16xi32>
    %swap3A_104 = arith.constant 0 : i32
    %swap3A_105 = arith.index_cast %swap3A_104 : i32 to index
    %swap3A_106 = arith.constant 96 : index
    %swap3A_107 = tpu.vector_load %arg7[%swap3A_105, %swap3A_106] {strides = array<i32>} : memref<4x128xi32, #tpu.memory_space<vmem>>, vector<16xi32>,
    tpu.vector_store %arg7[%swap3A_105, %swap3A_106], %min3A_103 {strides = array<i32>} : memref<4x128xi32, #tpu.memory_space<vmem>>, vector<16xi32>,
    %get3A_108 = arith.constant 0 : i32
    %get3A_109 = arith.index_cast %get3A_108 : i32 to index
    %get3A_110 = arith.constant 112 : index
    %get3A_111 = tpu.vector_load %arg7[%get3A_109, %get3A_110] {strides = array<i32>} : memref<4x128xi32, #tpu.memory_space<vmem>>, vector<16xi32>,
    %max3A_112 = arith.constant 0 : i32
    %max3A_113 = vector.broadcast %max3A_112 : i32 to vector<16xi32>
    %max3A_114 = arith.maxsi %get3A_111, %max3A_113 : vector<16xi32>
    %min3A_115 = arith.constant 99999 : i32
    %min3A_116 = vector.broadcast %min3A_115 : i32 to vector<16xi32>
    %min3A_117 = arith.minsi %max3A_114, %min3A_116 : vector<16xi32>
    %swap3A_118 = arith.constant 0 : i32
    %swap3A_119 = arith.index_cast %swap3A_118 : i32 to index
    %swap3A_120 = arith.constant 112 : index
    %swap3A_121 = tpu.vector_load %arg7[%swap3A_119, %swap3A_120] {strides = array<i32>} : memref<4x128xi32, #tpu.memory_space<vmem>>, vector<16xi32>,
    tpu.vector_store %arg7[%swap3A_119, %swap3A_120], %min3A_117 {strides = array<i32>} : memref<4x128xi32, #tpu.memory_space<vmem>>, vector<16xi32>,
    %get3A_122 = arith.constant 1 : i32
    %get3A_123 = arith.index_cast %get3A_122 : i32 to index
    %get3A_124 = arith.constant 0 : index
    %get3A_125 = tpu.vector_load %arg7[%get3A_123, %get3A_124] {strides = array<i32>} : memref<4x128xi32, #tpu.memory_space<vmem>>, vector<16xi32>,
    %max3A_126 = arith.constant 0 : i32
    %max3A_127 = vector.broadcast %max3A_126 : i32 to vector<16xi32>
    %max3A_128 = arith.maxsi %get3A_125, %max3A_127 : vector<16xi32>
    %min3A_129 = arith.constant 99999 : i32
    %min3A_130 = vector.broadcast %min3A_129 : i32 to vector<16xi32>
    %min3A_131 = arith.minsi %max3A_128, %min3A_130 : vector<16xi32>
    %swap3A_132 = arith.constant 1 : i32
    %swap3A_133 = arith.index_cast %swap3A_132 : i32 to index
    %swap3A_134 = arith.constant 0 : index
    %swap3A_135 = tpu.vector_load %arg7[%swap3A_133, %swap3A_134] {strides = array<i32>} : memref<4x128xi32, #tpu.memory_space<vmem>>, vector<16xi32>,
    tpu.vector_store %arg7[%swap3A_133, %swap3A_134], %min3A_131 {strides = array<i32>} : memref<4x128xi32, #tpu.memory_space<vmem>>, vector<16xi32>,
    %get3A_136 = arith.constant 1 : i32
    %get3A_137 = arith.index_cast %get3A_136 : i32 to index
    %get3A_138 = arith.constant 16 : index
    %get3A_139 = tpu.vector_load %arg7[%get3A_137, %get3A_138] {strides = array<i32>} : memref<4x128xi32, #tpu.memory_space<vmem>>, vector<16xi32>,
    %max3A_140 = arith.constant 0 : i32
    %max3A_141 = vector.broadcast %max3A_140 : i32 to vector<16xi32>
    %max3A_142 = arith.maxsi %get3A_139, %max3A_141 : vector<16xi32>
    %min3A_143 = arith.constant 99999 : i32
    %min3A_144 = vector.broadcast %min3A_143 : i32 to vector<16xi32>
    %min3A_145 = arith.minsi %max3A_142, %min3A_144 : vector<16xi32>
    %swap3A_146 = arith.constant 1 : i32
    %swap3A_147 = arith.index_cast %swap3A_146 : i32 to index
    %swap3A_148 = arith.constant 16 : index
    %swap3A_149 = tpu.vector_load %arg7[%swap3A_147, %swap3A_148] {strides = array<i32>} : memref<4x128xi32, #tpu.memory_space<vmem>>, vector<16xi32>,
    tpu.vector_store %arg7[%swap3A_147, %swap3A_148], %min3A_145 {strides = array<i32>} : memref<4x128xi32, #tpu.memory_space<vmem>>, vector<16xi32>,
    %get3A_150 = arith.constant 1 : i32
    %get3A_151 = arith.index_cast %get3A_150 : i32 to index
    %get3A_152 = arith.constant 32 : index
    %get3A_153 = tpu.vector_load %arg7[%get3A_151, %get3A_152] {strides = array<i32>} : memref<4x128xi32, #tpu.memory_space<vmem>>, vector<16xi32>,
    %max3A_154 = arith.constant 0 : i32
    %max3A_155 = vector.broadcast %max3A_154 : i32 to vector<16xi32>
    %max3A_156 = arith.maxsi %get3A_153, %max3A_155 : vector<16xi32>
    %min3A_157 = arith.constant 99999 : i32
    %min3A_158 = vector.broadcast %min3A_157 : i32 to vector<16xi32>
    %min3A_159 = arith.minsi %max3A_156, %min3A_158 : vector<16xi32>
    %swap3A_160 = arith.constant 1 : i32
    %swap3A_161 = arith.index_cast %swap3A_160 : i32 to index
    %swap3A_162 = arith.constant 32 : index
    %swap3A_163 = tpu.vector_load %arg7[%swap3A_161, %swap3A_162] {strides = array<i32>} : memref<4x128xi32, #tpu.memory_space<vmem>>, vector<16xi32>,
    tpu.vector_store %arg7[%swap3A_161, %swap3A_162], %min3A_159 {strides = array<i32>} : memref<4x128xi32, #tpu.memory_space<vmem>>, vector<16xi32>,
    %get3A_164 = arith.constant 1 : i32
    %get3A_165 = arith.index_cast %get3A_164 : i32 to index
    %get3A_166 = arith.constant 48 : index
    %get3A_167 = tpu.vector_load %arg7[%get3A_165, %get3A_166] {strides = array<i32>} : memref<4x128xi32, #tpu.memory_space<vmem>>, vector<16xi32>,
    %max3A_168 = arith.constant 0 : i32
    %max3A_169 = vector.broadcast %max3A_168 : i32 to vector<16xi32>
    %max3A_170 = arith.maxsi %get3A_167, %max3A_169 : vector<16xi32>
    %min3A_171 = arith.constant 99999 : i32
    %min3A_172 = vector.broadcast %min3A_171 : i32 to vector<16xi32>
    %min3A_173 = arith.minsi %max3A_170, %min3A_172 : vector<16xi32>
    %swap3A_174 = arith.constant 1 : i32
    %swap3A_175 = arith.index_cast %swap3A_174 : i32 to index
    %swap3A_176 = arith.constant 48 : index
    %swap3A_177 = tpu.vector_load %arg7[%swap3A_175, %swap3A_176] {strides = array<i32>} : memref<4x128xi32, #tpu.memory_space<vmem>>, vector<16xi32>,
    tpu.vector_store %arg7[%swap3A_175, %swap3A_176], %min3A_173 {strides = array<i32>} : memref<4x128xi32, #tpu.memory_space<vmem>>, vector<16xi32>,
    %get3A_178 = arith.constant 1 : i32
    %get3A_179 = arith.index_cast %get3A_178 : i32 to index
    %get3A_180 = arith.constant 64 : index
    %get3A_181 = tpu.vector_load %arg7[%get3A_179, %get3A_180] {strides = array<i32>} : memref<4x128xi32, #tpu.memory_space<vmem>>, vector<16xi32>,
    %max3A_182 = arith.constant 0 : i32
    %max3A_183 = vector.broadcast %max3A_182 : i32 to vector<16xi32>
    %max3A_184 = arith.maxsi %get3A_181, %max3A_183 : vector<16xi32>
    %min3A_185 = arith.constant 99999 : i32
    %min3A_186 = vector.broadcast %min3A_185 : i32 to vector<16xi32>
    %min3A_187 = arith.minsi %max3A_184, %min3A_186 : vector<16xi32>
    %swap3A_188 = arith.constant 1 : i32
    %swap3A_189 = arith.index_cast %swap3A_188 : i32 to index
    %swap3A_190 = arith.constant 64 : index
    %swap3A_191 = tpu.vector_load %arg7[%swap3A_189, %swap3A_190] {strides = array<i32>} : memref<4x128xi32, #tpu.memory_space<vmem>>, vector<16xi32>,
    tpu.vector_store %arg7[%swap3A_189, %swap3A_190], %min3A_187 {strides = array<i32>} : memref<4x128xi32, #tpu.memory_space<vmem>>, vector<16xi32>,
    %get3A_192 = arith.constant 1 : i32
    %get3A_193 = arith.index_cast %get3A_192 : i32 to index
    %get3A_194 = arith.constant 80 : index
    %get3A_195 = tpu.vector_load %arg7[%get3A_193, %get3A_194] {strides = array<i32>} : memref<4x128xi32, #tpu.memory_space<vmem>>, vector<16xi32>,
    %max3A_196 = arith.constant 0 : i32
    %max3A_197 = vector.broadcast %max3A_196 : i32 to vector<16xi32>
    %max3A_198 = arith.maxsi %get3A_195, %max3A_197 : vector<16xi32>
    %min3A_199 = arith.constant 99999 : i32
    %min3A_200 = vector.broadcast %min3A_199 : i32 to vector<16xi32>
    %min3A_201 = arith.minsi %max3A_198, %min3A_200 : vector<16xi32>
    %swap3A_202 = arith.constant 1 : i32
    %swap3A_203 = arith.index_cast %swap3A_202 : i32 to index
    %swap3A_204 = arith.constant 80 : index
    %swap3A_205 = tpu.vector_load %arg7[%swap3A_203, %swap3A_204] {strides = array<i32>} : memref<4x128xi32, #tpu.memory_space<vmem>>, vector<16xi32>,
    tpu.vector_store %arg7[%swap3A_203, %swap3A_204], %min3A_201 {strides = array<i32>} : memref<4x128xi32, #tpu.memory_space<vmem>>, vector<16xi32>,
    %get3A_206 = arith.constant 1 : i32
    %get3A_207 = arith.index_cast %get3A_206 : i32 to index
    %get3A_208 = arith.constant 96 : index
    %get3A_209 = tpu.vector_load %arg7[%get3A_207, %get3A_208] {strides = array<i32>} : memref<4x128xi32, #tpu.memory_space<vmem>>, vector<16xi32>,
    %max3A_210 = arith.constant 0 : i32
    %max3A_211 = vector.broadcast %max3A_210 : i32 to vector<16xi32>
    %max3A_212 = arith.maxsi %get3A_209, %max3A_211 : vector<16xi32>
    %min3A_213 = arith.constant 99999 : i32
    %min3A_214 = vector.broadcast %min3A_213 : i32 to vector<16xi32>
    %min3A_215 = arith.minsi %max3A_212, %min3A_214 : vector<16xi32>
    %swap3A_216 = arith.constant 1 : i32
    %swap3A_217 = arith.index_cast %swap3A_216 : i32 to index
    %swap3A_218 = arith.constant 96 : index
    %swap3A_219 = tpu.vector_load %arg7[%swap3A_217, %swap3A_218] {strides = array<i32>} : memref<4x128xi32, #tpu.memory_space<vmem>>, vector<16xi32>,
    tpu.vector_store %arg7[%swap3A_217, %swap3A_218], %min3A_215 {strides = array<i32>} : memref<4x128xi32, #tpu.memory_space<vmem>>, vector<16xi32>,
    %get3A_220 = arith.constant 1 : i32
    %get3A_221 = arith.index_cast %get3A_220 : i32 to index
    %get3A_222 = arith.constant 112 : index
    %get3A_223 = tpu.vector_load %arg7[%get3A_221, %get3A_222] {strides = array<i32>} : memref<4x128xi32, #tpu.memory_space<vmem>>, vector<16xi32>,
    %max3A_224 = arith.constant 0 : i32
    %max3A_225 = vector.broadcast %max3A_224 : i32 to vector<16xi32>
    %max3A_226 = arith.maxsi %get3A_223, %max3A_225 : vector<16xi32>
    %min3A_227 = arith.constant 99999 : i32
    %min3A_228 = vector.broadcast %min3A_227 : i32 to vector<16xi32>
    %min3A_229 = arith.minsi %max3A_226, %min3A_228 : vector<16xi32>
    %swap3A_230 = arith.constant 1 : i32
    %swap3A_231 = arith.index_cast %swap3A_230 : i32 to index
    %swap3A_232 = arith.constant 112 : index
    %swap3A_233 = tpu.vector_load %arg7[%swap3A_231, %swap3A_232] {strides = array<i32>} : memref<4x128xi32, #tpu.memory_space<vmem>>, vector<16xi32>,
    tpu.vector_store %arg7[%swap3A_231, %swap3A_232], %min3A_229 {strides = array<i32>} : memref<4x128xi32, #tpu.memory_space<vmem>>, vector<16xi32>,
    %get3A_234 = arith.constant 2 : i32
    %get3A_235 = arith.index_cast %get3A_234 : i32 to index
    %get3A_236 = arith.constant 0 : index
    %get3A_237 = tpu.vector_load %arg7[%get3A_235, %get3A_236] {strides = array<i32>} : memref<4x128xi32, #tpu.memory_space<vmem>>, vector<16xi32>,
    %max3A_238 = arith.constant 0 : i32
    %max3A_239 = vector.broadcast %max3A_238 : i32 to vector<16xi32>
    %max3A_240 = arith.maxsi %get3A_237, %max3A_239 : vector<16xi32>
    %min3A_241 = arith.constant 99999 : i32
    %min3A_242 = vector.broadcast %min3A_241 : i32 to vector<16xi32>
    %min3A_243 = arith.minsi %max3A_240, %min3A_242 : vector<16xi32>
    %swap3A_244 = arith.constant 2 : i32
    %swap3A_245 = arith.index_cast %swap3A_244 : i32 to index
    %swap3A_246 = arith.constant 0 : index
    %swap3A_247 = tpu.vector_load %arg7[%swap3A_245, %swap3A_246] {strides = array<i32>} : memref<4x128xi32, #tpu.memory_space<vmem>>, vector<16xi32>,
    tpu.vector_store %arg7[%swap3A_245, %swap3A_246], %min3A_243 {strides = array<i32>} : memref<4x128xi32, #tpu.memory_space<vmem>>, vector<16xi32>,
    %get3A_248 = arith.constant 2 : i32
    %get3A_249 = arith.index_cast %get3A_248 : i32 to index
    %get3A_250 = arith.constant 16 : index
    %get3A_251 = tpu.vector_load %arg7[%get3A_249, %get3A_250] {strides = array<i32>} : memref<4x128xi32, #tpu.memory_space<vmem>>, vector<16xi32>,
    %max3A_252 = arith.constant 0 : i32
    %max3A_253 = vector.broadcast %max3A_252 : i32 to vector<16xi32>
    %max3A_254 = arith.maxsi %get3A_251, %max3A_253 : vector<16xi32>
    %min3A_255 = arith.constant 99999 : i32
    %min3A_256 = vector.broadcast %min3A_255 : i32 to vector<16xi32>
    %min3A_257 = arith.minsi %max3A_254, %min3A_256 : vector<16xi32>
    %swap3A_258 = arith.constant 2 : i32
    %swap3A_259 = arith.index_cast %swap3A_258 : i32 to index
    %swap3A_260 = arith.constant 16 : index
    %swap3A_261 = tpu.vector_load %arg7[%swap3A_259, %swap3A_260] {strides = array<i32>} : memref<4x128xi32, #tpu.memory_space<vmem>>, vector<16xi32>,
    tpu.vector_store %arg7[%swap3A_259, %swap3A_260], %min3A_257 {strides = array<i32>} : memref<4x128xi32, #tpu.memory_space<vmem>>, vector<16xi32>,
    %get3A_262 = arith.constant 2 : i32
    %get3A_263 = arith.index_cast %get3A_262 : i32 to index
    %get3A_264 = arith.constant 32 : index
    %get3A_265 = tpu.vector_load %arg7[%get3A_263, %get3A_264] {strides = array<i32>} : memref<4x128xi32, #tpu.memory_space<vmem>>, vector<16xi32>,
    %max3A_266 = arith.constant 0 : i32
    %max3A_267 = vector.broadcast %max3A_266 : i32 to vector<16xi32>
    %max3A_268 = arith.maxsi %get3A_265, %max3A_267 : vector<16xi32>
    %min3A_269 = arith.constant 99999 : i32
    %min3A_270 = vector.broadcast %min3A_269 : i32 to vector<16xi32>
    %min3A_271 = arith.minsi %max3A_268, %min3A_270 : vector<16xi32>
    %swap3A_272 = arith.constant 2 : i32
    %swap3A_273 = arith.index_cast %swap3A_272 : i32 to index
    %swap3A_274 = arith.constant 32 : index
    %swap3A_275 = tpu.vector_load %arg7[%swap3A_273, %swap3A_274] {strides = array<i32>} : memref<4x128xi32, #tpu.memory_space<vmem>>, vector<16xi32>,
    tpu.vector_store %arg7[%swap3A_273, %swap3A_274], %min3A_271 {strides = array<i32>} : memref<4x128xi32, #tpu.memory_space<vmem>>, vector<16xi32>,
    %get3A_276 = arith.constant 2 : i32
    %get3A_277 = arith.index_cast %get3A_276 : i32 to index
    %get3A_278 = arith.constant 48 : index
    %get3A_279 = tpu.vector_load %arg7[%get3A_277, %get3A_278] {strides = array<i32>} : memref<4x128xi32, #tpu.memory_space<vmem>>, vector<16xi32>,
    %max3A_280 = arith.constant 0 : i32
    %max3A_281 = vector.broadcast %max3A_280 : i32 to vector<16xi32>
    %max3A_282 = arith.maxsi %get3A_279, %max3A_281 : vector<16xi32>
    %min3A_283 = arith.constant 99999 : i32
    %min3A_284 = vector.broadcast %min3A_283 : i32 to vector<16xi32>
    %min3A_285 = arith.minsi %max3A_282, %min3A_284 : vector<16xi32>
    %swap3A_286 = arith.constant 2 : i32
    %swap3A_287 = arith.index_cast %swap3A_286 : i32 to index
    %swap3A_288 = arith.constant 48 : index
    %swap3A_289 = tpu.vector_load %arg7[%swap3A_287, %swap3A_288] {strides = array<i32>} : memref<4x128xi32, #tpu.memory_space<vmem>>, vector<16xi32>,
    tpu.vector_store %arg7[%swap3A_287, %swap3A_288], %min3A_285 {strides = array<i32>} : memref<4x128xi32, #tpu.memory_space<vmem>>, vector<16xi32>,
    %get3A_290 = arith.constant 2 : i32
    %get3A_291 = arith.index_cast %get3A_290 : i32 to index
    %get3A_292 = arith.constant 64 : index
    %get3A_293 = tpu.vector_load %arg7[%get3A_291, %get3A_292] {strides = array<i32>} : memref<4x128xi32, #tpu.memory_space<vmem>>, vector<16xi32>,
    %max3A_294 = arith.constant 0 : i32
    %max3A_295 = vector.broadcast %max3A_294 : i32 to vector<16xi32>
    %max3A_296 = arith.maxsi %get3A_293, %max3A_295 : vector<16xi32>
    %min3A_297 = arith.constant 99999 : i32
    %min3A_298 = vector.broadcast %min3A_297 : i32 to vector<16xi32>
    %min3A_299 = arith.minsi %max3A_296, %min3A_298 : vector<16xi32>
    %swap3A_300 = arith.constant 2 : i32
    %swap3A_301 = arith.index_cast %swap3A_300 : i32 to index
    %swap3A_302 = arith.constant 64 : index
    %swap3A_303 = tpu.vector_load %arg7[%swap3A_301, %swap3A_302] {strides = array<i32>} : memref<4x128xi32, #tpu.memory_space<vmem>>, vector<16xi32>,
    tpu.vector_store %arg7[%swap3A_301, %swap3A_302], %min3A_299 {strides = array<i32>} : memref<4x128xi32, #tpu.memory_space<vmem>>, vector<16xi32>,
    %get3A_304 = arith.constant 2 : i32
    %get3A_305 = arith.index_cast %get3A_304 : i32 to index
    %get3A_306 = arith.constant 80 : index
    %get3A_307 = tpu.vector_load %arg7[%get3A_305, %get3A_306] {strides = array<i32>} : memref<4x128xi32, #tpu.memory_space<vmem>>, vector<16xi32>,
    %max3A_308 = arith.constant 0 : i32
    %max3A_309 = vector.broadcast %max3A_308 : i32 to vector<16xi32>
    %max3A_310 = arith.maxsi %get3A_307, %max3A_309 : vector<16xi32>
    %min3A_311 = arith.constant 99999 : i32
    %min3A_312 = vector.broadcast %min3A_311 : i32 to vector<16xi32>
    %min3A_313 = arith.minsi %max3A_310, %min3A_312 : vector<16xi32>
    %swap3A_314 = arith.constant 2 : i32
    %swap3A_315 = arith.index_cast %swap3A_314 : i32 to index
    %swap3A_316 = arith.constant 80 : index
    %swap3A_317 = tpu.vector_load %arg7[%swap3A_315, %swap3A_316] {strides = array<i32>} : memref<4x128xi32, #tpu.memory_space<vmem>>, vector<16xi32>,
    tpu.vector_store %arg7[%swap3A_315, %swap3A_316], %min3A_313 {strides = array<i32>} : memref<4x128xi32, #tpu.memory_space<vmem>>, vector<16xi32>,
    %get3A_318 = arith.constant 2 : i32
    %get3A_319 = arith.index_cast %get3A_318 : i32 to index
    %get3A_320 = arith.constant 96 : index
    %get3A_321 = tpu.vector_load %arg7[%get3A_319, %get3A_320] {strides = array<i32>} : memref<4x128xi32, #tpu.memory_space<vmem>>, vector<16xi32>,
    %max3A_322 = arith.constant 0 : i32
    %max3A_323 = vector.broadcast %max3A_322 : i32 to vector<16xi32>
    %max3A_324 = arith.maxsi %get3A_321, %max3A_323 : vector<16xi32>
    %min3A_325 = arith.constant 99999 : i32
    %min3A_326 = vector.broadcast %min3A_325 : i32 to vector<16xi32>
    %min3A_327 = arith.minsi %max3A_324, %min3A_326 : vector<16xi32>
    %swap3A_328 = arith.constant 2 : i32
    %swap3A_329 = arith.index_cast %swap3A_328 : i32 to index
    %swap3A_330 = arith.constant 96 : index
    %swap3A_331 = tpu.vector_load %arg7[%swap3A_329, %swap3A_330] {strides = array<i32>} : memref<4x128xi32, #tpu.memory_space<vmem>>, vector<16xi32>,
    tpu.vector_store %arg7[%swap3A_329, %swap3A_330], %min3A_327 {strides = array<i32>} : memref<4x128xi32, #tpu.memory_space<vmem>>, vector<16xi32>,
    %get3A_332 = arith.constant 2 : i32
    %get3A_333 = arith.index_cast %get3A_332 : i32 to index
    %get3A_334 = arith.constant 112 : index
    %get3A_335 = tpu.vector_load %arg7[%get3A_333, %get3A_334] {strides = array<i32>} : memref<4x128xi32, #tpu.memory_space<vmem>>, vector<16xi32>,
    %max3A_336 = arith.constant 0 : i32
    %max3A_337 = vector.broadcast %max3A_336 : i32 to vector<16xi32>
    %max3A_338 = arith.maxsi %get3A_335, %max3A_337 : vector<16xi32>
    %min3A_339 = arith.constant 99999 : i32
    %min3A_340 = vector.broadcast %min3A_339 : i32 to vector<16xi32>
    %min3A_341 = arith.minsi %max3A_338, %min3A_340 : vector<16xi32>
    %swap3A_342 = arith.constant 2 : i32
    %swap3A_343 = arith.index_cast %swap3A_342 : i32 to index
    %swap3A_344 = arith.constant 112 : index
    %swap3A_345 = tpu.vector_load %arg7[%swap3A_343, %swap3A_344] {strides = array<i32>} : memref<4x128xi32, #tpu.memory_space<vmem>>, vector<16xi32>,
    tpu.vector_store %arg7[%swap3A_343, %swap3A_344], %min3A_341 {strides = array<i32>} : memref<4x128xi32, #tpu.memory_space<vmem>>, vector<16xi32>,
    %get3A_346 = arith.constant 3 : i32
    %get3A_347 = arith.index_cast %get3A_346 : i32 to index
    %get3A_348 = arith.constant 0 : index
    %get3A_349 = tpu.vector_load %arg7[%get3A_347, %get3A_348] {strides = array<i32>} : memref<4x128xi32, #tpu.memory_space<vmem>>, vector<16xi32>,
    %max3A_350 = arith.constant 0 : i32
    %max3A_351 = vector.broadcast %max3A_350 : i32 to vector<16xi32>
    %max3A_352 = arith.maxsi %get3A_349, %max3A_351 : vector<16xi32>
    %min3A_353 = arith.constant 99999 : i32
    %min3A_354 = vector.broadcast %min3A_353 : i32 to vector<16xi32>
    %min3A_355 = arith.minsi %max3A_352, %min3A_354 : vector<16xi32>
    %swap3A_356 = arith.constant 3 : i32
    %swap3A_357 = arith.index_cast %swap3A_356 : i32 to index
    %swap3A_358 = arith.constant 0 : index
    %swap3A_359 = tpu.vector_load %arg7[%swap3A_357, %swap3A_358] {strides = array<i32>} : memref<4x128xi32, #tpu.memory_space<vmem>>, vector<16xi32>,
    tpu.vector_store %arg7[%swap3A_357, %swap3A_358], %min3A_355 {strides = array<i32>} : memref<4x128xi32, #tpu.memory_space<vmem>>, vector<16xi32>,
    %get3A_360 = arith.constant 3 : i32
    %get3A_361 = arith.index_cast %get3A_360 : i32 to index
    %get3A_362 = arith.constant 16 : index
    %get3A_363 = tpu.vector_load %arg7[%get3A_361, %get3A_362] {strides = array<i32>} : memref<4x128xi32, #tpu.memory_space<vmem>>, vector<16xi32>,
    %max3A_364 = arith.constant 0 : i32
    %max3A_365 = vector.broadcast %max3A_364 : i32 to vector<16xi32>
    %max3A_366 = arith.maxsi %get3A_363, %max3A_365 : vector<16xi32>
    %min3A_367 = arith.constant 99999 : i32
    %min3A_368 = vector.broadcast %min3A_367 : i32 to vector<16xi32>
    %min3A_369 = arith.minsi %max3A_366, %min3A_368 : vector<16xi32>
    %swap3A_370 = arith.constant 3 : i32
    %swap3A_371 = arith.index_cast %swap3A_370 : i32 to index
    %swap3A_372 = arith.constant 16 : index
    %swap3A_373 = tpu.vector_load %arg7[%swap3A_371, %swap3A_372] {strides = array<i32>} : memref<4x128xi32, #tpu.memory_space<vmem>>, vector<16xi32>,
    tpu.vector_store %arg7[%swap3A_371, %swap3A_372], %min3A_369 {strides = array<i32>} : memref<4x128xi32, #tpu.memory_space<vmem>>, vector<16xi32>,
    %get3A_374 = arith.constant 3 : i32
    %get3A_375 = arith.index_cast %get3A_374 : i32 to index
    %get3A_376 = arith.constant 32 : index
    %get3A_377 = tpu.vector_load %arg7[%get3A_375, %get3A_376] {strides = array<i32>} : memref<4x128xi32, #tpu.memory_space<vmem>>, vector<16xi32>,
    %max3A_378 = arith.constant 0 : i32
    %max3A_379 = vector.broadcast %max3A_378 : i32 to vector<16xi32>
    %max3A_380 = arith.maxsi %get3A_377, %max3A_379 : vector<16xi32>
    %min3A_381 = arith.constant 99999 : i32
    %min3A_382 = vector.broadcast %min3A_381 : i32 to vector<16xi32>
    %min3A_383 = arith.minsi %max3A_380, %min3A_382 : vector<16xi32>
    %swap3A_384 = arith.constant 3 : i32
    %swap3A_385 = arith.index_cast %swap3A_384 : i32 to index
    %swap3A_386 = arith.constant 32 : index
    %swap3A_387 = tpu.vector_load %arg7[%swap3A_385, %swap3A_386] {strides = array<i32>} : memref<4x128xi32, #tpu.memory_space<vmem>>, vector<16xi32>,
    tpu.vector_store %arg7[%swap3A_385, %swap3A_386], %min3A_383 {strides = array<i32>} : memref<4x128xi32, #tpu.memory_space<vmem>>, vector<16xi32>,
    %get3A_388 = arith.constant 3 : i32
    %get3A_389 = arith.index_cast %get3A_388 : i32 to index
    %get3A_390 = arith.constant 48 : index
    %get3A_391 = tpu.vector_load %arg7[%get3A_389, %get3A_390] {strides = array<i32>} : memref<4x128xi32, #tpu.memory_space<vmem>>, vector<16xi32>,
    %max3A_392 = arith.constant 0 : i32
    %max3A_393 = vector.broadcast %max3A_392 : i32 to vector<16xi32>
    %max3A_394 = arith.maxsi %get3A_391, %max3A_393 : vector<16xi32>
    %min3A_395 = arith.constant 99999 : i32
    %min3A_396 = vector.broadcast %min3A_395 : i32 to vector<16xi32>
    %min3A_397 = arith.minsi %max3A_394, %min3A_396 : vector<16xi32>
    %swap3A_398 = arith.constant 3 : i32
    %swap3A_399 = arith.index_cast %swap3A_398 : i32 to index
    %swap3A_400 = arith.constant 48 : index
    %swap3A_401 = tpu.vector_load %arg7[%swap3A_399, %swap3A_400] {strides = array<i32>} : memref<4x128xi32, #tpu.memory_space<vmem>>, vector<16xi32>,
    tpu.vector_store %arg7[%swap3A_399, %swap3A_400], %min3A_397 {strides = array<i32>} : memref<4x128xi32, #tpu.memory_space<vmem>>, vector<16xi32>,
    %get3A_402 = arith.constant 3 : i32
    %get3A_403 = arith.index_cast %get3A_402 : i32 to index
    %get3A_404 = arith.constant 64 : index
    %get3A_405 = tpu.vector_load %arg7[%get3A_403, %get3A_404] {strides = array<i32>} : memref<4x128xi32, #tpu.memory_space<vmem>>, vector<16xi32>,
    %max3A_406 = arith.constant 0 : i32
    %max3A_407 = vector.broadcast %max3A_406 : i32 to vector<16xi32>
    %max3A_408 = arith.maxsi %get3A_405, %max3A_407 : vector<16xi32>
    %min3A_409 = arith.constant 99999 : i32
    %min3A_410 = vector.broadcast %min3A_409 : i32 to vector<16xi32>
    %min3A_411 = arith.minsi %max3A_408, %min3A_410 : vector<16xi32>
    %swap3A_412 = arith.constant 3 : i32
    %swap3A_413 = arith.index_cast %swap3A_412 : i32 to index
    %swap3A_414 = arith.constant 64 : index
    %swap3A_415 = tpu.vector_load %arg7[%swap3A_413, %swap3A_414] {strides = array<i32>} : memref<4x128xi32, #tpu.memory_space<vmem>>, vector<16xi32>,
    tpu.vector_store %arg7[%swap3A_413, %swap3A_414], %min3A_411 {strides = array<i32>} : memref<4x128xi32, #tpu.memory_space<vmem>>, vector<16xi32>,
    %get3A_416 = arith.constant 3 : i32
    %get3A_417 = arith.index_cast %get3A_416 : i32 to index
    %get3A_418 = arith.constant 80 : index
    %get3A_419 = tpu.vector_load %arg7[%get3A_417, %get3A_418] {strides = array<i32>} : memref<4x128xi32, #tpu.memory_space<vmem>>, vector<16xi32>,
    %max3A_420 = arith.constant 0 : i32
    %max3A_421 = vector.broadcast %max3A_420 : i32 to vector<16xi32>
    %max3A_422 = arith.maxsi %get3A_419, %max3A_421 : vector<16xi32>
    %min3A_423 = arith.constant 99999 : i32
    %min3A_424 = vector.broadcast %min3A_423 : i32 to vector<16xi32>
    %min3A_425 = arith.minsi %max3A_422, %min3A_424 : vector<16xi32>
    %swap3A_426 = arith.constant 3 : i32
    %swap3A_427 = arith.index_cast %swap3A_426 : i32 to index
    %swap3A_428 = arith.constant 80 : index
    %swap3A_429 = tpu.vector_load %arg7[%swap3A_427, %swap3A_428] {strides = array<i32>} : memref<4x128xi32, #tpu.memory_space<vmem>>, vector<16xi32>,
    tpu.vector_store %arg7[%swap3A_427, %swap3A_428], %min3A_425 {strides = array<i32>} : memref<4x128xi32, #tpu.memory_space<vmem>>, vector<16xi32>,
    %get3A_430 = arith.constant 3 : i32
    %get3A_431 = arith.index_cast %get3A_430 : i32 to index
    %get3A_432 = arith.constant 96 : index
    %get3A_433 = tpu.vector_load %arg7[%get3A_431, %get3A_432] {strides = array<i32>} : memref<4x128xi32, #tpu.memory_space<vmem>>, vector<16xi32>,
    %max3A_434 = arith.constant 0 : i32
    %max3A_435 = vector.broadcast %max3A_434 : i32 to vector<16xi32>
    %max3A_436 = arith.maxsi %get3A_433, %max3A_435 : vector<16xi32>
    %min3A_437 = arith.constant 99999 : i32
    %min3A_438 = vector.broadcast %min3A_437 : i32 to vector<16xi32>
    %min3A_439 = arith.minsi %max3A_436, %min3A_438 : vector<16xi32>
    %swap3A_440 = arith.constant 3 : i32
    %swap3A_441 = arith.index_cast %swap3A_440 : i32 to index
    %swap3A_442 = arith.constant 96 : index
    %swap3A_443 = tpu.vector_load %arg7[%swap3A_441, %swap3A_442] {strides = array<i32>} : memref<4x128xi32, #tpu.memory_space<vmem>>, vector<16xi32>,
    tpu.vector_store %arg7[%swap3A_441, %swap3A_442], %min3A_439 {strides = array<i32>} : memref<4x128xi32, #tpu.memory_space<vmem>>, vector<16xi32>,
    %get3A_444 = arith.constant 3 : i32
    %get3A_445 = arith.index_cast %get3A_444 : i32 to index
    %get3A_446 = arith.constant 112 : index
    %get3A_447 = tpu.vector_load %arg7[%get3A_445, %get3A_446] {strides = array<i32>} : memref<4x128xi32, #tpu.memory_space<vmem>>, vector<16xi32>,
    %max3A_448 = arith.constant 0 : i32
    %max3A_449 = vector.broadcast %max3A_448 : i32 to vector<16xi32>
    %max3A_450 = arith.maxsi %get3A_447, %max3A_449 : vector<16xi32>
    %min3A_451 = arith.constant 99999 : i32
    %min3A_452 = vector.broadcast %min3A_451 : i32 to vector<16xi32>
    %min3A_453 = arith.minsi %max3A_450, %min3A_452 : vector<16xi32>
    %swap3A_454 = arith.constant 3 : i32
    %swap3A_455 = arith.index_cast %swap3A_454 : i32 to index
    %swap3A_456 = arith.constant 112 : index
    %swap3A_457 = tpu.vector_load %arg7[%swap3A_455, %swap3A_456] {strides = array<i32>} : memref<4x128xi32, #tpu.memory_space<vmem>>, vector<16xi32>,
    tpu.vector_store %arg7[%swap3A_455, %swap3A_456], %min3A_453 {strides = array<i32>} : memref<4x128xi32, #tpu.memory_space<vmem>>, vector<16xi32>,
    %dma_start3A = arith.constant 0 : i32
    %dma_start3A_458 = arith.constant 0 : i32
    %dma_start3A_459 = arith.constant 0 : i32
    %dma_start3A_460 = tpu.memref_slice %arg8[%dma_start3A_458, %dma_start3A_459] : memref<512x32xf32, #tpu.memory_space<vmem>> -> memref<128x32xf32, #tpu.memory_space<vmem>>
    %dma_start3A_461 = arith.constant 0 : i32
    %dma_start3A_462 = tpu.memref_slice %arg7[%dma_start3A, %dma_start3A_461] : memref<4x128xi32, #tpu.memory_space<vmem>> -> memref<1x128xi32, #tpu.memory_space<vmem>>
    %dma_start3A_463 = tpu.memref_squeeze %dma_start3A_462 : memref<1x128xi32, #tpu.memory_space<vmem>> -> memref<128xi32, #tpu.memory_space<vmem>>
    %dma_start3A_464 = arith.constant 0 : i32
    %dma_start3A_465 = arith.constant 0 : i32
    %dma_start3A_466 = tpu.memref_slice %arg3[%dma_start3A_464, %dma_start3A_465] : memref<100000x32xf32, #tpu.memory_space<hbm>> -> memref<100000x32xf32, #tpu.memory_space<hbm>>
    tpu.enqueue_indirect_dma source(%dma_start3A_466 : memref<100000x32xf32, #tpu.memory_space<hbm>>) target(%dma_start3A_460 : memref<128x32xf32, #tpu.memory_space<vmem>>) offsets(%dma_start3A_463 : memref<128xi32, #tpu.memory_space<vmem>>) semaphore(%arg12 : memref<!tpu.dma_semaphore, #tpu.memory_space<semaphore_mem>>)
    %dma_start3A_467 = arith.constant 0 : i32
    %dma_start3A_468 = arith.constant 0 : i32
    %dma_start3A_469 = tpu.memref_slice %arg9[%dma_start3A_468] : memref<512xf32, #tpu.memory_space<vmem>> -> memref<128xf32, #tpu.memory_space<vmem>>
    %dma_start3A_470 = arith.constant 0 : i32
    %dma_start3A_471 = tpu.memref_slice %arg7[%dma_start3A_467, %dma_start3A_470] : memref<4x128xi32, #tpu.memory_space<vmem>> -> memref<1x128xi32, #tpu.memory_space<vmem>>
    %dma_start3A_472 = tpu.memref_squeeze %dma_start3A_471 : memref<1x128xi32, #tpu.memory_space<vmem>> -> memref<128xi32, #tpu.memory_space<vmem>>
    %dma_start3A_473 = arith.constant 0 : i32
    %dma_start3A_474 = tpu.memref_slice %arg4[%dma_start3A_473] : memref<100000xf32, #tpu.memory_space<hbm>> -> memref<100000xf32, #tpu.memory_space<hbm>>
    tpu.enqueue_indirect_dma source(%dma_start3A_474 : memref<100000xf32, #tpu.memory_space<hbm>>) target(%dma_start3A_469 : memref<128xf32, #tpu.memory_space<vmem>>) offsets(%dma_start3A_472 : memref<128xi32, #tpu.memory_space<vmem>>) semaphore(%arg13 : memref<!tpu.dma_semaphore, #tpu.memory_space<semaphore_mem>>)
    %dma_start3A_475 = arith.constant 1 : i32
    %dma_start3A_476 = arith.constant 128 : i32
    %dma_start3A_477 = arith.constant 0 : i32
    %dma_start3A_478 = tpu.memref_slice %arg8[%dma_start3A_476, %dma_start3A_477] : memref<512x32xf32, #tpu.memory_space<vmem>> -> memref<128x32xf32, #tpu.memory_space<vmem>>
    %dma_start3A_479 = arith.constant 0 : i32
    %dma_start3A_480 = tpu.memref_slice %arg7[%dma_start3A_475, %dma_start3A_479] : memref<4x128xi32, #tpu.memory_space<vmem>> -> memref<1x128xi32, #tpu.memory_space<vmem>>
    %dma_start3A_481 = tpu.memref_squeeze %dma_start3A_480 : memref<1x128xi32, #tpu.memory_space<vmem>> -> memref<128xi32, #tpu.memory_space<vmem>>
    %dma_start3A_482 = arith.constant 0 : i32
    %dma_start3A_483 = arith.constant 0 : i32
    %dma_start3A_484 = tpu.memref_slice %arg3[%dma_start3A_482, %dma_start3A_483] : memref<100000x32xf32, #tpu.memory_space<hbm>> -> memref<100000x32xf32, #tpu.memory_space<hbm>>
    tpu.enqueue_indirect_dma source(%dma_start3A_484 : memref<100000x32xf32, #tpu.memory_space<hbm>>) target(%dma_start3A_478 : memref<128x32xf32, #tpu.memory_space<vmem>>) offsets(%dma_start3A_481 : memref<128xi32, #tpu.memory_space<vmem>>) semaphore(%arg12 : memref<!tpu.dma_semaphore, #tpu.memory_space<semaphore_mem>>)
    %dma_start3A_485 = arith.constant 1 : i32
    %dma_start3A_486 = arith.constant 128 : i32
    %dma_start3A_487 = tpu.memref_slice %arg9[%dma_start3A_486] : memref<512xf32, #tpu.memory_space<vmem>> -> memref<128xf32, #tpu.memory_space<vmem>>
    %dma_start3A_488 = arith.constant 0 : i32
    %dma_start3A_489 = tpu.memref_slice %arg7[%dma_start3A_485, %dma_start3A_488] : memref<4x128xi32, #tpu.memory_space<vmem>> -> memref<1x128xi32, #tpu.memory_space<vmem>>
    %dma_start3A_490 = tpu.memref_squeeze %dma_start3A_489 : memref<1x128xi32, #tpu.memory_space<vmem>> -> memref<128xi32, #tpu.memory_space<vmem>>
    %dma_start3A_491 = arith.constant 0 : i32
    %dma_start3A_492 = tpu.memref_slice %arg4[%dma_start3A_491] : memref<100000xf32, #tpu.memory_space<hbm>> -> memref<100000xf32, #tpu.memory_space<hbm>>
    tpu.enqueue_indirect_dma source(%dma_start3A_492 : memref<100000xf32, #tpu.memory_space<hbm>>) target(%dma_start3A_487 : memref<128xf32, #tpu.memory_space<vmem>>) offsets(%dma_start3A_490 : memref<128xi32, #tpu.memory_space<vmem>>) semaphore(%arg13 : memref<!tpu.dma_semaphore, #tpu.memory_space<semaphore_mem>>)
    %dma_start3A_493 = arith.constant 2 : i32
    %dma_start3A_494 = arith.constant 256 : i32
    %dma_start3A_495 = arith.constant 0 : i32
    %dma_start3A_496 = tpu.memref_slice %arg8[%dma_start3A_494, %dma_start3A_495] : memref<512x32xf32, #tpu.memory_space<vmem>> -> memref<128x32xf32, #tpu.memory_space<vmem>>
    %dma_start3A_497 = arith.constant 0 : i32
    %dma_start3A_498 = tpu.memref_slice %arg7[%dma_start3A_493, %dma_start3A_497] : memref<4x128xi32, #tpu.memory_space<vmem>> -> memref<1x128xi32, #tpu.memory_space<vmem>>
    %dma_start3A_499 = tpu.memref_squeeze %dma_start3A_498 : memref<1x128xi32, #tpu.memory_space<vmem>> -> memref<128xi32, #tpu.memory_space<vmem>>
    %dma_start3A_500 = arith.constant 0 : i32
    %dma_start3A_501 = arith.constant 0 : i32
    %dma_start3A_502 = tpu.memref_slice %arg3[%dma_start3A_500, %dma_start3A_501] : memref<100000x32xf32, #tpu.memory_space<hbm>> -> memref<100000x32xf32, #tpu.memory_space<hbm>>
    tpu.enqueue_indirect_dma source(%dma_start3A_502 : memref<100000x32xf32, #tpu.memory_space<hbm>>) target(%dma_start3A_496 : memref<128x32xf32, #tpu.memory_space<vmem>>) offsets(%dma_start3A_499 : memref<128xi32, #tpu.memory_space<vmem>>) semaphore(%arg12 : memref<!tpu.dma_semaphore, #tpu.memory_space<semaphore_mem>>)
    %dma_start3A_503 = arith.constant 2 : i32
    %dma_start3A_504 = arith.constant 256 : i32
    %dma_start3A_505 = tpu.memref_slice %arg9[%dma_start3A_504] : memref<512xf32, #tpu.memory_space<vmem>> -> memref<128xf32, #tpu.memory_space<vmem>>
    %dma_start3A_506 = arith.constant 0 : i32
    %dma_start3A_507 = tpu.memref_slice %arg7[%dma_start3A_503, %dma_start3A_506] : memref<4x128xi32, #tpu.memory_space<vmem>> -> memref<1x128xi32, #tpu.memory_space<vmem>>
    %dma_start3A_508 = tpu.memref_squeeze %dma_start3A_507 : memref<1x128xi32, #tpu.memory_space<vmem>> -> memref<128xi32, #tpu.memory_space<vmem>>
    %dma_start3A_509 = arith.constant 0 : i32
    %dma_start3A_510 = tpu.memref_slice %arg4[%dma_start3A_509] : memref<100000xf32, #tpu.memory_space<hbm>> -> memref<100000xf32, #tpu.memory_space<hbm>>
    tpu.enqueue_indirect_dma source(%dma_start3A_510 : memref<100000xf32, #tpu.memory_space<hbm>>) target(%dma_start3A_505 : memref<128xf32, #tpu.memory_space<vmem>>) offsets(%dma_start3A_508 : memref<128xi32, #tpu.memory_space<vmem>>) semaphore(%arg13 : memref<!tpu.dma_semaphore, #tpu.memory_space<semaphore_mem>>)
    %dma_start3A_511 = arith.constant 3 : i32
    %dma_start3A_512 = arith.constant 384 : i32
    %dma_start3A_513 = arith.constant 0 : i32
    %dma_start3A_514 = tpu.memref_slice %arg8[%dma_start3A_512, %dma_start3A_513] : memref<512x32xf32, #tpu.memory_space<vmem>> -> memref<128x32xf32, #tpu.memory_space<vmem>>
    %dma_start3A_515 = arith.constant 0 : i32
    %dma_start3A_516 = tpu.memref_slice %arg7[%dma_start3A_511, %dma_start3A_515] : memref<4x128xi32, #tpu.memory_space<vmem>> -> memref<1x128xi32, #tpu.memory_space<vmem>>
    %dma_start3A_517 = tpu.memref_squeeze %dma_start3A_516 : memref<1x128xi32, #tpu.memory_space<vmem>> -> memref<128xi32, #tpu.memory_space<vmem>>
    %dma_start3A_518 = arith.constant 0 : i32
    %dma_start3A_519 = arith.constant 0 : i32
    %dma_start3A_520 = tpu.memref_slice %arg3[%dma_start3A_518, %dma_start3A_519] : memref<100000x32xf32, #tpu.memory_space<hbm>> -> memref<100000x32xf32, #tpu.memory_space<hbm>>
    tpu.enqueue_indirect_dma source(%dma_start3A_520 : memref<100000x32xf32, #tpu.memory_space<hbm>>) target(%dma_start3A_514 : memref<128x32xf32, #tpu.memory_space<vmem>>) offsets(%dma_start3A_517 : memref<128xi32, #tpu.memory_space<vmem>>) semaphore(%arg12 : memref<!tpu.dma_semaphore, #tpu.memory_space<semaphore_mem>>)
    %dma_start3A_521 = arith.constant 3 : i32
    %dma_start3A_522 = arith.constant 384 : i32
    %dma_start3A_523 = tpu.memref_slice %arg9[%dma_start3A_522] : memref<512xf32, #tpu.memory_space<vmem>> -> memref<128xf32, #tpu.memory_space<vmem>>
    %dma_start3A_524 = arith.constant 0 : i32
    %dma_start3A_525 = tpu.memref_slice %arg7[%dma_start3A_521, %dma_start3A_524] : memref<4x128xi32, #tpu.memory_space<vmem>> -> memref<1x128xi32, #tpu.memory_space<vmem>>
    %dma_start3A_526 = tpu.memref_squeeze %dma_start3A_525 : memref<1x128xi32, #tpu.memory_space<vmem>> -> memref<128xi32, #tpu.memory_space<vmem>>
    %dma_start3A_527 = arith.constant 0 : i32
    %dma_start3A_528 = tpu.memref_slice %arg4[%dma_start3A_527] : memref<100000xf32, #tpu.memory_space<hbm>> -> memref<100000xf32, #tpu.memory_space<hbm>>
    tpu.enqueue_indirect_dma source(%dma_start3A_528 : memref<100000xf32, #tpu.memory_space<hbm>>) target(%dma_start3A_523 : memref<128xf32, #tpu.memory_space<vmem>>) offsets(%dma_start3A_526 : memref<128xi32, #tpu.memory_space<vmem>>) semaphore(%arg13 : memref<!tpu.dma_semaphore, #tpu.memory_space<semaphore_mem>>)
    %dma_wait3A = arith.constant 0 : i32
    %dma_wait3A_529 = arith.constant 0 : i32
    %dma_wait3A_530 = arith.constant 0 : i32
    %dma_wait3A_531 = tpu.memref_slice %arg8[%dma_wait3A_529, %dma_wait3A_530] : memref<512x32xf32, #tpu.memory_space<vmem>> -> memref<128x32xf32, #tpu.memory_space<vmem>>
    %dma_wait3A_532 = arith.constant 0 : i32
    %dma_wait3A_533 = tpu.memref_slice %arg7[%dma_wait3A, %dma_wait3A_532] : memref<4x128xi32, #tpu.memory_space<vmem>> -> memref<1x128xi32, #tpu.memory_space<vmem>>
    %dma_wait3A_534 = tpu.memref_squeeze %dma_wait3A_533 : memref<1x128xi32, #tpu.memory_space<vmem>> -> memref<128xi32, #tpu.memory_space<vmem>>
    %dma_wait3A_535 = arith.constant 0 : i32
    %dma_wait3A_536 = arith.constant 0 : i32
    %dma_wait3A_537 = tpu.memref_slice %arg3[%dma_wait3A_535, %dma_wait3A_536] : memref<100000x32xf32, #tpu.memory_space<hbm>> -> memref<100000x32xf32, #tpu.memory_space<hbm>>
    tpu.wait_indirect_dma semaphore(%arg12 : memref<!tpu.dma_semaphore, #tpu.memory_space<semaphore_mem>>) src(%dma_wait3A_537 : memref<100000x32xf32, #tpu.memory_space<hbm>>) dst(%dma_wait3A_531 : memref<128x32xf32, #tpu.memory_space<vmem>>)
    %dma_wait3A_538 = arith.constant 0 : i32
    %dma_wait3A_539 = arith.constant 0 : i32
    %dma_wait3A_540 = tpu.memref_slice %arg9[%dma_wait3A_539] : memref<512xf32, #tpu.memory_space<vmem>> -> memref<128xf32, #tpu.memory_space<vmem>>
    %dma_wait3A_541 = arith.constant 0 : i32
    %dma_wait3A_542 = tpu.memref_slice %arg7[%dma_wait3A_538, %dma_wait3A_541] : memref<4x128xi32, #tpu.memory_space<vmem>> -> memref<1x128xi32, #tpu.memory_space<vmem>>
    %dma_wait3A_543 = tpu.memref_squeeze %dma_wait3A_542 : memref<1x128xi32, #tpu.memory_space<vmem>> -> memref<128xi32, #tpu.memory_space<vmem>>
    %dma_wait3A_544 = arith.constant 0 : i32
    %dma_wait3A_545 = tpu.memref_slice %arg4[%dma_wait3A_544] : memref<100000xf32, #tpu.memory_space<hbm>> -> memref<100000xf32, #tpu.memory_space<hbm>>
    tpu.wait_indirect_dma semaphore(%arg13 : memref<!tpu.dma_semaphore, #tpu.memory_space<semaphore_mem>>) src(%dma_wait3A_545 : memref<100000xf32, #tpu.memory_space<hbm>>) dst(%dma_wait3A_540 : memref<128xf32, #tpu.memory_space<vmem>>)
    %dma_wait3A_546 = arith.constant 1 : i32
    %dma_wait3A_547 = arith.constant 128 : i32
    %dma_wait3A_548 = arith.constant 0 : i32
    %dma_wait3A_549 = tpu.memref_slice %arg8[%dma_wait3A_547, %dma_wait3A_548] : memref<512x32xf32, #tpu.memory_space<vmem>> -> memref<128x32xf32, #tpu.memory_space<vmem>>
    %dma_wait3A_550 = arith.constant 0 : i32
    %dma_wait3A_551 = tpu.memref_slice %arg7[%dma_wait3A_546, %dma_wait3A_550] : memref<4x128xi32, #tpu.memory_space<vmem>> -> memref<1x128xi32, #tpu.memory_space<vmem>>
    %dma_wait3A_552 = tpu.memref_squeeze %dma_wait3A_551 : memref<1x128xi32, #tpu.memory_space<vmem>> -> memref<128xi32, #tpu.memory_space<vmem>>
    %dma_wait3A_553 = arith.constant 0 : i32
    %dma_wait3A_554 = arith.constant 0 : i32
    %dma_wait3A_555 = tpu.memref_slice %arg3[%dma_wait3A_553, %dma_wait3A_554] : memref<100000x32xf32, #tpu.memory_space<hbm>> -> memref<100000x32xf32, #tpu.memory_space<hbm>>
    tpu.wait_indirect_dma semaphore(%arg12 : memref<!tpu.dma_semaphore, #tpu.memory_space<semaphore_mem>>) src(%dma_wait3A_555 : memref<100000x32xf32, #tpu.memory_space<hbm>>) dst(%dma_wait3A_549 : memref<128x32xf32, #tpu.memory_space<vmem>>)
    %dma_wait3A_556 = arith.constant 1 : i32
    %dma_wait3A_557 = arith.constant 128 : i32
    %dma_wait3A_558 = tpu.memref_slice %arg9[%dma_wait3A_557] : memref<512xf32, #tpu.memory_space<vmem>> -> memref<128xf32, #tpu.memory_space<vmem>>
    %dma_wait3A_559 = arith.constant 0 : i32
    %dma_wait3A_560 = tpu.memref_slice %arg7[%dma_wait3A_556, %dma_wait3A_559] : memref<4x128xi32, #tpu.memory_space<vmem>> -> memref<1x128xi32, #tpu.memory_space<vmem>>
    %dma_wait3A_561 = tpu.memref_squeeze %dma_wait3A_560 : memref<1x128xi32, #tpu.memory_space<vmem>> -> memref<128xi32, #tpu.memory_space<vmem>>
    %dma_wait3A_562 = arith.constant 0 : i32
    %dma_wait3A_563 = tpu.memref_slice %arg4[%dma_wait3A_562] : memref<100000xf32, #tpu.memory_space<hbm>> -> memref<100000xf32, #tpu.memory_space<hbm>>
    tpu.wait_indirect_dma semaphore(%arg13 : memref<!tpu.dma_semaphore, #tpu.memory_space<semaphore_mem>>) src(%dma_wait3A_563 : memref<100000xf32, #tpu.memory_space<hbm>>) dst(%dma_wait3A_558 : memref<128xf32, #tpu.memory_space<vmem>>)
    %dma_wait3A_564 = arith.constant 2 : i32
    %dma_wait3A_565 = arith.constant 256 : i32
    %dma_wait3A_566 = arith.constant 0 : i32
    %dma_wait3A_567 = tpu.memref_slice %arg8[%dma_wait3A_565, %dma_wait3A_566] : memref<512x32xf32, #tpu.memory_space<vmem>> -> memref<128x32xf32, #tpu.memory_space<vmem>>
    %dma_wait3A_568 = arith.constant 0 : i32
    %dma_wait3A_569 = tpu.memref_slice %arg7[%dma_wait3A_564, %dma_wait3A_568] : memref<4x128xi32, #tpu.memory_space<vmem>> -> memref<1x128xi32, #tpu.memory_space<vmem>>
    %dma_wait3A_570 = tpu.memref_squeeze %dma_wait3A_569 : memref<1x128xi32, #tpu.memory_space<vmem>> -> memref<128xi32, #tpu.memory_space<vmem>>
    %dma_wait3A_571 = arith.constant 0 : i32
    %dma_wait3A_572 = arith.constant 0 : i32
    %dma_wait3A_573 = tpu.memref_slice %arg3[%dma_wait3A_571, %dma_wait3A_572] : memref<100000x32xf32, #tpu.memory_space<hbm>> -> memref<100000x32xf32, #tpu.memory_space<hbm>>
    tpu.wait_indirect_dma semaphore(%arg12 : memref<!tpu.dma_semaphore, #tpu.memory_space<semaphore_mem>>) src(%dma_wait3A_573 : memref<100000x32xf32, #tpu.memory_space<hbm>>) dst(%dma_wait3A_567 : memref<128x32xf32, #tpu.memory_space<vmem>>)
    %dma_wait3A_574 = arith.constant 2 : i32
    %dma_wait3A_575 = arith.constant 256 : i32
    %dma_wait3A_576 = tpu.memref_slice %arg9[%dma_wait3A_575] : memref<512xf32, #tpu.memory_space<vmem>> -> memref<128xf32, #tpu.memory_space<vmem>>
    %dma_wait3A_577 = arith.constant 0 : i32
    %dma_wait3A_578 = tpu.memref_slice %arg7[%dma_wait3A_574, %dma_wait3A_577] : memref<4x128xi32, #tpu.memory_space<vmem>> -> memref<1x128xi32, #tpu.memory_space<vmem>>
    %dma_wait3A_579 = tpu.memref_squeeze %dma_wait3A_578 : memref<1x128xi32, #tpu.memory_space<vmem>> -> memref<128xi32, #tpu.memory_space<vmem>>
    %dma_wait3A_580 = arith.constant 0 : i32
    %dma_wait3A_581 = tpu.memref_slice %arg4[%dma_wait3A_580] : memref<100000xf32, #tpu.memory_space<hbm>> -> memref<100000xf32, #tpu.memory_space<hbm>>
    tpu.wait_indirect_dma semaphore(%arg13 : memref<!tpu.dma_semaphore, #tpu.memory_space<semaphore_mem>>) src(%dma_wait3A_581 : memref<100000xf32, #tpu.memory_space<hbm>>) dst(%dma_wait3A_576 : memref<128xf32, #tpu.memory_space<vmem>>)
    %dma_wait3A_582 = arith.constant 3 : i32
    %dma_wait3A_583 = arith.constant 384 : i32
    %dma_wait3A_584 = arith.constant 0 : i32
    %dma_wait3A_585 = tpu.memref_slice %arg8[%dma_wait3A_583, %dma_wait3A_584] : memref<512x32xf32, #tpu.memory_space<vmem>> -> memref<128x32xf32, #tpu.memory_space<vmem>>
    %dma_wait3A_586 = arith.constant 0 : i32
    %dma_wait3A_587 = tpu.memref_slice %arg7[%dma_wait3A_582, %dma_wait3A_586] : memref<4x128xi32, #tpu.memory_space<vmem>> -> memref<1x128xi32, #tpu.memory_space<vmem>>
    %dma_wait3A_588 = tpu.memref_squeeze %dma_wait3A_587 : memref<1x128xi32, #tpu.memory_space<vmem>> -> memref<128xi32, #tpu.memory_space<vmem>>
    %dma_wait3A_589 = arith.constant 0 : i32
    %dma_wait3A_590 = arith.constant 0 : i32
    %dma_wait3A_591 = tpu.memref_slice %arg3[%dma_wait3A_589, %dma_wait3A_590] : memref<100000x32xf32, #tpu.memory_space<hbm>> -> memref<100000x32xf32, #tpu.memory_space<hbm>>
    tpu.wait_indirect_dma semaphore(%arg12 : memref<!tpu.dma_semaphore, #tpu.memory_space<semaphore_mem>>) src(%dma_wait3A_591 : memref<100000x32xf32, #tpu.memory_space<hbm>>) dst(%dma_wait3A_585 : memref<128x32xf32, #tpu.memory_space<vmem>>)
    %dma_wait3A_592 = arith.constant 3 : i32
    %dma_wait3A_593 = arith.constant 384 : i32
    %dma_wait3A_594 = tpu.memref_slice %arg9[%dma_wait3A_593] : memref<512xf32, #tpu.memory_space<vmem>> -> memref<128xf32, #tpu.memory_space<vmem>>
    %dma_wait3A_595 = arith.constant 0 : i32
    %dma_wait3A_596 = tpu.memref_slice %arg7[%dma_wait3A_592, %dma_wait3A_595] : memref<4x128xi32, #tpu.memory_space<vmem>> -> memref<1x128xi32, #tpu.memory_space<vmem>>
    %dma_wait3A_597 = tpu.memref_squeeze %dma_wait3A_596 : memref<1x128xi32, #tpu.memory_space<vmem>> -> memref<128xi32, #tpu.memory_space<vmem>>
    %dma_wait3A_598 = arith.constant 0 : i32
    %dma_wait3A_599 = tpu.memref_slice %arg4[%dma_wait3A_598] : memref<100000xf32, #tpu.memory_space<hbm>> -> memref<100000xf32, #tpu.memory_space<hbm>>
    tpu.wait_indirect_dma semaphore(%arg13 : memref<!tpu.dma_semaphore, #tpu.memory_space<semaphore_mem>>) src(%dma_wait3A_599 : memref<100000xf32, #tpu.memory_space<hbm>>) dst(%dma_wait3A_594 : memref<128xf32, #tpu.memory_space<vmem>>)
    %iota3A = tpu.iota {dimensions = array<i32: 0>} : vector<16xi32>
    %broadcast_in_dim3A = arith.constant 0.000000e+00 : f32
    %broadcast_in_dim3A_600 = vector.broadcast %broadcast_in_dim3A : f32 to vector<16xf32>
    %scan3A = arith.constant 0 : i32
    %scan3A_601 = arith.constant 0 : i32
    %scan3A_602 = arith.constant 32 : i32
    %scan3A_603 = arith.addi %scan3A_601, %scan3A_602 : i32
    %scan3A_604 = arith.constant 1 : i32
    scf.for %scan3A_606 = %scan3A_601 to %scan3A_603 step %scan3A_604  : i32 {
      %mul3A_607 = arith.constant 16 : i32
      %mul3A_608 = arith.muli %scan3A_606, %mul3A_607 : i32
      %mul3A_609 = arith.constant 16 : i32
      %mul3A_610 = arith.muli %scan3A_606, %mul3A_609 : i32
      %add3A_611 = vector.broadcast %mul3A_610 : i32 to vector<16xi32>
      %add3A_612 = arith.addi %add3A_611, %iota3A : vector<16xi32>
      %broadcast_in_dim3A_613 = arith.constant 0 : i32
      %broadcast_in_dim3A_614 = vector.broadcast %broadcast_in_dim3A_613 : i32 to vector<16xi32>
      %gather3A = tpu.vector_load_idx %arg8[%add3A_612, %broadcast_in_dim3A_614] : memref<512x32xf32, #tpu.memory_space<vmem>>[vector<16xi32>, vector<16xi32>], vector<16xf32>,
      %neg3A = arith.constant 0.000000e+00 : f32
      %neg3A_615 = vector.broadcast %neg3A : f32 to vector<16xf32>
      %neg3A_616 = arith.subf %neg3A_615, %gather3A : vector<16xf32>
      %exp3A = math.exp %neg3A_616 : vector<16xf32>
      %add3A_617 = arith.constant 1.000000e+00 : f32
      %add3A_618 = vector.broadcast %add3A_617 : f32 to vector<16xf32>
      %add3A_619 = arith.addf %add3A_618, %exp3A : vector<16xf32>
      %div3A = arith.constant 1.000000e+00 : f32
      %div3A_620 = vector.broadcast %div3A : f32 to vector<16xf32>
      %div3A_621 = arith.divf %div3A_620, %add3A_619 : vector<16xf32>
      %add3A_622 = arith.addf %broadcast_in_dim3A_600, %div3A_621 : vector<16xf32>
      %broadcast_in_dim3A_623 = arith.constant 1 : i32
      %broadcast_in_dim3A_624 = vector.broadcast %broadcast_in_dim3A_623 : i32 to vector<16xi32>
      %gather3A_625 = tpu.vector_load_idx %arg8[%add3A_612, %broadcast_in_dim3A_624] : memref<512x32xf32, #tpu.memory_space<vmem>>[vector<16xi32>, vector<16xi32>], vector<16xf32>,
      %neg3A_626 = arith.constant 0.000000e+00 : f32
      %neg3A_627 = vector.broadcast %neg3A_626 : f32 to vector<16xf32>
      %neg3A_628 = arith.subf %neg3A_627, %gather3A_625 : vector<16xf32>
      %exp3A_629 = math.exp %neg3A_628 : vector<16xf32>
      %add3A_630 = arith.constant 1.000000e+00 : f32
      %add3A_631 = vector.broadcast %add3A_630 : f32 to vector<16xf32>
      %add3A_632 = arith.addf %add3A_631, %exp3A_629 : vector<16xf32>
      %div3A_633 = arith.constant 1.000000e+00 : f32
      %div3A_634 = vector.broadcast %div3A_633 : f32 to vector<16xf32>
      %div3A_635 = arith.divf %div3A_634, %add3A_632 : vector<16xf32>
      %add3A_636 = arith.addf %broadcast_in_dim3A_600, %div3A_635 : vector<16xf32>
      %broadcast_in_dim3A_637 = arith.constant 2 : i32
      %broadcast_in_dim3A_638 = vector.broadcast %broadcast_in_dim3A_637 : i32 to vector<16xi32>
      %gather3A_639 = tpu.vector_load_idx %arg8[%add3A_612, %broadcast_in_dim3A_638] : memref<512x32xf32, #tpu.memory_space<vmem>>[vector<16xi32>, vector<16xi32>], vector<16xf32>,
      %neg3A_640 = arith.constant 0.000000e+00 : f32
      %neg3A_641 = vector.broadcast %neg3A_640 : f32 to vector<16xf32>
      %neg3A_642 = arith.subf %neg3A_641, %gather3A_639 : vector<16xf32>
      %exp3A_643 = math.exp %neg3A_642 : vector<16xf32>
      %add3A_644 = arith.constant 1.000000e+00 : f32
      %add3A_645 = vector.broadcast %add3A_644 : f32 to vector<16xf32>
      %add3A_646 = arith.addf %add3A_645, %exp3A_643 : vector<16xf32>
      %div3A_647 = arith.constant 1.000000e+00 : f32
      %div3A_648 = vector.broadcast %div3A_647 : f32 to vector<16xf32>
      %div3A_649 = arith.divf %div3A_648, %add3A_646 : vector<16xf32>
      %add3A_650 = arith.addf %broadcast_in_dim3A_600, %div3A_649 : vector<16xf32>
      %broadcast_in_dim3A_651 = arith.constant 3 : i32
      %broadcast_in_dim3A_652 = vector.broadcast %broadcast_in_dim3A_651 : i32 to vector<16xi32>
      %gather3A_653 = tpu.vector_load_idx %arg8[%add3A_612, %broadcast_in_dim3A_652] : memref<512x32xf32, #tpu.memory_space<vmem>>[vector<16xi32>, vector<16xi32>], vector<16xf32>,
      %neg3A_654 = arith.constant 0.000000e+00 : f32
      %neg3A_655 = vector.broadcast %neg3A_654 : f32 to vector<16xf32>
      %neg3A_656 = arith.subf %neg3A_655, %gather3A_653 : vector<16xf32>
      %exp3A_657 = math.exp %neg3A_656 : vector<16xf32>
      %add3A_658 = arith.constant 1.000000e+00 : f32
      %add3A_659 = vector.broadcast %add3A_658 : f32 to vector<16xf32>
      %add3A_660 = arith.addf %add3A_659, %exp3A_657 : vector<16xf32>
      %div3A_661 = arith.constant 1.000000e+00 : f32
      %div3A_662 = vector.broadcast %div3A_661 : f32 to vector<16xf32>
      %div3A_663 = arith.divf %div3A_662, %add3A_660 : vector<16xf32>
      %add3A_664 = arith.addf %broadcast_in_dim3A_600, %div3A_663 : vector<16xf32>
      %broadcast_in_dim3A_665 = arith.constant 4 : i32
      %broadcast_in_dim3A_666 = vector.broadcast %broadcast_in_dim3A_665 : i32 to vector<16xi32>
      %gather3A_667 = tpu.vector_load_idx %arg8[%add3A_612, %broadcast_in_dim3A_666] : memref<512x32xf32, #tpu.memory_space<vmem>>[vector<16xi32>, vector<16xi32>], vector<16xf32>,
      %neg3A_668 = arith.constant 0.000000e+00 : f32
      %neg3A_669 = vector.broadcast %neg3A_668 : f32 to vector<16xf32>
      %neg3A_670 = arith.subf %neg3A_669, %gather3A_667 : vector<16xf32>
      %exp3A_671 = math.exp %neg3A_670 : vector<16xf32>
      %add3A_672 = arith.constant 1.000000e+00 : f32
      %add3A_673 = vector.broadcast %add3A_672 : f32 to vector<16xf32>
      %add3A_674 = arith.addf %add3A_673, %exp3A_671 : vector<16xf32>
      %div3A_675 = arith.constant 1.000000e+00 : f32
      %div3A_676 = vector.broadcast %div3A_675 : f32 to vector<16xf32>
      %div3A_677 = arith.divf %div3A_676, %add3A_674 : vector<16xf32>
      %add3A_678 = arith.addf %add3A_622, %div3A_677 : vector<16xf32>
      %broadcast_in_dim3A_679 = arith.constant 5 : i32
      %broadcast_in_dim3A_680 = vector.broadcast %broadcast_in_dim3A_679 : i32 to vector<16xi32>
      %gather3A_681 = tpu.vector_load_idx %arg8[%add3A_612, %broadcast_in_dim3A_680] : memref<512x32xf32, #tpu.memory_space<vmem>>[vector<16xi32>, vector<16xi32>], vector<16xf32>,
      %neg3A_682 = arith.constant 0.000000e+00 : f32
      %neg3A_683 = vector.broadcast %neg3A_682 : f32 to vector<16xf32>
      %neg3A_684 = arith.subf %neg3A_683, %gather3A_681 : vector<16xf32>
      %exp3A_685 = math.exp %neg3A_684 : vector<16xf32>
      %add3A_686 = arith.constant 1.000000e+00 : f32
      %add3A_687 = vector.broadcast %add3A_686 : f32 to vector<16xf32>
      %add3A_688 = arith.addf %add3A_687, %exp3A_685 : vector<16xf32>
      %div3A_689 = arith.constant 1.000000e+00 : f32
      %div3A_690 = vector.broadcast %div3A_689 : f32 to vector<16xf32>
      %div3A_691 = arith.divf %div3A_690, %add3A_688 : vector<16xf32>
      %add3A_692 = arith.addf %add3A_636, %div3A_691 : vector<16xf32>
      %broadcast_in_dim3A_693 = arith.constant 6 : i32
      %broadcast_in_dim3A_694 = vector.broadcast %broadcast_in_dim3A_693 : i32 to vector<16xi32>
      %gather3A_695 = tpu.vector_load_idx %arg8[%add3A_612, %broadcast_in_dim3A_694] : memref<512x32xf32, #tpu.memory_space<vmem>>[vector<16xi32>, vector<16xi32>], vector<16xf32>,
      %neg3A_696 = arith.constant 0.000000e+00 : f32
      %neg3A_697 = vector.broadcast %neg3A_696 : f32 to vector<16xf32>
      %neg3A_698 = arith.subf %neg3A_697, %gather3A_695 : vector<16xf32>
      %exp3A_699 = math.exp %neg3A_698 : vector<16xf32>
      %add3A_700 = arith.constant 1.000000e+00 : f32
      %add3A_701 = vector.broadcast %add3A_700 : f32 to vector<16xf32>
      %add3A_702 = arith.addf %add3A_701, %exp3A_699 : vector<16xf32>
      %div3A_703 = arith.constant 1.000000e+00 : f32
      %div3A_704 = vector.broadcast %div3A_703 : f32 to vector<16xf32>
      %div3A_705 = arith.divf %div3A_704, %add3A_702 : vector<16xf32>
      %add3A_706 = arith.addf %add3A_650, %div3A_705 : vector<16xf32>
      %broadcast_in_dim3A_707 = arith.constant 7 : i32
      %broadcast_in_dim3A_708 = vector.broadcast %broadcast_in_dim3A_707 : i32 to vector<16xi32>
      %gather3A_709 = tpu.vector_load_idx %arg8[%add3A_612, %broadcast_in_dim3A_708] : memref<512x32xf32, #tpu.memory_space<vmem>>[vector<16xi32>, vector<16xi32>], vector<16xf32>,
      %neg3A_710 = arith.constant 0.000000e+00 : f32
      %neg3A_711 = vector.broadcast %neg3A_710 : f32 to vector<16xf32>
      %neg3A_712 = arith.subf %neg3A_711, %gather3A_709 : vector<16xf32>
      %exp3A_713 = math.exp %neg3A_712 : vector<16xf32>
      %add3A_714 = arith.constant 1.000000e+00 : f32
      %add3A_715 = vector.broadcast %add3A_714 : f32 to vector<16xf32>
      %add3A_716 = arith.addf %add3A_715, %exp3A_713 : vector<16xf32>
      %div3A_717 = arith.constant 1.000000e+00 : f32
      %div3A_718 = vector.broadcast %div3A_717 : f32 to vector<16xf32>
      %div3A_719 = arith.divf %div3A_718, %add3A_716 : vector<16xf32>
      %add3A_720 = arith.addf %add3A_664, %div3A_719 : vector<16xf32>
      %broadcast_in_dim3A_721 = arith.constant 8 : i32
      %broadcast_in_dim3A_722 = vector.broadcast %broadcast_in_dim3A_721 : i32 to vector<16xi32>
      %gather3A_723 = tpu.vector_load_idx %arg8[%add3A_612, %broadcast_in_dim3A_722] : memref<512x32xf32, #tpu.memory_space<vmem>>[vector<16xi32>, vector<16xi32>], vector<16xf32>,
      %neg3A_724 = arith.constant 0.000000e+00 : f32
      %neg3A_725 = vector.broadcast %neg3A_724 : f32 to vector<16xf32>
      %neg3A_726 = arith.subf %neg3A_725, %gather3A_723 : vector<16xf32>
      %exp3A_727 = math.exp %neg3A_726 : vector<16xf32>
      %add3A_728 = arith.constant 1.000000e+00 : f32
      %add3A_729 = vector.broadcast %add3A_728 : f32 to vector<16xf32>
      %add3A_730 = arith.addf %add3A_729, %exp3A_727 : vector<16xf32>
      %div3A_731 = arith.constant 1.000000e+00 : f32
      %div3A_732 = vector.broadcast %div3A_731 : f32 to vector<16xf32>
      %div3A_733 = arith.divf %div3A_732, %add3A_730 : vector<16xf32>
      %add3A_734 = arith.addf %add3A_678, %div3A_733 : vector<16xf32>
      %broadcast_in_dim3A_735 = arith.constant 9 : i32
      %broadcast_in_dim3A_736 = vector.broadcast %broadcast_in_dim3A_735 : i32 to vector<16xi32>
      %gather3A_737 = tpu.vector_load_idx %arg8[%add3A_612, %broadcast_in_dim3A_736] : memref<512x32xf32, #tpu.memory_space<vmem>>[vector<16xi32>, vector<16xi32>], vector<16xf32>,
      %neg3A_738 = arith.constant 0.000000e+00 : f32
      %neg3A_739 = vector.broadcast %neg3A_738 : f32 to vector<16xf32>
      %neg3A_740 = arith.subf %neg3A_739, %gather3A_737 : vector<16xf32>
      %exp3A_741 = math.exp %neg3A_740 : vector<16xf32>
      %add3A_742 = arith.constant 1.000000e+00 : f32
      %add3A_743 = vector.broadcast %add3A_742 : f32 to vector<16xf32>
      %add3A_744 = arith.addf %add3A_743, %exp3A_741 : vector<16xf32>
      %div3A_745 = arith.constant 1.000000e+00 : f32
      %div3A_746 = vector.broadcast %div3A_745 : f32 to vector<16xf32>
      %div3A_747 = arith.divf %div3A_746, %add3A_744 : vector<16xf32>
      %add3A_748 = arith.addf %add3A_692, %div3A_747 : vector<16xf32>
      %broadcast_in_dim3A_749 = arith.constant 10 : i32
      %broadcast_in_dim3A_750 = vector.broadcast %broadcast_in_dim3A_749 : i32 to vector<16xi32>
      %gather3A_751 = tpu.vector_load_idx %arg8[%add3A_612, %broadcast_in_dim3A_750] : memref<512x32xf32, #tpu.memory_space<vmem>>[vector<16xi32>, vector<16xi32>], vector<16xf32>,
      %neg3A_752 = arith.constant 0.000000e+00 : f32
      %neg3A_753 = vector.broadcast %neg3A_752 : f32 to vector<16xf32>
      %neg3A_754 = arith.subf %neg3A_753, %gather3A_751 : vector<16xf32>
      %exp3A_755 = math.exp %neg3A_754 : vector<16xf32>
      %add3A_756 = arith.constant 1.000000e+00 : f32
      %add3A_757 = vector.broadcast %add3A_756 : f32 to vector<16xf32>
      %add3A_758 = arith.addf %add3A_757, %exp3A_755 : vector<16xf32>
      %div3A_759 = arith.constant 1.000000e+00 : f32
      %div3A_760 = vector.broadcast %div3A_759 : f32 to vector<16xf32>
      %div3A_761 = arith.divf %div3A_760, %add3A_758 : vector<16xf32>
      %add3A_762 = arith.addf %add3A_706, %div3A_761 : vector<16xf32>
      %broadcast_in_dim3A_763 = arith.constant 11 : i32
      %broadcast_in_dim3A_764 = vector.broadcast %broadcast_in_dim3A_763 : i32 to vector<16xi32>
      %gather3A_765 = tpu.vector_load_idx %arg8[%add3A_612, %broadcast_in_dim3A_764] : memref<512x32xf32, #tpu.memory_space<vmem>>[vector<16xi32>, vector<16xi32>], vector<16xf32>,
      %neg3A_766 = arith.constant 0.000000e+00 : f32
      %neg3A_767 = vector.broadcast %neg3A_766 : f32 to vector<16xf32>
      %neg3A_768 = arith.subf %neg3A_767, %gather3A_765 : vector<16xf32>
      %exp3A_769 = math.exp %neg3A_768 : vector<16xf32>
      %add3A_770 = arith.constant 1.000000e+00 : f32
      %add3A_771 = vector.broadcast %add3A_770 : f32 to vector<16xf32>
      %add3A_772 = arith.addf %add3A_771, %exp3A_769 : vector<16xf32>
      %div3A_773 = arith.constant 1.000000e+00 : f32
      %div3A_774 = vector.broadcast %div3A_773 : f32 to vector<16xf32>
      %div3A_775 = arith.divf %div3A_774, %add3A_772 : vector<16xf32>
      %add3A_776 = arith.addf %add3A_720, %div3A_775 : vector<16xf32>
      %broadcast_in_dim3A_777 = arith.constant 12 : i32
      %broadcast_in_dim3A_778 = vector.broadcast %broadcast_in_dim3A_777 : i32 to vector<16xi32>
      %gather3A_779 = tpu.vector_load_idx %arg8[%add3A_612, %broadcast_in_dim3A_778] : memref<512x32xf32, #tpu.memory_space<vmem>>[vector<16xi32>, vector<16xi32>], vector<16xf32>,
      %neg3A_780 = arith.constant 0.000000e+00 : f32
      %neg3A_781 = vector.broadcast %neg3A_780 : f32 to vector<16xf32>
      %neg3A_782 = arith.subf %neg3A_781, %gather3A_779 : vector<16xf32>
      %exp3A_783 = math.exp %neg3A_782 : vector<16xf32>
      %add3A_784 = arith.constant 1.000000e+00 : f32
      %add3A_785 = vector.broadcast %add3A_784 : f32 to vector<16xf32>
      %add3A_786 = arith.addf %add3A_785, %exp3A_783 : vector<16xf32>
      %div3A_787 = arith.constant 1.000000e+00 : f32
      %div3A_788 = vector.broadcast %div3A_787 : f32 to vector<16xf32>
      %div3A_789 = arith.divf %div3A_788, %add3A_786 : vector<16xf32>
      %add3A_790 = arith.addf %add3A_734, %div3A_789 : vector<16xf32>
      %broadcast_in_dim3A_791 = arith.constant 13 : i32
      %broadcast_in_dim3A_792 = vector.broadcast %broadcast_in_dim3A_791 : i32 to vector<16xi32>
      %gather3A_793 = tpu.vector_load_idx %arg8[%add3A_612, %broadcast_in_dim3A_792] : memref<512x32xf32, #tpu.memory_space<vmem>>[vector<16xi32>, vector<16xi32>], vector<16xf32>,
      %neg3A_794 = arith.constant 0.000000e+00 : f32
      %neg3A_795 = vector.broadcast %neg3A_794 : f32 to vector<16xf32>
      %neg3A_796 = arith.subf %neg3A_795, %gather3A_793 : vector<16xf32>
      %exp3A_797 = math.exp %neg3A_796 : vector<16xf32>
      %add3A_798 = arith.constant 1.000000e+00 : f32
      %add3A_799 = vector.broadcast %add3A_798 : f32 to vector<16xf32>
      %add3A_800 = arith.addf %add3A_799, %exp3A_797 : vector<16xf32>
      %div3A_801 = arith.constant 1.000000e+00 : f32
      %div3A_802 = vector.broadcast %div3A_801 : f32 to vector<16xf32>
      %div3A_803 = arith.divf %div3A_802, %add3A_800 : vector<16xf32>
      %add3A_804 = arith.addf %add3A_748, %div3A_803 : vector<16xf32>
      %broadcast_in_dim3A_805 = arith.constant 14 : i32
      %broadcast_in_dim3A_806 = vector.broadcast %broadcast_in_dim3A_805 : i32 to vector<16xi32>
      %gather3A_807 = tpu.vector_load_idx %arg8[%add3A_612, %broadcast_in_dim3A_806] : memref<512x32xf32, #tpu.memory_space<vmem>>[vector<16xi32>, vector<16xi32>], vector<16xf32>,
      %neg3A_808 = arith.constant 0.000000e+00 : f32
      %neg3A_809 = vector.broadcast %neg3A_808 : f32 to vector<16xf32>
      %neg3A_810 = arith.subf %neg3A_809, %gather3A_807 : vector<16xf32>
      %exp3A_811 = math.exp %neg3A_810 : vector<16xf32>
      %add3A_812 = arith.constant 1.000000e+00 : f32
      %add3A_813 = vector.broadcast %add3A_812 : f32 to vector<16xf32>
      %add3A_814 = arith.addf %add3A_813, %exp3A_811 : vector<16xf32>
      %div3A_815 = arith.constant 1.000000e+00 : f32
      %div3A_816 = vector.broadcast %div3A_815 : f32 to vector<16xf32>
      %div3A_817 = arith.divf %div3A_816, %add3A_814 : vector<16xf32>
      %add3A_818 = arith.addf %add3A_762, %div3A_817 : vector<16xf32>
      %broadcast_in_dim3A_819 = arith.constant 15 : i32
      %broadcast_in_dim3A_820 = vector.broadcast %broadcast_in_dim3A_819 : i32 to vector<16xi32>
      %gather3A_821 = tpu.vector_load_idx %arg8[%add3A_612, %broadcast_in_dim3A_820] : memref<512x32xf32, #tpu.memory_space<vmem>>[vector<16xi32>, vector<16xi32>], vector<16xf32>,
      %neg3A_822 = arith.constant 0.000000e+00 : f32
      %neg3A_823 = vector.broadcast %neg3A_822 : f32 to vector<16xf32>
      %neg3A_824 = arith.subf %neg3A_823, %gather3A_821 : vector<16xf32>
      %exp3A_825 = math.exp %neg3A_824 : vector<16xf32>
      %add3A_826 = arith.constant 1.000000e+00 : f32
      %add3A_827 = vector.broadcast %add3A_826 : f32 to vector<16xf32>
      %add3A_828 = arith.addf %add3A_827, %exp3A_825 : vector<16xf32>
      %div3A_829 = arith.constant 1.000000e+00 : f32
      %div3A_830 = vector.broadcast %div3A_829 : f32 to vector<16xf32>
      %div3A_831 = arith.divf %div3A_830, %add3A_828 : vector<16xf32>
      %add3A_832 = arith.addf %add3A_776, %div3A_831 : vector<16xf32>
      %broadcast_in_dim3A_833 = arith.constant 16 : i32
      %broadcast_in_dim3A_834 = vector.broadcast %broadcast_in_dim3A_833 : i32 to vector<16xi32>
      %gather3A_835 = tpu.vector_load_idx %arg8[%add3A_612, %broadcast_in_dim3A_834] : memref<512x32xf32, #tpu.memory_space<vmem>>[vector<16xi32>, vector<16xi32>], vector<16xf32>,
      %neg3A_836 = arith.constant 0.000000e+00 : f32
      %neg3A_837 = vector.broadcast %neg3A_836 : f32 to vector<16xf32>
      %neg3A_838 = arith.subf %neg3A_837, %gather3A_835 : vector<16xf32>
      %exp3A_839 = math.exp %neg3A_838 : vector<16xf32>
      %add3A_840 = arith.constant 1.000000e+00 : f32
      %add3A_841 = vector.broadcast %add3A_840 : f32 to vector<16xf32>
      %add3A_842 = arith.addf %add3A_841, %exp3A_839 : vector<16xf32>
      %div3A_843 = arith.constant 1.000000e+00 : f32
      %div3A_844 = vector.broadcast %div3A_843 : f32 to vector<16xf32>
      %div3A_845 = arith.divf %div3A_844, %add3A_842 : vector<16xf32>
      %add3A_846 = arith.addf %add3A_790, %div3A_845 : vector<16xf32>
      %broadcast_in_dim3A_847 = arith.constant 17 : i32
      %broadcast_in_dim3A_848 = vector.broadcast %broadcast_in_dim3A_847 : i32 to vector<16xi32>
      %gather3A_849 = tpu.vector_load_idx %arg8[%add3A_612, %broadcast_in_dim3A_848] : memref<512x32xf32, #tpu.memory_space<vmem>>[vector<16xi32>, vector<16xi32>], vector<16xf32>,
      %neg3A_850 = arith.constant 0.000000e+00 : f32
      %neg3A_851 = vector.broadcast %neg3A_850 : f32 to vector<16xf32>
      %neg3A_852 = arith.subf %neg3A_851, %gather3A_849 : vector<16xf32>
      %exp3A_853 = math.exp %neg3A_852 : vector<16xf32>
      %add3A_854 = arith.constant 1.000000e+00 : f32
      %add3A_855 = vector.broadcast %add3A_854 : f32 to vector<16xf32>
      %add3A_856 = arith.addf %add3A_855, %exp3A_853 : vector<16xf32>
      %div3A_857 = arith.constant 1.000000e+00 : f32
      %div3A_858 = vector.broadcast %div3A_857 : f32 to vector<16xf32>
      %div3A_859 = arith.divf %div3A_858, %add3A_856 : vector<16xf32>
      %add3A_860 = arith.addf %add3A_804, %div3A_859 : vector<16xf32>
      %broadcast_in_dim3A_861 = arith.constant 18 : i32
      %broadcast_in_dim3A_862 = vector.broadcast %broadcast_in_dim3A_861 : i32 to vector<16xi32>
      %gather3A_863 = tpu.vector_load_idx %arg8[%add3A_612, %broadcast_in_dim3A_862] : memref<512x32xf32, #tpu.memory_space<vmem>>[vector<16xi32>, vector<16xi32>], vector<16xf32>,
      %neg3A_864 = arith.constant 0.000000e+00 : f32
      %neg3A_865 = vector.broadcast %neg3A_864 : f32 to vector<16xf32>
      %neg3A_866 = arith.subf %neg3A_865, %gather3A_863 : vector<16xf32>
      %exp3A_867 = math.exp %neg3A_866 : vector<16xf32>
      %add3A_868 = arith.constant 1.000000e+00 : f32
      %add3A_869 = vector.broadcast %add3A_868 : f32 to vector<16xf32>
      %add3A_870 = arith.addf %add3A_869, %exp3A_867 : vector<16xf32>
      %div3A_871 = arith.constant 1.000000e+00 : f32
      %div3A_872 = vector.broadcast %div3A_871 : f32 to vector<16xf32>
      %div3A_873 = arith.divf %div3A_872, %add3A_870 : vector<16xf32>
      %add3A_874 = arith.addf %add3A_818, %div3A_873 : vector<16xf32>
      %broadcast_in_dim3A_875 = arith.constant 19 : i32
      %broadcast_in_dim3A_876 = vector.broadcast %broadcast_in_dim3A_875 : i32 to vector<16xi32>
      %gather3A_877 = tpu.vector_load_idx %arg8[%add3A_612, %broadcast_in_dim3A_876] : memref<512x32xf32, #tpu.memory_space<vmem>>[vector<16xi32>, vector<16xi32>], vector<16xf32>,
      %neg3A_878 = arith.constant 0.000000e+00 : f32
      %neg3A_879 = vector.broadcast %neg3A_878 : f32 to vector<16xf32>
      %neg3A_880 = arith.subf %neg3A_879, %gather3A_877 : vector<16xf32>
      %exp3A_881 = math.exp %neg3A_880 : vector<16xf32>
      %add3A_882 = arith.constant 1.000000e+00 : f32
      %add3A_883 = vector.broadcast %add3A_882 : f32 to vector<16xf32>
      %add3A_884 = arith.addf %add3A_883, %exp3A_881 : vector<16xf32>
      %div3A_885 = arith.constant 1.000000e+00 : f32
      %div3A_886 = vector.broadcast %div3A_885 : f32 to vector<16xf32>
      %div3A_887 = arith.divf %div3A_886, %add3A_884 : vector<16xf32>
      %add3A_888 = arith.addf %add3A_832, %div3A_887 : vector<16xf32>
      %broadcast_in_dim3A_889 = arith.constant 20 : i32
      %broadcast_in_dim3A_890 = vector.broadcast %broadcast_in_dim3A_889 : i32 to vector<16xi32>
      %gather3A_891 = tpu.vector_load_idx %arg8[%add3A_612, %broadcast_in_dim3A_890] : memref<512x32xf32, #tpu.memory_space<vmem>>[vector<16xi32>, vector<16xi32>], vector<16xf32>,
      %neg3A_892 = arith.constant 0.000000e+00 : f32
      %neg3A_893 = vector.broadcast %neg3A_892 : f32 to vector<16xf32>
      %neg3A_894 = arith.subf %neg3A_893, %gather3A_891 : vector<16xf32>
      %exp3A_895 = math.exp %neg3A_894 : vector<16xf32>
      %add3A_896 = arith.constant 1.000000e+00 : f32
      %add3A_897 = vector.broadcast %add3A_896 : f32 to vector<16xf32>
      %add3A_898 = arith.addf %add3A_897, %exp3A_895 : vector<16xf32>
      %div3A_899 = arith.constant 1.000000e+00 : f32
      %div3A_900 = vector.broadcast %div3A_899 : f32 to vector<16xf32>
      %div3A_901 = arith.divf %div3A_900, %add3A_898 : vector<16xf32>
      %add3A_902 = arith.addf %add3A_846, %div3A_901 : vector<16xf32>
      %broadcast_in_dim3A_903 = arith.constant 21 : i32
      %broadcast_in_dim3A_904 = vector.broadcast %broadcast_in_dim3A_903 : i32 to vector<16xi32>
      %gather3A_905 = tpu.vector_load_idx %arg8[%add3A_612, %broadcast_in_dim3A_904] : memref<512x32xf32, #tpu.memory_space<vmem>>[vector<16xi32>, vector<16xi32>], vector<16xf32>,
      %neg3A_906 = arith.constant 0.000000e+00 : f32
      %neg3A_907 = vector.broadcast %neg3A_906 : f32 to vector<16xf32>
      %neg3A_908 = arith.subf %neg3A_907, %gather3A_905 : vector<16xf32>
      %exp3A_909 = math.exp %neg3A_908 : vector<16xf32>
      %add3A_910 = arith.constant 1.000000e+00 : f32
      %add3A_911 = vector.broadcast %add3A_910 : f32 to vector<16xf32>
      %add3A_912 = arith.addf %add3A_911, %exp3A_909 : vector<16xf32>
      %div3A_913 = arith.constant 1.000000e+00 : f32
      %div3A_914 = vector.broadcast %div3A_913 : f32 to vector<16xf32>
      %div3A_915 = arith.divf %div3A_914, %add3A_912 : vector<16xf32>
      %add3A_916 = arith.addf %add3A_860, %div3A_915 : vector<16xf32>
      %broadcast_in_dim3A_917 = arith.constant 22 : i32
      %broadcast_in_dim3A_918 = vector.broadcast %broadcast_in_dim3A_917 : i32 to vector<16xi32>
      %gather3A_919 = tpu.vector_load_idx %arg8[%add3A_612, %broadcast_in_dim3A_918] : memref<512x32xf32, #tpu.memory_space<vmem>>[vector<16xi32>, vector<16xi32>], vector<16xf32>,
      %neg3A_920 = arith.constant 0.000000e+00 : f32
      %neg3A_921 = vector.broadcast %neg3A_920 : f32 to vector<16xf32>
      %neg3A_922 = arith.subf %neg3A_921, %gather3A_919 : vector<16xf32>
      %exp3A_923 = math.exp %neg3A_922 : vector<16xf32>
      %add3A_924 = arith.constant 1.000000e+00 : f32
      %add3A_925 = vector.broadcast %add3A_924 : f32 to vector<16xf32>
      %add3A_926 = arith.addf %add3A_925, %exp3A_923 : vector<16xf32>
      %div3A_927 = arith.constant 1.000000e+00 : f32
      %div3A_928 = vector.broadcast %div3A_927 : f32 to vector<16xf32>
      %div3A_929 = arith.divf %div3A_928, %add3A_926 : vector<16xf32>
      %add3A_930 = arith.addf %add3A_874, %div3A_929 : vector<16xf32>
      %broadcast_in_dim3A_931 = arith.constant 23 : i32
      %broadcast_in_dim3A_932 = vector.broadcast %broadcast_in_dim3A_931 : i32 to vector<16xi32>
      %gather3A_933 = tpu.vector_load_idx %arg8[%add3A_612, %broadcast_in_dim3A_932] : memref<512x32xf32, #tpu.memory_space<vmem>>[vector<16xi32>, vector<16xi32>], vector<16xf32>,
      %neg3A_934 = arith.constant 0.000000e+00 : f32
      %neg3A_935 = vector.broadcast %neg3A_934 : f32 to vector<16xf32>
      %neg3A_936 = arith.subf %neg3A_935, %gather3A_933 : vector<16xf32>
      %exp3A_937 = math.exp %neg3A_936 : vector<16xf32>
      %add3A_938 = arith.constant 1.000000e+00 : f32
      %add3A_939 = vector.broadcast %add3A_938 : f32 to vector<16xf32>
      %add3A_940 = arith.addf %add3A_939, %exp3A_937 : vector<16xf32>
      %div3A_941 = arith.constant 1.000000e+00 : f32
      %div3A_942 = vector.broadcast %div3A_941 : f32 to vector<16xf32>
      %div3A_943 = arith.divf %div3A_942, %add3A_940 : vector<16xf32>
      %add3A_944 = arith.addf %add3A_888, %div3A_943 : vector<16xf32>
      %broadcast_in_dim3A_945 = arith.constant 24 : i32
      %broadcast_in_dim3A_946 = vector.broadcast %broadcast_in_dim3A_945 : i32 to vector<16xi32>
      %gather3A_947 = tpu.vector_load_idx %arg8[%add3A_612, %broadcast_in_dim3A_946] : memref<512x32xf32, #tpu.memory_space<vmem>>[vector<16xi32>, vector<16xi32>], vector<16xf32>,
      %neg3A_948 = arith.constant 0.000000e+00 : f32
      %neg3A_949 = vector.broadcast %neg3A_948 : f32 to vector<16xf32>
      %neg3A_950 = arith.subf %neg3A_949, %gather3A_947 : vector<16xf32>
      %exp3A_951 = math.exp %neg3A_950 : vector<16xf32>
      %add3A_952 = arith.constant 1.000000e+00 : f32
      %add3A_953 = vector.broadcast %add3A_952 : f32 to vector<16xf32>
      %add3A_954 = arith.addf %add3A_953, %exp3A_951 : vector<16xf32>
      %div3A_955 = arith.constant 1.000000e+00 : f32
      %div3A_956 = vector.broadcast %div3A_955 : f32 to vector<16xf32>
      %div3A_957 = arith.divf %div3A_956, %add3A_954 : vector<16xf32>
      %add3A_958 = arith.addf %add3A_902, %div3A_957 : vector<16xf32>
      %broadcast_in_dim3A_959 = arith.constant 25 : i32
      %broadcast_in_dim3A_960 = vector.broadcast %broadcast_in_dim3A_959 : i32 to vector<16xi32>
      %gather3A_961 = tpu.vector_load_idx %arg8[%add3A_612, %broadcast_in_dim3A_960] : memref<512x32xf32, #tpu.memory_space<vmem>>[vector<16xi32>, vector<16xi32>], vector<16xf32>,
      %neg3A_962 = arith.constant 0.000000e+00 : f32
      %neg3A_963 = vector.broadcast %neg3A_962 : f32 to vector<16xf32>
      %neg3A_964 = arith.subf %neg3A_963, %gather3A_961 : vector<16xf32>
      %exp3A_965 = math.exp %neg3A_964 : vector<16xf32>
      %add3A_966 = arith.constant 1.000000e+00 : f32
      %add3A_967 = vector.broadcast %add3A_966 : f32 to vector<16xf32>
      %add3A_968 = arith.addf %add3A_967, %exp3A_965 : vector<16xf32>
      %div3A_969 = arith.constant 1.000000e+00 : f32
      %div3A_970 = vector.broadcast %div3A_969 : f32 to vector<16xf32>
      %div3A_971 = arith.divf %div3A_970, %add3A_968 : vector<16xf32>
      %add3A_972 = arith.addf %add3A_916, %div3A_971 : vector<16xf32>
      %broadcast_in_dim3A_973 = arith.constant 26 : i32
      %broadcast_in_dim3A_974 = vector.broadcast %broadcast_in_dim3A_973 : i32 to vector<16xi32>
      %gather3A_975 = tpu.vector_load_idx %arg8[%add3A_612, %broadcast_in_dim3A_974] : memref<512x32xf32, #tpu.memory_space<vmem>>[vector<16xi32>, vector<16xi32>], vector<16xf32>,
      %neg3A_976 = arith.constant 0.000000e+00 : f32
      %neg3A_977 = vector.broadcast %neg3A_976 : f32 to vector<16xf32>
      %neg3A_978 = arith.subf %neg3A_977, %gather3A_975 : vector<16xf32>
      %exp3A_979 = math.exp %neg3A_978 : vector<16xf32>
      %add3A_980 = arith.constant 1.000000e+00 : f32
      %add3A_981 = vector.broadcast %add3A_980 : f32 to vector<16xf32>
      %add3A_982 = arith.addf %add3A_981, %exp3A_979 : vector<16xf32>
      %div3A_983 = arith.constant 1.000000e+00 : f32
      %div3A_984 = vector.broadcast %div3A_983 : f32 to vector<16xf32>
      %div3A_985 = arith.divf %div3A_984, %add3A_982 : vector<16xf32>
      %add3A_986 = arith.addf %add3A_930, %div3A_985 : vector<16xf32>
      %broadcast_in_dim3A_987 = arith.constant 27 : i32
      %broadcast_in_dim3A_988 = vector.broadcast %broadcast_in_dim3A_987 : i32 to vector<16xi32>
      %gather3A_989 = tpu.vector_load_idx %arg8[%add3A_612, %broadcast_in_dim3A_988] : memref<512x32xf32, #tpu.memory_space<vmem>>[vector<16xi32>, vector<16xi32>], vector<16xf32>,
      %neg3A_990 = arith.constant 0.000000e+00 : f32
      %neg3A_991 = vector.broadcast %neg3A_990 : f32 to vector<16xf32>
      %neg3A_992 = arith.subf %neg3A_991, %gather3A_989 : vector<16xf32>
      %exp3A_993 = math.exp %neg3A_992 : vector<16xf32>
      %add3A_994 = arith.constant 1.000000e+00 : f32
      %add3A_995 = vector.broadcast %add3A_994 : f32 to vector<16xf32>
      %add3A_996 = arith.addf %add3A_995, %exp3A_993 : vector<16xf32>
      %div3A_997 = arith.constant 1.000000e+00 : f32
      %div3A_998 = vector.broadcast %div3A_997 : f32 to vector<16xf32>
      %div3A_999 = arith.divf %div3A_998, %add3A_996 : vector<16xf32>
      %add3A_1000 = arith.addf %add3A_944, %div3A_999 : vector<16xf32>
      %broadcast_in_dim3A_1001 = arith.constant 28 : i32
      %broadcast_in_dim3A_1002 = vector.broadcast %broadcast_in_dim3A_1001 : i32 to vector<16xi32>
      %gather3A_1003 = tpu.vector_load_idx %arg8[%add3A_612, %broadcast_in_dim3A_1002] : memref<512x32xf32, #tpu.memory_space<vmem>>[vector<16xi32>, vector<16xi32>], vector<16xf32>,
      %neg3A_1004 = arith.constant 0.000000e+00 : f32
      %neg3A_1005 = vector.broadcast %neg3A_1004 : f32 to vector<16xf32>
      %neg3A_1006 = arith.subf %neg3A_1005, %gather3A_1003 : vector<16xf32>
      %exp3A_1007 = math.exp %neg3A_1006 : vector<16xf32>
      %add3A_1008 = arith.constant 1.000000e+00 : f32
      %add3A_1009 = vector.broadcast %add3A_1008 : f32 to vector<16xf32>
      %add3A_1010 = arith.addf %add3A_1009, %exp3A_1007 : vector<16xf32>
      %div3A_1011 = arith.constant 1.000000e+00 : f32
      %div3A_1012 = vector.broadcast %div3A_1011 : f32 to vector<16xf32>
      %div3A_1013 = arith.divf %div3A_1012, %add3A_1010 : vector<16xf32>
      %add3A_1014 = arith.addf %add3A_958, %div3A_1013 : vector<16xf32>
      %broadcast_in_dim3A_1015 = arith.constant 29 : i32
      %broadcast_in_dim3A_1016 = vector.broadcast %broadcast_in_dim3A_1015 : i32 to vector<16xi32>
      %gather3A_1017 = tpu.vector_load_idx %arg8[%add3A_612, %broadcast_in_dim3A_1016] : memref<512x32xf32, #tpu.memory_space<vmem>>[vector<16xi32>, vector<16xi32>], vector<16xf32>,
      %neg3A_1018 = arith.constant 0.000000e+00 : f32
      %neg3A_1019 = vector.broadcast %neg3A_1018 : f32 to vector<16xf32>
      %neg3A_1020 = arith.subf %neg3A_1019, %gather3A_1017 : vector<16xf32>
      %exp3A_1021 = math.exp %neg3A_1020 : vector<16xf32>
      %add3A_1022 = arith.constant 1.000000e+00 : f32
      %add3A_1023 = vector.broadcast %add3A_1022 : f32 to vector<16xf32>
      %add3A_1024 = arith.addf %add3A_1023, %exp3A_1021 : vector<16xf32>
      %div3A_1025 = arith.constant 1.000000e+00 : f32
      %div3A_1026 = vector.broadcast %div3A_1025 : f32 to vector<16xf32>
      %div3A_1027 = arith.divf %div3A_1026, %add3A_1024 : vector<16xf32>
      %add3A_1028 = arith.addf %add3A_972, %div3A_1027 : vector<16xf32>
      %broadcast_in_dim3A_1029 = arith.constant 30 : i32
      %broadcast_in_dim3A_1030 = vector.broadcast %broadcast_in_dim3A_1029 : i32 to vector<16xi32>
      %gather3A_1031 = tpu.vector_load_idx %arg8[%add3A_612, %broadcast_in_dim3A_1030] : memref<512x32xf32, #tpu.memory_space<vmem>>[vector<16xi32>, vector<16xi32>], vector<16xf32>,
      %neg3A_1032 = arith.constant 0.000000e+00 : f32
      %neg3A_1033 = vector.broadcast %neg3A_1032 : f32 to vector<16xf32>
      %neg3A_1034 = arith.subf %neg3A_1033, %gather3A_1031 : vector<16xf32>
      %exp3A_1035 = math.exp %neg3A_1034 : vector<16xf32>
      %add3A_1036 = arith.constant 1.000000e+00 : f32
      %add3A_1037 = vector.broadcast %add3A_1036 : f32 to vector<16xf32>
      %add3A_1038 = arith.addf %add3A_1037, %exp3A_1035 : vector<16xf32>
      %div3A_1039 = arith.constant 1.000000e+00 : f32
      %div3A_1040 = vector.broadcast %div3A_1039 : f32 to vector<16xf32>
      %div3A_1041 = arith.divf %div3A_1040, %add3A_1038 : vector<16xf32>
      %add3A_1042 = arith.addf %add3A_986, %div3A_1041 : vector<16xf32>
      %broadcast_in_dim3A_1043 = arith.constant 31 : i32
      %broadcast_in_dim3A_1044 = vector.broadcast %broadcast_in_dim3A_1043 : i32 to vector<16xi32>
      %gather3A_1045 = tpu.vector_load_idx %arg8[%add3A_612, %broadcast_in_dim3A_1044] : memref<512x32xf32, #tpu.memory_space<vmem>>[vector<16xi32>, vector<16xi32>], vector<16xf32>,
      %neg3A_1046 = arith.constant 0.000000e+00 : f32
      %neg3A_1047 = vector.broadcast %neg3A_1046 : f32 to vector<16xf32>
      %neg3A_1048 = arith.subf %neg3A_1047, %gather3A_1045 : vector<16xf32>
      %exp3A_1049 = math.exp %neg3A_1048 : vector<16xf32>
      %add3A_1050 = arith.constant 1.000000e+00 : f32
      %add3A_1051 = vector.broadcast %add3A_1050 : f32 to vector<16xf32>
      %add3A_1052 = arith.addf %add3A_1051, %exp3A_1049 : vector<16xf32>
      %div3A_1053 = arith.constant 1.000000e+00 : f32
      %div3A_1054 = vector.broadcast %div3A_1053 : f32 to vector<16xf32>
      %div3A_1055 = arith.divf %div3A_1054, %add3A_1052 : vector<16xf32>
      %add3A_1056 = arith.addf %add3A_1000, %div3A_1055 : vector<16xf32>
      %add3A_1057 = arith.addf %add3A_1014, %add3A_1028 : vector<16xf32>
      %add3A_1058 = arith.addf %add3A_1042, %add3A_1056 : vector<16xf32>
      %add3A_1059 = arith.addf %add3A_1057, %add3A_1058 : vector<16xf32>
      %swap3A_1060 = arith.index_cast %mul3A_608 : i32 to index
      %swap3A_1061 = tpu.vector_load %arg10[%swap3A_1060] {strides = array<i32>} : memref<512xf32, #tpu.memory_space<vmem>>, vector<16xf32>,
      tpu.vector_store %arg10[%swap3A_1060], %add3A_1059 {strides = array<i32>} : memref<512xf32, #tpu.memory_space<vmem>>, vector<16xf32>,
      %get3A_1062 = arith.index_cast %mul3A_608 : i32 to index
      %get3A_1063 = tpu.vector_load %arg9[%get3A_1062] {strides = array<i32>} : memref<512xf32, #tpu.memory_space<vmem>>, vector<16xf32>,
      %neg3A_1064 = arith.constant 0.000000e+00 : f32
      %neg3A_1065 = vector.broadcast %neg3A_1064 : f32 to vector<16xf32>
      %neg3A_1066 = arith.subf %neg3A_1065, %get3A_1063 : vector<16xf32>
      %exp3A_1067 = math.exp %neg3A_1066 : vector<16xf32>
      %add3A_1068 = arith.constant 1.000000e+00 : f32
      %add3A_1069 = vector.broadcast %add3A_1068 : f32 to vector<16xf32>
      %add3A_1070 = arith.addf %add3A_1069, %exp3A_1067 : vector<16xf32>
      %div3A_1071 = arith.constant 1.000000e+00 : f32
      %div3A_1072 = vector.broadcast %div3A_1071 : f32 to vector<16xf32>
      %div3A_1073 = arith.divf %div3A_1072, %add3A_1070 : vector<16xf32>
      %mul3A_1074 = arith.constant 2.000000e+00 : f32
      %mul3A_1075 = vector.broadcast %mul3A_1074 : f32 to vector<16xf32>
      %mul3A_1076 = arith.mulf %mul3A_1075, %div3A_1073 : vector<16xf32>
      %swap3A_1077 = arith.index_cast %mul3A_608 : i32 to index
      %swap3A_1078 = tpu.vector_load %arg11[%swap3A_1077] {strides = array<i32>} : memref<512xf32, #tpu.memory_space<vmem>>, vector<16xf32>,
      tpu.vector_store %arg11[%swap3A_1077], %mul3A_1076 {strides = array<i32>} : memref<512xf32, #tpu.memory_space<vmem>>, vector<16xf32>,
    }
    %scan3A_605 = arith.constant 32 : i32
    "tpu.region"() ({
      %run_scoped3A_606 = tpu.sem_alloc : memref<!tpu.dma_semaphore, #tpu.memory_space<semaphore_mem>>
      %dma_start3A_607 = tpu.memref_slice %arg5[%mul3A_2] : memref<16384xf32, #tpu.memory_space<hbm>> -> memref<512xf32, #tpu.memory_space<hbm>>
      %dma_start3A_608 = tpu.memref_slice %arg5[%mul3A_2] : memref<16384xf32, #tpu.memory_space<hbm>> -> memref<512xf32, #tpu.memory_space<hbm>>
      tpu.enqueue_dma source(%arg10 : memref<512xf32, #tpu.memory_space<vmem>>) target(%dma_start3A_608 : memref<512xf32, #tpu.memory_space<hbm>>) target_semaphore(%run_scoped3A_606 : memref<!tpu.dma_semaphore, #tpu.memory_space<semaphore_mem>>)
      %dma_wait3A_609 = tpu.memref_slice %arg5[%mul3A_2] : memref<16384xf32, #tpu.memory_space<hbm>> -> memref<512xf32, #tpu.memory_space<hbm>>
      %dma_wait3A_610 = tpu.memref_slice %arg5[%mul3A_2] : memref<16384xf32, #tpu.memory_space<hbm>> -> memref<512xf32, #tpu.memory_space<hbm>>
      tpu.wait_dma2 semaphore(%run_scoped3A_606 : memref<!tpu.dma_semaphore, #tpu.memory_space<semaphore_mem>>) src(%arg10 : memref<512xf32, #tpu.memory_space<vmem>>) dst(%dma_wait3A_610 : memref<512xf32, #tpu.memory_space<hbm>>)
      tpu.yield
    }) : () -> ()
    "tpu.region"() ({
      %run_scoped3A_606 = tpu.sem_alloc : memref<!tpu.dma_semaphore, #tpu.memory_space<semaphore_mem>>
      %dma_start3A_607 = tpu.memref_slice %arg6[%mul3A_2] : memref<16384xf32, #tpu.memory_space<hbm>> -> memref<512xf32, #tpu.memory_space<hbm>>
      %dma_start3A_608 = tpu.memref_slice %arg6[%mul3A_2] : memref<16384xf32, #tpu.memory_space<hbm>> -> memref<512xf32, #tpu.memory_space<hbm>>
      tpu.enqueue_dma source(%arg11 : memref<512xf32, #tpu.memory_space<vmem>>) target(%dma_start3A_608 : memref<512xf32, #tpu.memory_space<hbm>>) target_semaphore(%run_scoped3A_606 : memref<!tpu.dma_semaphore, #tpu.memory_space<semaphore_mem>>)
      %dma_wait3A_609 = tpu.memref_slice %arg6[%mul3A_2] : memref<16384xf32, #tpu.memory_space<hbm>> -> memref<512xf32, #tpu.memory_space<hbm>>
      %dma_wait3A_610 = tpu.memref_slice %arg6[%mul3A_2] : memref<16384xf32, #tpu.memory_space<hbm>> -> memref<512xf32, #tpu.memory_space<hbm>>
      tpu.wait_dma2 semaphore(%run_scoped3A_606 : memref<!tpu.dma_semaphore, #tpu.memory_space<semaphore_mem>>) src(%arg11 : memref<512xf32, #tpu.memory_space<vmem>>) dst(%dma_wait3A_610 : memref<512xf32, #tpu.memory_space<hbm>>)
      tpu.yield
    }) : () -> ()
    return
  }
}

#map = affine_map<(d0, d1) -> (0)>
#map1 = affine_map<(d0, d1) -> (0, 0)>
module attributes {stable_mosaic.version = 14 : i64} {
  func.func @_user_sc(%arg0: i32, %arg1: i32, %arg2: memref<16384xi32, #tpu.memory_space<hbm>>, %arg3: memref<32x1000000xf32, #tpu.memory_space<hbm>>, %arg4: memref<32x1000000xf32, #tpu.memory_space<hbm>>, %arg5: memref<16384xf32, #tpu.memory_space<hbm>>, %arg6: memref<16384xf32, #tpu.memory_space<hbm>>, %arg7: memref<32xf32, #tpu.memory_space<hbm>>, %arg8: memref<16384xf32, #tpu.memory_space<hbm>>, %arg9: memref<16384xf32, #tpu.memory_space<hbm>>, %arg10: memref<16384xf32, #tpu.memory_space<hbm>>, %arg11: memref<16384xf32, #tpu.memory_space<hbm>>, %arg12: memref<16384xf32, #tpu.memory_space<hbm>>, %arg13: memref<512xi32, #tpu.memory_space<vmem>>, %arg14: memref<32x128xf32, #tpu.memory_space<vmem>>, %arg15: memref<32x128xf32, #tpu.memory_space<vmem>>, %arg16: memref<32x128xf32, #tpu.memory_space<vmem>>, %arg17: memref<32x128xf32, #tpu.memory_space<vmem>>, %arg18: memref<32x128xf32, #tpu.memory_space<vmem>>, %arg19: memref<32x128xf32, #tpu.memory_space<vmem>>, %arg20: memref<32x128xf32, #tpu.memory_space<vmem>>, %arg21: memref<32x128xf32, #tpu.memory_space<vmem>>, %arg22: memref<32x128xf32, #tpu.memory_space<vmem>>, %arg23: memref<32x128xf32, #tpu.memory_space<vmem>>, %arg24: memref<32x128xf32, #tpu.memory_space<vmem>>, %arg25: memref<32x128xf32, #tpu.memory_space<vmem>>, %arg26: memref<32x128xf32, #tpu.memory_space<vmem>>, %arg27: memref<32x128xf32, #tpu.memory_space<vmem>>, %arg28: memref<32x128xf32, #tpu.memory_space<vmem>>, %arg29: memref<32x128xf32, #tpu.memory_space<vmem>>, %arg30: memref<32x128xf32, #tpu.memory_space<vmem>>, %arg31: memref<32x128xf32, #tpu.memory_space<vmem>>, %arg32: memref<32x128xf32, #tpu.memory_space<vmem>>, %arg33: memref<32x128xf32, #tpu.memory_space<vmem>>, %arg34: memref<32x128xf32, #tpu.memory_space<vmem>>, %arg35: memref<32x128xf32, #tpu.memory_space<vmem>>, %arg36: memref<32x128xf32, #tpu.memory_space<vmem>>, %arg37: memref<32x128xf32, #tpu.memory_space<vmem>>, %arg38: memref<16x32xf32, #tpu.memory_space<vmem>>, %arg39: memref<16x32xf32, #tpu.memory_space<vmem>>, %arg40: memref<512xf32, #tpu.memory_space<vmem>>, %arg41: memref<512xf32, #tpu.memory_space<vmem>>, %arg42: memref<512xf32, #tpu.memory_space<vmem>>, %arg43: memref<512xf32, #tpu.memory_space<vmem>>, %arg44: memref<512xf32, #tpu.memory_space<vmem>>, %arg45: memref<512xf32, #tpu.memory_space<vmem>>, %arg46: memref<512xf32, #tpu.memory_space<vmem>>, %arg47: memref<32xf32, #tpu.memory_space<vmem>>, %arg48: memref<!tpu.dma_semaphore, #tpu.memory_space<semaphore_mem>>, %arg49: memref<!tpu.dma_semaphore, #tpu.memory_space<semaphore_mem>>) attributes {dimension_semantics = [#tpu.dimension_semantics<core_parallel>, #tpu.dimension_semantics<subcore_parallel>], iteration_bounds = array<i64: 2, 16>, scalar_prefetch = 0 : i64, scratch_operands = 37 : i64, tpu.core_type = #tpu.core_type<sc_vector_subcore>, window_params = [{transform_indices = #map}, {transform_indices = #map1}, {transform_indices = #map1}, {transform_indices = #map}, {transform_indices = #map}, {transform_indices = #map}, {transform_indices = #map}, {transform_indices = #map}, {transform_indices = #map}, {transform_indices = #map}, {transform_indices = #map}]} {
    %mul3A = arith.constant 2 : i32
    %mul3A_0 = arith.muli %arg1, %mul3A : i32
    %add3A = arith.addi %mul3A_0, %arg0 : i32
    %mul3A_1 = arith.constant 512 : i32
    %mul3A_2 = arith.muli %add3A, %mul3A_1 : i32
    "tpu.region"() ({
      %run_scoped3A = tpu.sem_alloc : memref<!tpu.dma_semaphore, #tpu.memory_space<semaphore_mem>>
      %dma_start3A_651 = tpu.memref_slice %arg2[%mul3A_2] : memref<16384xi32, #tpu.memory_space<hbm>> -> memref<512xi32, #tpu.memory_space<hbm>>
      %dma_start3A_652 = tpu.memref_slice %arg2[%mul3A_2] : memref<16384xi32, #tpu.memory_space<hbm>> -> memref<512xi32, #tpu.memory_space<hbm>>
      tpu.enqueue_dma source(%dma_start3A_652 : memref<512xi32, #tpu.memory_space<hbm>>) target(%arg13 : memref<512xi32, #tpu.memory_space<vmem>>) target_semaphore(%run_scoped3A : memref<!tpu.dma_semaphore, #tpu.memory_space<semaphore_mem>>)
      %dma_wait3A_653 = tpu.memref_slice %arg2[%mul3A_2] : memref<16384xi32, #tpu.memory_space<hbm>> -> memref<512xi32, #tpu.memory_space<hbm>>
      %dma_wait3A_654 = tpu.memref_slice %arg2[%mul3A_2] : memref<16384xi32, #tpu.memory_space<hbm>> -> memref<512xi32, #tpu.memory_space<hbm>>
      tpu.wait_dma2 semaphore(%run_scoped3A : memref<!tpu.dma_semaphore, #tpu.memory_space<semaphore_mem>>) src(%dma_wait3A_654 : memref<512xi32, #tpu.memory_space<hbm>>) dst(%arg13 : memref<512xi32, #tpu.memory_space<vmem>>)
      tpu.yield
    }) : () -> ()
    "tpu.region"() ({
      %run_scoped3A = tpu.sem_alloc : memref<!tpu.dma_semaphore, #tpu.memory_space<semaphore_mem>>
      %dma_start3A_651 = tpu.memref_slice %arg5[%mul3A_2] : memref<16384xf32, #tpu.memory_space<hbm>> -> memref<512xf32, #tpu.memory_space<hbm>>
      %dma_start3A_652 = tpu.memref_slice %arg5[%mul3A_2] : memref<16384xf32, #tpu.memory_space<hbm>> -> memref<512xf32, #tpu.memory_space<hbm>>
      tpu.enqueue_dma source(%dma_start3A_652 : memref<512xf32, #tpu.memory_space<hbm>>) target(%arg40 : memref<512xf32, #tpu.memory_space<vmem>>) target_semaphore(%run_scoped3A : memref<!tpu.dma_semaphore, #tpu.memory_space<semaphore_mem>>)
      %dma_wait3A_653 = tpu.memref_slice %arg5[%mul3A_2] : memref<16384xf32, #tpu.memory_space<hbm>> -> memref<512xf32, #tpu.memory_space<hbm>>
      %dma_wait3A_654 = tpu.memref_slice %arg5[%mul3A_2] : memref<16384xf32, #tpu.memory_space<hbm>> -> memref<512xf32, #tpu.memory_space<hbm>>
      tpu.wait_dma2 semaphore(%run_scoped3A : memref<!tpu.dma_semaphore, #tpu.memory_space<semaphore_mem>>) src(%dma_wait3A_654 : memref<512xf32, #tpu.memory_space<hbm>>) dst(%arg40 : memref<512xf32, #tpu.memory_space<vmem>>)
      tpu.yield
    }) : () -> ()
    "tpu.region"() ({
      %run_scoped3A = tpu.sem_alloc : memref<!tpu.dma_semaphore, #tpu.memory_space<semaphore_mem>>
      %dma_start3A_651 = tpu.memref_slice %arg6[%mul3A_2] : memref<16384xf32, #tpu.memory_space<hbm>> -> memref<512xf32, #tpu.memory_space<hbm>>
      %dma_start3A_652 = tpu.memref_slice %arg6[%mul3A_2] : memref<16384xf32, #tpu.memory_space<hbm>> -> memref<512xf32, #tpu.memory_space<hbm>>
      tpu.enqueue_dma source(%dma_start3A_652 : memref<512xf32, #tpu.memory_space<hbm>>) target(%arg41 : memref<512xf32, #tpu.memory_space<vmem>>) target_semaphore(%run_scoped3A : memref<!tpu.dma_semaphore, #tpu.memory_space<semaphore_mem>>)
      %dma_wait3A_653 = tpu.memref_slice %arg6[%mul3A_2] : memref<16384xf32, #tpu.memory_space<hbm>> -> memref<512xf32, #tpu.memory_space<hbm>>
      %dma_wait3A_654 = tpu.memref_slice %arg6[%mul3A_2] : memref<16384xf32, #tpu.memory_space<hbm>> -> memref<512xf32, #tpu.memory_space<hbm>>
      tpu.wait_dma2 semaphore(%run_scoped3A : memref<!tpu.dma_semaphore, #tpu.memory_space<semaphore_mem>>) src(%dma_wait3A_654 : memref<512xf32, #tpu.memory_space<hbm>>) dst(%arg41 : memref<512xf32, #tpu.memory_space<vmem>>)
      tpu.yield
    }) : () -> ()
    "tpu.region"() ({
      %run_scoped3A = tpu.sem_alloc : memref<!tpu.dma_semaphore, #tpu.memory_space<semaphore_mem>>
      tpu.enqueue_dma source(%arg7 : memref<32xf32, #tpu.memory_space<hbm>>) target(%arg47 : memref<32xf32, #tpu.memory_space<vmem>>) target_semaphore(%run_scoped3A : memref<!tpu.dma_semaphore, #tpu.memory_space<semaphore_mem>>)
      tpu.wait_dma2 semaphore(%run_scoped3A : memref<!tpu.dma_semaphore, #tpu.memory_space<semaphore_mem>>) src(%arg7 : memref<32xf32, #tpu.memory_space<hbm>>) dst(%arg47 : memref<32xf32, #tpu.memory_space<vmem>>)
      tpu.yield
    }) : () -> ()
    %get3A = arith.constant 0 : index
    %get3A_3 = tpu.vector_load %arg13[%get3A] {strides = array<i32>} : memref<512xi32, #tpu.memory_space<vmem>>, vector<16xi32>,
    %max3A = arith.constant 0 : i32
    %max3A_4 = vector.broadcast %max3A : i32 to vector<16xi32>
    %max3A_5 = arith.maxsi %get3A_3, %max3A_4 : vector<16xi32>
    %min3A = arith.constant 999999 : i32
    %min3A_6 = vector.broadcast %min3A : i32 to vector<16xi32>
    %min3A_7 = arith.minsi %max3A_5, %min3A_6 : vector<16xi32>
    %swap3A = arith.constant 0 : index
    %swap3A_8 = tpu.vector_load %arg13[%swap3A] {strides = array<i32>} : memref<512xi32, #tpu.memory_space<vmem>>, vector<16xi32>,
    tpu.vector_store %arg13[%swap3A], %min3A_7 {strides = array<i32>} : memref<512xi32, #tpu.memory_space<vmem>>, vector<16xi32>,
    %get3A_9 = arith.constant 16 : index
    %get3A_10 = tpu.vector_load %arg13[%get3A_9] {strides = array<i32>} : memref<512xi32, #tpu.memory_space<vmem>>, vector<16xi32>,
    %max3A_11 = arith.constant 0 : i32
    %max3A_12 = vector.broadcast %max3A_11 : i32 to vector<16xi32>
    %max3A_13 = arith.maxsi %get3A_10, %max3A_12 : vector<16xi32>
    %min3A_14 = arith.constant 999999 : i32
    %min3A_15 = vector.broadcast %min3A_14 : i32 to vector<16xi32>
    %min3A_16 = arith.minsi %max3A_13, %min3A_15 : vector<16xi32>
    %swap3A_17 = arith.constant 16 : index
    %swap3A_18 = tpu.vector_load %arg13[%swap3A_17] {strides = array<i32>} : memref<512xi32, #tpu.memory_space<vmem>>, vector<16xi32>,
    tpu.vector_store %arg13[%swap3A_17], %min3A_16 {strides = array<i32>} : memref<512xi32, #tpu.memory_space<vmem>>, vector<16xi32>,
    %get3A_19 = arith.constant 32 : index
    %get3A_20 = tpu.vector_load %arg13[%get3A_19] {strides = array<i32>} : memref<512xi32, #tpu.memory_space<vmem>>, vector<16xi32>,
    %max3A_21 = arith.constant 0 : i32
    %max3A_22 = vector.broadcast %max3A_21 : i32 to vector<16xi32>
    %max3A_23 = arith.maxsi %get3A_20, %max3A_22 : vector<16xi32>
    %min3A_24 = arith.constant 999999 : i32
    %min3A_25 = vector.broadcast %min3A_24 : i32 to vector<16xi32>
    %min3A_26 = arith.minsi %max3A_23, %min3A_25 : vector<16xi32>
    %swap3A_27 = arith.constant 32 : index
    %swap3A_28 = tpu.vector_load %arg13[%swap3A_27] {strides = array<i32>} : memref<512xi32, #tpu.memory_space<vmem>>, vector<16xi32>,
    tpu.vector_store %arg13[%swap3A_27], %min3A_26 {strides = array<i32>} : memref<512xi32, #tpu.memory_space<vmem>>, vector<16xi32>,
    %get3A_29 = arith.constant 48 : index
    %get3A_30 = tpu.vector_load %arg13[%get3A_29] {strides = array<i32>} : memref<512xi32, #tpu.memory_space<vmem>>, vector<16xi32>,
    %max3A_31 = arith.constant 0 : i32
    %max3A_32 = vector.broadcast %max3A_31 : i32 to vector<16xi32>
    %max3A_33 = arith.maxsi %get3A_30, %max3A_32 : vector<16xi32>
    %min3A_34 = arith.constant 999999 : i32
    %min3A_35 = vector.broadcast %min3A_34 : i32 to vector<16xi32>
    %min3A_36 = arith.minsi %max3A_33, %min3A_35 : vector<16xi32>
    %swap3A_37 = arith.constant 48 : index
    %swap3A_38 = tpu.vector_load %arg13[%swap3A_37] {strides = array<i32>} : memref<512xi32, #tpu.memory_space<vmem>>, vector<16xi32>,
    tpu.vector_store %arg13[%swap3A_37], %min3A_36 {strides = array<i32>} : memref<512xi32, #tpu.memory_space<vmem>>, vector<16xi32>,
    %get3A_39 = arith.constant 64 : index
    %get3A_40 = tpu.vector_load %arg13[%get3A_39] {strides = array<i32>} : memref<512xi32, #tpu.memory_space<vmem>>, vector<16xi32>,
    %max3A_41 = arith.constant 0 : i32
    %max3A_42 = vector.broadcast %max3A_41 : i32 to vector<16xi32>
    %max3A_43 = arith.maxsi %get3A_40, %max3A_42 : vector<16xi32>
    %min3A_44 = arith.constant 999999 : i32
    %min3A_45 = vector.broadcast %min3A_44 : i32 to vector<16xi32>
    %min3A_46 = arith.minsi %max3A_43, %min3A_45 : vector<16xi32>
    %swap3A_47 = arith.constant 64 : index
    %swap3A_48 = tpu.vector_load %arg13[%swap3A_47] {strides = array<i32>} : memref<512xi32, #tpu.memory_space<vmem>>, vector<16xi32>,
    tpu.vector_store %arg13[%swap3A_47], %min3A_46 {strides = array<i32>} : memref<512xi32, #tpu.memory_space<vmem>>, vector<16xi32>,
    %get3A_49 = arith.constant 80 : index
    %get3A_50 = tpu.vector_load %arg13[%get3A_49] {strides = array<i32>} : memref<512xi32, #tpu.memory_space<vmem>>, vector<16xi32>,
    %max3A_51 = arith.constant 0 : i32
    %max3A_52 = vector.broadcast %max3A_51 : i32 to vector<16xi32>
    %max3A_53 = arith.maxsi %get3A_50, %max3A_52 : vector<16xi32>
    %min3A_54 = arith.constant 999999 : i32
    %min3A_55 = vector.broadcast %min3A_54 : i32 to vector<16xi32>
    %min3A_56 = arith.minsi %max3A_53, %min3A_55 : vector<16xi32>
    %swap3A_57 = arith.constant 80 : index
    %swap3A_58 = tpu.vector_load %arg13[%swap3A_57] {strides = array<i32>} : memref<512xi32, #tpu.memory_space<vmem>>, vector<16xi32>,
    tpu.vector_store %arg13[%swap3A_57], %min3A_56 {strides = array<i32>} : memref<512xi32, #tpu.memory_space<vmem>>, vector<16xi32>,
    %get3A_59 = arith.constant 96 : index
    %get3A_60 = tpu.vector_load %arg13[%get3A_59] {strides = array<i32>} : memref<512xi32, #tpu.memory_space<vmem>>, vector<16xi32>,
    %max3A_61 = arith.constant 0 : i32
    %max3A_62 = vector.broadcast %max3A_61 : i32 to vector<16xi32>
    %max3A_63 = arith.maxsi %get3A_60, %max3A_62 : vector<16xi32>
    %min3A_64 = arith.constant 999999 : i32
    %min3A_65 = vector.broadcast %min3A_64 : i32 to vector<16xi32>
    %min3A_66 = arith.minsi %max3A_63, %min3A_65 : vector<16xi32>
    %swap3A_67 = arith.constant 96 : index
    %swap3A_68 = tpu.vector_load %arg13[%swap3A_67] {strides = array<i32>} : memref<512xi32, #tpu.memory_space<vmem>>, vector<16xi32>,
    tpu.vector_store %arg13[%swap3A_67], %min3A_66 {strides = array<i32>} : memref<512xi32, #tpu.memory_space<vmem>>, vector<16xi32>,
    %get3A_69 = arith.constant 112 : index
    %get3A_70 = tpu.vector_load %arg13[%get3A_69] {strides = array<i32>} : memref<512xi32, #tpu.memory_space<vmem>>, vector<16xi32>,
    %max3A_71 = arith.constant 0 : i32
    %max3A_72 = vector.broadcast %max3A_71 : i32 to vector<16xi32>
    %max3A_73 = arith.maxsi %get3A_70, %max3A_72 : vector<16xi32>
    %min3A_74 = arith.constant 999999 : i32
    %min3A_75 = vector.broadcast %min3A_74 : i32 to vector<16xi32>
    %min3A_76 = arith.minsi %max3A_73, %min3A_75 : vector<16xi32>
    %swap3A_77 = arith.constant 112 : index
    %swap3A_78 = tpu.vector_load %arg13[%swap3A_77] {strides = array<i32>} : memref<512xi32, #tpu.memory_space<vmem>>, vector<16xi32>,
    tpu.vector_store %arg13[%swap3A_77], %min3A_76 {strides = array<i32>} : memref<512xi32, #tpu.memory_space<vmem>>, vector<16xi32>,
    %get3A_79 = arith.constant 128 : index
    %get3A_80 = tpu.vector_load %arg13[%get3A_79] {strides = array<i32>} : memref<512xi32, #tpu.memory_space<vmem>>, vector<16xi32>,
    %max3A_81 = arith.constant 0 : i32
    %max3A_82 = vector.broadcast %max3A_81 : i32 to vector<16xi32>
    %max3A_83 = arith.maxsi %get3A_80, %max3A_82 : vector<16xi32>
    %min3A_84 = arith.constant 999999 : i32
    %min3A_85 = vector.broadcast %min3A_84 : i32 to vector<16xi32>
    %min3A_86 = arith.minsi %max3A_83, %min3A_85 : vector<16xi32>
    %swap3A_87 = arith.constant 128 : index
    %swap3A_88 = tpu.vector_load %arg13[%swap3A_87] {strides = array<i32>} : memref<512xi32, #tpu.memory_space<vmem>>, vector<16xi32>,
    tpu.vector_store %arg13[%swap3A_87], %min3A_86 {strides = array<i32>} : memref<512xi32, #tpu.memory_space<vmem>>, vector<16xi32>,
    %get3A_89 = arith.constant 144 : index
    %get3A_90 = tpu.vector_load %arg13[%get3A_89] {strides = array<i32>} : memref<512xi32, #tpu.memory_space<vmem>>, vector<16xi32>,
    %max3A_91 = arith.constant 0 : i32
    %max3A_92 = vector.broadcast %max3A_91 : i32 to vector<16xi32>
    %max3A_93 = arith.maxsi %get3A_90, %max3A_92 : vector<16xi32>
    %min3A_94 = arith.constant 999999 : i32
    %min3A_95 = vector.broadcast %min3A_94 : i32 to vector<16xi32>
    %min3A_96 = arith.minsi %max3A_93, %min3A_95 : vector<16xi32>
    %swap3A_97 = arith.constant 144 : index
    %swap3A_98 = tpu.vector_load %arg13[%swap3A_97] {strides = array<i32>} : memref<512xi32, #tpu.memory_space<vmem>>, vector<16xi32>,
    tpu.vector_store %arg13[%swap3A_97], %min3A_96 {strides = array<i32>} : memref<512xi32, #tpu.memory_space<vmem>>, vector<16xi32>,
    %get3A_99 = arith.constant 160 : index
    %get3A_100 = tpu.vector_load %arg13[%get3A_99] {strides = array<i32>} : memref<512xi32, #tpu.memory_space<vmem>>, vector<16xi32>,
    %max3A_101 = arith.constant 0 : i32
    %max3A_102 = vector.broadcast %max3A_101 : i32 to vector<16xi32>
    %max3A_103 = arith.maxsi %get3A_100, %max3A_102 : vector<16xi32>
    %min3A_104 = arith.constant 999999 : i32
    %min3A_105 = vector.broadcast %min3A_104 : i32 to vector<16xi32>
    %min3A_106 = arith.minsi %max3A_103, %min3A_105 : vector<16xi32>
    %swap3A_107 = arith.constant 160 : index
    %swap3A_108 = tpu.vector_load %arg13[%swap3A_107] {strides = array<i32>} : memref<512xi32, #tpu.memory_space<vmem>>, vector<16xi32>,
    tpu.vector_store %arg13[%swap3A_107], %min3A_106 {strides = array<i32>} : memref<512xi32, #tpu.memory_space<vmem>>, vector<16xi32>,
    %get3A_109 = arith.constant 176 : index
    %get3A_110 = tpu.vector_load %arg13[%get3A_109] {strides = array<i32>} : memref<512xi32, #tpu.memory_space<vmem>>, vector<16xi32>,
    %max3A_111 = arith.constant 0 : i32
    %max3A_112 = vector.broadcast %max3A_111 : i32 to vector<16xi32>
    %max3A_113 = arith.maxsi %get3A_110, %max3A_112 : vector<16xi32>
    %min3A_114 = arith.constant 999999 : i32
    %min3A_115 = vector.broadcast %min3A_114 : i32 to vector<16xi32>
    %min3A_116 = arith.minsi %max3A_113, %min3A_115 : vector<16xi32>
    %swap3A_117 = arith.constant 176 : index
    %swap3A_118 = tpu.vector_load %arg13[%swap3A_117] {strides = array<i32>} : memref<512xi32, #tpu.memory_space<vmem>>, vector<16xi32>,
    tpu.vector_store %arg13[%swap3A_117], %min3A_116 {strides = array<i32>} : memref<512xi32, #tpu.memory_space<vmem>>, vector<16xi32>,
    %get3A_119 = arith.constant 192 : index
    %get3A_120 = tpu.vector_load %arg13[%get3A_119] {strides = array<i32>} : memref<512xi32, #tpu.memory_space<vmem>>, vector<16xi32>,
    %max3A_121 = arith.constant 0 : i32
    %max3A_122 = vector.broadcast %max3A_121 : i32 to vector<16xi32>
    %max3A_123 = arith.maxsi %get3A_120, %max3A_122 : vector<16xi32>
    %min3A_124 = arith.constant 999999 : i32
    %min3A_125 = vector.broadcast %min3A_124 : i32 to vector<16xi32>
    %min3A_126 = arith.minsi %max3A_123, %min3A_125 : vector<16xi32>
    %swap3A_127 = arith.constant 192 : index
    %swap3A_128 = tpu.vector_load %arg13[%swap3A_127] {strides = array<i32>} : memref<512xi32, #tpu.memory_space<vmem>>, vector<16xi32>,
    tpu.vector_store %arg13[%swap3A_127], %min3A_126 {strides = array<i32>} : memref<512xi32, #tpu.memory_space<vmem>>, vector<16xi32>,
    %get3A_129 = arith.constant 208 : index
    %get3A_130 = tpu.vector_load %arg13[%get3A_129] {strides = array<i32>} : memref<512xi32, #tpu.memory_space<vmem>>, vector<16xi32>,
    %max3A_131 = arith.constant 0 : i32
    %max3A_132 = vector.broadcast %max3A_131 : i32 to vector<16xi32>
    %max3A_133 = arith.maxsi %get3A_130, %max3A_132 : vector<16xi32>
    %min3A_134 = arith.constant 999999 : i32
    %min3A_135 = vector.broadcast %min3A_134 : i32 to vector<16xi32>
    %min3A_136 = arith.minsi %max3A_133, %min3A_135 : vector<16xi32>
    %swap3A_137 = arith.constant 208 : index
    %swap3A_138 = tpu.vector_load %arg13[%swap3A_137] {strides = array<i32>} : memref<512xi32, #tpu.memory_space<vmem>>, vector<16xi32>,
    tpu.vector_store %arg13[%swap3A_137], %min3A_136 {strides = array<i32>} : memref<512xi32, #tpu.memory_space<vmem>>, vector<16xi32>,
    %get3A_139 = arith.constant 224 : index
    %get3A_140 = tpu.vector_load %arg13[%get3A_139] {strides = array<i32>} : memref<512xi32, #tpu.memory_space<vmem>>, vector<16xi32>,
    %max3A_141 = arith.constant 0 : i32
    %max3A_142 = vector.broadcast %max3A_141 : i32 to vector<16xi32>
    %max3A_143 = arith.maxsi %get3A_140, %max3A_142 : vector<16xi32>
    %min3A_144 = arith.constant 999999 : i32
    %min3A_145 = vector.broadcast %min3A_144 : i32 to vector<16xi32>
    %min3A_146 = arith.minsi %max3A_143, %min3A_145 : vector<16xi32>
    %swap3A_147 = arith.constant 224 : index
    %swap3A_148 = tpu.vector_load %arg13[%swap3A_147] {strides = array<i32>} : memref<512xi32, #tpu.memory_space<vmem>>, vector<16xi32>,
    tpu.vector_store %arg13[%swap3A_147], %min3A_146 {strides = array<i32>} : memref<512xi32, #tpu.memory_space<vmem>>, vector<16xi32>,
    %get3A_149 = arith.constant 240 : index
    %get3A_150 = tpu.vector_load %arg13[%get3A_149] {strides = array<i32>} : memref<512xi32, #tpu.memory_space<vmem>>, vector<16xi32>,
    %max3A_151 = arith.constant 0 : i32
    %max3A_152 = vector.broadcast %max3A_151 : i32 to vector<16xi32>
    %max3A_153 = arith.maxsi %get3A_150, %max3A_152 : vector<16xi32>
    %min3A_154 = arith.constant 999999 : i32
    %min3A_155 = vector.broadcast %min3A_154 : i32 to vector<16xi32>
    %min3A_156 = arith.minsi %max3A_153, %min3A_155 : vector<16xi32>
    %swap3A_157 = arith.constant 240 : index
    %swap3A_158 = tpu.vector_load %arg13[%swap3A_157] {strides = array<i32>} : memref<512xi32, #tpu.memory_space<vmem>>, vector<16xi32>,
    tpu.vector_store %arg13[%swap3A_157], %min3A_156 {strides = array<i32>} : memref<512xi32, #tpu.memory_space<vmem>>, vector<16xi32>,
    %get3A_159 = arith.constant 256 : index
    %get3A_160 = tpu.vector_load %arg13[%get3A_159] {strides = array<i32>} : memref<512xi32, #tpu.memory_space<vmem>>, vector<16xi32>,
    %max3A_161 = arith.constant 0 : i32
    %max3A_162 = vector.broadcast %max3A_161 : i32 to vector<16xi32>
    %max3A_163 = arith.maxsi %get3A_160, %max3A_162 : vector<16xi32>
    %min3A_164 = arith.constant 999999 : i32
    %min3A_165 = vector.broadcast %min3A_164 : i32 to vector<16xi32>
    %min3A_166 = arith.minsi %max3A_163, %min3A_165 : vector<16xi32>
    %swap3A_167 = arith.constant 256 : index
    %swap3A_168 = tpu.vector_load %arg13[%swap3A_167] {strides = array<i32>} : memref<512xi32, #tpu.memory_space<vmem>>, vector<16xi32>,
    tpu.vector_store %arg13[%swap3A_167], %min3A_166 {strides = array<i32>} : memref<512xi32, #tpu.memory_space<vmem>>, vector<16xi32>,
    %get3A_169 = arith.constant 272 : index
    %get3A_170 = tpu.vector_load %arg13[%get3A_169] {strides = array<i32>} : memref<512xi32, #tpu.memory_space<vmem>>, vector<16xi32>,
    %max3A_171 = arith.constant 0 : i32
    %max3A_172 = vector.broadcast %max3A_171 : i32 to vector<16xi32>
    %max3A_173 = arith.maxsi %get3A_170, %max3A_172 : vector<16xi32>
    %min3A_174 = arith.constant 999999 : i32
    %min3A_175 = vector.broadcast %min3A_174 : i32 to vector<16xi32>
    %min3A_176 = arith.minsi %max3A_173, %min3A_175 : vector<16xi32>
    %swap3A_177 = arith.constant 272 : index
    %swap3A_178 = tpu.vector_load %arg13[%swap3A_177] {strides = array<i32>} : memref<512xi32, #tpu.memory_space<vmem>>, vector<16xi32>,
    tpu.vector_store %arg13[%swap3A_177], %min3A_176 {strides = array<i32>} : memref<512xi32, #tpu.memory_space<vmem>>, vector<16xi32>,
    %get3A_179 = arith.constant 288 : index
    %get3A_180 = tpu.vector_load %arg13[%get3A_179] {strides = array<i32>} : memref<512xi32, #tpu.memory_space<vmem>>, vector<16xi32>,
    %max3A_181 = arith.constant 0 : i32
    %max3A_182 = vector.broadcast %max3A_181 : i32 to vector<16xi32>
    %max3A_183 = arith.maxsi %get3A_180, %max3A_182 : vector<16xi32>
    %min3A_184 = arith.constant 999999 : i32
    %min3A_185 = vector.broadcast %min3A_184 : i32 to vector<16xi32>
    %min3A_186 = arith.minsi %max3A_183, %min3A_185 : vector<16xi32>
    %swap3A_187 = arith.constant 288 : index
    %swap3A_188 = tpu.vector_load %arg13[%swap3A_187] {strides = array<i32>} : memref<512xi32, #tpu.memory_space<vmem>>, vector<16xi32>,
    tpu.vector_store %arg13[%swap3A_187], %min3A_186 {strides = array<i32>} : memref<512xi32, #tpu.memory_space<vmem>>, vector<16xi32>,
    %get3A_189 = arith.constant 304 : index
    %get3A_190 = tpu.vector_load %arg13[%get3A_189] {strides = array<i32>} : memref<512xi32, #tpu.memory_space<vmem>>, vector<16xi32>,
    %max3A_191 = arith.constant 0 : i32
    %max3A_192 = vector.broadcast %max3A_191 : i32 to vector<16xi32>
    %max3A_193 = arith.maxsi %get3A_190, %max3A_192 : vector<16xi32>
    %min3A_194 = arith.constant 999999 : i32
    %min3A_195 = vector.broadcast %min3A_194 : i32 to vector<16xi32>
    %min3A_196 = arith.minsi %max3A_193, %min3A_195 : vector<16xi32>
    %swap3A_197 = arith.constant 304 : index
    %swap3A_198 = tpu.vector_load %arg13[%swap3A_197] {strides = array<i32>} : memref<512xi32, #tpu.memory_space<vmem>>, vector<16xi32>,
    tpu.vector_store %arg13[%swap3A_197], %min3A_196 {strides = array<i32>} : memref<512xi32, #tpu.memory_space<vmem>>, vector<16xi32>,
    %get3A_199 = arith.constant 320 : index
    %get3A_200 = tpu.vector_load %arg13[%get3A_199] {strides = array<i32>} : memref<512xi32, #tpu.memory_space<vmem>>, vector<16xi32>,
    %max3A_201 = arith.constant 0 : i32
    %max3A_202 = vector.broadcast %max3A_201 : i32 to vector<16xi32>
    %max3A_203 = arith.maxsi %get3A_200, %max3A_202 : vector<16xi32>
    %min3A_204 = arith.constant 999999 : i32
    %min3A_205 = vector.broadcast %min3A_204 : i32 to vector<16xi32>
    %min3A_206 = arith.minsi %max3A_203, %min3A_205 : vector<16xi32>
    %swap3A_207 = arith.constant 320 : index
    %swap3A_208 = tpu.vector_load %arg13[%swap3A_207] {strides = array<i32>} : memref<512xi32, #tpu.memory_space<vmem>>, vector<16xi32>,
    tpu.vector_store %arg13[%swap3A_207], %min3A_206 {strides = array<i32>} : memref<512xi32, #tpu.memory_space<vmem>>, vector<16xi32>,
    %get3A_209 = arith.constant 336 : index
    %get3A_210 = tpu.vector_load %arg13[%get3A_209] {strides = array<i32>} : memref<512xi32, #tpu.memory_space<vmem>>, vector<16xi32>,
    %max3A_211 = arith.constant 0 : i32
    %max3A_212 = vector.broadcast %max3A_211 : i32 to vector<16xi32>
    %max3A_213 = arith.maxsi %get3A_210, %max3A_212 : vector<16xi32>
    %min3A_214 = arith.constant 999999 : i32
    %min3A_215 = vector.broadcast %min3A_214 : i32 to vector<16xi32>
    %min3A_216 = arith.minsi %max3A_213, %min3A_215 : vector<16xi32>
    %swap3A_217 = arith.constant 336 : index
    %swap3A_218 = tpu.vector_load %arg13[%swap3A_217] {strides = array<i32>} : memref<512xi32, #tpu.memory_space<vmem>>, vector<16xi32>,
    tpu.vector_store %arg13[%swap3A_217], %min3A_216 {strides = array<i32>} : memref<512xi32, #tpu.memory_space<vmem>>, vector<16xi32>,
    %get3A_219 = arith.constant 352 : index
    %get3A_220 = tpu.vector_load %arg13[%get3A_219] {strides = array<i32>} : memref<512xi32, #tpu.memory_space<vmem>>, vector<16xi32>,
    %max3A_221 = arith.constant 0 : i32
    %max3A_222 = vector.broadcast %max3A_221 : i32 to vector<16xi32>
    %max3A_223 = arith.maxsi %get3A_220, %max3A_222 : vector<16xi32>
    %min3A_224 = arith.constant 999999 : i32
    %min3A_225 = vector.broadcast %min3A_224 : i32 to vector<16xi32>
    %min3A_226 = arith.minsi %max3A_223, %min3A_225 : vector<16xi32>
    %swap3A_227 = arith.constant 352 : index
    %swap3A_228 = tpu.vector_load %arg13[%swap3A_227] {strides = array<i32>} : memref<512xi32, #tpu.memory_space<vmem>>, vector<16xi32>,
    tpu.vector_store %arg13[%swap3A_227], %min3A_226 {strides = array<i32>} : memref<512xi32, #tpu.memory_space<vmem>>, vector<16xi32>,
    %get3A_229 = arith.constant 368 : index
    %get3A_230 = tpu.vector_load %arg13[%get3A_229] {strides = array<i32>} : memref<512xi32, #tpu.memory_space<vmem>>, vector<16xi32>,
    %max3A_231 = arith.constant 0 : i32
    %max3A_232 = vector.broadcast %max3A_231 : i32 to vector<16xi32>
    %max3A_233 = arith.maxsi %get3A_230, %max3A_232 : vector<16xi32>
    %min3A_234 = arith.constant 999999 : i32
    %min3A_235 = vector.broadcast %min3A_234 : i32 to vector<16xi32>
    %min3A_236 = arith.minsi %max3A_233, %min3A_235 : vector<16xi32>
    %swap3A_237 = arith.constant 368 : index
    %swap3A_238 = tpu.vector_load %arg13[%swap3A_237] {strides = array<i32>} : memref<512xi32, #tpu.memory_space<vmem>>, vector<16xi32>,
    tpu.vector_store %arg13[%swap3A_237], %min3A_236 {strides = array<i32>} : memref<512xi32, #tpu.memory_space<vmem>>, vector<16xi32>,
    %get3A_239 = arith.constant 384 : index
    %get3A_240 = tpu.vector_load %arg13[%get3A_239] {strides = array<i32>} : memref<512xi32, #tpu.memory_space<vmem>>, vector<16xi32>,
    %max3A_241 = arith.constant 0 : i32
    %max3A_242 = vector.broadcast %max3A_241 : i32 to vector<16xi32>
    %max3A_243 = arith.maxsi %get3A_240, %max3A_242 : vector<16xi32>
    %min3A_244 = arith.constant 999999 : i32
    %min3A_245 = vector.broadcast %min3A_244 : i32 to vector<16xi32>
    %min3A_246 = arith.minsi %max3A_243, %min3A_245 : vector<16xi32>
    %swap3A_247 = arith.constant 384 : index
    %swap3A_248 = tpu.vector_load %arg13[%swap3A_247] {strides = array<i32>} : memref<512xi32, #tpu.memory_space<vmem>>, vector<16xi32>,
    tpu.vector_store %arg13[%swap3A_247], %min3A_246 {strides = array<i32>} : memref<512xi32, #tpu.memory_space<vmem>>, vector<16xi32>,
    %get3A_249 = arith.constant 400 : index
    %get3A_250 = tpu.vector_load %arg13[%get3A_249] {strides = array<i32>} : memref<512xi32, #tpu.memory_space<vmem>>, vector<16xi32>,
    %max3A_251 = arith.constant 0 : i32
    %max3A_252 = vector.broadcast %max3A_251 : i32 to vector<16xi32>
    %max3A_253 = arith.maxsi %get3A_250, %max3A_252 : vector<16xi32>
    %min3A_254 = arith.constant 999999 : i32
    %min3A_255 = vector.broadcast %min3A_254 : i32 to vector<16xi32>
    %min3A_256 = arith.minsi %max3A_253, %min3A_255 : vector<16xi32>
    %swap3A_257 = arith.constant 400 : index
    %swap3A_258 = tpu.vector_load %arg13[%swap3A_257] {strides = array<i32>} : memref<512xi32, #tpu.memory_space<vmem>>, vector<16xi32>,
    tpu.vector_store %arg13[%swap3A_257], %min3A_256 {strides = array<i32>} : memref<512xi32, #tpu.memory_space<vmem>>, vector<16xi32>,
    %get3A_259 = arith.constant 416 : index
    %get3A_260 = tpu.vector_load %arg13[%get3A_259] {strides = array<i32>} : memref<512xi32, #tpu.memory_space<vmem>>, vector<16xi32>,
    %max3A_261 = arith.constant 0 : i32
    %max3A_262 = vector.broadcast %max3A_261 : i32 to vector<16xi32>
    %max3A_263 = arith.maxsi %get3A_260, %max3A_262 : vector<16xi32>
    %min3A_264 = arith.constant 999999 : i32
    %min3A_265 = vector.broadcast %min3A_264 : i32 to vector<16xi32>
    %min3A_266 = arith.minsi %max3A_263, %min3A_265 : vector<16xi32>
    %swap3A_267 = arith.constant 416 : index
    %swap3A_268 = tpu.vector_load %arg13[%swap3A_267] {strides = array<i32>} : memref<512xi32, #tpu.memory_space<vmem>>, vector<16xi32>,
    tpu.vector_store %arg13[%swap3A_267], %min3A_266 {strides = array<i32>} : memref<512xi32, #tpu.memory_space<vmem>>, vector<16xi32>,
    %get3A_269 = arith.constant 432 : index
    %get3A_270 = tpu.vector_load %arg13[%get3A_269] {strides = array<i32>} : memref<512xi32, #tpu.memory_space<vmem>>, vector<16xi32>,
    %max3A_271 = arith.constant 0 : i32
    %max3A_272 = vector.broadcast %max3A_271 : i32 to vector<16xi32>
    %max3A_273 = arith.maxsi %get3A_270, %max3A_272 : vector<16xi32>
    %min3A_274 = arith.constant 999999 : i32
    %min3A_275 = vector.broadcast %min3A_274 : i32 to vector<16xi32>
    %min3A_276 = arith.minsi %max3A_273, %min3A_275 : vector<16xi32>
    %swap3A_277 = arith.constant 432 : index
    %swap3A_278 = tpu.vector_load %arg13[%swap3A_277] {strides = array<i32>} : memref<512xi32, #tpu.memory_space<vmem>>, vector<16xi32>,
    tpu.vector_store %arg13[%swap3A_277], %min3A_276 {strides = array<i32>} : memref<512xi32, #tpu.memory_space<vmem>>, vector<16xi32>,
    %get3A_279 = arith.constant 448 : index
    %get3A_280 = tpu.vector_load %arg13[%get3A_279] {strides = array<i32>} : memref<512xi32, #tpu.memory_space<vmem>>, vector<16xi32>,
    %max3A_281 = arith.constant 0 : i32
    %max3A_282 = vector.broadcast %max3A_281 : i32 to vector<16xi32>
    %max3A_283 = arith.maxsi %get3A_280, %max3A_282 : vector<16xi32>
    %min3A_284 = arith.constant 999999 : i32
    %min3A_285 = vector.broadcast %min3A_284 : i32 to vector<16xi32>
    %min3A_286 = arith.minsi %max3A_283, %min3A_285 : vector<16xi32>
    %swap3A_287 = arith.constant 448 : index
    %swap3A_288 = tpu.vector_load %arg13[%swap3A_287] {strides = array<i32>} : memref<512xi32, #tpu.memory_space<vmem>>, vector<16xi32>,
    tpu.vector_store %arg13[%swap3A_287], %min3A_286 {strides = array<i32>} : memref<512xi32, #tpu.memory_space<vmem>>, vector<16xi32>,
    %get3A_289 = arith.constant 464 : index
    %get3A_290 = tpu.vector_load %arg13[%get3A_289] {strides = array<i32>} : memref<512xi32, #tpu.memory_space<vmem>>, vector<16xi32>,
    %max3A_291 = arith.constant 0 : i32
    %max3A_292 = vector.broadcast %max3A_291 : i32 to vector<16xi32>
    %max3A_293 = arith.maxsi %get3A_290, %max3A_292 : vector<16xi32>
    %min3A_294 = arith.constant 999999 : i32
    %min3A_295 = vector.broadcast %min3A_294 : i32 to vector<16xi32>
    %min3A_296 = arith.minsi %max3A_293, %min3A_295 : vector<16xi32>
    %swap3A_297 = arith.constant 464 : index
    %swap3A_298 = tpu.vector_load %arg13[%swap3A_297] {strides = array<i32>} : memref<512xi32, #tpu.memory_space<vmem>>, vector<16xi32>,
    tpu.vector_store %arg13[%swap3A_297], %min3A_296 {strides = array<i32>} : memref<512xi32, #tpu.memory_space<vmem>>, vector<16xi32>,
    %get3A_299 = arith.constant 480 : index
    %get3A_300 = tpu.vector_load %arg13[%get3A_299] {strides = array<i32>} : memref<512xi32, #tpu.memory_space<vmem>>, vector<16xi32>,
    %max3A_301 = arith.constant 0 : i32
    %max3A_302 = vector.broadcast %max3A_301 : i32 to vector<16xi32>
    %max3A_303 = arith.maxsi %get3A_300, %max3A_302 : vector<16xi32>
    %min3A_304 = arith.constant 999999 : i32
    %min3A_305 = vector.broadcast %min3A_304 : i32 to vector<16xi32>
    %min3A_306 = arith.minsi %max3A_303, %min3A_305 : vector<16xi32>
    %swap3A_307 = arith.constant 480 : index
    %swap3A_308 = tpu.vector_load %arg13[%swap3A_307] {strides = array<i32>} : memref<512xi32, #tpu.memory_space<vmem>>, vector<16xi32>,
    tpu.vector_store %arg13[%swap3A_307], %min3A_306 {strides = array<i32>} : memref<512xi32, #tpu.memory_space<vmem>>, vector<16xi32>,
    %get3A_309 = arith.constant 496 : index
    %get3A_310 = tpu.vector_load %arg13[%get3A_309] {strides = array<i32>} : memref<512xi32, #tpu.memory_space<vmem>>, vector<16xi32>,
    %max3A_311 = arith.constant 0 : i32
    %max3A_312 = vector.broadcast %max3A_311 : i32 to vector<16xi32>
    %max3A_313 = arith.maxsi %get3A_310, %max3A_312 : vector<16xi32>
    %min3A_314 = arith.constant 999999 : i32
    %min3A_315 = vector.broadcast %min3A_314 : i32 to vector<16xi32>
    %min3A_316 = arith.minsi %max3A_313, %min3A_315 : vector<16xi32>
    %swap3A_317 = arith.constant 496 : index
    %swap3A_318 = tpu.vector_load %arg13[%swap3A_317] {strides = array<i32>} : memref<512xi32, #tpu.memory_space<vmem>>, vector<16xi32>,
    tpu.vector_store %arg13[%swap3A_317], %min3A_316 {strides = array<i32>} : memref<512xi32, #tpu.memory_space<vmem>>, vector<16xi32>,
    %get3A_319 = arith.constant 0 : index
    %get3A_320 = tpu.vector_load %arg47[%get3A_319] {strides = array<i32>} : memref<32xf32, #tpu.memory_space<vmem>>, vector<16xf32>,
    %get3A_321 = arith.constant 16 : index
    %get3A_322 = tpu.vector_load %arg47[%get3A_321] {strides = array<i32>} : memref<32xf32, #tpu.memory_space<vmem>>, vector<16xf32>,
    %slice3A = vector.extract_strided_slice %get3A_320 {offsets = [0], sizes = [1], strides = [1]} : vector<16xf32> to vector<1xf32>
    %squeeze3A = vector.extract %slice3A[0] : f32 from vector<1xf32>
    %slice3A_323 = vector.extract_strided_slice %get3A_320 {offsets = [1], sizes = [1], strides = [1]} : vector<16xf32> to vector<1xf32>
    %squeeze3A_324 = vector.extract %slice3A_323[0] : f32 from vector<1xf32>
    %slice3A_325 = vector.extract_strided_slice %get3A_320 {offsets = [2], sizes = [1], strides = [1]} : vector<16xf32> to vector<1xf32>
    %squeeze3A_326 = vector.extract %slice3A_325[0] : f32 from vector<1xf32>
    %slice3A_327 = vector.extract_strided_slice %get3A_320 {offsets = [3], sizes = [1], strides = [1]} : vector<16xf32> to vector<1xf32>
    %squeeze3A_328 = vector.extract %slice3A_327[0] : f32 from vector<1xf32>
    %slice3A_329 = vector.extract_strided_slice %get3A_320 {offsets = [4], sizes = [1], strides = [1]} : vector<16xf32> to vector<1xf32>
    %squeeze3A_330 = vector.extract %slice3A_329[0] : f32 from vector<1xf32>
    %slice3A_331 = vector.extract_strided_slice %get3A_320 {offsets = [5], sizes = [1], strides = [1]} : vector<16xf32> to vector<1xf32>
    %squeeze3A_332 = vector.extract %slice3A_331[0] : f32 from vector<1xf32>
    %slice3A_333 = vector.extract_strided_slice %get3A_320 {offsets = [6], sizes = [1], strides = [1]} : vector<16xf32> to vector<1xf32>
    %squeeze3A_334 = vector.extract %slice3A_333[0] : f32 from vector<1xf32>
    %slice3A_335 = vector.extract_strided_slice %get3A_320 {offsets = [7], sizes = [1], strides = [1]} : vector<16xf32> to vector<1xf32>
    %squeeze3A_336 = vector.extract %slice3A_335[0] : f32 from vector<1xf32>
    %slice3A_337 = vector.extract_strided_slice %get3A_320 {offsets = [8], sizes = [1], strides = [1]} : vector<16xf32> to vector<1xf32>
    %squeeze3A_338 = vector.extract %slice3A_337[0] : f32 from vector<1xf32>
    %slice3A_339 = vector.extract_strided_slice %get3A_320 {offsets = [9], sizes = [1], strides = [1]} : vector<16xf32> to vector<1xf32>
    %squeeze3A_340 = vector.extract %slice3A_339[0] : f32 from vector<1xf32>
    %slice3A_341 = vector.extract_strided_slice %get3A_320 {offsets = [10], sizes = [1], strides = [1]} : vector<16xf32> to vector<1xf32>
    %squeeze3A_342 = vector.extract %slice3A_341[0] : f32 from vector<1xf32>
    %slice3A_343 = vector.extract_strided_slice %get3A_320 {offsets = [11], sizes = [1], strides = [1]} : vector<16xf32> to vector<1xf32>
    %squeeze3A_344 = vector.extract %slice3A_343[0] : f32 from vector<1xf32>
    %slice3A_345 = vector.extract_strided_slice %get3A_320 {offsets = [12], sizes = [1], strides = [1]} : vector<16xf32> to vector<1xf32>
    %squeeze3A_346 = vector.extract %slice3A_345[0] : f32 from vector<1xf32>
    %slice3A_347 = vector.extract_strided_slice %get3A_320 {offsets = [13], sizes = [1], strides = [1]} : vector<16xf32> to vector<1xf32>
    %squeeze3A_348 = vector.extract %slice3A_347[0] : f32 from vector<1xf32>
    %slice3A_349 = vector.extract_strided_slice %get3A_320 {offsets = [14], sizes = [1], strides = [1]} : vector<16xf32> to vector<1xf32>
    %squeeze3A_350 = vector.extract %slice3A_349[0] : f32 from vector<1xf32>
    %slice3A_351 = vector.extract_strided_slice %get3A_320 {offsets = [15], sizes = [1], strides = [1]} : vector<16xf32> to vector<1xf32>
    %squeeze3A_352 = vector.extract %slice3A_351[0] : f32 from vector<1xf32>
    %slice3A_353 = vector.extract_strided_slice %get3A_322 {offsets = [0], sizes = [1], strides = [1]} : vector<16xf32> to vector<1xf32>
    %squeeze3A_354 = vector.extract %slice3A_353[0] : f32 from vector<1xf32>
    %slice3A_355 = vector.extract_strided_slice %get3A_322 {offsets = [1], sizes = [1], strides = [1]} : vector<16xf32> to vector<1xf32>
    %squeeze3A_356 = vector.extract %slice3A_355[0] : f32 from vector<1xf32>
    %slice3A_357 = vector.extract_strided_slice %get3A_322 {offsets = [2], sizes = [1], strides = [1]} : vector<16xf32> to vector<1xf32>
    %squeeze3A_358 = vector.extract %slice3A_357[0] : f32 from vector<1xf32>
    %slice3A_359 = vector.extract_strided_slice %get3A_322 {offsets = [3], sizes = [1], strides = [1]} : vector<16xf32> to vector<1xf32>
    %squeeze3A_360 = vector.extract %slice3A_359[0] : f32 from vector<1xf32>
    %slice3A_361 = vector.extract_strided_slice %get3A_322 {offsets = [4], sizes = [1], strides = [1]} : vector<16xf32> to vector<1xf32>
    %squeeze3A_362 = vector.extract %slice3A_361[0] : f32 from vector<1xf32>
    %slice3A_363 = vector.extract_strided_slice %get3A_322 {offsets = [5], sizes = [1], strides = [1]} : vector<16xf32> to vector<1xf32>
    %squeeze3A_364 = vector.extract %slice3A_363[0] : f32 from vector<1xf32>
    %iota3A = tpu.iota {dimensions = array<i32: 0>} : vector<16xi32>
    %broadcast_in_dim3A = arith.constant 0.000000e+00 : f32
    %broadcast_in_dim3A_365 = vector.broadcast %broadcast_in_dim3A : f32 to vector<16xf32>
    %broadcast_in_dim3A_366 = arith.constant 0 : i32
    %broadcast_in_dim3A_367 = vector.broadcast %broadcast_in_dim3A_366 : i32 to vector<16xi32>
    %get3A_368 = arith.constant 0 : index
    %get3A_369 = tpu.vector_load %arg13[%get3A_368] {strides = array<i32>} : memref<512xi32, #tpu.memory_space<vmem>>, vector<16xi32>,
    %jit3A = arith.constant 128 : i32
    %div3A = vector.broadcast %jit3A : i32 to vector<16xi32>
    %div3A_370 = arith.divsi %get3A_369, %div3A : vector<16xi32>
    %sign3A = arith.constant 0 : i32
    %sign3A_371 = vector.broadcast %sign3A : i32 to vector<16xi32>
    %sign3A_372 = arith.cmpi sgt, %get3A_369, %sign3A_371 : vector<16xi32>
    %sign3A_373 = arith.extui %sign3A_372 : vector<16xi1> to vector<16xi32>
    %sign3A_374 = arith.constant 0 : i32
    %sign3A_375 = vector.broadcast %sign3A_374 : i32 to vector<16xi32>
    %sign3A_376 = arith.cmpi slt, %get3A_369, %sign3A_375 : vector<16xi32>
    %sign3A_377 = arith.extui %sign3A_376 : vector<16xi1> to vector<16xi32>
    %sign3A_378 = arith.subi %sign3A_373, %sign3A_377 : vector<16xi32>
    %sign3A_379 = arith.constant 0 : i32
    %sign3A_380 = arith.cmpi sgt, %jit3A, %sign3A_379 : i32
    %sign3A_381 = arith.extui %sign3A_380 : i1 to i32
    %sign3A_382 = arith.constant 0 : i32
    %sign3A_383 = arith.cmpi slt, %jit3A, %sign3A_382 : i32
    %sign3A_384 = arith.extui %sign3A_383 : i1 to i32
    %sign3A_385 = arith.subi %sign3A_381, %sign3A_384 : i32
    %ne3A = vector.broadcast %sign3A_385 : i32 to vector<16xi32>
    %ne3A_386 = arith.cmpi ne, %sign3A_378, %ne3A : vector<16xi32>
    %rem3A = vector.broadcast %jit3A : i32 to vector<16xi32>
    %rem3A_387 = arith.remsi %get3A_369, %rem3A : vector<16xi32>
    %ne3A_388 = arith.constant 0 : i32
    %ne3A_389 = vector.broadcast %ne3A_388 : i32 to vector<16xi32>
    %ne3A_390 = arith.cmpi ne, %rem3A_387, %ne3A_389 : vector<16xi32>
    %and3A = arith.andi %ne3A_386, %ne3A_390 : vector<16xi1>
    %sub3A = arith.constant 1 : i32
    %sub3A_391 = vector.broadcast %sub3A : i32 to vector<16xi32>
    %sub3A_392 = arith.subi %div3A_370, %sub3A_391 : vector<16xi32>
    %select_n3A = arith.select %and3A, %sub3A_392, %div3A_370 : vector<16xi1>, vector<16xi32>
    %mul3A_393 = arith.constant 128 : i32
    %mul3A_394 = vector.broadcast %mul3A_393 : i32 to vector<16xi32>
    %mul3A_395 = arith.muli %select_n3A, %mul3A_394 : vector<16xi32>
    %slice3A_396 = vector.extract_strided_slice %mul3A_395 {offsets = [0], sizes = [1], strides = [1]} : vector<16xi32> to vector<1xi32>
    %squeeze3A_397 = vector.extract %slice3A_396[0] : i32 from vector<1xi32>
    %multiple_of3A = tpu.assume_multiple %squeeze3A_397, 128 : i32
    %dma_start3A = arith.constant 0 : i32
    %dma_start3A_398 = tpu.memref_slice %arg3[%dma_start3A, %multiple_of3A] : memref<32x1000000xf32, #tpu.memory_space<hbm>> -> memref<32x128xf32, #tpu.memory_space<hbm>>
    %dma_start3A_399 = arith.constant 0 : i32
    %dma_start3A_400 = tpu.memref_slice %arg3[%dma_start3A_399, %multiple_of3A] : memref<32x1000000xf32, #tpu.memory_space<hbm>> -> memref<32x128xf32, #tpu.memory_space<hbm>>
    tpu.enqueue_dma source(%dma_start3A_400 : memref<32x128xf32, #tpu.memory_space<hbm>>) target(%arg14 : memref<32x128xf32, #tpu.memory_space<vmem>>) target_semaphore(%arg48 : memref<!tpu.dma_semaphore, #tpu.memory_space<semaphore_mem>>)
    %dma_start3A_401 = arith.constant 0 : i32
    %dma_start3A_402 = tpu.memref_slice %arg4[%dma_start3A_401, %multiple_of3A] : memref<32x1000000xf32, #tpu.memory_space<hbm>> -> memref<32x128xf32, #tpu.memory_space<hbm>>
    %dma_start3A_403 = arith.constant 0 : i32
    %dma_start3A_404 = tpu.memref_slice %arg4[%dma_start3A_403, %multiple_of3A] : memref<32x1000000xf32, #tpu.memory_space<hbm>> -> memref<32x128xf32, #tpu.memory_space<hbm>>
    tpu.enqueue_dma source(%dma_start3A_404 : memref<32x128xf32, #tpu.memory_space<hbm>>) target(%arg26 : memref<32x128xf32, #tpu.memory_space<vmem>>) target_semaphore(%arg49 : memref<!tpu.dma_semaphore, #tpu.memory_space<semaphore_mem>>)
    %slice3A_405 = vector.extract_strided_slice %mul3A_395 {offsets = [1], sizes = [1], strides = [1]} : vector<16xi32> to vector<1xi32>
    %squeeze3A_406 = vector.extract %slice3A_405[0] : i32 from vector<1xi32>
    %multiple_of3A_407 = tpu.assume_multiple %squeeze3A_406, 128 : i32
    %dma_start3A_408 = arith.constant 0 : i32
    %dma_start3A_409 = tpu.memref_slice %arg3[%dma_start3A_408, %multiple_of3A_407] : memref<32x1000000xf32, #tpu.memory_space<hbm>> -> memref<32x128xf32, #tpu.memory_space<hbm>>
    %dma_start3A_410 = arith.constant 0 : i32
    %dma_start3A_411 = tpu.memref_slice %arg3[%dma_start3A_410, %multiple_of3A_407] : memref<32x1000000xf32, #tpu.memory_space<hbm>> -> memref<32x128xf32, #tpu.memory_space<hbm>>
    tpu.enqueue_dma source(%dma_start3A_411 : memref<32x128xf32, #tpu.memory_space<hbm>>) target(%arg15 : memref<32x128xf32, #tpu.memory_space<vmem>>) target_semaphore(%arg48 : memref<!tpu.dma_semaphore, #tpu.memory_space<semaphore_mem>>)
    %dma_start3A_412 = arith.constant 0 : i32
    %dma_start3A_413 = tpu.memref_slice %arg4[%dma_start3A_412, %multiple_of3A_407] : memref<32x1000000xf32, #tpu.memory_space<hbm>> -> memref<32x128xf32, #tpu.memory_space<hbm>>
    %dma_start3A_414 = arith.constant 0 : i32
    %dma_start3A_415 = tpu.memref_slice %arg4[%dma_start3A_414, %multiple_of3A_407] : memref<32x1000000xf32, #tpu.memory_space<hbm>> -> memref<32x128xf32, #tpu.memory_space<hbm>>
    tpu.enqueue_dma source(%dma_start3A_415 : memref<32x128xf32, #tpu.memory_space<hbm>>) target(%arg27 : memref<32x128xf32, #tpu.memory_space<vmem>>) target_semaphore(%arg49 : memref<!tpu.dma_semaphore, #tpu.memory_space<semaphore_mem>>)
    %slice3A_416 = vector.extract_strided_slice %mul3A_395 {offsets = [2], sizes = [1], strides = [1]} : vector<16xi32> to vector<1xi32>
    %squeeze3A_417 = vector.extract %slice3A_416[0] : i32 from vector<1xi32>
    %multiple_of3A_418 = tpu.assume_multiple %squeeze3A_417, 128 : i32
    %dma_start3A_419 = arith.constant 0 : i32
    %dma_start3A_420 = tpu.memref_slice %arg3[%dma_start3A_419, %multiple_of3A_418] : memref<32x1000000xf32, #tpu.memory_space<hbm>> -> memref<32x128xf32, #tpu.memory_space<hbm>>
    %dma_start3A_421 = arith.constant 0 : i32
    %dma_start3A_422 = tpu.memref_slice %arg3[%dma_start3A_421, %multiple_of3A_418] : memref<32x1000000xf32, #tpu.memory_space<hbm>> -> memref<32x128xf32, #tpu.memory_space<hbm>>
    tpu.enqueue_dma source(%dma_start3A_422 : memref<32x128xf32, #tpu.memory_space<hbm>>) target(%arg16 : memref<32x128xf32, #tpu.memory_space<vmem>>) target_semaphore(%arg48 : memref<!tpu.dma_semaphore, #tpu.memory_space<semaphore_mem>>)
    %dma_start3A_423 = arith.constant 0 : i32
    %dma_start3A_424 = tpu.memref_slice %arg4[%dma_start3A_423, %multiple_of3A_418] : memref<32x1000000xf32, #tpu.memory_space<hbm>> -> memref<32x128xf32, #tpu.memory_space<hbm>>
    %dma_start3A_425 = arith.constant 0 : i32
    %dma_start3A_426 = tpu.memref_slice %arg4[%dma_start3A_425, %multiple_of3A_418] : memref<32x1000000xf32, #tpu.memory_space<hbm>> -> memref<32x128xf32, #tpu.memory_space<hbm>>
    tpu.enqueue_dma source(%dma_start3A_426 : memref<32x128xf32, #tpu.memory_space<hbm>>) target(%arg28 : memref<32x128xf32, #tpu.memory_space<vmem>>) target_semaphore(%arg49 : memref<!tpu.dma_semaphore, #tpu.memory_space<semaphore_mem>>)
    %slice3A_427 = vector.extract_strided_slice %mul3A_395 {offsets = [3], sizes = [1], strides = [1]} : vector<16xi32> to vector<1xi32>
    %squeeze3A_428 = vector.extract %slice3A_427[0] : i32 from vector<1xi32>
    %multiple_of3A_429 = tpu.assume_multiple %squeeze3A_428, 128 : i32
    %dma_start3A_430 = arith.constant 0 : i32
    %dma_start3A_431 = tpu.memref_slice %arg3[%dma_start3A_430, %multiple_of3A_429] : memref<32x1000000xf32, #tpu.memory_space<hbm>> -> memref<32x128xf32, #tpu.memory_space<hbm>>
    %dma_start3A_432 = arith.constant 0 : i32
    %dma_start3A_433 = tpu.memref_slice %arg3[%dma_start3A_432, %multiple_of3A_429] : memref<32x1000000xf32, #tpu.memory_space<hbm>> -> memref<32x128xf32, #tpu.memory_space<hbm>>
    tpu.enqueue_dma source(%dma_start3A_433 : memref<32x128xf32, #tpu.memory_space<hbm>>) target(%arg17 : memref<32x128xf32, #tpu.memory_space<vmem>>) target_semaphore(%arg48 : memref<!tpu.dma_semaphore, #tpu.memory_space<semaphore_mem>>)
    %dma_start3A_434 = arith.constant 0 : i32
    %dma_start3A_435 = tpu.memref_slice %arg4[%dma_start3A_434, %multiple_of3A_429] : memref<32x1000000xf32, #tpu.memory_space<hbm>> -> memref<32x128xf32, #tpu.memory_space<hbm>>
    %dma_start3A_436 = arith.constant 0 : i32
    %dma_start3A_437 = tpu.memref_slice %arg4[%dma_start3A_436, %multiple_of3A_429] : memref<32x1000000xf32, #tpu.memory_space<hbm>> -> memref<32x128xf32, #tpu.memory_space<hbm>>
    tpu.enqueue_dma source(%dma_start3A_437 : memref<32x128xf32, #tpu.memory_space<hbm>>) target(%arg29 : memref<32x128xf32, #tpu.memory_space<vmem>>) target_semaphore(%arg49 : memref<!tpu.dma_semaphore, #tpu.memory_space<semaphore_mem>>)
    %slice3A_438 = vector.extract_strided_slice %mul3A_395 {offsets = [4], sizes = [1], strides = [1]} : vector<16xi32> to vector<1xi32>
    %squeeze3A_439 = vector.extract %slice3A_438[0] : i32 from vector<1xi32>
    %multiple_of3A_440 = tpu.assume_multiple %squeeze3A_439, 128 : i32
    %dma_start3A_441 = arith.constant 0 : i32
    %dma_start3A_442 = tpu.memref_slice %arg3[%dma_start3A_441, %multiple_of3A_440] : memref<32x1000000xf32, #tpu.memory_space<hbm>> -> memref<32x128xf32, #tpu.memory_space<hbm>>
    %dma_start3A_443 = arith.constant 0 : i32
    %dma_start3A_444 = tpu.memref_slice %arg3[%dma_start3A_443, %multiple_of3A_440] : memref<32x1000000xf32, #tpu.memory_space<hbm>> -> memref<32x128xf32, #tpu.memory_space<hbm>>
    tpu.enqueue_dma source(%dma_start3A_444 : memref<32x128xf32, #tpu.memory_space<hbm>>) target(%arg18 : memref<32x128xf32, #tpu.memory_space<vmem>>) target_semaphore(%arg48 : memref<!tpu.dma_semaphore, #tpu.memory_space<semaphore_mem>>)
    %dma_start3A_445 = arith.constant 0 : i32
    %dma_start3A_446 = tpu.memref_slice %arg4[%dma_start3A_445, %multiple_of3A_440] : memref<32x1000000xf32, #tpu.memory_space<hbm>> -> memref<32x128xf32, #tpu.memory_space<hbm>>
    %dma_start3A_447 = arith.constant 0 : i32
    %dma_start3A_448 = tpu.memref_slice %arg4[%dma_start3A_447, %multiple_of3A_440] : memref<32x1000000xf32, #tpu.memory_space<hbm>> -> memref<32x128xf32, #tpu.memory_space<hbm>>
    tpu.enqueue_dma source(%dma_start3A_448 : memref<32x128xf32, #tpu.memory_space<hbm>>) target(%arg30 : memref<32x128xf32, #tpu.memory_space<vmem>>) target_semaphore(%arg49 : memref<!tpu.dma_semaphore, #tpu.memory_space<semaphore_mem>>)
    %slice3A_449 = vector.extract_strided_slice %mul3A_395 {offsets = [5], sizes = [1], strides = [1]} : vector<16xi32> to vector<1xi32>
    %squeeze3A_450 = vector.extract %slice3A_449[0] : i32 from vector<1xi32>
    %multiple_of3A_451 = tpu.assume_multiple %squeeze3A_450, 128 : i32
    %dma_start3A_452 = arith.constant 0 : i32
    %dma_start3A_453 = tpu.memref_slice %arg3[%dma_start3A_452, %multiple_of3A_451] : memref<32x1000000xf32, #tpu.memory_space<hbm>> -> memref<32x128xf32, #tpu.memory_space<hbm>>
    %dma_start3A_454 = arith.constant 0 : i32
    %dma_start3A_455 = tpu.memref_slice %arg3[%dma_start3A_454, %multiple_of3A_451] : memref<32x1000000xf32, #tpu.memory_space<hbm>> -> memref<32x128xf32, #tpu.memory_space<hbm>>
    tpu.enqueue_dma source(%dma_start3A_455 : memref<32x128xf32, #tpu.memory_space<hbm>>) target(%arg19 : memref<32x128xf32, #tpu.memory_space<vmem>>) target_semaphore(%arg48 : memref<!tpu.dma_semaphore, #tpu.memory_space<semaphore_mem>>)
    %dma_start3A_456 = arith.constant 0 : i32
    %dma_start3A_457 = tpu.memref_slice %arg4[%dma_start3A_456, %multiple_of3A_451] : memref<32x1000000xf32, #tpu.memory_space<hbm>> -> memref<32x128xf32, #tpu.memory_space<hbm>>
    %dma_start3A_458 = arith.constant 0 : i32
    %dma_start3A_459 = tpu.memref_slice %arg4[%dma_start3A_458, %multiple_of3A_451] : memref<32x1000000xf32, #tpu.memory_space<hbm>> -> memref<32x128xf32, #tpu.memory_space<hbm>>
    tpu.enqueue_dma source(%dma_start3A_459 : memref<32x128xf32, #tpu.memory_space<hbm>>) target(%arg31 : memref<32x128xf32, #tpu.memory_space<vmem>>) target_semaphore(%arg49 : memref<!tpu.dma_semaphore, #tpu.memory_space<semaphore_mem>>)
    %slice3A_460 = vector.extract_strided_slice %mul3A_395 {offsets = [6], sizes = [1], strides = [1]} : vector<16xi32> to vector<1xi32>
    %squeeze3A_461 = vector.extract %slice3A_460[0] : i32 from vector<1xi32>
    %multiple_of3A_462 = tpu.assume_multiple %squeeze3A_461, 128 : i32
    %dma_start3A_463 = arith.constant 0 : i32
    %dma_start3A_464 = tpu.memref_slice %arg3[%dma_start3A_463, %multiple_of3A_462] : memref<32x1000000xf32, #tpu.memory_space<hbm>> -> memref<32x128xf32, #tpu.memory_space<hbm>>
    %dma_start3A_465 = arith.constant 0 : i32
    %dma_start3A_466 = tpu.memref_slice %arg3[%dma_start3A_465, %multiple_of3A_462] : memref<32x1000000xf32, #tpu.memory_space<hbm>> -> memref<32x128xf32, #tpu.memory_space<hbm>>
    tpu.enqueue_dma source(%dma_start3A_466 : memref<32x128xf32, #tpu.memory_space<hbm>>) target(%arg20 : memref<32x128xf32, #tpu.memory_space<vmem>>) target_semaphore(%arg48 : memref<!tpu.dma_semaphore, #tpu.memory_space<semaphore_mem>>)
    %dma_start3A_467 = arith.constant 0 : i32
    %dma_start3A_468 = tpu.memref_slice %arg4[%dma_start3A_467, %multiple_of3A_462] : memref<32x1000000xf32, #tpu.memory_space<hbm>> -> memref<32x128xf32, #tpu.memory_space<hbm>>
    %dma_start3A_469 = arith.constant 0 : i32
    %dma_start3A_470 = tpu.memref_slice %arg4[%dma_start3A_469, %multiple_of3A_462] : memref<32x1000000xf32, #tpu.memory_space<hbm>> -> memref<32x128xf32, #tpu.memory_space<hbm>>
    tpu.enqueue_dma source(%dma_start3A_470 : memref<32x128xf32, #tpu.memory_space<hbm>>) target(%arg32 : memref<32x128xf32, #tpu.memory_space<vmem>>) target_semaphore(%arg49 : memref<!tpu.dma_semaphore, #tpu.memory_space<semaphore_mem>>)
    %slice3A_471 = vector.extract_strided_slice %mul3A_395 {offsets = [7], sizes = [1], strides = [1]} : vector<16xi32> to vector<1xi32>
    %squeeze3A_472 = vector.extract %slice3A_471[0] : i32 from vector<1xi32>
    %multiple_of3A_473 = tpu.assume_multiple %squeeze3A_472, 128 : i32
    %dma_start3A_474 = arith.constant 0 : i32
    %dma_start3A_475 = tpu.memref_slice %arg3[%dma_start3A_474, %multiple_of3A_473] : memref<32x1000000xf32, #tpu.memory_space<hbm>> -> memref<32x128xf32, #tpu.memory_space<hbm>>
    %dma_start3A_476 = arith.constant 0 : i32
    %dma_start3A_477 = tpu.memref_slice %arg3[%dma_start3A_476, %multiple_of3A_473] : memref<32x1000000xf32, #tpu.memory_space<hbm>> -> memref<32x128xf32, #tpu.memory_space<hbm>>
    tpu.enqueue_dma source(%dma_start3A_477 : memref<32x128xf32, #tpu.memory_space<hbm>>) target(%arg21 : memref<32x128xf32, #tpu.memory_space<vmem>>) target_semaphore(%arg48 : memref<!tpu.dma_semaphore, #tpu.memory_space<semaphore_mem>>)
    %dma_start3A_478 = arith.constant 0 : i32
    %dma_start3A_479 = tpu.memref_slice %arg4[%dma_start3A_478, %multiple_of3A_473] : memref<32x1000000xf32, #tpu.memory_space<hbm>> -> memref<32x128xf32, #tpu.memory_space<hbm>>
    %dma_start3A_480 = arith.constant 0 : i32
    %dma_start3A_481 = tpu.memref_slice %arg4[%dma_start3A_480, %multiple_of3A_473] : memref<32x1000000xf32, #tpu.memory_space<hbm>> -> memref<32x128xf32, #tpu.memory_space<hbm>>
    tpu.enqueue_dma source(%dma_start3A_481 : memref<32x128xf32, #tpu.memory_space<hbm>>) target(%arg33 : memref<32x128xf32, #tpu.memory_space<vmem>>) target_semaphore(%arg49 : memref<!tpu.dma_semaphore, #tpu.memory_space<semaphore_mem>>)
    %slice3A_482 = vector.extract_strided_slice %mul3A_395 {offsets = [8], sizes = [1], strides = [1]} : vector<16xi32> to vector<1xi32>
    %squeeze3A_483 = vector.extract %slice3A_482[0] : i32 from vector<1xi32>
    %multiple_of3A_484 = tpu.assume_multiple %squeeze3A_483, 128 : i32
    %dma_start3A_485 = arith.constant 0 : i32
    %dma_start3A_486 = tpu.memref_slice %arg3[%dma_start3A_485, %multiple_of3A_484] : memref<32x1000000xf32, #tpu.memory_space<hbm>> -> memref<32x128xf32, #tpu.memory_space<hbm>>
    %dma_start3A_487 = arith.constant 0 : i32
    %dma_start3A_488 = tpu.memref_slice %arg3[%dma_start3A_487, %multiple_of3A_484] : memref<32x1000000xf32, #tpu.memory_space<hbm>> -> memref<32x128xf32, #tpu.memory_space<hbm>>
    tpu.enqueue_dma source(%dma_start3A_488 : memref<32x128xf32, #tpu.memory_space<hbm>>) target(%arg22 : memref<32x128xf32, #tpu.memory_space<vmem>>) target_semaphore(%arg48 : memref<!tpu.dma_semaphore, #tpu.memory_space<semaphore_mem>>)
    %dma_start3A_489 = arith.constant 0 : i32
    %dma_start3A_490 = tpu.memref_slice %arg4[%dma_start3A_489, %multiple_of3A_484] : memref<32x1000000xf32, #tpu.memory_space<hbm>> -> memref<32x128xf32, #tpu.memory_space<hbm>>
    %dma_start3A_491 = arith.constant 0 : i32
    %dma_start3A_492 = tpu.memref_slice %arg4[%dma_start3A_491, %multiple_of3A_484] : memref<32x1000000xf32, #tpu.memory_space<hbm>> -> memref<32x128xf32, #tpu.memory_space<hbm>>
    tpu.enqueue_dma source(%dma_start3A_492 : memref<32x128xf32, #tpu.memory_space<hbm>>) target(%arg34 : memref<32x128xf32, #tpu.memory_space<vmem>>) target_semaphore(%arg49 : memref<!tpu.dma_semaphore, #tpu.memory_space<semaphore_mem>>)
    %slice3A_493 = vector.extract_strided_slice %mul3A_395 {offsets = [9], sizes = [1], strides = [1]} : vector<16xi32> to vector<1xi32>
    %squeeze3A_494 = vector.extract %slice3A_493[0] : i32 from vector<1xi32>
    %multiple_of3A_495 = tpu.assume_multiple %squeeze3A_494, 128 : i32
    %dma_start3A_496 = arith.constant 0 : i32
    %dma_start3A_497 = tpu.memref_slice %arg3[%dma_start3A_496, %multiple_of3A_495] : memref<32x1000000xf32, #tpu.memory_space<hbm>> -> memref<32x128xf32, #tpu.memory_space<hbm>>
    %dma_start3A_498 = arith.constant 0 : i32
    %dma_start3A_499 = tpu.memref_slice %arg3[%dma_start3A_498, %multiple_of3A_495] : memref<32x1000000xf32, #tpu.memory_space<hbm>> -> memref<32x128xf32, #tpu.memory_space<hbm>>
    tpu.enqueue_dma source(%dma_start3A_499 : memref<32x128xf32, #tpu.memory_space<hbm>>) target(%arg23 : memref<32x128xf32, #tpu.memory_space<vmem>>) target_semaphore(%arg48 : memref<!tpu.dma_semaphore, #tpu.memory_space<semaphore_mem>>)
    %dma_start3A_500 = arith.constant 0 : i32
    %dma_start3A_501 = tpu.memref_slice %arg4[%dma_start3A_500, %multiple_of3A_495] : memref<32x1000000xf32, #tpu.memory_space<hbm>> -> memref<32x128xf32, #tpu.memory_space<hbm>>
    %dma_start3A_502 = arith.constant 0 : i32
    %dma_start3A_503 = tpu.memref_slice %arg4[%dma_start3A_502, %multiple_of3A_495] : memref<32x1000000xf32, #tpu.memory_space<hbm>> -> memref<32x128xf32, #tpu.memory_space<hbm>>
    tpu.enqueue_dma source(%dma_start3A_503 : memref<32x128xf32, #tpu.memory_space<hbm>>) target(%arg35 : memref<32x128xf32, #tpu.memory_space<vmem>>) target_semaphore(%arg49 : memref<!tpu.dma_semaphore, #tpu.memory_space<semaphore_mem>>)
    %slice3A_504 = vector.extract_strided_slice %mul3A_395 {offsets = [10], sizes = [1], strides = [1]} : vector<16xi32> to vector<1xi32>
    %squeeze3A_505 = vector.extract %slice3A_504[0] : i32 from vector<1xi32>
    %multiple_of3A_506 = tpu.assume_multiple %squeeze3A_505, 128 : i32
    %dma_start3A_507 = arith.constant 0 : i32
    %dma_start3A_508 = tpu.memref_slice %arg3[%dma_start3A_507, %multiple_of3A_506] : memref<32x1000000xf32, #tpu.memory_space<hbm>> -> memref<32x128xf32, #tpu.memory_space<hbm>>
    %dma_start3A_509 = arith.constant 0 : i32
    %dma_start3A_510 = tpu.memref_slice %arg3[%dma_start3A_509, %multiple_of3A_506] : memref<32x1000000xf32, #tpu.memory_space<hbm>> -> memref<32x128xf32, #tpu.memory_space<hbm>>
    tpu.enqueue_dma source(%dma_start3A_510 : memref<32x128xf32, #tpu.memory_space<hbm>>) target(%arg24 : memref<32x128xf32, #tpu.memory_space<vmem>>) target_semaphore(%arg48 : memref<!tpu.dma_semaphore, #tpu.memory_space<semaphore_mem>>)
    %dma_start3A_511 = arith.constant 0 : i32
    %dma_start3A_512 = tpu.memref_slice %arg4[%dma_start3A_511, %multiple_of3A_506] : memref<32x1000000xf32, #tpu.memory_space<hbm>> -> memref<32x128xf32, #tpu.memory_space<hbm>>
    %dma_start3A_513 = arith.constant 0 : i32
    %dma_start3A_514 = tpu.memref_slice %arg4[%dma_start3A_513, %multiple_of3A_506] : memref<32x1000000xf32, #tpu.memory_space<hbm>> -> memref<32x128xf32, #tpu.memory_space<hbm>>
    tpu.enqueue_dma source(%dma_start3A_514 : memref<32x128xf32, #tpu.memory_space<hbm>>) target(%arg36 : memref<32x128xf32, #tpu.memory_space<vmem>>) target_semaphore(%arg49 : memref<!tpu.dma_semaphore, #tpu.memory_space<semaphore_mem>>)
    %scan3A = arith.constant 0 : i32
    %scan3A_515 = arith.constant 32 : i32
    %scan3A_516 = arith.addi %scan3A, %scan3A_515 : i32
    %scan3A_517 = arith.constant 1 : i32
    %scan3A_518 = scf.for %scan3A_651 = %scan3A to %scan3A_516 step %scan3A_517 iter_args(%scan3A_652 = %get3A_369) -> (vector<16xi32>)  : i32 {
      %mul3A_653 = arith.constant 16 : i32
      %mul3A_654 = arith.muli %scan3A_651, %mul3A_653 : i32
      %jit3A_655 = arith.constant 128 : i32
      %div3A_656 = vector.broadcast %jit3A_655 : i32 to vector<16xi32>
      %div3A_657 = arith.divsi %scan3A_652, %div3A_656 : vector<16xi32>
      %sign3A_658 = arith.constant 0 : i32
      %sign3A_659 = vector.broadcast %sign3A_658 : i32 to vector<16xi32>
      %sign3A_660 = arith.cmpi sgt, %scan3A_652, %sign3A_659 : vector<16xi32>
      %sign3A_661 = arith.extui %sign3A_660 : vector<16xi1> to vector<16xi32>
      %sign3A_662 = arith.constant 0 : i32
      %sign3A_663 = vector.broadcast %sign3A_662 : i32 to vector<16xi32>
      %sign3A_664 = arith.cmpi slt, %scan3A_652, %sign3A_663 : vector<16xi32>
      %sign3A_665 = arith.extui %sign3A_664 : vector<16xi1> to vector<16xi32>
      %sign3A_666 = arith.subi %sign3A_661, %sign3A_665 : vector<16xi32>
      %sign3A_667 = arith.constant 0 : i32
      %sign3A_668 = arith.cmpi sgt, %jit3A_655, %sign3A_667 : i32
      %sign3A_669 = arith.extui %sign3A_668 : i1 to i32
      %sign3A_670 = arith.constant 0 : i32
      %sign3A_671 = arith.cmpi slt, %jit3A_655, %sign3A_670 : i32
      %sign3A_672 = arith.extui %sign3A_671 : i1 to i32
      %sign3A_673 = arith.subi %sign3A_669, %sign3A_672 : i32
      %ne3A_674 = vector.broadcast %sign3A_673 : i32 to vector<16xi32>
      %ne3A_675 = arith.cmpi ne, %sign3A_666, %ne3A_674 : vector<16xi32>
      %rem3A_676 = vector.broadcast %jit3A_655 : i32 to vector<16xi32>
      %rem3A_677 = arith.remsi %scan3A_652, %rem3A_676 : vector<16xi32>
      %ne3A_678 = arith.constant 0 : i32
      %ne3A_679 = vector.broadcast %ne3A_678 : i32 to vector<16xi32>
      %ne3A_680 = arith.cmpi ne, %rem3A_677, %ne3A_679 : vector<16xi32>
      %and3A_681 = arith.andi %ne3A_675, %ne3A_680 : vector<16xi1>
      %sub3A_682 = arith.constant 1 : i32
      %sub3A_683 = vector.broadcast %sub3A_682 : i32 to vector<16xi32>
      %sub3A_684 = arith.subi %div3A_657, %sub3A_683 : vector<16xi32>
      %select_n3A_685 = arith.select %and3A_681, %sub3A_684, %div3A_657 : vector<16xi1>, vector<16xi32>
      %mul3A_686 = arith.constant 128 : i32
      %mul3A_687 = vector.broadcast %mul3A_686 : i32 to vector<16xi32>
      %mul3A_688 = arith.muli %select_n3A_685, %mul3A_687 : vector<16xi32>
      %sub3A_689 = arith.subi %scan3A_652, %mul3A_688 : vector<16xi32>
      %add3A_690 = arith.constant 1 : i32
      %add3A_691 = arith.addi %scan3A_651, %add3A_690 : i32
      %min3A_692 = arith.constant 31 : i32
      %min3A_693 = arith.minsi %add3A_691, %min3A_692 : i32
      %mul3A_694 = arith.constant 16 : i32
      %mul3A_695 = arith.muli %min3A_693, %mul3A_694 : i32
      %get3A_696 = arith.index_cast %mul3A_695 : i32 to index
      %get3A_697 = tpu.vector_load %arg13[%get3A_696] {strides = array<i32>} : memref<512xi32, #tpu.memory_space<vmem>>, vector<16xi32>,
      %jit3A_698 = arith.constant 128 : i32
      %div3A_699 = vector.broadcast %jit3A_698 : i32 to vector<16xi32>
      %div3A_700 = arith.divsi %get3A_697, %div3A_699 : vector<16xi32>
      %sign3A_701 = arith.constant 0 : i32
      %sign3A_702 = vector.broadcast %sign3A_701 : i32 to vector<16xi32>
      %sign3A_703 = arith.cmpi sgt, %get3A_697, %sign3A_702 : vector<16xi32>
      %sign3A_704 = arith.extui %sign3A_703 : vector<16xi1> to vector<16xi32>
      %sign3A_705 = arith.constant 0 : i32
      %sign3A_706 = vector.broadcast %sign3A_705 : i32 to vector<16xi32>
      %sign3A_707 = arith.cmpi slt, %get3A_697, %sign3A_706 : vector<16xi32>
      %sign3A_708 = arith.extui %sign3A_707 : vector<16xi1> to vector<16xi32>
      %sign3A_709 = arith.subi %sign3A_704, %sign3A_708 : vector<16xi32>
      %sign3A_710 = arith.constant 0 : i32
      %sign3A_711 = arith.cmpi sgt, %jit3A_698, %sign3A_710 : i32
      %sign3A_712 = arith.extui %sign3A_711 : i1 to i32
      %sign3A_713 = arith.constant 0 : i32
      %sign3A_714 = arith.cmpi slt, %jit3A_698, %sign3A_713 : i32
      %sign3A_715 = arith.extui %sign3A_714 : i1 to i32
      %sign3A_716 = arith.subi %sign3A_712, %sign3A_715 : i32
      %ne3A_717 = vector.broadcast %sign3A_716 : i32 to vector<16xi32>
      %ne3A_718 = arith.cmpi ne, %sign3A_709, %ne3A_717 : vector<16xi32>
      %rem3A_719 = vector.broadcast %jit3A_698 : i32 to vector<16xi32>
      %rem3A_720 = arith.remsi %get3A_697, %rem3A_719 : vector<16xi32>
      %ne3A_721 = arith.constant 0 : i32
      %ne3A_722 = vector.broadcast %ne3A_721 : i32 to vector<16xi32>
      %ne3A_723 = arith.cmpi ne, %rem3A_720, %ne3A_722 : vector<16xi32>
      %and3A_724 = arith.andi %ne3A_718, %ne3A_723 : vector<16xi1>
      %sub3A_725 = arith.constant 1 : i32
      %sub3A_726 = vector.broadcast %sub3A_725 : i32 to vector<16xi32>
      %sub3A_727 = arith.subi %div3A_700, %sub3A_726 : vector<16xi32>
      %select_n3A_728 = arith.select %and3A_724, %sub3A_727, %div3A_700 : vector<16xi1>, vector<16xi32>
      %mul3A_729 = arith.constant 128 : i32
      %mul3A_730 = vector.broadcast %mul3A_729 : i32 to vector<16xi32>
      %mul3A_731 = arith.muli %select_n3A_728, %mul3A_730 : vector<16xi32>
      %slice3A_732 = vector.extract_strided_slice %mul3A_688 {offsets = [11], sizes = [1], strides = [1]} : vector<16xi32> to vector<1xi32>
      %squeeze3A_733 = vector.extract %slice3A_732[0] : i32 from vector<1xi32>
      %multiple_of3A_734 = tpu.assume_multiple %squeeze3A_733, 128 : i32
      %dma_start3A_735 = arith.constant 0 : i32
      %dma_start3A_736 = tpu.memref_slice %arg3[%dma_start3A_735, %multiple_of3A_734] : memref<32x1000000xf32, #tpu.memory_space<hbm>> -> memref<32x128xf32, #tpu.memory_space<hbm>>
      %dma_start3A_737 = arith.constant 0 : i32
      %dma_start3A_738 = tpu.memref_slice %arg3[%dma_start3A_737, %multiple_of3A_734] : memref<32x1000000xf32, #tpu.memory_space<hbm>> -> memref<32x128xf32, #tpu.memory_space<hbm>>
      tpu.enqueue_dma source(%dma_start3A_738 : memref<32x128xf32, #tpu.memory_space<hbm>>) target(%arg25 : memref<32x128xf32, #tpu.memory_space<vmem>>) target_semaphore(%arg48 : memref<!tpu.dma_semaphore, #tpu.memory_space<semaphore_mem>>)
      %dma_start3A_739 = arith.constant 0 : i32
      %dma_start3A_740 = tpu.memref_slice %arg4[%dma_start3A_739, %multiple_of3A_734] : memref<32x1000000xf32, #tpu.memory_space<hbm>> -> memref<32x128xf32, #tpu.memory_space<hbm>>
      %dma_start3A_741 = arith.constant 0 : i32
      %dma_start3A_742 = tpu.memref_slice %arg4[%dma_start3A_741, %multiple_of3A_734] : memref<32x1000000xf32, #tpu.memory_space<hbm>> -> memref<32x128xf32, #tpu.memory_space<hbm>>
      tpu.enqueue_dma source(%dma_start3A_742 : memref<32x128xf32, #tpu.memory_space<hbm>>) target(%arg37 : memref<32x128xf32, #tpu.memory_space<vmem>>) target_semaphore(%arg49 : memref<!tpu.dma_semaphore, #tpu.memory_space<semaphore_mem>>)
      %dma_wait3A_743 = arith.constant 0 : i32
      %dma_wait3A_744 = arith.constant 0 : i32
      %dma_wait3A_745 = tpu.memref_slice %arg3[%dma_wait3A_743, %dma_wait3A_744] : memref<32x1000000xf32, #tpu.memory_space<hbm>> -> memref<32x128xf32, #tpu.memory_space<hbm>>
      %dma_wait3A_746 = arith.constant 0 : i32
      %dma_wait3A_747 = arith.constant 0 : i32
      %dma_wait3A_748 = tpu.memref_slice %arg3[%dma_wait3A_746, %dma_wait3A_747] : memref<32x1000000xf32, #tpu.memory_space<hbm>> -> memref<32x128xf32, #tpu.memory_space<hbm>>
      tpu.wait_dma2 semaphore(%arg48 : memref<!tpu.dma_semaphore, #tpu.memory_space<semaphore_mem>>) src(%dma_wait3A_748 : memref<32x128xf32, #tpu.memory_space<hbm>>) dst(%arg14 : memref<32x128xf32, #tpu.memory_space<vmem>>)
      %dma_wait3A_749 = arith.constant 0 : i32
      %dma_wait3A_750 = arith.constant 0 : i32
      %dma_wait3A_751 = tpu.memref_slice %arg4[%dma_wait3A_749, %dma_wait3A_750] : memref<32x1000000xf32, #tpu.memory_space<hbm>> -> memref<32x128xf32, #tpu.memory_space<hbm>>
      %dma_wait3A_752 = arith.constant 0 : i32
      %dma_wait3A_753 = arith.constant 0 : i32
      %dma_wait3A_754 = tpu.memref_slice %arg4[%dma_wait3A_752, %dma_wait3A_753] : memref<32x1000000xf32, #tpu.memory_space<hbm>> -> memref<32x128xf32, #tpu.memory_space<hbm>>
      tpu.wait_dma2 semaphore(%arg49 : memref<!tpu.dma_semaphore, #tpu.memory_space<semaphore_mem>>) src(%dma_wait3A_754 : memref<32x128xf32, #tpu.memory_space<hbm>>) dst(%arg26 : memref<32x128xf32, #tpu.memory_space<vmem>>)
      %slice3A_755 = vector.extract_strided_slice %sub3A_689 {offsets = [0], sizes = [1], strides = [1]} : vector<16xi32> to vector<1xi32>
      %squeeze3A_756 = vector.extract %slice3A_755[0] : i32 from vector<1xi32>
      %add3A_757 = vector.broadcast %squeeze3A_756 : i32 to vector<16xi32>
      %add3A_758 = arith.addi %broadcast_in_dim3A_367, %add3A_757 : vector<16xi32>
      %gather3A = tpu.vector_load_idx %arg14[%iota3A, %add3A_758] : memref<32x128xf32, #tpu.memory_space<vmem>>[vector<16xi32>, vector<16xi32>], vector<16xf32>,
      %swap3A_759 = arith.constant 0 : i32
      %swap3A_760 = arith.index_cast %swap3A_759 : i32 to index
      %swap3A_761 = arith.constant 0 : index
      %swap3A_762 = tpu.vector_load %arg38[%swap3A_760, %swap3A_761] {strides = array<i32>} : memref<16x32xf32, #tpu.memory_space<vmem>>, vector<16xf32>,
      tpu.vector_store %arg38[%swap3A_760, %swap3A_761], %gather3A {strides = array<i32>} : memref<16x32xf32, #tpu.memory_space<vmem>>, vector<16xf32>,
      %add3A_763 = arith.constant 16 : i32
      %add3A_764 = vector.broadcast %add3A_763 : i32 to vector<16xi32>
      %add3A_765 = arith.addi %iota3A, %add3A_764 : vector<16xi32>
      %gather3A_766 = tpu.vector_load_idx %arg14[%add3A_765, %add3A_758] : memref<32x128xf32, #tpu.memory_space<vmem>>[vector<16xi32>, vector<16xi32>], vector<16xf32>,
      %swap3A_767 = arith.constant 0 : i32
      %swap3A_768 = arith.index_cast %swap3A_767 : i32 to index
      %swap3A_769 = arith.constant 16 : index
      %swap3A_770 = tpu.vector_load %arg38[%swap3A_768, %swap3A_769] {strides = array<i32>} : memref<16x32xf32, #tpu.memory_space<vmem>>, vector<16xf32>,
      tpu.vector_store %arg38[%swap3A_768, %swap3A_769], %gather3A_766 {strides = array<i32>} : memref<16x32xf32, #tpu.memory_space<vmem>>, vector<16xf32>,
      %gather3A_771 = tpu.vector_load_idx %arg26[%iota3A, %add3A_758] : memref<32x128xf32, #tpu.memory_space<vmem>>[vector<16xi32>, vector<16xi32>], vector<16xf32>,
      %swap3A_772 = arith.constant 0 : i32
      %swap3A_773 = arith.index_cast %swap3A_772 : i32 to index
      %swap3A_774 = arith.constant 0 : index
      %swap3A_775 = tpu.vector_load %arg39[%swap3A_773, %swap3A_774] {strides = array<i32>} : memref<16x32xf32, #tpu.memory_space<vmem>>, vector<16xf32>,
      tpu.vector_store %arg39[%swap3A_773, %swap3A_774], %gather3A_771 {strides = array<i32>} : memref<16x32xf32, #tpu.memory_space<vmem>>, vector<16xf32>,
      %add3A_776 = arith.constant 16 : i32
      %add3A_777 = vector.broadcast %add3A_776 : i32 to vector<16xi32>
      %add3A_778 = arith.addi %iota3A, %add3A_777 : vector<16xi32>
      %gather3A_779 = tpu.vector_load_idx %arg26[%add3A_778, %add3A_758] : memref<32x128xf32, #tpu.memory_space<vmem>>[vector<16xi32>, vector<16xi32>], vector<16xf32>,
      %swap3A_780 = arith.constant 0 : i32
      %swap3A_781 = arith.index_cast %swap3A_780 : i32 to index
      %swap3A_782 = arith.constant 16 : index
      %swap3A_783 = tpu.vector_load %arg39[%swap3A_781, %swap3A_782] {strides = array<i32>} : memref<16x32xf32, #tpu.memory_space<vmem>>, vector<16xf32>,
      tpu.vector_store %arg39[%swap3A_781, %swap3A_782], %gather3A_779 {strides = array<i32>} : memref<16x32xf32, #tpu.memory_space<vmem>>, vector<16xf32>,
      %slice3A_784 = vector.extract_strided_slice %mul3A_688 {offsets = [12], sizes = [1], strides = [1]} : vector<16xi32> to vector<1xi32>
      %squeeze3A_785 = vector.extract %slice3A_784[0] : i32 from vector<1xi32>
      %multiple_of3A_786 = tpu.assume_multiple %squeeze3A_785, 128 : i32
      %dma_start3A_787 = arith.constant 0 : i32
      %dma_start3A_788 = tpu.memref_slice %arg3[%dma_start3A_787, %multiple_of3A_786] : memref<32x1000000xf32, #tpu.memory_space<hbm>> -> memref<32x128xf32, #tpu.memory_space<hbm>>
      %dma_start3A_789 = arith.constant 0 : i32
      %dma_start3A_790 = tpu.memref_slice %arg3[%dma_start3A_789, %multiple_of3A_786] : memref<32x1000000xf32, #tpu.memory_space<hbm>> -> memref<32x128xf32, #tpu.memory_space<hbm>>
      tpu.enqueue_dma source(%dma_start3A_790 : memref<32x128xf32, #tpu.memory_space<hbm>>) target(%arg14 : memref<32x128xf32, #tpu.memory_space<vmem>>) target_semaphore(%arg48 : memref<!tpu.dma_semaphore, #tpu.memory_space<semaphore_mem>>)
      %dma_start3A_791 = arith.constant 0 : i32
      %dma_start3A_792 = tpu.memref_slice %arg4[%dma_start3A_791, %multiple_of3A_786] : memref<32x1000000xf32, #tpu.memory_space<hbm>> -> memref<32x128xf32, #tpu.memory_space<hbm>>
      %dma_start3A_793 = arith.constant 0 : i32
      %dma_start3A_794 = tpu.memref_slice %arg4[%dma_start3A_793, %multiple_of3A_786] : memref<32x1000000xf32, #tpu.memory_space<hbm>> -> memref<32x128xf32, #tpu.memory_space<hbm>>
      tpu.enqueue_dma source(%dma_start3A_794 : memref<32x128xf32, #tpu.memory_space<hbm>>) target(%arg26 : memref<32x128xf32, #tpu.memory_space<vmem>>) target_semaphore(%arg49 : memref<!tpu.dma_semaphore, #tpu.memory_space<semaphore_mem>>)
      %dma_wait3A_795 = arith.constant 0 : i32
      %dma_wait3A_796 = arith.constant 0 : i32
      %dma_wait3A_797 = tpu.memref_slice %arg3[%dma_wait3A_795, %dma_wait3A_796] : memref<32x1000000xf32, #tpu.memory_space<hbm>> -> memref<32x128xf32, #tpu.memory_space<hbm>>
      %dma_wait3A_798 = arith.constant 0 : i32
      %dma_wait3A_799 = arith.constant 0 : i32
      %dma_wait3A_800 = tpu.memref_slice %arg3[%dma_wait3A_798, %dma_wait3A_799] : memref<32x1000000xf32, #tpu.memory_space<hbm>> -> memref<32x128xf32, #tpu.memory_space<hbm>>
      tpu.wait_dma2 semaphore(%arg48 : memref<!tpu.dma_semaphore, #tpu.memory_space<semaphore_mem>>) src(%dma_wait3A_800 : memref<32x128xf32, #tpu.memory_space<hbm>>) dst(%arg15 : memref<32x128xf32, #tpu.memory_space<vmem>>)
      %dma_wait3A_801 = arith.constant 0 : i32
      %dma_wait3A_802 = arith.constant 0 : i32
      %dma_wait3A_803 = tpu.memref_slice %arg4[%dma_wait3A_801, %dma_wait3A_802] : memref<32x1000000xf32, #tpu.memory_space<hbm>> -> memref<32x128xf32, #tpu.memory_space<hbm>>
      %dma_wait3A_804 = arith.constant 0 : i32
      %dma_wait3A_805 = arith.constant 0 : i32
      %dma_wait3A_806 = tpu.memref_slice %arg4[%dma_wait3A_804, %dma_wait3A_805] : memref<32x1000000xf32, #tpu.memory_space<hbm>> -> memref<32x128xf32, #tpu.memory_space<hbm>>
      tpu.wait_dma2 semaphore(%arg49 : memref<!tpu.dma_semaphore, #tpu.memory_space<semaphore_mem>>) src(%dma_wait3A_806 : memref<32x128xf32, #tpu.memory_space<hbm>>) dst(%arg27 : memref<32x128xf32, #tpu.memory_space<vmem>>)
      %slice3A_807 = vector.extract_strided_slice %sub3A_689 {offsets = [1], sizes = [1], strides = [1]} : vector<16xi32> to vector<1xi32>
      %squeeze3A_808 = vector.extract %slice3A_807[0] : i32 from vector<1xi32>
      %add3A_809 = vector.broadcast %squeeze3A_808 : i32 to vector<16xi32>
      %add3A_810 = arith.addi %broadcast_in_dim3A_367, %add3A_809 : vector<16xi32>
      %gather3A_811 = tpu.vector_load_idx %arg15[%iota3A, %add3A_810] : memref<32x128xf32, #tpu.memory_space<vmem>>[vector<16xi32>, vector<16xi32>], vector<16xf32>,
      %swap3A_812 = arith.constant 1 : i32
      %swap3A_813 = arith.index_cast %swap3A_812 : i32 to index
      %swap3A_814 = arith.constant 0 : index
      %swap3A_815 = tpu.vector_load %arg38[%swap3A_813, %swap3A_814] {strides = array<i32>} : memref<16x32xf32, #tpu.memory_space<vmem>>, vector<16xf32>,
      tpu.vector_store %arg38[%swap3A_813, %swap3A_814], %gather3A_811 {strides = array<i32>} : memref<16x32xf32, #tpu.memory_space<vmem>>, vector<16xf32>,
      %add3A_816 = arith.constant 16 : i32
      %add3A_817 = vector.broadcast %add3A_816 : i32 to vector<16xi32>
      %add3A_818 = arith.addi %iota3A, %add3A_817 : vector<16xi32>
      %gather3A_819 = tpu.vector_load_idx %arg15[%add3A_818, %add3A_810] : memref<32x128xf32, #tpu.memory_space<vmem>>[vector<16xi32>, vector<16xi32>], vector<16xf32>,
      %swap3A_820 = arith.constant 1 : i32
      %swap3A_821 = arith.index_cast %swap3A_820 : i32 to index
      %swap3A_822 = arith.constant 16 : index
      %swap3A_823 = tpu.vector_load %arg38[%swap3A_821, %swap3A_822] {strides = array<i32>} : memref<16x32xf32, #tpu.memory_space<vmem>>, vector<16xf32>,
      tpu.vector_store %arg38[%swap3A_821, %swap3A_822], %gather3A_819 {strides = array<i32>} : memref<16x32xf32, #tpu.memory_space<vmem>>, vector<16xf32>,
      %gather3A_824 = tpu.vector_load_idx %arg27[%iota3A, %add3A_810] : memref<32x128xf32, #tpu.memory_space<vmem>>[vector<16xi32>, vector<16xi32>], vector<16xf32>,
      %swap3A_825 = arith.constant 1 : i32
      %swap3A_826 = arith.index_cast %swap3A_825 : i32 to index
      %swap3A_827 = arith.constant 0 : index
      %swap3A_828 = tpu.vector_load %arg39[%swap3A_826, %swap3A_827] {strides = array<i32>} : memref<16x32xf32, #tpu.memory_space<vmem>>, vector<16xf32>,
      tpu.vector_store %arg39[%swap3A_826, %swap3A_827], %gather3A_824 {strides = array<i32>} : memref<16x32xf32, #tpu.memory_space<vmem>>, vector<16xf32>,
      %add3A_829 = arith.constant 16 : i32
      %add3A_830 = vector.broadcast %add3A_829 : i32 to vector<16xi32>
      %add3A_831 = arith.addi %iota3A, %add3A_830 : vector<16xi32>
      %gather3A_832 = tpu.vector_load_idx %arg27[%add3A_831, %add3A_810] : memref<32x128xf32, #tpu.memory_space<vmem>>[vector<16xi32>, vector<16xi32>], vector<16xf32>,
      %swap3A_833 = arith.constant 1 : i32
      %swap3A_834 = arith.index_cast %swap3A_833 : i32 to index
      %swap3A_835 = arith.constant 16 : index
      %swap3A_836 = tpu.vector_load %arg39[%swap3A_834, %swap3A_835] {strides = array<i32>} : memref<16x32xf32, #tpu.memory_space<vmem>>, vector<16xf32>,
      tpu.vector_store %arg39[%swap3A_834, %swap3A_835], %gather3A_832 {strides = array<i32>} : memref<16x32xf32, #tpu.memory_space<vmem>>, vector<16xf32>,
      %slice3A_837 = vector.extract_strided_slice %mul3A_688 {offsets = [13], sizes = [1], strides = [1]} : vector<16xi32> to vector<1xi32>
      %squeeze3A_838 = vector.extract %slice3A_837[0] : i32 from vector<1xi32>
      %multiple_of3A_839 = tpu.assume_multiple %squeeze3A_838, 128 : i32
      %dma_start3A_840 = arith.constant 0 : i32
      %dma_start3A_841 = tpu.memref_slice %arg3[%dma_start3A_840, %multiple_of3A_839] : memref<32x1000000xf32, #tpu.memory_space<hbm>> -> memref<32x128xf32, #tpu.memory_space<hbm>>
      %dma_start3A_842 = arith.constant 0 : i32
      %dma_start3A_843 = tpu.memref_slice %arg3[%dma_start3A_842, %multiple_of3A_839] : memref<32x1000000xf32, #tpu.memory_space<hbm>> -> memref<32x128xf32, #tpu.memory_space<hbm>>
      tpu.enqueue_dma source(%dma_start3A_843 : memref<32x128xf32, #tpu.memory_space<hbm>>) target(%arg15 : memref<32x128xf32, #tpu.memory_space<vmem>>) target_semaphore(%arg48 : memref<!tpu.dma_semaphore, #tpu.memory_space<semaphore_mem>>)
      %dma_start3A_844 = arith.constant 0 : i32
      %dma_start3A_845 = tpu.memref_slice %arg4[%dma_start3A_844, %multiple_of3A_839] : memref<32x1000000xf32, #tpu.memory_space<hbm>> -> memref<32x128xf32, #tpu.memory_space<hbm>>
      %dma_start3A_846 = arith.constant 0 : i32
      %dma_start3A_847 = tpu.memref_slice %arg4[%dma_start3A_846, %multiple_of3A_839] : memref<32x1000000xf32, #tpu.memory_space<hbm>> -> memref<32x128xf32, #tpu.memory_space<hbm>>
      tpu.enqueue_dma source(%dma_start3A_847 : memref<32x128xf32, #tpu.memory_space<hbm>>) target(%arg27 : memref<32x128xf32, #tpu.memory_space<vmem>>) target_semaphore(%arg49 : memref<!tpu.dma_semaphore, #tpu.memory_space<semaphore_mem>>)
      %dma_wait3A_848 = arith.constant 0 : i32
      %dma_wait3A_849 = arith.constant 0 : i32
      %dma_wait3A_850 = tpu.memref_slice %arg3[%dma_wait3A_848, %dma_wait3A_849] : memref<32x1000000xf32, #tpu.memory_space<hbm>> -> memref<32x128xf32, #tpu.memory_space<hbm>>
      %dma_wait3A_851 = arith.constant 0 : i32
      %dma_wait3A_852 = arith.constant 0 : i32
      %dma_wait3A_853 = tpu.memref_slice %arg3[%dma_wait3A_851, %dma_wait3A_852] : memref<32x1000000xf32, #tpu.memory_space<hbm>> -> memref<32x128xf32, #tpu.memory_space<hbm>>
      tpu.wait_dma2 semaphore(%arg48 : memref<!tpu.dma_semaphore, #tpu.memory_space<semaphore_mem>>) src(%dma_wait3A_853 : memref<32x128xf32, #tpu.memory_space<hbm>>) dst(%arg16 : memref<32x128xf32, #tpu.memory_space<vmem>>)
      %dma_wait3A_854 = arith.constant 0 : i32
      %dma_wait3A_855 = arith.constant 0 : i32
      %dma_wait3A_856 = tpu.memref_slice %arg4[%dma_wait3A_854, %dma_wait3A_855] : memref<32x1000000xf32, #tpu.memory_space<hbm>> -> memref<32x128xf32, #tpu.memory_space<hbm>>
      %dma_wait3A_857 = arith.constant 0 : i32
      %dma_wait3A_858 = arith.constant 0 : i32
      %dma_wait3A_859 = tpu.memref_slice %arg4[%dma_wait3A_857, %dma_wait3A_858] : memref<32x1000000xf32, #tpu.memory_space<hbm>> -> memref<32x128xf32, #tpu.memory_space<hbm>>
      tpu.wait_dma2 semaphore(%arg49 : memref<!tpu.dma_semaphore, #tpu.memory_space<semaphore_mem>>) src(%dma_wait3A_859 : memref<32x128xf32, #tpu.memory_space<hbm>>) dst(%arg28 : memref<32x128xf32, #tpu.memory_space<vmem>>)
      %slice3A_860 = vector.extract_strided_slice %sub3A_689 {offsets = [2], sizes = [1], strides = [1]} : vector<16xi32> to vector<1xi32>
      %squeeze3A_861 = vector.extract %slice3A_860[0] : i32 from vector<1xi32>
      %add3A_862 = vector.broadcast %squeeze3A_861 : i32 to vector<16xi32>
      %add3A_863 = arith.addi %broadcast_in_dim3A_367, %add3A_862 : vector<16xi32>
      %gather3A_864 = tpu.vector_load_idx %arg16[%iota3A, %add3A_863] : memref<32x128xf32, #tpu.memory_space<vmem>>[vector<16xi32>, vector<16xi32>], vector<16xf32>,
      %swap3A_865 = arith.constant 2 : i32
      %swap3A_866 = arith.index_cast %swap3A_865 : i32 to index
      %swap3A_867 = arith.constant 0 : index
      %swap3A_868 = tpu.vector_load %arg38[%swap3A_866, %swap3A_867] {strides = array<i32>} : memref<16x32xf32, #tpu.memory_space<vmem>>, vector<16xf32>,
      tpu.vector_store %arg38[%swap3A_866, %swap3A_867], %gather3A_864 {strides = array<i32>} : memref<16x32xf32, #tpu.memory_space<vmem>>, vector<16xf32>,
      %add3A_869 = arith.constant 16 : i32
      %add3A_870 = vector.broadcast %add3A_869 : i32 to vector<16xi32>
      %add3A_871 = arith.addi %iota3A, %add3A_870 : vector<16xi32>
      %gather3A_872 = tpu.vector_load_idx %arg16[%add3A_871, %add3A_863] : memref<32x128xf32, #tpu.memory_space<vmem>>[vector<16xi32>, vector<16xi32>], vector<16xf32>,
      %swap3A_873 = arith.constant 2 : i32
      %swap3A_874 = arith.index_cast %swap3A_873 : i32 to index
      %swap3A_875 = arith.constant 16 : index
      %swap3A_876 = tpu.vector_load %arg38[%swap3A_874, %swap3A_875] {strides = array<i32>} : memref<16x32xf32, #tpu.memory_space<vmem>>, vector<16xf32>,
      tpu.vector_store %arg38[%swap3A_874, %swap3A_875], %gather3A_872 {strides = array<i32>} : memref<16x32xf32, #tpu.memory_space<vmem>>, vector<16xf32>,
      %gather3A_877 = tpu.vector_load_idx %arg28[%iota3A, %add3A_863] : memref<32x128xf32, #tpu.memory_space<vmem>>[vector<16xi32>, vector<16xi32>], vector<16xf32>,
      %swap3A_878 = arith.constant 2 : i32
      %swap3A_879 = arith.index_cast %swap3A_878 : i32 to index
      %swap3A_880 = arith.constant 0 : index
      %swap3A_881 = tpu.vector_load %arg39[%swap3A_879, %swap3A_880] {strides = array<i32>} : memref<16x32xf32, #tpu.memory_space<vmem>>, vector<16xf32>,
      tpu.vector_store %arg39[%swap3A_879, %swap3A_880], %gather3A_877 {strides = array<i32>} : memref<16x32xf32, #tpu.memory_space<vmem>>, vector<16xf32>,
      %add3A_882 = arith.constant 16 : i32
      %add3A_883 = vector.broadcast %add3A_882 : i32 to vector<16xi32>
      %add3A_884 = arith.addi %iota3A, %add3A_883 : vector<16xi32>
      %gather3A_885 = tpu.vector_load_idx %arg28[%add3A_884, %add3A_863] : memref<32x128xf32, #tpu.memory_space<vmem>>[vector<16xi32>, vector<16xi32>], vector<16xf32>,
      %swap3A_886 = arith.constant 2 : i32
      %swap3A_887 = arith.index_cast %swap3A_886 : i32 to index
      %swap3A_888 = arith.constant 16 : index
      %swap3A_889 = tpu.vector_load %arg39[%swap3A_887, %swap3A_888] {strides = array<i32>} : memref<16x32xf32, #tpu.memory_space<vmem>>, vector<16xf32>,
      tpu.vector_store %arg39[%swap3A_887, %swap3A_888], %gather3A_885 {strides = array<i32>} : memref<16x32xf32, #tpu.memory_space<vmem>>, vector<16xf32>,
      %slice3A_890 = vector.extract_strided_slice %mul3A_688 {offsets = [14], sizes = [1], strides = [1]} : vector<16xi32> to vector<1xi32>
      %squeeze3A_891 = vector.extract %slice3A_890[0] : i32 from vector<1xi32>
      %multiple_of3A_892 = tpu.assume_multiple %squeeze3A_891, 128 : i32
      %dma_start3A_893 = arith.constant 0 : i32
      %dma_start3A_894 = tpu.memref_slice %arg3[%dma_start3A_893, %multiple_of3A_892] : memref<32x1000000xf32, #tpu.memory_space<hbm>> -> memref<32x128xf32, #tpu.memory_space<hbm>>
      %dma_start3A_895 = arith.constant 0 : i32
      %dma_start3A_896 = tpu.memref_slice %arg3[%dma_start3A_895, %multiple_of3A_892] : memref<32x1000000xf32, #tpu.memory_space<hbm>> -> memref<32x128xf32, #tpu.memory_space<hbm>>
      tpu.enqueue_dma source(%dma_start3A_896 : memref<32x128xf32, #tpu.memory_space<hbm>>) target(%arg16 : memref<32x128xf32, #tpu.memory_space<vmem>>) target_semaphore(%arg48 : memref<!tpu.dma_semaphore, #tpu.memory_space<semaphore_mem>>)
      %dma_start3A_897 = arith.constant 0 : i32
      %dma_start3A_898 = tpu.memref_slice %arg4[%dma_start3A_897, %multiple_of3A_892] : memref<32x1000000xf32, #tpu.memory_space<hbm>> -> memref<32x128xf32, #tpu.memory_space<hbm>>
      %dma_start3A_899 = arith.constant 0 : i32
      %dma_start3A_900 = tpu.memref_slice %arg4[%dma_start3A_899, %multiple_of3A_892] : memref<32x1000000xf32, #tpu.memory_space<hbm>> -> memref<32x128xf32, #tpu.memory_space<hbm>>
      tpu.enqueue_dma source(%dma_start3A_900 : memref<32x128xf32, #tpu.memory_space<hbm>>) target(%arg28 : memref<32x128xf32, #tpu.memory_space<vmem>>) target_semaphore(%arg49 : memref<!tpu.dma_semaphore, #tpu.memory_space<semaphore_mem>>)
      %dma_wait3A_901 = arith.constant 0 : i32
      %dma_wait3A_902 = arith.constant 0 : i32
      %dma_wait3A_903 = tpu.memref_slice %arg3[%dma_wait3A_901, %dma_wait3A_902] : memref<32x1000000xf32, #tpu.memory_space<hbm>> -> memref<32x128xf32, #tpu.memory_space<hbm>>
      %dma_wait3A_904 = arith.constant 0 : i32
      %dma_wait3A_905 = arith.constant 0 : i32
      %dma_wait3A_906 = tpu.memref_slice %arg3[%dma_wait3A_904, %dma_wait3A_905] : memref<32x1000000xf32, #tpu.memory_space<hbm>> -> memref<32x128xf32, #tpu.memory_space<hbm>>
      tpu.wait_dma2 semaphore(%arg48 : memref<!tpu.dma_semaphore, #tpu.memory_space<semaphore_mem>>) src(%dma_wait3A_906 : memref<32x128xf32, #tpu.memory_space<hbm>>) dst(%arg17 : memref<32x128xf32, #tpu.memory_space<vmem>>)
      %dma_wait3A_907 = arith.constant 0 : i32
      %dma_wait3A_908 = arith.constant 0 : i32
      %dma_wait3A_909 = tpu.memref_slice %arg4[%dma_wait3A_907, %dma_wait3A_908] : memref<32x1000000xf32, #tpu.memory_space<hbm>> -> memref<32x128xf32, #tpu.memory_space<hbm>>
      %dma_wait3A_910 = arith.constant 0 : i32
      %dma_wait3A_911 = arith.constant 0 : i32
      %dma_wait3A_912 = tpu.memref_slice %arg4[%dma_wait3A_910, %dma_wait3A_911] : memref<32x1000000xf32, #tpu.memory_space<hbm>> -> memref<32x128xf32, #tpu.memory_space<hbm>>
      tpu.wait_dma2 semaphore(%arg49 : memref<!tpu.dma_semaphore, #tpu.memory_space<semaphore_mem>>) src(%dma_wait3A_912 : memref<32x128xf32, #tpu.memory_space<hbm>>) dst(%arg29 : memref<32x128xf32, #tpu.memory_space<vmem>>)
      %slice3A_913 = vector.extract_strided_slice %sub3A_689 {offsets = [3], sizes = [1], strides = [1]} : vector<16xi32> to vector<1xi32>
      %squeeze3A_914 = vector.extract %slice3A_913[0] : i32 from vector<1xi32>
      %add3A_915 = vector.broadcast %squeeze3A_914 : i32 to vector<16xi32>
      %add3A_916 = arith.addi %broadcast_in_dim3A_367, %add3A_915 : vector<16xi32>
      %gather3A_917 = tpu.vector_load_idx %arg17[%iota3A, %add3A_916] : memref<32x128xf32, #tpu.memory_space<vmem>>[vector<16xi32>, vector<16xi32>], vector<16xf32>,
      %swap3A_918 = arith.constant 3 : i32
      %swap3A_919 = arith.index_cast %swap3A_918 : i32 to index
      %swap3A_920 = arith.constant 0 : index
      %swap3A_921 = tpu.vector_load %arg38[%swap3A_919, %swap3A_920] {strides = array<i32>} : memref<16x32xf32, #tpu.memory_space<vmem>>, vector<16xf32>,
      tpu.vector_store %arg38[%swap3A_919, %swap3A_920], %gather3A_917 {strides = array<i32>} : memref<16x32xf32, #tpu.memory_space<vmem>>, vector<16xf32>,
      %add3A_922 = arith.constant 16 : i32
      %add3A_923 = vector.broadcast %add3A_922 : i32 to vector<16xi32>
      %add3A_924 = arith.addi %iota3A, %add3A_923 : vector<16xi32>
      %gather3A_925 = tpu.vector_load_idx %arg17[%add3A_924, %add3A_916] : memref<32x128xf32, #tpu.memory_space<vmem>>[vector<16xi32>, vector<16xi32>], vector<16xf32>,
      %swap3A_926 = arith.constant 3 : i32
      %swap3A_927 = arith.index_cast %swap3A_926 : i32 to index
      %swap3A_928 = arith.constant 16 : index
      %swap3A_929 = tpu.vector_load %arg38[%swap3A_927, %swap3A_928] {strides = array<i32>} : memref<16x32xf32, #tpu.memory_space<vmem>>, vector<16xf32>,
      tpu.vector_store %arg38[%swap3A_927, %swap3A_928], %gather3A_925 {strides = array<i32>} : memref<16x32xf32, #tpu.memory_space<vmem>>, vector<16xf32>,
      %gather3A_930 = tpu.vector_load_idx %arg29[%iota3A, %add3A_916] : memref<32x128xf32, #tpu.memory_space<vmem>>[vector<16xi32>, vector<16xi32>], vector<16xf32>,
      %swap3A_931 = arith.constant 3 : i32
      %swap3A_932 = arith.index_cast %swap3A_931 : i32 to index
      %swap3A_933 = arith.constant 0 : index
      %swap3A_934 = tpu.vector_load %arg39[%swap3A_932, %swap3A_933] {strides = array<i32>} : memref<16x32xf32, #tpu.memory_space<vmem>>, vector<16xf32>,
      tpu.vector_store %arg39[%swap3A_932, %swap3A_933], %gather3A_930 {strides = array<i32>} : memref<16x32xf32, #tpu.memory_space<vmem>>, vector<16xf32>,
      %add3A_935 = arith.constant 16 : i32
      %add3A_936 = vector.broadcast %add3A_935 : i32 to vector<16xi32>
      %add3A_937 = arith.addi %iota3A, %add3A_936 : vector<16xi32>
      %gather3A_938 = tpu.vector_load_idx %arg29[%add3A_937, %add3A_916] : memref<32x128xf32, #tpu.memory_space<vmem>>[vector<16xi32>, vector<16xi32>], vector<16xf32>,
      %swap3A_939 = arith.constant 3 : i32
      %swap3A_940 = arith.index_cast %swap3A_939 : i32 to index
      %swap3A_941 = arith.constant 16 : index
      %swap3A_942 = tpu.vector_load %arg39[%swap3A_940, %swap3A_941] {strides = array<i32>} : memref<16x32xf32, #tpu.memory_space<vmem>>, vector<16xf32>,
      tpu.vector_store %arg39[%swap3A_940, %swap3A_941], %gather3A_938 {strides = array<i32>} : memref<16x32xf32, #tpu.memory_space<vmem>>, vector<16xf32>,
      %slice3A_943 = vector.extract_strided_slice %mul3A_688 {offsets = [15], sizes = [1], strides = [1]} : vector<16xi32> to vector<1xi32>
      %squeeze3A_944 = vector.extract %slice3A_943[0] : i32 from vector<1xi32>
      %multiple_of3A_945 = tpu.assume_multiple %squeeze3A_944, 128 : i32
      %dma_start3A_946 = arith.constant 0 : i32
      %dma_start3A_947 = tpu.memref_slice %arg3[%dma_start3A_946, %multiple_of3A_945] : memref<32x1000000xf32, #tpu.memory_space<hbm>> -> memref<32x128xf32, #tpu.memory_space<hbm>>
      %dma_start3A_948 = arith.constant 0 : i32
      %dma_start3A_949 = tpu.memref_slice %arg3[%dma_start3A_948, %multiple_of3A_945] : memref<32x1000000xf32, #tpu.memory_space<hbm>> -> memref<32x128xf32, #tpu.memory_space<hbm>>
      tpu.enqueue_dma source(%dma_start3A_949 : memref<32x128xf32, #tpu.memory_space<hbm>>) target(%arg17 : memref<32x128xf32, #tpu.memory_space<vmem>>) target_semaphore(%arg48 : memref<!tpu.dma_semaphore, #tpu.memory_space<semaphore_mem>>)
      %dma_start3A_950 = arith.constant 0 : i32
      %dma_start3A_951 = tpu.memref_slice %arg4[%dma_start3A_950, %multiple_of3A_945] : memref<32x1000000xf32, #tpu.memory_space<hbm>> -> memref<32x128xf32, #tpu.memory_space<hbm>>
      %dma_start3A_952 = arith.constant 0 : i32
      %dma_start3A_953 = tpu.memref_slice %arg4[%dma_start3A_952, %multiple_of3A_945] : memref<32x1000000xf32, #tpu.memory_space<hbm>> -> memref<32x128xf32, #tpu.memory_space<hbm>>
      tpu.enqueue_dma source(%dma_start3A_953 : memref<32x128xf32, #tpu.memory_space<hbm>>) target(%arg29 : memref<32x128xf32, #tpu.memory_space<vmem>>) target_semaphore(%arg49 : memref<!tpu.dma_semaphore, #tpu.memory_space<semaphore_mem>>)
      %dma_wait3A_954 = arith.constant 0 : i32
      %dma_wait3A_955 = arith.constant 0 : i32
      %dma_wait3A_956 = tpu.memref_slice %arg3[%dma_wait3A_954, %dma_wait3A_955] : memref<32x1000000xf32, #tpu.memory_space<hbm>> -> memref<32x128xf32, #tpu.memory_space<hbm>>
      %dma_wait3A_957 = arith.constant 0 : i32
      %dma_wait3A_958 = arith.constant 0 : i32
      %dma_wait3A_959 = tpu.memref_slice %arg3[%dma_wait3A_957, %dma_wait3A_958] : memref<32x1000000xf32, #tpu.memory_space<hbm>> -> memref<32x128xf32, #tpu.memory_space<hbm>>
      tpu.wait_dma2 semaphore(%arg48 : memref<!tpu.dma_semaphore, #tpu.memory_space<semaphore_mem>>) src(%dma_wait3A_959 : memref<32x128xf32, #tpu.memory_space<hbm>>) dst(%arg18 : memref<32x128xf32, #tpu.memory_space<vmem>>)
      %dma_wait3A_960 = arith.constant 0 : i32
      %dma_wait3A_961 = arith.constant 0 : i32
      %dma_wait3A_962 = tpu.memref_slice %arg4[%dma_wait3A_960, %dma_wait3A_961] : memref<32x1000000xf32, #tpu.memory_space<hbm>> -> memref<32x128xf32, #tpu.memory_space<hbm>>
      %dma_wait3A_963 = arith.constant 0 : i32
      %dma_wait3A_964 = arith.constant 0 : i32
      %dma_wait3A_965 = tpu.memref_slice %arg4[%dma_wait3A_963, %dma_wait3A_964] : memref<32x1000000xf32, #tpu.memory_space<hbm>> -> memref<32x128xf32, #tpu.memory_space<hbm>>
      tpu.wait_dma2 semaphore(%arg49 : memref<!tpu.dma_semaphore, #tpu.memory_space<semaphore_mem>>) src(%dma_wait3A_965 : memref<32x128xf32, #tpu.memory_space<hbm>>) dst(%arg30 : memref<32x128xf32, #tpu.memory_space<vmem>>)
      %slice3A_966 = vector.extract_strided_slice %sub3A_689 {offsets = [4], sizes = [1], strides = [1]} : vector<16xi32> to vector<1xi32>
      %squeeze3A_967 = vector.extract %slice3A_966[0] : i32 from vector<1xi32>
      %add3A_968 = vector.broadcast %squeeze3A_967 : i32 to vector<16xi32>
      %add3A_969 = arith.addi %broadcast_in_dim3A_367, %add3A_968 : vector<16xi32>
      %gather3A_970 = tpu.vector_load_idx %arg18[%iota3A, %add3A_969] : memref<32x128xf32, #tpu.memory_space<vmem>>[vector<16xi32>, vector<16xi32>], vector<16xf32>,
      %swap3A_971 = arith.constant 4 : i32
      %swap3A_972 = arith.index_cast %swap3A_971 : i32 to index
      %swap3A_973 = arith.constant 0 : index
      %swap3A_974 = tpu.vector_load %arg38[%swap3A_972, %swap3A_973] {strides = array<i32>} : memref<16x32xf32, #tpu.memory_space<vmem>>, vector<16xf32>,
      tpu.vector_store %arg38[%swap3A_972, %swap3A_973], %gather3A_970 {strides = array<i32>} : memref<16x32xf32, #tpu.memory_space<vmem>>, vector<16xf32>,
      %add3A_975 = arith.constant 16 : i32
      %add3A_976 = vector.broadcast %add3A_975 : i32 to vector<16xi32>
      %add3A_977 = arith.addi %iota3A, %add3A_976 : vector<16xi32>
      %gather3A_978 = tpu.vector_load_idx %arg18[%add3A_977, %add3A_969] : memref<32x128xf32, #tpu.memory_space<vmem>>[vector<16xi32>, vector<16xi32>], vector<16xf32>,
      %swap3A_979 = arith.constant 4 : i32
      %swap3A_980 = arith.index_cast %swap3A_979 : i32 to index
      %swap3A_981 = arith.constant 16 : index
      %swap3A_982 = tpu.vector_load %arg38[%swap3A_980, %swap3A_981] {strides = array<i32>} : memref<16x32xf32, #tpu.memory_space<vmem>>, vector<16xf32>,
      tpu.vector_store %arg38[%swap3A_980, %swap3A_981], %gather3A_978 {strides = array<i32>} : memref<16x32xf32, #tpu.memory_space<vmem>>, vector<16xf32>,
      %gather3A_983 = tpu.vector_load_idx %arg30[%iota3A, %add3A_969] : memref<32x128xf32, #tpu.memory_space<vmem>>[vector<16xi32>, vector<16xi32>], vector<16xf32>,
      %swap3A_984 = arith.constant 4 : i32
      %swap3A_985 = arith.index_cast %swap3A_984 : i32 to index
      %swap3A_986 = arith.constant 0 : index
      %swap3A_987 = tpu.vector_load %arg39[%swap3A_985, %swap3A_986] {strides = array<i32>} : memref<16x32xf32, #tpu.memory_space<vmem>>, vector<16xf32>,
      tpu.vector_store %arg39[%swap3A_985, %swap3A_986], %gather3A_983 {strides = array<i32>} : memref<16x32xf32, #tpu.memory_space<vmem>>, vector<16xf32>,
      %add3A_988 = arith.constant 16 : i32
      %add3A_989 = vector.broadcast %add3A_988 : i32 to vector<16xi32>
      %add3A_990 = arith.addi %iota3A, %add3A_989 : vector<16xi32>
      %gather3A_991 = tpu.vector_load_idx %arg30[%add3A_990, %add3A_969] : memref<32x128xf32, #tpu.memory_space<vmem>>[vector<16xi32>, vector<16xi32>], vector<16xf32>,
      %swap3A_992 = arith.constant 4 : i32
      %swap3A_993 = arith.index_cast %swap3A_992 : i32 to index
      %swap3A_994 = arith.constant 16 : index
      %swap3A_995 = tpu.vector_load %arg39[%swap3A_993, %swap3A_994] {strides = array<i32>} : memref<16x32xf32, #tpu.memory_space<vmem>>, vector<16xf32>,
      tpu.vector_store %arg39[%swap3A_993, %swap3A_994], %gather3A_991 {strides = array<i32>} : memref<16x32xf32, #tpu.memory_space<vmem>>, vector<16xf32>,
      %slice3A_996 = vector.extract_strided_slice %mul3A_731 {offsets = [0], sizes = [1], strides = [1]} : vector<16xi32> to vector<1xi32>
      %squeeze3A_997 = vector.extract %slice3A_996[0] : i32 from vector<1xi32>
      %multiple_of3A_998 = tpu.assume_multiple %squeeze3A_997, 128 : i32
      %dma_start3A_999 = arith.constant 0 : i32
      %dma_start3A_1000 = tpu.memref_slice %arg3[%dma_start3A_999, %multiple_of3A_998] : memref<32x1000000xf32, #tpu.memory_space<hbm>> -> memref<32x128xf32, #tpu.memory_space<hbm>>
      %dma_start3A_1001 = arith.constant 0 : i32
      %dma_start3A_1002 = tpu.memref_slice %arg3[%dma_start3A_1001, %multiple_of3A_998] : memref<32x1000000xf32, #tpu.memory_space<hbm>> -> memref<32x128xf32, #tpu.memory_space<hbm>>
      tpu.enqueue_dma source(%dma_start3A_1002 : memref<32x128xf32, #tpu.memory_space<hbm>>) target(%arg18 : memref<32x128xf32, #tpu.memory_space<vmem>>) target_semaphore(%arg48 : memref<!tpu.dma_semaphore, #tpu.memory_space<semaphore_mem>>)
      %dma_start3A_1003 = arith.constant 0 : i32
      %dma_start3A_1004 = tpu.memref_slice %arg4[%dma_start3A_1003, %multiple_of3A_998] : memref<32x1000000xf32, #tpu.memory_space<hbm>> -> memref<32x128xf32, #tpu.memory_space<hbm>>
      %dma_start3A_1005 = arith.constant 0 : i32
      %dma_start3A_1006 = tpu.memref_slice %arg4[%dma_start3A_1005, %multiple_of3A_998] : memref<32x1000000xf32, #tpu.memory_space<hbm>> -> memref<32x128xf32, #tpu.memory_space<hbm>>
      tpu.enqueue_dma source(%dma_start3A_1006 : memref<32x128xf32, #tpu.memory_space<hbm>>) target(%arg30 : memref<32x128xf32, #tpu.memory_space<vmem>>) target_semaphore(%arg49 : memref<!tpu.dma_semaphore, #tpu.memory_space<semaphore_mem>>)
      %dma_wait3A_1007 = arith.constant 0 : i32
      %dma_wait3A_1008 = arith.constant 0 : i32
      %dma_wait3A_1009 = tpu.memref_slice %arg3[%dma_wait3A_1007, %dma_wait3A_1008] : memref<32x1000000xf32, #tpu.memory_space<hbm>> -> memref<32x128xf32, #tpu.memory_space<hbm>>
      %dma_wait3A_1010 = arith.constant 0 : i32
      %dma_wait3A_1011 = arith.constant 0 : i32
      %dma_wait3A_1012 = tpu.memref_slice %arg3[%dma_wait3A_1010, %dma_wait3A_1011] : memref<32x1000000xf32, #tpu.memory_space<hbm>> -> memref<32x128xf32, #tpu.memory_space<hbm>>
      tpu.wait_dma2 semaphore(%arg48 : memref<!tpu.dma_semaphore, #tpu.memory_space<semaphore_mem>>) src(%dma_wait3A_1012 : memref<32x128xf32, #tpu.memory_space<hbm>>) dst(%arg19 : memref<32x128xf32, #tpu.memory_space<vmem>>)
      %dma_wait3A_1013 = arith.constant 0 : i32
      %dma_wait3A_1014 = arith.constant 0 : i32
      %dma_wait3A_1015 = tpu.memref_slice %arg4[%dma_wait3A_1013, %dma_wait3A_1014] : memref<32x1000000xf32, #tpu.memory_space<hbm>> -> memref<32x128xf32, #tpu.memory_space<hbm>>
      %dma_wait3A_1016 = arith.constant 0 : i32
      %dma_wait3A_1017 = arith.constant 0 : i32
      %dma_wait3A_1018 = tpu.memref_slice %arg4[%dma_wait3A_1016, %dma_wait3A_1017] : memref<32x1000000xf32, #tpu.memory_space<hbm>> -> memref<32x128xf32, #tpu.memory_space<hbm>>
      tpu.wait_dma2 semaphore(%arg49 : memref<!tpu.dma_semaphore, #tpu.memory_space<semaphore_mem>>) src(%dma_wait3A_1018 : memref<32x128xf32, #tpu.memory_space<hbm>>) dst(%arg31 : memref<32x128xf32, #tpu.memory_space<vmem>>)
      %slice3A_1019 = vector.extract_strided_slice %sub3A_689 {offsets = [5], sizes = [1], strides = [1]} : vector<16xi32> to vector<1xi32>
      %squeeze3A_1020 = vector.extract %slice3A_1019[0] : i32 from vector<1xi32>
      %add3A_1021 = vector.broadcast %squeeze3A_1020 : i32 to vector<16xi32>
      %add3A_1022 = arith.addi %broadcast_in_dim3A_367, %add3A_1021 : vector<16xi32>
      %gather3A_1023 = tpu.vector_load_idx %arg19[%iota3A, %add3A_1022] : memref<32x128xf32, #tpu.memory_space<vmem>>[vector<16xi32>, vector<16xi32>], vector<16xf32>,
      %swap3A_1024 = arith.constant 5 : i32
      %swap3A_1025 = arith.index_cast %swap3A_1024 : i32 to index
      %swap3A_1026 = arith.constant 0 : index
      %swap3A_1027 = tpu.vector_load %arg38[%swap3A_1025, %swap3A_1026] {strides = array<i32>} : memref<16x32xf32, #tpu.memory_space<vmem>>, vector<16xf32>,
      tpu.vector_store %arg38[%swap3A_1025, %swap3A_1026], %gather3A_1023 {strides = array<i32>} : memref<16x32xf32, #tpu.memory_space<vmem>>, vector<16xf32>,
      %add3A_1028 = arith.constant 16 : i32
      %add3A_1029 = vector.broadcast %add3A_1028 : i32 to vector<16xi32>
      %add3A_1030 = arith.addi %iota3A, %add3A_1029 : vector<16xi32>
      %gather3A_1031 = tpu.vector_load_idx %arg19[%add3A_1030, %add3A_1022] : memref<32x128xf32, #tpu.memory_space<vmem>>[vector<16xi32>, vector<16xi32>], vector<16xf32>,
      %swap3A_1032 = arith.constant 5 : i32
      %swap3A_1033 = arith.index_cast %swap3A_1032 : i32 to index
      %swap3A_1034 = arith.constant 16 : index
      %swap3A_1035 = tpu.vector_load %arg38[%swap3A_1033, %swap3A_1034] {strides = array<i32>} : memref<16x32xf32, #tpu.memory_space<vmem>>, vector<16xf32>,
      tpu.vector_store %arg38[%swap3A_1033, %swap3A_1034], %gather3A_1031 {strides = array<i32>} : memref<16x32xf32, #tpu.memory_space<vmem>>, vector<16xf32>,
      %gather3A_1036 = tpu.vector_load_idx %arg31[%iota3A, %add3A_1022] : memref<32x128xf32, #tpu.memory_space<vmem>>[vector<16xi32>, vector<16xi32>], vector<16xf32>,
      %swap3A_1037 = arith.constant 5 : i32
      %swap3A_1038 = arith.index_cast %swap3A_1037 : i32 to index
      %swap3A_1039 = arith.constant 0 : index
      %swap3A_1040 = tpu.vector_load %arg39[%swap3A_1038, %swap3A_1039] {strides = array<i32>} : memref<16x32xf32, #tpu.memory_space<vmem>>, vector<16xf32>,
      tpu.vector_store %arg39[%swap3A_1038, %swap3A_1039], %gather3A_1036 {strides = array<i32>} : memref<16x32xf32, #tpu.memory_space<vmem>>, vector<16xf32>,
      %add3A_1041 = arith.constant 16 : i32
      %add3A_1042 = vector.broadcast %add3A_1041 : i32 to vector<16xi32>
      %add3A_1043 = arith.addi %iota3A, %add3A_1042 : vector<16xi32>
      %gather3A_1044 = tpu.vector_load_idx %arg31[%add3A_1043, %add3A_1022] : memref<32x128xf32, #tpu.memory_space<vmem>>[vector<16xi32>, vector<16xi32>], vector<16xf32>,
      %swap3A_1045 = arith.constant 5 : i32
      %swap3A_1046 = arith.index_cast %swap3A_1045 : i32 to index
      %swap3A_1047 = arith.constant 16 : index
      %swap3A_1048 = tpu.vector_load %arg39[%swap3A_1046, %swap3A_1047] {strides = array<i32>} : memref<16x32xf32, #tpu.memory_space<vmem>>, vector<16xf32>,
      tpu.vector_store %arg39[%swap3A_1046, %swap3A_1047], %gather3A_1044 {strides = array<i32>} : memref<16x32xf32, #tpu.memory_space<vmem>>, vector<16xf32>,
      %slice3A_1049 = vector.extract_strided_slice %mul3A_731 {offsets = [1], sizes = [1], strides = [1]} : vector<16xi32> to vector<1xi32>
      %squeeze3A_1050 = vector.extract %slice3A_1049[0] : i32 from vector<1xi32>
      %multiple_of3A_1051 = tpu.assume_multiple %squeeze3A_1050, 128 : i32
      %dma_start3A_1052 = arith.constant 0 : i32
      %dma_start3A_1053 = tpu.memref_slice %arg3[%dma_start3A_1052, %multiple_of3A_1051] : memref<32x1000000xf32, #tpu.memory_space<hbm>> -> memref<32x128xf32, #tpu.memory_space<hbm>>
      %dma_start3A_1054 = arith.constant 0 : i32
      %dma_start3A_1055 = tpu.memref_slice %arg3[%dma_start3A_1054, %multiple_of3A_1051] : memref<32x1000000xf32, #tpu.memory_space<hbm>> -> memref<32x128xf32, #tpu.memory_space<hbm>>
      tpu.enqueue_dma source(%dma_start3A_1055 : memref<32x128xf32, #tpu.memory_space<hbm>>) target(%arg19 : memref<32x128xf32, #tpu.memory_space<vmem>>) target_semaphore(%arg48 : memref<!tpu.dma_semaphore, #tpu.memory_space<semaphore_mem>>)
      %dma_start3A_1056 = arith.constant 0 : i32
      %dma_start3A_1057 = tpu.memref_slice %arg4[%dma_start3A_1056, %multiple_of3A_1051] : memref<32x1000000xf32, #tpu.memory_space<hbm>> -> memref<32x128xf32, #tpu.memory_space<hbm>>
      %dma_start3A_1058 = arith.constant 0 : i32
      %dma_start3A_1059 = tpu.memref_slice %arg4[%dma_start3A_1058, %multiple_of3A_1051] : memref<32x1000000xf32, #tpu.memory_space<hbm>> -> memref<32x128xf32, #tpu.memory_space<hbm>>
      tpu.enqueue_dma source(%dma_start3A_1059 : memref<32x128xf32, #tpu.memory_space<hbm>>) target(%arg31 : memref<32x128xf32, #tpu.memory_space<vmem>>) target_semaphore(%arg49 : memref<!tpu.dma_semaphore, #tpu.memory_space<semaphore_mem>>)
      %dma_wait3A_1060 = arith.constant 0 : i32
      %dma_wait3A_1061 = arith.constant 0 : i32
      %dma_wait3A_1062 = tpu.memref_slice %arg3[%dma_wait3A_1060, %dma_wait3A_1061] : memref<32x1000000xf32, #tpu.memory_space<hbm>> -> memref<32x128xf32, #tpu.memory_space<hbm>>
      %dma_wait3A_1063 = arith.constant 0 : i32
      %dma_wait3A_1064 = arith.constant 0 : i32
      %dma_wait3A_1065 = tpu.memref_slice %arg3[%dma_wait3A_1063, %dma_wait3A_1064] : memref<32x1000000xf32, #tpu.memory_space<hbm>> -> memref<32x128xf32, #tpu.memory_space<hbm>>
      tpu.wait_dma2 semaphore(%arg48 : memref<!tpu.dma_semaphore, #tpu.memory_space<semaphore_mem>>) src(%dma_wait3A_1065 : memref<32x128xf32, #tpu.memory_space<hbm>>) dst(%arg20 : memref<32x128xf32, #tpu.memory_space<vmem>>)
      %dma_wait3A_1066 = arith.constant 0 : i32
      %dma_wait3A_1067 = arith.constant 0 : i32
      %dma_wait3A_1068 = tpu.memref_slice %arg4[%dma_wait3A_1066, %dma_wait3A_1067] : memref<32x1000000xf32, #tpu.memory_space<hbm>> -> memref<32x128xf32, #tpu.memory_space<hbm>>
      %dma_wait3A_1069 = arith.constant 0 : i32
      %dma_wait3A_1070 = arith.constant 0 : i32
      %dma_wait3A_1071 = tpu.memref_slice %arg4[%dma_wait3A_1069, %dma_wait3A_1070] : memref<32x1000000xf32, #tpu.memory_space<hbm>> -> memref<32x128xf32, #tpu.memory_space<hbm>>
      tpu.wait_dma2 semaphore(%arg49 : memref<!tpu.dma_semaphore, #tpu.memory_space<semaphore_mem>>) src(%dma_wait3A_1071 : memref<32x128xf32, #tpu.memory_space<hbm>>) dst(%arg32 : memref<32x128xf32, #tpu.memory_space<vmem>>)
      %slice3A_1072 = vector.extract_strided_slice %sub3A_689 {offsets = [6], sizes = [1], strides = [1]} : vector<16xi32> to vector<1xi32>
      %squeeze3A_1073 = vector.extract %slice3A_1072[0] : i32 from vector<1xi32>
      %add3A_1074 = vector.broadcast %squeeze3A_1073 : i32 to vector<16xi32>
      %add3A_1075 = arith.addi %broadcast_in_dim3A_367, %add3A_1074 : vector<16xi32>
      %gather3A_1076 = tpu.vector_load_idx %arg20[%iota3A, %add3A_1075] : memref<32x128xf32, #tpu.memory_space<vmem>>[vector<16xi32>, vector<16xi32>], vector<16xf32>,
      %swap3A_1077 = arith.constant 6 : i32
      %swap3A_1078 = arith.index_cast %swap3A_1077 : i32 to index
      %swap3A_1079 = arith.constant 0 : index
      %swap3A_1080 = tpu.vector_load %arg38[%swap3A_1078, %swap3A_1079] {strides = array<i32>} : memref<16x32xf32, #tpu.memory_space<vmem>>, vector<16xf32>,
      tpu.vector_store %arg38[%swap3A_1078, %swap3A_1079], %gather3A_1076 {strides = array<i32>} : memref<16x32xf32, #tpu.memory_space<vmem>>, vector<16xf32>,
      %add3A_1081 = arith.constant 16 : i32
      %add3A_1082 = vector.broadcast %add3A_1081 : i32 to vector<16xi32>
      %add3A_1083 = arith.addi %iota3A, %add3A_1082 : vector<16xi32>
      %gather3A_1084 = tpu.vector_load_idx %arg20[%add3A_1083, %add3A_1075] : memref<32x128xf32, #tpu.memory_space<vmem>>[vector<16xi32>, vector<16xi32>], vector<16xf32>,
      %swap3A_1085 = arith.constant 6 : i32
      %swap3A_1086 = arith.index_cast %swap3A_1085 : i32 to index
      %swap3A_1087 = arith.constant 16 : index
      %swap3A_1088 = tpu.vector_load %arg38[%swap3A_1086, %swap3A_1087] {strides = array<i32>} : memref<16x32xf32, #tpu.memory_space<vmem>>, vector<16xf32>,
      tpu.vector_store %arg38[%swap3A_1086, %swap3A_1087], %gather3A_1084 {strides = array<i32>} : memref<16x32xf32, #tpu.memory_space<vmem>>, vector<16xf32>,
      %gather3A_1089 = tpu.vector_load_idx %arg32[%iota3A, %add3A_1075] : memref<32x128xf32, #tpu.memory_space<vmem>>[vector<16xi32>, vector<16xi32>], vector<16xf32>,
      %swap3A_1090 = arith.constant 6 : i32
      %swap3A_1091 = arith.index_cast %swap3A_1090 : i32 to index
      %swap3A_1092 = arith.constant 0 : index
      %swap3A_1093 = tpu.vector_load %arg39[%swap3A_1091, %swap3A_1092] {strides = array<i32>} : memref<16x32xf32, #tpu.memory_space<vmem>>, vector<16xf32>,
      tpu.vector_store %arg39[%swap3A_1091, %swap3A_1092], %gather3A_1089 {strides = array<i32>} : memref<16x32xf32, #tpu.memory_space<vmem>>, vector<16xf32>,
      %add3A_1094 = arith.constant 16 : i32
      %add3A_1095 = vector.broadcast %add3A_1094 : i32 to vector<16xi32>
      %add3A_1096 = arith.addi %iota3A, %add3A_1095 : vector<16xi32>
      %gather3A_1097 = tpu.vector_load_idx %arg32[%add3A_1096, %add3A_1075] : memref<32x128xf32, #tpu.memory_space<vmem>>[vector<16xi32>, vector<16xi32>], vector<16xf32>,
      %swap3A_1098 = arith.constant 6 : i32
      %swap3A_1099 = arith.index_cast %swap3A_1098 : i32 to index
      %swap3A_1100 = arith.constant 16 : index
      %swap3A_1101 = tpu.vector_load %arg39[%swap3A_1099, %swap3A_1100] {strides = array<i32>} : memref<16x32xf32, #tpu.memory_space<vmem>>, vector<16xf32>,
      tpu.vector_store %arg39[%swap3A_1099, %swap3A_1100], %gather3A_1097 {strides = array<i32>} : memref<16x32xf32, #tpu.memory_space<vmem>>, vector<16xf32>,
      %slice3A_1102 = vector.extract_strided_slice %mul3A_731 {offsets = [2], sizes = [1], strides = [1]} : vector<16xi32> to vector<1xi32>
      %squeeze3A_1103 = vector.extract %slice3A_1102[0] : i32 from vector<1xi32>
      %multiple_of3A_1104 = tpu.assume_multiple %squeeze3A_1103, 128 : i32
      %dma_start3A_1105 = arith.constant 0 : i32
      %dma_start3A_1106 = tpu.memref_slice %arg3[%dma_start3A_1105, %multiple_of3A_1104] : memref<32x1000000xf32, #tpu.memory_space<hbm>> -> memref<32x128xf32, #tpu.memory_space<hbm>>
      %dma_start3A_1107 = arith.constant 0 : i32
      %dma_start3A_1108 = tpu.memref_slice %arg3[%dma_start3A_1107, %multiple_of3A_1104] : memref<32x1000000xf32, #tpu.memory_space<hbm>> -> memref<32x128xf32, #tpu.memory_space<hbm>>
      tpu.enqueue_dma source(%dma_start3A_1108 : memref<32x128xf32, #tpu.memory_space<hbm>>) target(%arg20 : memref<32x128xf32, #tpu.memory_space<vmem>>) target_semaphore(%arg48 : memref<!tpu.dma_semaphore, #tpu.memory_space<semaphore_mem>>)
      %dma_start3A_1109 = arith.constant 0 : i32
      %dma_start3A_1110 = tpu.memref_slice %arg4[%dma_start3A_1109, %multiple_of3A_1104] : memref<32x1000000xf32, #tpu.memory_space<hbm>> -> memref<32x128xf32, #tpu.memory_space<hbm>>
      %dma_start3A_1111 = arith.constant 0 : i32
      %dma_start3A_1112 = tpu.memref_slice %arg4[%dma_start3A_1111, %multiple_of3A_1104] : memref<32x1000000xf32, #tpu.memory_space<hbm>> -> memref<32x128xf32, #tpu.memory_space<hbm>>
      tpu.enqueue_dma source(%dma_start3A_1112 : memref<32x128xf32, #tpu.memory_space<hbm>>) target(%arg32 : memref<32x128xf32, #tpu.memory_space<vmem>>) target_semaphore(%arg49 : memref<!tpu.dma_semaphore, #tpu.memory_space<semaphore_mem>>)
      %dma_wait3A_1113 = arith.constant 0 : i32
      %dma_wait3A_1114 = arith.constant 0 : i32
      %dma_wait3A_1115 = tpu.memref_slice %arg3[%dma_wait3A_1113, %dma_wait3A_1114] : memref<32x1000000xf32, #tpu.memory_space<hbm>> -> memref<32x128xf32, #tpu.memory_space<hbm>>
      %dma_wait3A_1116 = arith.constant 0 : i32
      %dma_wait3A_1117 = arith.constant 0 : i32
      %dma_wait3A_1118 = tpu.memref_slice %arg3[%dma_wait3A_1116, %dma_wait3A_1117] : memref<32x1000000xf32, #tpu.memory_space<hbm>> -> memref<32x128xf32, #tpu.memory_space<hbm>>
      tpu.wait_dma2 semaphore(%arg48 : memref<!tpu.dma_semaphore, #tpu.memory_space<semaphore_mem>>) src(%dma_wait3A_1118 : memref<32x128xf32, #tpu.memory_space<hbm>>) dst(%arg21 : memref<32x128xf32, #tpu.memory_space<vmem>>)
      %dma_wait3A_1119 = arith.constant 0 : i32
      %dma_wait3A_1120 = arith.constant 0 : i32
      %dma_wait3A_1121 = tpu.memref_slice %arg4[%dma_wait3A_1119, %dma_wait3A_1120] : memref<32x1000000xf32, #tpu.memory_space<hbm>> -> memref<32x128xf32, #tpu.memory_space<hbm>>
      %dma_wait3A_1122 = arith.constant 0 : i32
      %dma_wait3A_1123 = arith.constant 0 : i32
      %dma_wait3A_1124 = tpu.memref_slice %arg4[%dma_wait3A_1122, %dma_wait3A_1123] : memref<32x1000000xf32, #tpu.memory_space<hbm>> -> memref<32x128xf32, #tpu.memory_space<hbm>>
      tpu.wait_dma2 semaphore(%arg49 : memref<!tpu.dma_semaphore, #tpu.memory_space<semaphore_mem>>) src(%dma_wait3A_1124 : memref<32x128xf32, #tpu.memory_space<hbm>>) dst(%arg33 : memref<32x128xf32, #tpu.memory_space<vmem>>)
      %slice3A_1125 = vector.extract_strided_slice %sub3A_689 {offsets = [7], sizes = [1], strides = [1]} : vector<16xi32> to vector<1xi32>
      %squeeze3A_1126 = vector.extract %slice3A_1125[0] : i32 from vector<1xi32>
      %add3A_1127 = vector.broadcast %squeeze3A_1126 : i32 to vector<16xi32>
      %add3A_1128 = arith.addi %broadcast_in_dim3A_367, %add3A_1127 : vector<16xi32>
      %gather3A_1129 = tpu.vector_load_idx %arg21[%iota3A, %add3A_1128] : memref<32x128xf32, #tpu.memory_space<vmem>>[vector<16xi32>, vector<16xi32>], vector<16xf32>,
      %swap3A_1130 = arith.constant 7 : i32
      %swap3A_1131 = arith.index_cast %swap3A_1130 : i32 to index
      %swap3A_1132 = arith.constant 0 : index
      %swap3A_1133 = tpu.vector_load %arg38[%swap3A_1131, %swap3A_1132] {strides = array<i32>} : memref<16x32xf32, #tpu.memory_space<vmem>>, vector<16xf32>,
      tpu.vector_store %arg38[%swap3A_1131, %swap3A_1132], %gather3A_1129 {strides = array<i32>} : memref<16x32xf32, #tpu.memory_space<vmem>>, vector<16xf32>,
      %add3A_1134 = arith.constant 16 : i32
      %add3A_1135 = vector.broadcast %add3A_1134 : i32 to vector<16xi32>
      %add3A_1136 = arith.addi %iota3A, %add3A_1135 : vector<16xi32>
      %gather3A_1137 = tpu.vector_load_idx %arg21[%add3A_1136, %add3A_1128] : memref<32x128xf32, #tpu.memory_space<vmem>>[vector<16xi32>, vector<16xi32>], vector<16xf32>,
      %swap3A_1138 = arith.constant 7 : i32
      %swap3A_1139 = arith.index_cast %swap3A_1138 : i32 to index
      %swap3A_1140 = arith.constant 16 : index
      %swap3A_1141 = tpu.vector_load %arg38[%swap3A_1139, %swap3A_1140] {strides = array<i32>} : memref<16x32xf32, #tpu.memory_space<vmem>>, vector<16xf32>,
      tpu.vector_store %arg38[%swap3A_1139, %swap3A_1140], %gather3A_1137 {strides = array<i32>} : memref<16x32xf32, #tpu.memory_space<vmem>>, vector<16xf32>,
      %gather3A_1142 = tpu.vector_load_idx %arg33[%iota3A, %add3A_1128] : memref<32x128xf32, #tpu.memory_space<vmem>>[vector<16xi32>, vector<16xi32>], vector<16xf32>,
      %swap3A_1143 = arith.constant 7 : i32
      %swap3A_1144 = arith.index_cast %swap3A_1143 : i32 to index
      %swap3A_1145 = arith.constant 0 : index
      %swap3A_1146 = tpu.vector_load %arg39[%swap3A_1144, %swap3A_1145] {strides = array<i32>} : memref<16x32xf32, #tpu.memory_space<vmem>>, vector<16xf32>,
      tpu.vector_store %arg39[%swap3A_1144, %swap3A_1145], %gather3A_1142 {strides = array<i32>} : memref<16x32xf32, #tpu.memory_space<vmem>>, vector<16xf32>,
      %add3A_1147 = arith.constant 16 : i32
      %add3A_1148 = vector.broadcast %add3A_1147 : i32 to vector<16xi32>
      %add3A_1149 = arith.addi %iota3A, %add3A_1148 : vector<16xi32>
      %gather3A_1150 = tpu.vector_load_idx %arg33[%add3A_1149, %add3A_1128] : memref<32x128xf32, #tpu.memory_space<vmem>>[vector<16xi32>, vector<16xi32>], vector<16xf32>,
      %swap3A_1151 = arith.constant 7 : i32
      %swap3A_1152 = arith.index_cast %swap3A_1151 : i32 to index
      %swap3A_1153 = arith.constant 16 : index
      %swap3A_1154 = tpu.vector_load %arg39[%swap3A_1152, %swap3A_1153] {strides = array<i32>} : memref<16x32xf32, #tpu.memory_space<vmem>>, vector<16xf32>,
      tpu.vector_store %arg39[%swap3A_1152, %swap3A_1153], %gather3A_1150 {strides = array<i32>} : memref<16x32xf32, #tpu.memory_space<vmem>>, vector<16xf32>,
      %slice3A_1155 = vector.extract_strided_slice %mul3A_731 {offsets = [3], sizes = [1], strides = [1]} : vector<16xi32> to vector<1xi32>
      %squeeze3A_1156 = vector.extract %slice3A_1155[0] : i32 from vector<1xi32>
      %multiple_of3A_1157 = tpu.assume_multiple %squeeze3A_1156, 128 : i32
      %dma_start3A_1158 = arith.constant 0 : i32
      %dma_start3A_1159 = tpu.memref_slice %arg3[%dma_start3A_1158, %multiple_of3A_1157] : memref<32x1000000xf32, #tpu.memory_space<hbm>> -> memref<32x128xf32, #tpu.memory_space<hbm>>
      %dma_start3A_1160 = arith.constant 0 : i32
      %dma_start3A_1161 = tpu.memref_slice %arg3[%dma_start3A_1160, %multiple_of3A_1157] : memref<32x1000000xf32, #tpu.memory_space<hbm>> -> memref<32x128xf32, #tpu.memory_space<hbm>>
      tpu.enqueue_dma source(%dma_start3A_1161 : memref<32x128xf32, #tpu.memory_space<hbm>>) target(%arg21 : memref<32x128xf32, #tpu.memory_space<vmem>>) target_semaphore(%arg48 : memref<!tpu.dma_semaphore, #tpu.memory_space<semaphore_mem>>)
      %dma_start3A_1162 = arith.constant 0 : i32
      %dma_start3A_1163 = tpu.memref_slice %arg4[%dma_start3A_1162, %multiple_of3A_1157] : memref<32x1000000xf32, #tpu.memory_space<hbm>> -> memref<32x128xf32, #tpu.memory_space<hbm>>
      %dma_start3A_1164 = arith.constant 0 : i32
      %dma_start3A_1165 = tpu.memref_slice %arg4[%dma_start3A_1164, %multiple_of3A_1157] : memref<32x1000000xf32, #tpu.memory_space<hbm>> -> memref<32x128xf32, #tpu.memory_space<hbm>>
      tpu.enqueue_dma source(%dma_start3A_1165 : memref<32x128xf32, #tpu.memory_space<hbm>>) target(%arg33 : memref<32x128xf32, #tpu.memory_space<vmem>>) target_semaphore(%arg49 : memref<!tpu.dma_semaphore, #tpu.memory_space<semaphore_mem>>)
      %dma_wait3A_1166 = arith.constant 0 : i32
      %dma_wait3A_1167 = arith.constant 0 : i32
      %dma_wait3A_1168 = tpu.memref_slice %arg3[%dma_wait3A_1166, %dma_wait3A_1167] : memref<32x1000000xf32, #tpu.memory_space<hbm>> -> memref<32x128xf32, #tpu.memory_space<hbm>>
      %dma_wait3A_1169 = arith.constant 0 : i32
      %dma_wait3A_1170 = arith.constant 0 : i32
      %dma_wait3A_1171 = tpu.memref_slice %arg3[%dma_wait3A_1169, %dma_wait3A_1170] : memref<32x1000000xf32, #tpu.memory_space<hbm>> -> memref<32x128xf32, #tpu.memory_space<hbm>>
      tpu.wait_dma2 semaphore(%arg48 : memref<!tpu.dma_semaphore, #tpu.memory_space<semaphore_mem>>) src(%dma_wait3A_1171 : memref<32x128xf32, #tpu.memory_space<hbm>>) dst(%arg22 : memref<32x128xf32, #tpu.memory_space<vmem>>)
      %dma_wait3A_1172 = arith.constant 0 : i32
      %dma_wait3A_1173 = arith.constant 0 : i32
      %dma_wait3A_1174 = tpu.memref_slice %arg4[%dma_wait3A_1172, %dma_wait3A_1173] : memref<32x1000000xf32, #tpu.memory_space<hbm>> -> memref<32x128xf32, #tpu.memory_space<hbm>>
      %dma_wait3A_1175 = arith.constant 0 : i32
      %dma_wait3A_1176 = arith.constant 0 : i32
      %dma_wait3A_1177 = tpu.memref_slice %arg4[%dma_wait3A_1175, %dma_wait3A_1176] : memref<32x1000000xf32, #tpu.memory_space<hbm>> -> memref<32x128xf32, #tpu.memory_space<hbm>>
      tpu.wait_dma2 semaphore(%arg49 : memref<!tpu.dma_semaphore, #tpu.memory_space<semaphore_mem>>) src(%dma_wait3A_1177 : memref<32x128xf32, #tpu.memory_space<hbm>>) dst(%arg34 : memref<32x128xf32, #tpu.memory_space<vmem>>)
      %slice3A_1178 = vector.extract_strided_slice %sub3A_689 {offsets = [8], sizes = [1], strides = [1]} : vector<16xi32> to vector<1xi32>
      %squeeze3A_1179 = vector.extract %slice3A_1178[0] : i32 from vector<1xi32>
      %add3A_1180 = vector.broadcast %squeeze3A_1179 : i32 to vector<16xi32>
      %add3A_1181 = arith.addi %broadcast_in_dim3A_367, %add3A_1180 : vector<16xi32>
      %gather3A_1182 = tpu.vector_load_idx %arg22[%iota3A, %add3A_1181] : memref<32x128xf32, #tpu.memory_space<vmem>>[vector<16xi32>, vector<16xi32>], vector<16xf32>,
      %swap3A_1183 = arith.constant 8 : i32
      %swap3A_1184 = arith.index_cast %swap3A_1183 : i32 to index
      %swap3A_1185 = arith.constant 0 : index
      %swap3A_1186 = tpu.vector_load %arg38[%swap3A_1184, %swap3A_1185] {strides = array<i32>} : memref<16x32xf32, #tpu.memory_space<vmem>>, vector<16xf32>,
      tpu.vector_store %arg38[%swap3A_1184, %swap3A_1185], %gather3A_1182 {strides = array<i32>} : memref<16x32xf32, #tpu.memory_space<vmem>>, vector<16xf32>,
      %add3A_1187 = arith.constant 16 : i32
      %add3A_1188 = vector.broadcast %add3A_1187 : i32 to vector<16xi32>
      %add3A_1189 = arith.addi %iota3A, %add3A_1188 : vector<16xi32>
      %gather3A_1190 = tpu.vector_load_idx %arg22[%add3A_1189, %add3A_1181] : memref<32x128xf32, #tpu.memory_space<vmem>>[vector<16xi32>, vector<16xi32>], vector<16xf32>,
      %swap3A_1191 = arith.constant 8 : i32
      %swap3A_1192 = arith.index_cast %swap3A_1191 : i32 to index
      %swap3A_1193 = arith.constant 16 : index
      %swap3A_1194 = tpu.vector_load %arg38[%swap3A_1192, %swap3A_1193] {strides = array<i32>} : memref<16x32xf32, #tpu.memory_space<vmem>>, vector<16xf32>,
      tpu.vector_store %arg38[%swap3A_1192, %swap3A_1193], %gather3A_1190 {strides = array<i32>} : memref<16x32xf32, #tpu.memory_space<vmem>>, vector<16xf32>,
      %gather3A_1195 = tpu.vector_load_idx %arg34[%iota3A, %add3A_1181] : memref<32x128xf32, #tpu.memory_space<vmem>>[vector<16xi32>, vector<16xi32>], vector<16xf32>,
      %swap3A_1196 = arith.constant 8 : i32
      %swap3A_1197 = arith.index_cast %swap3A_1196 : i32 to index
      %swap3A_1198 = arith.constant 0 : index
      %swap3A_1199 = tpu.vector_load %arg39[%swap3A_1197, %swap3A_1198] {strides = array<i32>} : memref<16x32xf32, #tpu.memory_space<vmem>>, vector<16xf32>,
      tpu.vector_store %arg39[%swap3A_1197, %swap3A_1198], %gather3A_1195 {strides = array<i32>} : memref<16x32xf32, #tpu.memory_space<vmem>>, vector<16xf32>,
      %add3A_1200 = arith.constant 16 : i32
      %add3A_1201 = vector.broadcast %add3A_1200 : i32 to vector<16xi32>
      %add3A_1202 = arith.addi %iota3A, %add3A_1201 : vector<16xi32>
      %gather3A_1203 = tpu.vector_load_idx %arg34[%add3A_1202, %add3A_1181] : memref<32x128xf32, #tpu.memory_space<vmem>>[vector<16xi32>, vector<16xi32>], vector<16xf32>,
      %swap3A_1204 = arith.constant 8 : i32
      %swap3A_1205 = arith.index_cast %swap3A_1204 : i32 to index
      %swap3A_1206 = arith.constant 16 : index
      %swap3A_1207 = tpu.vector_load %arg39[%swap3A_1205, %swap3A_1206] {strides = array<i32>} : memref<16x32xf32, #tpu.memory_space<vmem>>, vector<16xf32>,
      tpu.vector_store %arg39[%swap3A_1205, %swap3A_1206], %gather3A_1203 {strides = array<i32>} : memref<16x32xf32, #tpu.memory_space<vmem>>, vector<16xf32>,
      %slice3A_1208 = vector.extract_strided_slice %mul3A_731 {offsets = [4], sizes = [1], strides = [1]} : vector<16xi32> to vector<1xi32>
      %squeeze3A_1209 = vector.extract %slice3A_1208[0] : i32 from vector<1xi32>
      %multiple_of3A_1210 = tpu.assume_multiple %squeeze3A_1209, 128 : i32
      %dma_start3A_1211 = arith.constant 0 : i32
      %dma_start3A_1212 = tpu.memref_slice %arg3[%dma_start3A_1211, %multiple_of3A_1210] : memref<32x1000000xf32, #tpu.memory_space<hbm>> -> memref<32x128xf32, #tpu.memory_space<hbm>>
      %dma_start3A_1213 = arith.constant 0 : i32
      %dma_start3A_1214 = tpu.memref_slice %arg3[%dma_start3A_1213, %multiple_of3A_1210] : memref<32x1000000xf32, #tpu.memory_space<hbm>> -> memref<32x128xf32, #tpu.memory_space<hbm>>
      tpu.enqueue_dma source(%dma_start3A_1214 : memref<32x128xf32, #tpu.memory_space<hbm>>) target(%arg22 : memref<32x128xf32, #tpu.memory_space<vmem>>) target_semaphore(%arg48 : memref<!tpu.dma_semaphore, #tpu.memory_space<semaphore_mem>>)
      %dma_start3A_1215 = arith.constant 0 : i32
      %dma_start3A_1216 = tpu.memref_slice %arg4[%dma_start3A_1215, %multiple_of3A_1210] : memref<32x1000000xf32, #tpu.memory_space<hbm>> -> memref<32x128xf32, #tpu.memory_space<hbm>>
      %dma_start3A_1217 = arith.constant 0 : i32
      %dma_start3A_1218 = tpu.memref_slice %arg4[%dma_start3A_1217, %multiple_of3A_1210] : memref<32x1000000xf32, #tpu.memory_space<hbm>> -> memref<32x128xf32, #tpu.memory_space<hbm>>
      tpu.enqueue_dma source(%dma_start3A_1218 : memref<32x128xf32, #tpu.memory_space<hbm>>) target(%arg34 : memref<32x128xf32, #tpu.memory_space<vmem>>) target_semaphore(%arg49 : memref<!tpu.dma_semaphore, #tpu.memory_space<semaphore_mem>>)
      %dma_wait3A_1219 = arith.constant 0 : i32
      %dma_wait3A_1220 = arith.constant 0 : i32
      %dma_wait3A_1221 = tpu.memref_slice %arg3[%dma_wait3A_1219, %dma_wait3A_1220] : memref<32x1000000xf32, #tpu.memory_space<hbm>> -> memref<32x128xf32, #tpu.memory_space<hbm>>
      %dma_wait3A_1222 = arith.constant 0 : i32
      %dma_wait3A_1223 = arith.constant 0 : i32
      %dma_wait3A_1224 = tpu.memref_slice %arg3[%dma_wait3A_1222, %dma_wait3A_1223] : memref<32x1000000xf32, #tpu.memory_space<hbm>> -> memref<32x128xf32, #tpu.memory_space<hbm>>
      tpu.wait_dma2 semaphore(%arg48 : memref<!tpu.dma_semaphore, #tpu.memory_space<semaphore_mem>>) src(%dma_wait3A_1224 : memref<32x128xf32, #tpu.memory_space<hbm>>) dst(%arg23 : memref<32x128xf32, #tpu.memory_space<vmem>>)
      %dma_wait3A_1225 = arith.constant 0 : i32
      %dma_wait3A_1226 = arith.constant 0 : i32
      %dma_wait3A_1227 = tpu.memref_slice %arg4[%dma_wait3A_1225, %dma_wait3A_1226] : memref<32x1000000xf32, #tpu.memory_space<hbm>> -> memref<32x128xf32, #tpu.memory_space<hbm>>
      %dma_wait3A_1228 = arith.constant 0 : i32
      %dma_wait3A_1229 = arith.constant 0 : i32
      %dma_wait3A_1230 = tpu.memref_slice %arg4[%dma_wait3A_1228, %dma_wait3A_1229] : memref<32x1000000xf32, #tpu.memory_space<hbm>> -> memref<32x128xf32, #tpu.memory_space<hbm>>
      tpu.wait_dma2 semaphore(%arg49 : memref<!tpu.dma_semaphore, #tpu.memory_space<semaphore_mem>>) src(%dma_wait3A_1230 : memref<32x128xf32, #tpu.memory_space<hbm>>) dst(%arg35 : memref<32x128xf32, #tpu.memory_space<vmem>>)
      %slice3A_1231 = vector.extract_strided_slice %sub3A_689 {offsets = [9], sizes = [1], strides = [1]} : vector<16xi32> to vector<1xi32>
      %squeeze3A_1232 = vector.extract %slice3A_1231[0] : i32 from vector<1xi32>
      %add3A_1233 = vector.broadcast %squeeze3A_1232 : i32 to vector<16xi32>
      %add3A_1234 = arith.addi %broadcast_in_dim3A_367, %add3A_1233 : vector<16xi32>
      %gather3A_1235 = tpu.vector_load_idx %arg23[%iota3A, %add3A_1234] : memref<32x128xf32, #tpu.memory_space<vmem>>[vector<16xi32>, vector<16xi32>], vector<16xf32>,
      %swap3A_1236 = arith.constant 9 : i32
      %swap3A_1237 = arith.index_cast %swap3A_1236 : i32 to index
      %swap3A_1238 = arith.constant 0 : index
      %swap3A_1239 = tpu.vector_load %arg38[%swap3A_1237, %swap3A_1238] {strides = array<i32>} : memref<16x32xf32, #tpu.memory_space<vmem>>, vector<16xf32>,
      tpu.vector_store %arg38[%swap3A_1237, %swap3A_1238], %gather3A_1235 {strides = array<i32>} : memref<16x32xf32, #tpu.memory_space<vmem>>, vector<16xf32>,
      %add3A_1240 = arith.constant 16 : i32
      %add3A_1241 = vector.broadcast %add3A_1240 : i32 to vector<16xi32>
      %add3A_1242 = arith.addi %iota3A, %add3A_1241 : vector<16xi32>
      %gather3A_1243 = tpu.vector_load_idx %arg23[%add3A_1242, %add3A_1234] : memref<32x128xf32, #tpu.memory_space<vmem>>[vector<16xi32>, vector<16xi32>], vector<16xf32>,
      %swap3A_1244 = arith.constant 9 : i32
      %swap3A_1245 = arith.index_cast %swap3A_1244 : i32 to index
      %swap3A_1246 = arith.constant 16 : index
      %swap3A_1247 = tpu.vector_load %arg38[%swap3A_1245, %swap3A_1246] {strides = array<i32>} : memref<16x32xf32, #tpu.memory_space<vmem>>, vector<16xf32>,
      tpu.vector_store %arg38[%swap3A_1245, %swap3A_1246], %gather3A_1243 {strides = array<i32>} : memref<16x32xf32, #tpu.memory_space<vmem>>, vector<16xf32>,
      %gather3A_1248 = tpu.vector_load_idx %arg35[%iota3A, %add3A_1234] : memref<32x128xf32, #tpu.memory_space<vmem>>[vector<16xi32>, vector<16xi32>], vector<16xf32>,
      %swap3A_1249 = arith.constant 9 : i32
      %swap3A_1250 = arith.index_cast %swap3A_1249 : i32 to index
      %swap3A_1251 = arith.constant 0 : index
      %swap3A_1252 = tpu.vector_load %arg39[%swap3A_1250, %swap3A_1251] {strides = array<i32>} : memref<16x32xf32, #tpu.memory_space<vmem>>, vector<16xf32>,
      tpu.vector_store %arg39[%swap3A_1250, %swap3A_1251], %gather3A_1248 {strides = array<i32>} : memref<16x32xf32, #tpu.memory_space<vmem>>, vector<16xf32>,
      %add3A_1253 = arith.constant 16 : i32
      %add3A_1254 = vector.broadcast %add3A_1253 : i32 to vector<16xi32>
      %add3A_1255 = arith.addi %iota3A, %add3A_1254 : vector<16xi32>
      %gather3A_1256 = tpu.vector_load_idx %arg35[%add3A_1255, %add3A_1234] : memref<32x128xf32, #tpu.memory_space<vmem>>[vector<16xi32>, vector<16xi32>], vector<16xf32>,
      %swap3A_1257 = arith.constant 9 : i32
      %swap3A_1258 = arith.index_cast %swap3A_1257 : i32 to index
      %swap3A_1259 = arith.constant 16 : index
      %swap3A_1260 = tpu.vector_load %arg39[%swap3A_1258, %swap3A_1259] {strides = array<i32>} : memref<16x32xf32, #tpu.memory_space<vmem>>, vector<16xf32>,
      tpu.vector_store %arg39[%swap3A_1258, %swap3A_1259], %gather3A_1256 {strides = array<i32>} : memref<16x32xf32, #tpu.memory_space<vmem>>, vector<16xf32>,
      %slice3A_1261 = vector.extract_strided_slice %mul3A_731 {offsets = [5], sizes = [1], strides = [1]} : vector<16xi32> to vector<1xi32>
      %squeeze3A_1262 = vector.extract %slice3A_1261[0] : i32 from vector<1xi32>
      %multiple_of3A_1263 = tpu.assume_multiple %squeeze3A_1262, 128 : i32
      %dma_start3A_1264 = arith.constant 0 : i32
      %dma_start3A_1265 = tpu.memref_slice %arg3[%dma_start3A_1264, %multiple_of3A_1263] : memref<32x1000000xf32, #tpu.memory_space<hbm>> -> memref<32x128xf32, #tpu.memory_space<hbm>>
      %dma_start3A_1266 = arith.constant 0 : i32
      %dma_start3A_1267 = tpu.memref_slice %arg3[%dma_start3A_1266, %multiple_of3A_1263] : memref<32x1000000xf32, #tpu.memory_space<hbm>> -> memref<32x128xf32, #tpu.memory_space<hbm>>
      tpu.enqueue_dma source(%dma_start3A_1267 : memref<32x128xf32, #tpu.memory_space<hbm>>) target(%arg23 : memref<32x128xf32, #tpu.memory_space<vmem>>) target_semaphore(%arg48 : memref<!tpu.dma_semaphore, #tpu.memory_space<semaphore_mem>>)
      %dma_start3A_1268 = arith.constant 0 : i32
      %dma_start3A_1269 = tpu.memref_slice %arg4[%dma_start3A_1268, %multiple_of3A_1263] : memref<32x1000000xf32, #tpu.memory_space<hbm>> -> memref<32x128xf32, #tpu.memory_space<hbm>>
      %dma_start3A_1270 = arith.constant 0 : i32
      %dma_start3A_1271 = tpu.memref_slice %arg4[%dma_start3A_1270, %multiple_of3A_1263] : memref<32x1000000xf32, #tpu.memory_space<hbm>> -> memref<32x128xf32, #tpu.memory_space<hbm>>
      tpu.enqueue_dma source(%dma_start3A_1271 : memref<32x128xf32, #tpu.memory_space<hbm>>) target(%arg35 : memref<32x128xf32, #tpu.memory_space<vmem>>) target_semaphore(%arg49 : memref<!tpu.dma_semaphore, #tpu.memory_space<semaphore_mem>>)
      %dma_wait3A_1272 = arith.constant 0 : i32
      %dma_wait3A_1273 = arith.constant 0 : i32
      %dma_wait3A_1274 = tpu.memref_slice %arg3[%dma_wait3A_1272, %dma_wait3A_1273] : memref<32x1000000xf32, #tpu.memory_space<hbm>> -> memref<32x128xf32, #tpu.memory_space<hbm>>
      %dma_wait3A_1275 = arith.constant 0 : i32
      %dma_wait3A_1276 = arith.constant 0 : i32
      %dma_wait3A_1277 = tpu.memref_slice %arg3[%dma_wait3A_1275, %dma_wait3A_1276] : memref<32x1000000xf32, #tpu.memory_space<hbm>> -> memref<32x128xf32, #tpu.memory_space<hbm>>
      tpu.wait_dma2 semaphore(%arg48 : memref<!tpu.dma_semaphore, #tpu.memory_space<semaphore_mem>>) src(%dma_wait3A_1277 : memref<32x128xf32, #tpu.memory_space<hbm>>) dst(%arg24 : memref<32x128xf32, #tpu.memory_space<vmem>>)
      %dma_wait3A_1278 = arith.constant 0 : i32
      %dma_wait3A_1279 = arith.constant 0 : i32
      %dma_wait3A_1280 = tpu.memref_slice %arg4[%dma_wait3A_1278, %dma_wait3A_1279] : memref<32x1000000xf32, #tpu.memory_space<hbm>> -> memref<32x128xf32, #tpu.memory_space<hbm>>
      %dma_wait3A_1281 = arith.constant 0 : i32
      %dma_wait3A_1282 = arith.constant 0 : i32
      %dma_wait3A_1283 = tpu.memref_slice %arg4[%dma_wait3A_1281, %dma_wait3A_1282] : memref<32x1000000xf32, #tpu.memory_space<hbm>> -> memref<32x128xf32, #tpu.memory_space<hbm>>
      tpu.wait_dma2 semaphore(%arg49 : memref<!tpu.dma_semaphore, #tpu.memory_space<semaphore_mem>>) src(%dma_wait3A_1283 : memref<32x128xf32, #tpu.memory_space<hbm>>) dst(%arg36 : memref<32x128xf32, #tpu.memory_space<vmem>>)
      %slice3A_1284 = vector.extract_strided_slice %sub3A_689 {offsets = [10], sizes = [1], strides = [1]} : vector<16xi32> to vector<1xi32>
      %squeeze3A_1285 = vector.extract %slice3A_1284[0] : i32 from vector<1xi32>
      %add3A_1286 = vector.broadcast %squeeze3A_1285 : i32 to vector<16xi32>
      %add3A_1287 = arith.addi %broadcast_in_dim3A_367, %add3A_1286 : vector<16xi32>
      %gather3A_1288 = tpu.vector_load_idx %arg24[%iota3A, %add3A_1287] : memref<32x128xf32, #tpu.memory_space<vmem>>[vector<16xi32>, vector<16xi32>], vector<16xf32>,
      %swap3A_1289 = arith.constant 10 : i32
      %swap3A_1290 = arith.index_cast %swap3A_1289 : i32 to index
      %swap3A_1291 = arith.constant 0 : index
      %swap3A_1292 = tpu.vector_load %arg38[%swap3A_1290, %swap3A_1291] {strides = array<i32>} : memref<16x32xf32, #tpu.memory_space<vmem>>, vector<16xf32>,
      tpu.vector_store %arg38[%swap3A_1290, %swap3A_1291], %gather3A_1288 {strides = array<i32>} : memref<16x32xf32, #tpu.memory_space<vmem>>, vector<16xf32>,
      %add3A_1293 = arith.constant 16 : i32
      %add3A_1294 = vector.broadcast %add3A_1293 : i32 to vector<16xi32>
      %add3A_1295 = arith.addi %iota3A, %add3A_1294 : vector<16xi32>
      %gather3A_1296 = tpu.vector_load_idx %arg24[%add3A_1295, %add3A_1287] : memref<32x128xf32, #tpu.memory_space<vmem>>[vector<16xi32>, vector<16xi32>], vector<16xf32>,
      %swap3A_1297 = arith.constant 10 : i32
      %swap3A_1298 = arith.index_cast %swap3A_1297 : i32 to index
      %swap3A_1299 = arith.constant 16 : index
      %swap3A_1300 = tpu.vector_load %arg38[%swap3A_1298, %swap3A_1299] {strides = array<i32>} : memref<16x32xf32, #tpu.memory_space<vmem>>, vector<16xf32>,
      tpu.vector_store %arg38[%swap3A_1298, %swap3A_1299], %gather3A_1296 {strides = array<i32>} : memref<16x32xf32, #tpu.memory_space<vmem>>, vector<16xf32>,
      %gather3A_1301 = tpu.vector_load_idx %arg36[%iota3A, %add3A_1287] : memref<32x128xf32, #tpu.memory_space<vmem>>[vector<16xi32>, vector<16xi32>], vector<16xf32>,
      %swap3A_1302 = arith.constant 10 : i32
      %swap3A_1303 = arith.index_cast %swap3A_1302 : i32 to index
      %swap3A_1304 = arith.constant 0 : index
      %swap3A_1305 = tpu.vector_load %arg39[%swap3A_1303, %swap3A_1304] {strides = array<i32>} : memref<16x32xf32, #tpu.memory_space<vmem>>, vector<16xf32>,
      tpu.vector_store %arg39[%swap3A_1303, %swap3A_1304], %gather3A_1301 {strides = array<i32>} : memref<16x32xf32, #tpu.memory_space<vmem>>, vector<16xf32>,
      %add3A_1306 = arith.constant 16 : i32
      %add3A_1307 = vector.broadcast %add3A_1306 : i32 to vector<16xi32>
      %add3A_1308 = arith.addi %iota3A, %add3A_1307 : vector<16xi32>
      %gather3A_1309 = tpu.vector_load_idx %arg36[%add3A_1308, %add3A_1287] : memref<32x128xf32, #tpu.memory_space<vmem>>[vector<16xi32>, vector<16xi32>], vector<16xf32>,
      %swap3A_1310 = arith.constant 10 : i32
      %swap3A_1311 = arith.index_cast %swap3A_1310 : i32 to index
      %swap3A_1312 = arith.constant 16 : index
      %swap3A_1313 = tpu.vector_load %arg39[%swap3A_1311, %swap3A_1312] {strides = array<i32>} : memref<16x32xf32, #tpu.memory_space<vmem>>, vector<16xf32>,
      tpu.vector_store %arg39[%swap3A_1311, %swap3A_1312], %gather3A_1309 {strides = array<i32>} : memref<16x32xf32, #tpu.memory_space<vmem>>, vector<16xf32>,
      %slice3A_1314 = vector.extract_strided_slice %mul3A_731 {offsets = [6], sizes = [1], strides = [1]} : vector<16xi32> to vector<1xi32>
      %squeeze3A_1315 = vector.extract %slice3A_1314[0] : i32 from vector<1xi32>
      %multiple_of3A_1316 = tpu.assume_multiple %squeeze3A_1315, 128 : i32
      %dma_start3A_1317 = arith.constant 0 : i32
      %dma_start3A_1318 = tpu.memref_slice %arg3[%dma_start3A_1317, %multiple_of3A_1316] : memref<32x1000000xf32, #tpu.memory_space<hbm>> -> memref<32x128xf32, #tpu.memory_space<hbm>>
      %dma_start3A_1319 = arith.constant 0 : i32
      %dma_start3A_1320 = tpu.memref_slice %arg3[%dma_start3A_1319, %multiple_of3A_1316] : memref<32x1000000xf32, #tpu.memory_space<hbm>> -> memref<32x128xf32, #tpu.memory_space<hbm>>
      tpu.enqueue_dma source(%dma_start3A_1320 : memref<32x128xf32, #tpu.memory_space<hbm>>) target(%arg24 : memref<32x128xf32, #tpu.memory_space<vmem>>) target_semaphore(%arg48 : memref<!tpu.dma_semaphore, #tpu.memory_space<semaphore_mem>>)
      %dma_start3A_1321 = arith.constant 0 : i32
      %dma_start3A_1322 = tpu.memref_slice %arg4[%dma_start3A_1321, %multiple_of3A_1316] : memref<32x1000000xf32, #tpu.memory_space<hbm>> -> memref<32x128xf32, #tpu.memory_space<hbm>>
      %dma_start3A_1323 = arith.constant 0 : i32
      %dma_start3A_1324 = tpu.memref_slice %arg4[%dma_start3A_1323, %multiple_of3A_1316] : memref<32x1000000xf32, #tpu.memory_space<hbm>> -> memref<32x128xf32, #tpu.memory_space<hbm>>
      tpu.enqueue_dma source(%dma_start3A_1324 : memref<32x128xf32, #tpu.memory_space<hbm>>) target(%arg36 : memref<32x128xf32, #tpu.memory_space<vmem>>) target_semaphore(%arg49 : memref<!tpu.dma_semaphore, #tpu.memory_space<semaphore_mem>>)
      %dma_wait3A_1325 = arith.constant 0 : i32
      %dma_wait3A_1326 = arith.constant 0 : i32
      %dma_wait3A_1327 = tpu.memref_slice %arg3[%dma_wait3A_1325, %dma_wait3A_1326] : memref<32x1000000xf32, #tpu.memory_space<hbm>> -> memref<32x128xf32, #tpu.memory_space<hbm>>
      %dma_wait3A_1328 = arith.constant 0 : i32
      %dma_wait3A_1329 = arith.constant 0 : i32
      %dma_wait3A_1330 = tpu.memref_slice %arg3[%dma_wait3A_1328, %dma_wait3A_1329] : memref<32x1000000xf32, #tpu.memory_space<hbm>> -> memref<32x128xf32, #tpu.memory_space<hbm>>
      tpu.wait_dma2 semaphore(%arg48 : memref<!tpu.dma_semaphore, #tpu.memory_space<semaphore_mem>>) src(%dma_wait3A_1330 : memref<32x128xf32, #tpu.memory_space<hbm>>) dst(%arg25 : memref<32x128xf32, #tpu.memory_space<vmem>>)
      %dma_wait3A_1331 = arith.constant 0 : i32
      %dma_wait3A_1332 = arith.constant 0 : i32
      %dma_wait3A_1333 = tpu.memref_slice %arg4[%dma_wait3A_1331, %dma_wait3A_1332] : memref<32x1000000xf32, #tpu.memory_space<hbm>> -> memref<32x128xf32, #tpu.memory_space<hbm>>
      %dma_wait3A_1334 = arith.constant 0 : i32
      %dma_wait3A_1335 = arith.constant 0 : i32
      %dma_wait3A_1336 = tpu.memref_slice %arg4[%dma_wait3A_1334, %dma_wait3A_1335] : memref<32x1000000xf32, #tpu.memory_space<hbm>> -> memref<32x128xf32, #tpu.memory_space<hbm>>
      tpu.wait_dma2 semaphore(%arg49 : memref<!tpu.dma_semaphore, #tpu.memory_space<semaphore_mem>>) src(%dma_wait3A_1336 : memref<32x128xf32, #tpu.memory_space<hbm>>) dst(%arg37 : memref<32x128xf32, #tpu.memory_space<vmem>>)
      %slice3A_1337 = vector.extract_strided_slice %sub3A_689 {offsets = [11], sizes = [1], strides = [1]} : vector<16xi32> to vector<1xi32>
      %squeeze3A_1338 = vector.extract %slice3A_1337[0] : i32 from vector<1xi32>
      %add3A_1339 = vector.broadcast %squeeze3A_1338 : i32 to vector<16xi32>
      %add3A_1340 = arith.addi %broadcast_in_dim3A_367, %add3A_1339 : vector<16xi32>
      %gather3A_1341 = tpu.vector_load_idx %arg25[%iota3A, %add3A_1340] : memref<32x128xf32, #tpu.memory_space<vmem>>[vector<16xi32>, vector<16xi32>], vector<16xf32>,
      %swap3A_1342 = arith.constant 11 : i32
      %swap3A_1343 = arith.index_cast %swap3A_1342 : i32 to index
      %swap3A_1344 = arith.constant 0 : index
      %swap3A_1345 = tpu.vector_load %arg38[%swap3A_1343, %swap3A_1344] {strides = array<i32>} : memref<16x32xf32, #tpu.memory_space<vmem>>, vector<16xf32>,
      tpu.vector_store %arg38[%swap3A_1343, %swap3A_1344], %gather3A_1341 {strides = array<i32>} : memref<16x32xf32, #tpu.memory_space<vmem>>, vector<16xf32>,
      %add3A_1346 = arith.constant 16 : i32
      %add3A_1347 = vector.broadcast %add3A_1346 : i32 to vector<16xi32>
      %add3A_1348 = arith.addi %iota3A, %add3A_1347 : vector<16xi32>
      %gather3A_1349 = tpu.vector_load_idx %arg25[%add3A_1348, %add3A_1340] : memref<32x128xf32, #tpu.memory_space<vmem>>[vector<16xi32>, vector<16xi32>], vector<16xf32>,
      %swap3A_1350 = arith.constant 11 : i32
      %swap3A_1351 = arith.index_cast %swap3A_1350 : i32 to index
      %swap3A_1352 = arith.constant 16 : index
      %swap3A_1353 = tpu.vector_load %arg38[%swap3A_1351, %swap3A_1352] {strides = array<i32>} : memref<16x32xf32, #tpu.memory_space<vmem>>, vector<16xf32>,
      tpu.vector_store %arg38[%swap3A_1351, %swap3A_1352], %gather3A_1349 {strides = array<i32>} : memref<16x32xf32, #tpu.memory_space<vmem>>, vector<16xf32>,
      %gather3A_1354 = tpu.vector_load_idx %arg37[%iota3A, %add3A_1340] : memref<32x128xf32, #tpu.memory_space<vmem>>[vector<16xi32>, vector<16xi32>], vector<16xf32>,
      %swap3A_1355 = arith.constant 11 : i32
      %swap3A_1356 = arith.index_cast %swap3A_1355 : i32 to index
      %swap3A_1357 = arith.constant 0 : index
      %swap3A_1358 = tpu.vector_load %arg39[%swap3A_1356, %swap3A_1357] {strides = array<i32>} : memref<16x32xf32, #tpu.memory_space<vmem>>, vector<16xf32>,
      tpu.vector_store %arg39[%swap3A_1356, %swap3A_1357], %gather3A_1354 {strides = array<i32>} : memref<16x32xf32, #tpu.memory_space<vmem>>, vector<16xf32>,
      %add3A_1359 = arith.constant 16 : i32
      %add3A_1360 = vector.broadcast %add3A_1359 : i32 to vector<16xi32>
      %add3A_1361 = arith.addi %iota3A, %add3A_1360 : vector<16xi32>
      %gather3A_1362 = tpu.vector_load_idx %arg37[%add3A_1361, %add3A_1340] : memref<32x128xf32, #tpu.memory_space<vmem>>[vector<16xi32>, vector<16xi32>], vector<16xf32>,
      %swap3A_1363 = arith.constant 11 : i32
      %swap3A_1364 = arith.index_cast %swap3A_1363 : i32 to index
      %swap3A_1365 = arith.constant 16 : index
      %swap3A_1366 = tpu.vector_load %arg39[%swap3A_1364, %swap3A_1365] {strides = array<i32>} : memref<16x32xf32, #tpu.memory_space<vmem>>, vector<16xf32>,
      tpu.vector_store %arg39[%swap3A_1364, %swap3A_1365], %gather3A_1362 {strides = array<i32>} : memref<16x32xf32, #tpu.memory_space<vmem>>, vector<16xf32>,
      %slice3A_1367 = vector.extract_strided_slice %mul3A_731 {offsets = [7], sizes = [1], strides = [1]} : vector<16xi32> to vector<1xi32>
      %squeeze3A_1368 = vector.extract %slice3A_1367[0] : i32 from vector<1xi32>
      %multiple_of3A_1369 = tpu.assume_multiple %squeeze3A_1368, 128 : i32
      %dma_start3A_1370 = arith.constant 0 : i32
      %dma_start3A_1371 = tpu.memref_slice %arg3[%dma_start3A_1370, %multiple_of3A_1369] : memref<32x1000000xf32, #tpu.memory_space<hbm>> -> memref<32x128xf32, #tpu.memory_space<hbm>>
      %dma_start3A_1372 = arith.constant 0 : i32
      %dma_start3A_1373 = tpu.memref_slice %arg3[%dma_start3A_1372, %multiple_of3A_1369] : memref<32x1000000xf32, #tpu.memory_space<hbm>> -> memref<32x128xf32, #tpu.memory_space<hbm>>
      tpu.enqueue_dma source(%dma_start3A_1373 : memref<32x128xf32, #tpu.memory_space<hbm>>) target(%arg25 : memref<32x128xf32, #tpu.memory_space<vmem>>) target_semaphore(%arg48 : memref<!tpu.dma_semaphore, #tpu.memory_space<semaphore_mem>>)
      %dma_start3A_1374 = arith.constant 0 : i32
      %dma_start3A_1375 = tpu.memref_slice %arg4[%dma_start3A_1374, %multiple_of3A_1369] : memref<32x1000000xf32, #tpu.memory_space<hbm>> -> memref<32x128xf32, #tpu.memory_space<hbm>>
      %dma_start3A_1376 = arith.constant 0 : i32
      %dma_start3A_1377 = tpu.memref_slice %arg4[%dma_start3A_1376, %multiple_of3A_1369] : memref<32x1000000xf32, #tpu.memory_space<hbm>> -> memref<32x128xf32, #tpu.memory_space<hbm>>
      tpu.enqueue_dma source(%dma_start3A_1377 : memref<32x128xf32, #tpu.memory_space<hbm>>) target(%arg37 : memref<32x128xf32, #tpu.memory_space<vmem>>) target_semaphore(%arg49 : memref<!tpu.dma_semaphore, #tpu.memory_space<semaphore_mem>>)
      %dma_wait3A_1378 = arith.constant 0 : i32
      %dma_wait3A_1379 = arith.constant 0 : i32
      %dma_wait3A_1380 = tpu.memref_slice %arg3[%dma_wait3A_1378, %dma_wait3A_1379] : memref<32x1000000xf32, #tpu.memory_space<hbm>> -> memref<32x128xf32, #tpu.memory_space<hbm>>
      %dma_wait3A_1381 = arith.constant 0 : i32
      %dma_wait3A_1382 = arith.constant 0 : i32
      %dma_wait3A_1383 = tpu.memref_slice %arg3[%dma_wait3A_1381, %dma_wait3A_1382] : memref<32x1000000xf32, #tpu.memory_space<hbm>> -> memref<32x128xf32, #tpu.memory_space<hbm>>
      tpu.wait_dma2 semaphore(%arg48 : memref<!tpu.dma_semaphore, #tpu.memory_space<semaphore_mem>>) src(%dma_wait3A_1383 : memref<32x128xf32, #tpu.memory_space<hbm>>) dst(%arg14 : memref<32x128xf32, #tpu.memory_space<vmem>>)
      %dma_wait3A_1384 = arith.constant 0 : i32
      %dma_wait3A_1385 = arith.constant 0 : i32
      %dma_wait3A_1386 = tpu.memref_slice %arg4[%dma_wait3A_1384, %dma_wait3A_1385] : memref<32x1000000xf32, #tpu.memory_space<hbm>> -> memref<32x128xf32, #tpu.memory_space<hbm>>
      %dma_wait3A_1387 = arith.constant 0 : i32
      %dma_wait3A_1388 = arith.constant 0 : i32
      %dma_wait3A_1389 = tpu.memref_slice %arg4[%dma_wait3A_1387, %dma_wait3A_1388] : memref<32x1000000xf32, #tpu.memory_space<hbm>> -> memref<32x128xf32, #tpu.memory_space<hbm>>
      tpu.wait_dma2 semaphore(%arg49 : memref<!tpu.dma_semaphore, #tpu.memory_space<semaphore_mem>>) src(%dma_wait3A_1389 : memref<32x128xf32, #tpu.memory_space<hbm>>) dst(%arg26 : memref<32x128xf32, #tpu.memory_space<vmem>>)
      %slice3A_1390 = vector.extract_strided_slice %sub3A_689 {offsets = [12], sizes = [1], strides = [1]} : vector<16xi32> to vector<1xi32>
      %squeeze3A_1391 = vector.extract %slice3A_1390[0] : i32 from vector<1xi32>
      %add3A_1392 = vector.broadcast %squeeze3A_1391 : i32 to vector<16xi32>
      %add3A_1393 = arith.addi %broadcast_in_dim3A_367, %add3A_1392 : vector<16xi32>
      %gather3A_1394 = tpu.vector_load_idx %arg14[%iota3A, %add3A_1393] : memref<32x128xf32, #tpu.memory_space<vmem>>[vector<16xi32>, vector<16xi32>], vector<16xf32>,
      %swap3A_1395 = arith.constant 12 : i32
      %swap3A_1396 = arith.index_cast %swap3A_1395 : i32 to index
      %swap3A_1397 = arith.constant 0 : index
      %swap3A_1398 = tpu.vector_load %arg38[%swap3A_1396, %swap3A_1397] {strides = array<i32>} : memref<16x32xf32, #tpu.memory_space<vmem>>, vector<16xf32>,
      tpu.vector_store %arg38[%swap3A_1396, %swap3A_1397], %gather3A_1394 {strides = array<i32>} : memref<16x32xf32, #tpu.memory_space<vmem>>, vector<16xf32>,
      %add3A_1399 = arith.constant 16 : i32
      %add3A_1400 = vector.broadcast %add3A_1399 : i32 to vector<16xi32>
      %add3A_1401 = arith.addi %iota3A, %add3A_1400 : vector<16xi32>
      %gather3A_1402 = tpu.vector_load_idx %arg14[%add3A_1401, %add3A_1393] : memref<32x128xf32, #tpu.memory_space<vmem>>[vector<16xi32>, vector<16xi32>], vector<16xf32>,
      %swap3A_1403 = arith.constant 12 : i32
      %swap3A_1404 = arith.index_cast %swap3A_1403 : i32 to index
      %swap3A_1405 = arith.constant 16 : index
      %swap3A_1406 = tpu.vector_load %arg38[%swap3A_1404, %swap3A_1405] {strides = array<i32>} : memref<16x32xf32, #tpu.memory_space<vmem>>, vector<16xf32>,
      tpu.vector_store %arg38[%swap3A_1404, %swap3A_1405], %gather3A_1402 {strides = array<i32>} : memref<16x32xf32, #tpu.memory_space<vmem>>, vector<16xf32>,
      %gather3A_1407 = tpu.vector_load_idx %arg26[%iota3A, %add3A_1393] : memref<32x128xf32, #tpu.memory_space<vmem>>[vector<16xi32>, vector<16xi32>], vector<16xf32>,
      %swap3A_1408 = arith.constant 12 : i32
      %swap3A_1409 = arith.index_cast %swap3A_1408 : i32 to index
      %swap3A_1410 = arith.constant 0 : index
      %swap3A_1411 = tpu.vector_load %arg39[%swap3A_1409, %swap3A_1410] {strides = array<i32>} : memref<16x32xf32, #tpu.memory_space<vmem>>, vector<16xf32>,
      tpu.vector_store %arg39[%swap3A_1409, %swap3A_1410], %gather3A_1407 {strides = array<i32>} : memref<16x32xf32, #tpu.memory_space<vmem>>, vector<16xf32>,
      %add3A_1412 = arith.constant 16 : i32
      %add3A_1413 = vector.broadcast %add3A_1412 : i32 to vector<16xi32>
      %add3A_1414 = arith.addi %iota3A, %add3A_1413 : vector<16xi32>
      %gather3A_1415 = tpu.vector_load_idx %arg26[%add3A_1414, %add3A_1393] : memref<32x128xf32, #tpu.memory_space<vmem>>[vector<16xi32>, vector<16xi32>], vector<16xf32>,
      %swap3A_1416 = arith.constant 12 : i32
      %swap3A_1417 = arith.index_cast %swap3A_1416 : i32 to index
      %swap3A_1418 = arith.constant 16 : index
      %swap3A_1419 = tpu.vector_load %arg39[%swap3A_1417, %swap3A_1418] {strides = array<i32>} : memref<16x32xf32, #tpu.memory_space<vmem>>, vector<16xf32>,
      tpu.vector_store %arg39[%swap3A_1417, %swap3A_1418], %gather3A_1415 {strides = array<i32>} : memref<16x32xf32, #tpu.memory_space<vmem>>, vector<16xf32>,
      %slice3A_1420 = vector.extract_strided_slice %mul3A_731 {offsets = [8], sizes = [1], strides = [1]} : vector<16xi32> to vector<1xi32>
      %squeeze3A_1421 = vector.extract %slice3A_1420[0] : i32 from vector<1xi32>
      %multiple_of3A_1422 = tpu.assume_multiple %squeeze3A_1421, 128 : i32
      %dma_start3A_1423 = arith.constant 0 : i32
      %dma_start3A_1424 = tpu.memref_slice %arg3[%dma_start3A_1423, %multiple_of3A_1422] : memref<32x1000000xf32, #tpu.memory_space<hbm>> -> memref<32x128xf32, #tpu.memory_space<hbm>>
      %dma_start3A_1425 = arith.constant 0 : i32
      %dma_start3A_1426 = tpu.memref_slice %arg3[%dma_start3A_1425, %multiple_of3A_1422] : memref<32x1000000xf32, #tpu.memory_space<hbm>> -> memref<32x128xf32, #tpu.memory_space<hbm>>
      tpu.enqueue_dma source(%dma_start3A_1426 : memref<32x128xf32, #tpu.memory_space<hbm>>) target(%arg14 : memref<32x128xf32, #tpu.memory_space<vmem>>) target_semaphore(%arg48 : memref<!tpu.dma_semaphore, #tpu.memory_space<semaphore_mem>>)
      %dma_start3A_1427 = arith.constant 0 : i32
      %dma_start3A_1428 = tpu.memref_slice %arg4[%dma_start3A_1427, %multiple_of3A_1422] : memref<32x1000000xf32, #tpu.memory_space<hbm>> -> memref<32x128xf32, #tpu.memory_space<hbm>>
      %dma_start3A_1429 = arith.constant 0 : i32
      %dma_start3A_1430 = tpu.memref_slice %arg4[%dma_start3A_1429, %multiple_of3A_1422] : memref<32x1000000xf32, #tpu.memory_space<hbm>> -> memref<32x128xf32, #tpu.memory_space<hbm>>
      tpu.enqueue_dma source(%dma_start3A_1430 : memref<32x128xf32, #tpu.memory_space<hbm>>) target(%arg26 : memref<32x128xf32, #tpu.memory_space<vmem>>) target_semaphore(%arg49 : memref<!tpu.dma_semaphore, #tpu.memory_space<semaphore_mem>>)
      %dma_wait3A_1431 = arith.constant 0 : i32
      %dma_wait3A_1432 = arith.constant 0 : i32
      %dma_wait3A_1433 = tpu.memref_slice %arg3[%dma_wait3A_1431, %dma_wait3A_1432] : memref<32x1000000xf32, #tpu.memory_space<hbm>> -> memref<32x128xf32, #tpu.memory_space<hbm>>
      %dma_wait3A_1434 = arith.constant 0 : i32
      %dma_wait3A_1435 = arith.constant 0 : i32
      %dma_wait3A_1436 = tpu.memref_slice %arg3[%dma_wait3A_1434, %dma_wait3A_1435] : memref<32x1000000xf32, #tpu.memory_space<hbm>> -> memref<32x128xf32, #tpu.memory_space<hbm>>
      tpu.wait_dma2 semaphore(%arg48 : memref<!tpu.dma_semaphore, #tpu.memory_space<semaphore_mem>>) src(%dma_wait3A_1436 : memref<32x128xf32, #tpu.memory_space<hbm>>) dst(%arg15 : memref<32x128xf32, #tpu.memory_space<vmem>>)
      %dma_wait3A_1437 = arith.constant 0 : i32
      %dma_wait3A_1438 = arith.constant 0 : i32
      %dma_wait3A_1439 = tpu.memref_slice %arg4[%dma_wait3A_1437, %dma_wait3A_1438] : memref<32x1000000xf32, #tpu.memory_space<hbm>> -> memref<32x128xf32, #tpu.memory_space<hbm>>
      %dma_wait3A_1440 = arith.constant 0 : i32
      %dma_wait3A_1441 = arith.constant 0 : i32
      %dma_wait3A_1442 = tpu.memref_slice %arg4[%dma_wait3A_1440, %dma_wait3A_1441] : memref<32x1000000xf32, #tpu.memory_space<hbm>> -> memref<32x128xf32, #tpu.memory_space<hbm>>
      tpu.wait_dma2 semaphore(%arg49 : memref<!tpu.dma_semaphore, #tpu.memory_space<semaphore_mem>>) src(%dma_wait3A_1442 : memref<32x128xf32, #tpu.memory_space<hbm>>) dst(%arg27 : memref<32x128xf32, #tpu.memory_space<vmem>>)
      %slice3A_1443 = vector.extract_strided_slice %sub3A_689 {offsets = [13], sizes = [1], strides = [1]} : vector<16xi32> to vector<1xi32>
      %squeeze3A_1444 = vector.extract %slice3A_1443[0] : i32 from vector<1xi32>
      %add3A_1445 = vector.broadcast %squeeze3A_1444 : i32 to vector<16xi32>
      %add3A_1446 = arith.addi %broadcast_in_dim3A_367, %add3A_1445 : vector<16xi32>
      %gather3A_1447 = tpu.vector_load_idx %arg15[%iota3A, %add3A_1446] : memref<32x128xf32, #tpu.memory_space<vmem>>[vector<16xi32>, vector<16xi32>], vector<16xf32>,
      %swap3A_1448 = arith.constant 13 : i32
      %swap3A_1449 = arith.index_cast %swap3A_1448 : i32 to index
      %swap3A_1450 = arith.constant 0 : index
      %swap3A_1451 = tpu.vector_load %arg38[%swap3A_1449, %swap3A_1450] {strides = array<i32>} : memref<16x32xf32, #tpu.memory_space<vmem>>, vector<16xf32>,
      tpu.vector_store %arg38[%swap3A_1449, %swap3A_1450], %gather3A_1447 {strides = array<i32>} : memref<16x32xf32, #tpu.memory_space<vmem>>, vector<16xf32>,
      %add3A_1452 = arith.constant 16 : i32
      %add3A_1453 = vector.broadcast %add3A_1452 : i32 to vector<16xi32>
      %add3A_1454 = arith.addi %iota3A, %add3A_1453 : vector<16xi32>
      %gather3A_1455 = tpu.vector_load_idx %arg15[%add3A_1454, %add3A_1446] : memref<32x128xf32, #tpu.memory_space<vmem>>[vector<16xi32>, vector<16xi32>], vector<16xf32>,
      %swap3A_1456 = arith.constant 13 : i32
      %swap3A_1457 = arith.index_cast %swap3A_1456 : i32 to index
      %swap3A_1458 = arith.constant 16 : index
      %swap3A_1459 = tpu.vector_load %arg38[%swap3A_1457, %swap3A_1458] {strides = array<i32>} : memref<16x32xf32, #tpu.memory_space<vmem>>, vector<16xf32>,
      tpu.vector_store %arg38[%swap3A_1457, %swap3A_1458], %gather3A_1455 {strides = array<i32>} : memref<16x32xf32, #tpu.memory_space<vmem>>, vector<16xf32>,
      %gather3A_1460 = tpu.vector_load_idx %arg27[%iota3A, %add3A_1446] : memref<32x128xf32, #tpu.memory_space<vmem>>[vector<16xi32>, vector<16xi32>], vector<16xf32>,
      %swap3A_1461 = arith.constant 13 : i32
      %swap3A_1462 = arith.index_cast %swap3A_1461 : i32 to index
      %swap3A_1463 = arith.constant 0 : index
      %swap3A_1464 = tpu.vector_load %arg39[%swap3A_1462, %swap3A_1463] {strides = array<i32>} : memref<16x32xf32, #tpu.memory_space<vmem>>, vector<16xf32>,
      tpu.vector_store %arg39[%swap3A_1462, %swap3A_1463], %gather3A_1460 {strides = array<i32>} : memref<16x32xf32, #tpu.memory_space<vmem>>, vector<16xf32>,
      %add3A_1465 = arith.constant 16 : i32
      %add3A_1466 = vector.broadcast %add3A_1465 : i32 to vector<16xi32>
      %add3A_1467 = arith.addi %iota3A, %add3A_1466 : vector<16xi32>
      %gather3A_1468 = tpu.vector_load_idx %arg27[%add3A_1467, %add3A_1446] : memref<32x128xf32, #tpu.memory_space<vmem>>[vector<16xi32>, vector<16xi32>], vector<16xf32>,
      %swap3A_1469 = arith.constant 13 : i32
      %swap3A_1470 = arith.index_cast %swap3A_1469 : i32 to index
      %swap3A_1471 = arith.constant 16 : index
      %swap3A_1472 = tpu.vector_load %arg39[%swap3A_1470, %swap3A_1471] {strides = array<i32>} : memref<16x32xf32, #tpu.memory_space<vmem>>, vector<16xf32>,
      tpu.vector_store %arg39[%swap3A_1470, %swap3A_1471], %gather3A_1468 {strides = array<i32>} : memref<16x32xf32, #tpu.memory_space<vmem>>, vector<16xf32>,
      %slice3A_1473 = vector.extract_strided_slice %mul3A_731 {offsets = [9], sizes = [1], strides = [1]} : vector<16xi32> to vector<1xi32>
      %squeeze3A_1474 = vector.extract %slice3A_1473[0] : i32 from vector<1xi32>
      %multiple_of3A_1475 = tpu.assume_multiple %squeeze3A_1474, 128 : i32
      %dma_start3A_1476 = arith.constant 0 : i32
      %dma_start3A_1477 = tpu.memref_slice %arg3[%dma_start3A_1476, %multiple_of3A_1475] : memref<32x1000000xf32, #tpu.memory_space<hbm>> -> memref<32x128xf32, #tpu.memory_space<hbm>>
      %dma_start3A_1478 = arith.constant 0 : i32
      %dma_start3A_1479 = tpu.memref_slice %arg3[%dma_start3A_1478, %multiple_of3A_1475] : memref<32x1000000xf32, #tpu.memory_space<hbm>> -> memref<32x128xf32, #tpu.memory_space<hbm>>
      tpu.enqueue_dma source(%dma_start3A_1479 : memref<32x128xf32, #tpu.memory_space<hbm>>) target(%arg15 : memref<32x128xf32, #tpu.memory_space<vmem>>) target_semaphore(%arg48 : memref<!tpu.dma_semaphore, #tpu.memory_space<semaphore_mem>>)
      %dma_start3A_1480 = arith.constant 0 : i32
      %dma_start3A_1481 = tpu.memref_slice %arg4[%dma_start3A_1480, %multiple_of3A_1475] : memref<32x1000000xf32, #tpu.memory_space<hbm>> -> memref<32x128xf32, #tpu.memory_space<hbm>>
      %dma_start3A_1482 = arith.constant 0 : i32
      %dma_start3A_1483 = tpu.memref_slice %arg4[%dma_start3A_1482, %multiple_of3A_1475] : memref<32x1000000xf32, #tpu.memory_space<hbm>> -> memref<32x128xf32, #tpu.memory_space<hbm>>
      tpu.enqueue_dma source(%dma_start3A_1483 : memref<32x128xf32, #tpu.memory_space<hbm>>) target(%arg27 : memref<32x128xf32, #tpu.memory_space<vmem>>) target_semaphore(%arg49 : memref<!tpu.dma_semaphore, #tpu.memory_space<semaphore_mem>>)
      %dma_wait3A_1484 = arith.constant 0 : i32
      %dma_wait3A_1485 = arith.constant 0 : i32
      %dma_wait3A_1486 = tpu.memref_slice %arg3[%dma_wait3A_1484, %dma_wait3A_1485] : memref<32x1000000xf32, #tpu.memory_space<hbm>> -> memref<32x128xf32, #tpu.memory_space<hbm>>
      %dma_wait3A_1487 = arith.constant 0 : i32
      %dma_wait3A_1488 = arith.constant 0 : i32
      %dma_wait3A_1489 = tpu.memref_slice %arg3[%dma_wait3A_1487, %dma_wait3A_1488] : memref<32x1000000xf32, #tpu.memory_space<hbm>> -> memref<32x128xf32, #tpu.memory_space<hbm>>
      tpu.wait_dma2 semaphore(%arg48 : memref<!tpu.dma_semaphore, #tpu.memory_space<semaphore_mem>>) src(%dma_wait3A_1489 : memref<32x128xf32, #tpu.memory_space<hbm>>) dst(%arg16 : memref<32x128xf32, #tpu.memory_space<vmem>>)
      %dma_wait3A_1490 = arith.constant 0 : i32
      %dma_wait3A_1491 = arith.constant 0 : i32
      %dma_wait3A_1492 = tpu.memref_slice %arg4[%dma_wait3A_1490, %dma_wait3A_1491] : memref<32x1000000xf32, #tpu.memory_space<hbm>> -> memref<32x128xf32, #tpu.memory_space<hbm>>
      %dma_wait3A_1493 = arith.constant 0 : i32
      %dma_wait3A_1494 = arith.constant 0 : i32
      %dma_wait3A_1495 = tpu.memref_slice %arg4[%dma_wait3A_1493, %dma_wait3A_1494] : memref<32x1000000xf32, #tpu.memory_space<hbm>> -> memref<32x128xf32, #tpu.memory_space<hbm>>
      tpu.wait_dma2 semaphore(%arg49 : memref<!tpu.dma_semaphore, #tpu.memory_space<semaphore_mem>>) src(%dma_wait3A_1495 : memref<32x128xf32, #tpu.memory_space<hbm>>) dst(%arg28 : memref<32x128xf32, #tpu.memory_space<vmem>>)
      %slice3A_1496 = vector.extract_strided_slice %sub3A_689 {offsets = [14], sizes = [1], strides = [1]} : vector<16xi32> to vector<1xi32>
      %squeeze3A_1497 = vector.extract %slice3A_1496[0] : i32 from vector<1xi32>
      %add3A_1498 = vector.broadcast %squeeze3A_1497 : i32 to vector<16xi32>
      %add3A_1499 = arith.addi %broadcast_in_dim3A_367, %add3A_1498 : vector<16xi32>
      %gather3A_1500 = tpu.vector_load_idx %arg16[%iota3A, %add3A_1499] : memref<32x128xf32, #tpu.memory_space<vmem>>[vector<16xi32>, vector<16xi32>], vector<16xf32>,
      %swap3A_1501 = arith.constant 14 : i32
      %swap3A_1502 = arith.index_cast %swap3A_1501 : i32 to index
      %swap3A_1503 = arith.constant 0 : index
      %swap3A_1504 = tpu.vector_load %arg38[%swap3A_1502, %swap3A_1503] {strides = array<i32>} : memref<16x32xf32, #tpu.memory_space<vmem>>, vector<16xf32>,
      tpu.vector_store %arg38[%swap3A_1502, %swap3A_1503], %gather3A_1500 {strides = array<i32>} : memref<16x32xf32, #tpu.memory_space<vmem>>, vector<16xf32>,
      %add3A_1505 = arith.constant 16 : i32
      %add3A_1506 = vector.broadcast %add3A_1505 : i32 to vector<16xi32>
      %add3A_1507 = arith.addi %iota3A, %add3A_1506 : vector<16xi32>
      %gather3A_1508 = tpu.vector_load_idx %arg16[%add3A_1507, %add3A_1499] : memref<32x128xf32, #tpu.memory_space<vmem>>[vector<16xi32>, vector<16xi32>], vector<16xf32>,
      %swap3A_1509 = arith.constant 14 : i32
      %swap3A_1510 = arith.index_cast %swap3A_1509 : i32 to index
      %swap3A_1511 = arith.constant 16 : index
      %swap3A_1512 = tpu.vector_load %arg38[%swap3A_1510, %swap3A_1511] {strides = array<i32>} : memref<16x32xf32, #tpu.memory_space<vmem>>, vector<16xf32>,
      tpu.vector_store %arg38[%swap3A_1510, %swap3A_1511], %gather3A_1508 {strides = array<i32>} : memref<16x32xf32, #tpu.memory_space<vmem>>, vector<16xf32>,
      %gather3A_1513 = tpu.vector_load_idx %arg28[%iota3A, %add3A_1499] : memref<32x128xf32, #tpu.memory_space<vmem>>[vector<16xi32>, vector<16xi32>], vector<16xf32>,
      %swap3A_1514 = arith.constant 14 : i32
      %swap3A_1515 = arith.index_cast %swap3A_1514 : i32 to index
      %swap3A_1516 = arith.constant 0 : index
      %swap3A_1517 = tpu.vector_load %arg39[%swap3A_1515, %swap3A_1516] {strides = array<i32>} : memref<16x32xf32, #tpu.memory_space<vmem>>, vector<16xf32>,
      tpu.vector_store %arg39[%swap3A_1515, %swap3A_1516], %gather3A_1513 {strides = array<i32>} : memref<16x32xf32, #tpu.memory_space<vmem>>, vector<16xf32>,
      %add3A_1518 = arith.constant 16 : i32
      %add3A_1519 = vector.broadcast %add3A_1518 : i32 to vector<16xi32>
      %add3A_1520 = arith.addi %iota3A, %add3A_1519 : vector<16xi32>
      %gather3A_1521 = tpu.vector_load_idx %arg28[%add3A_1520, %add3A_1499] : memref<32x128xf32, #tpu.memory_space<vmem>>[vector<16xi32>, vector<16xi32>], vector<16xf32>,
      %swap3A_1522 = arith.constant 14 : i32
      %swap3A_1523 = arith.index_cast %swap3A_1522 : i32 to index
      %swap3A_1524 = arith.constant 16 : index
      %swap3A_1525 = tpu.vector_load %arg39[%swap3A_1523, %swap3A_1524] {strides = array<i32>} : memref<16x32xf32, #tpu.memory_space<vmem>>, vector<16xf32>,
      tpu.vector_store %arg39[%swap3A_1523, %swap3A_1524], %gather3A_1521 {strides = array<i32>} : memref<16x32xf32, #tpu.memory_space<vmem>>, vector<16xf32>,
      %slice3A_1526 = vector.extract_strided_slice %mul3A_731 {offsets = [10], sizes = [1], strides = [1]} : vector<16xi32> to vector<1xi32>
      %squeeze3A_1527 = vector.extract %slice3A_1526[0] : i32 from vector<1xi32>
      %multiple_of3A_1528 = tpu.assume_multiple %squeeze3A_1527, 128 : i32
      %dma_start3A_1529 = arith.constant 0 : i32
      %dma_start3A_1530 = tpu.memref_slice %arg3[%dma_start3A_1529, %multiple_of3A_1528] : memref<32x1000000xf32, #tpu.memory_space<hbm>> -> memref<32x128xf32, #tpu.memory_space<hbm>>
      %dma_start3A_1531 = arith.constant 0 : i32
      %dma_start3A_1532 = tpu.memref_slice %arg3[%dma_start3A_1531, %multiple_of3A_1528] : memref<32x1000000xf32, #tpu.memory_space<hbm>> -> memref<32x128xf32, #tpu.memory_space<hbm>>
      tpu.enqueue_dma source(%dma_start3A_1532 : memref<32x128xf32, #tpu.memory_space<hbm>>) target(%arg16 : memref<32x128xf32, #tpu.memory_space<vmem>>) target_semaphore(%arg48 : memref<!tpu.dma_semaphore, #tpu.memory_space<semaphore_mem>>)
      %dma_start3A_1533 = arith.constant 0 : i32
      %dma_start3A_1534 = tpu.memref_slice %arg4[%dma_start3A_1533, %multiple_of3A_1528] : memref<32x1000000xf32, #tpu.memory_space<hbm>> -> memref<32x128xf32, #tpu.memory_space<hbm>>
      %dma_start3A_1535 = arith.constant 0 : i32
      %dma_start3A_1536 = tpu.memref_slice %arg4[%dma_start3A_1535, %multiple_of3A_1528] : memref<32x1000000xf32, #tpu.memory_space<hbm>> -> memref<32x128xf32, #tpu.memory_space<hbm>>
      tpu.enqueue_dma source(%dma_start3A_1536 : memref<32x128xf32, #tpu.memory_space<hbm>>) target(%arg28 : memref<32x128xf32, #tpu.memory_space<vmem>>) target_semaphore(%arg49 : memref<!tpu.dma_semaphore, #tpu.memory_space<semaphore_mem>>)
      %dma_wait3A_1537 = arith.constant 0 : i32
      %dma_wait3A_1538 = arith.constant 0 : i32
      %dma_wait3A_1539 = tpu.memref_slice %arg3[%dma_wait3A_1537, %dma_wait3A_1538] : memref<32x1000000xf32, #tpu.memory_space<hbm>> -> memref<32x128xf32, #tpu.memory_space<hbm>>
      %dma_wait3A_1540 = arith.constant 0 : i32
      %dma_wait3A_1541 = arith.constant 0 : i32
      %dma_wait3A_1542 = tpu.memref_slice %arg3[%dma_wait3A_1540, %dma_wait3A_1541] : memref<32x1000000xf32, #tpu.memory_space<hbm>> -> memref<32x128xf32, #tpu.memory_space<hbm>>
      tpu.wait_dma2 semaphore(%arg48 : memref<!tpu.dma_semaphore, #tpu.memory_space<semaphore_mem>>) src(%dma_wait3A_1542 : memref<32x128xf32, #tpu.memory_space<hbm>>) dst(%arg17 : memref<32x128xf32, #tpu.memory_space<vmem>>)
      %dma_wait3A_1543 = arith.constant 0 : i32
      %dma_wait3A_1544 = arith.constant 0 : i32
      %dma_wait3A_1545 = tpu.memref_slice %arg4[%dma_wait3A_1543, %dma_wait3A_1544] : memref<32x1000000xf32, #tpu.memory_space<hbm>> -> memref<32x128xf32, #tpu.memory_space<hbm>>
      %dma_wait3A_1546 = arith.constant 0 : i32
      %dma_wait3A_1547 = arith.constant 0 : i32
      %dma_wait3A_1548 = tpu.memref_slice %arg4[%dma_wait3A_1546, %dma_wait3A_1547] : memref<32x1000000xf32, #tpu.memory_space<hbm>> -> memref<32x128xf32, #tpu.memory_space<hbm>>
      tpu.wait_dma2 semaphore(%arg49 : memref<!tpu.dma_semaphore, #tpu.memory_space<semaphore_mem>>) src(%dma_wait3A_1548 : memref<32x128xf32, #tpu.memory_space<hbm>>) dst(%arg29 : memref<32x128xf32, #tpu.memory_space<vmem>>)
      %slice3A_1549 = vector.extract_strided_slice %sub3A_689 {offsets = [15], sizes = [1], strides = [1]} : vector<16xi32> to vector<1xi32>
      %squeeze3A_1550 = vector.extract %slice3A_1549[0] : i32 from vector<1xi32>
      %add3A_1551 = vector.broadcast %squeeze3A_1550 : i32 to vector<16xi32>
      %add3A_1552 = arith.addi %broadcast_in_dim3A_367, %add3A_1551 : vector<16xi32>
      %gather3A_1553 = tpu.vector_load_idx %arg17[%iota3A, %add3A_1552] : memref<32x128xf32, #tpu.memory_space<vmem>>[vector<16xi32>, vector<16xi32>], vector<16xf32>,
      %swap3A_1554 = arith.constant 15 : i32
      %swap3A_1555 = arith.index_cast %swap3A_1554 : i32 to index
      %swap3A_1556 = arith.constant 0 : index
      %swap3A_1557 = tpu.vector_load %arg38[%swap3A_1555, %swap3A_1556] {strides = array<i32>} : memref<16x32xf32, #tpu.memory_space<vmem>>, vector<16xf32>,
      tpu.vector_store %arg38[%swap3A_1555, %swap3A_1556], %gather3A_1553 {strides = array<i32>} : memref<16x32xf32, #tpu.memory_space<vmem>>, vector<16xf32>,
      %add3A_1558 = arith.constant 16 : i32
      %add3A_1559 = vector.broadcast %add3A_1558 : i32 to vector<16xi32>
      %add3A_1560 = arith.addi %iota3A, %add3A_1559 : vector<16xi32>
      %gather3A_1561 = tpu.vector_load_idx %arg17[%add3A_1560, %add3A_1552] : memref<32x128xf32, #tpu.memory_space<vmem>>[vector<16xi32>, vector<16xi32>], vector<16xf32>,
      %swap3A_1562 = arith.constant 15 : i32
      %swap3A_1563 = arith.index_cast %swap3A_1562 : i32 to index
      %swap3A_1564 = arith.constant 16 : index
      %swap3A_1565 = tpu.vector_load %arg38[%swap3A_1563, %swap3A_1564] {strides = array<i32>} : memref<16x32xf32, #tpu.memory_space<vmem>>, vector<16xf32>,
      tpu.vector_store %arg38[%swap3A_1563, %swap3A_1564], %gather3A_1561 {strides = array<i32>} : memref<16x32xf32, #tpu.memory_space<vmem>>, vector<16xf32>,
      %gather3A_1566 = tpu.vector_load_idx %arg29[%iota3A, %add3A_1552] : memref<32x128xf32, #tpu.memory_space<vmem>>[vector<16xi32>, vector<16xi32>], vector<16xf32>,
      %swap3A_1567 = arith.constant 15 : i32
      %swap3A_1568 = arith.index_cast %swap3A_1567 : i32 to index
      %swap3A_1569 = arith.constant 0 : index
      %swap3A_1570 = tpu.vector_load %arg39[%swap3A_1568, %swap3A_1569] {strides = array<i32>} : memref<16x32xf32, #tpu.memory_space<vmem>>, vector<16xf32>,
      tpu.vector_store %arg39[%swap3A_1568, %swap3A_1569], %gather3A_1566 {strides = array<i32>} : memref<16x32xf32, #tpu.memory_space<vmem>>, vector<16xf32>,
      %add3A_1571 = arith.constant 16 : i32
      %add3A_1572 = vector.broadcast %add3A_1571 : i32 to vector<16xi32>
      %add3A_1573 = arith.addi %iota3A, %add3A_1572 : vector<16xi32>
      %gather3A_1574 = tpu.vector_load_idx %arg29[%add3A_1573, %add3A_1552] : memref<32x128xf32, #tpu.memory_space<vmem>>[vector<16xi32>, vector<16xi32>], vector<16xf32>,
      %swap3A_1575 = arith.constant 15 : i32
      %swap3A_1576 = arith.index_cast %swap3A_1575 : i32 to index
      %swap3A_1577 = arith.constant 16 : index
      %swap3A_1578 = tpu.vector_load %arg39[%swap3A_1576, %swap3A_1577] {strides = array<i32>} : memref<16x32xf32, #tpu.memory_space<vmem>>, vector<16xf32>,
      tpu.vector_store %arg39[%swap3A_1576, %swap3A_1577], %gather3A_1574 {strides = array<i32>} : memref<16x32xf32, #tpu.memory_space<vmem>>, vector<16xf32>,
      %broadcast_in_dim3A_1579 = arith.constant 0 : i32
      %broadcast_in_dim3A_1580 = vector.broadcast %broadcast_in_dim3A_1579 : i32 to vector<16xi32>
      %broadcast_in_dim3A_1581 = arith.constant 1 : i32
      %broadcast_in_dim3A_1582 = vector.broadcast %broadcast_in_dim3A_1581 : i32 to vector<16xi32>
      %gather3A_1583 = tpu.vector_load_idx %arg38[%iota3A, %broadcast_in_dim3A_1580] : memref<16x32xf32, #tpu.memory_space<vmem>>[vector<16xi32>, vector<16xi32>], vector<16xf32>,
      %neg3A = arith.constant 0.000000e+00 : f32
      %neg3A_1584 = vector.broadcast %neg3A : f32 to vector<16xf32>
      %neg3A_1585 = arith.subf %neg3A_1584, %gather3A_1583 : vector<16xf32>
      %exp3A = math.exp %neg3A_1585 : vector<16xf32>
      %add3A_1586 = arith.constant 1.000000e+00 : f32
      %add3A_1587 = vector.broadcast %add3A_1586 : f32 to vector<16xf32>
      %add3A_1588 = arith.addf %add3A_1587, %exp3A : vector<16xf32>
      %div3A_1589 = arith.constant 1.000000e+00 : f32
      %div3A_1590 = vector.broadcast %div3A_1589 : f32 to vector<16xf32>
      %div3A_1591 = arith.divf %div3A_1590, %add3A_1588 : vector<16xf32>
      %add3A_1592 = arith.addf %broadcast_in_dim3A_365, %div3A_1591 : vector<16xf32>
      %gather3A_1593 = tpu.vector_load_idx %arg38[%iota3A, %broadcast_in_dim3A_1582] : memref<16x32xf32, #tpu.memory_space<vmem>>[vector<16xi32>, vector<16xi32>], vector<16xf32>,
      %neg3A_1594 = arith.constant 0.000000e+00 : f32
      %neg3A_1595 = vector.broadcast %neg3A_1594 : f32 to vector<16xf32>
      %neg3A_1596 = arith.subf %neg3A_1595, %gather3A_1593 : vector<16xf32>
      %exp3A_1597 = math.exp %neg3A_1596 : vector<16xf32>
      %add3A_1598 = arith.constant 1.000000e+00 : f32
      %add3A_1599 = vector.broadcast %add3A_1598 : f32 to vector<16xf32>
      %add3A_1600 = arith.addf %add3A_1599, %exp3A_1597 : vector<16xf32>
      %div3A_1601 = arith.constant 1.000000e+00 : f32
      %div3A_1602 = vector.broadcast %div3A_1601 : f32 to vector<16xf32>
      %div3A_1603 = arith.divf %div3A_1602, %add3A_1600 : vector<16xf32>
      %add3A_1604 = arith.addf %broadcast_in_dim3A_365, %div3A_1603 : vector<16xf32>
      %gather3A_1605 = tpu.vector_load_idx %arg39[%iota3A, %broadcast_in_dim3A_1580] : memref<16x32xf32, #tpu.memory_space<vmem>>[vector<16xi32>, vector<16xi32>], vector<16xf32>,
      %neg3A_1606 = arith.constant 0.000000e+00 : f32
      %neg3A_1607 = vector.broadcast %neg3A_1606 : f32 to vector<16xf32>
      %neg3A_1608 = arith.subf %neg3A_1607, %gather3A_1605 : vector<16xf32>
      %exp3A_1609 = math.exp %neg3A_1608 : vector<16xf32>
      %add3A_1610 = arith.constant 1.000000e+00 : f32
      %add3A_1611 = vector.broadcast %add3A_1610 : f32 to vector<16xf32>
      %add3A_1612 = arith.addf %add3A_1611, %exp3A_1609 : vector<16xf32>
      %div3A_1613 = arith.constant 1.000000e+00 : f32
      %div3A_1614 = vector.broadcast %div3A_1613 : f32 to vector<16xf32>
      %div3A_1615 = arith.divf %div3A_1614, %add3A_1612 : vector<16xf32>
      %add3A_1616 = arith.addf %broadcast_in_dim3A_365, %div3A_1615 : vector<16xf32>
      %gather3A_1617 = tpu.vector_load_idx %arg39[%iota3A, %broadcast_in_dim3A_1582] : memref<16x32xf32, #tpu.memory_space<vmem>>[vector<16xi32>, vector<16xi32>], vector<16xf32>,
      %neg3A_1618 = arith.constant 0.000000e+00 : f32
      %neg3A_1619 = vector.broadcast %neg3A_1618 : f32 to vector<16xf32>
      %neg3A_1620 = arith.subf %neg3A_1619, %gather3A_1617 : vector<16xf32>
      %exp3A_1621 = math.exp %neg3A_1620 : vector<16xf32>
      %add3A_1622 = arith.constant 1.000000e+00 : f32
      %add3A_1623 = vector.broadcast %add3A_1622 : f32 to vector<16xf32>
      %add3A_1624 = arith.addf %add3A_1623, %exp3A_1621 : vector<16xf32>
      %div3A_1625 = arith.constant 1.000000e+00 : f32
      %div3A_1626 = vector.broadcast %div3A_1625 : f32 to vector<16xf32>
      %div3A_1627 = arith.divf %div3A_1626, %add3A_1624 : vector<16xf32>
      %add3A_1628 = arith.addf %broadcast_in_dim3A_365, %div3A_1627 : vector<16xf32>
      %broadcast_in_dim3A_1629 = arith.constant 2 : i32
      %broadcast_in_dim3A_1630 = vector.broadcast %broadcast_in_dim3A_1629 : i32 to vector<16xi32>
      %broadcast_in_dim3A_1631 = arith.constant 3 : i32
      %broadcast_in_dim3A_1632 = vector.broadcast %broadcast_in_dim3A_1631 : i32 to vector<16xi32>
      %gather3A_1633 = tpu.vector_load_idx %arg38[%iota3A, %broadcast_in_dim3A_1630] : memref<16x32xf32, #tpu.memory_space<vmem>>[vector<16xi32>, vector<16xi32>], vector<16xf32>,
      %neg3A_1634 = arith.constant 0.000000e+00 : f32
      %neg3A_1635 = vector.broadcast %neg3A_1634 : f32 to vector<16xf32>
      %neg3A_1636 = arith.subf %neg3A_1635, %gather3A_1633 : vector<16xf32>
      %exp3A_1637 = math.exp %neg3A_1636 : vector<16xf32>
      %add3A_1638 = arith.constant 1.000000e+00 : f32
      %add3A_1639 = vector.broadcast %add3A_1638 : f32 to vector<16xf32>
      %add3A_1640 = arith.addf %add3A_1639, %exp3A_1637 : vector<16xf32>
      %div3A_1641 = arith.constant 1.000000e+00 : f32
      %div3A_1642 = vector.broadcast %div3A_1641 : f32 to vector<16xf32>
      %div3A_1643 = arith.divf %div3A_1642, %add3A_1640 : vector<16xf32>
      %add3A_1644 = arith.addf %add3A_1592, %div3A_1643 : vector<16xf32>
      %gather3A_1645 = tpu.vector_load_idx %arg38[%iota3A, %broadcast_in_dim3A_1632] : memref<16x32xf32, #tpu.memory_space<vmem>>[vector<16xi32>, vector<16xi32>], vector<16xf32>,
      %neg3A_1646 = arith.constant 0.000000e+00 : f32
      %neg3A_1647 = vector.broadcast %neg3A_1646 : f32 to vector<16xf32>
      %neg3A_1648 = arith.subf %neg3A_1647, %gather3A_1645 : vector<16xf32>
      %exp3A_1649 = math.exp %neg3A_1648 : vector<16xf32>
      %add3A_1650 = arith.constant 1.000000e+00 : f32
      %add3A_1651 = vector.broadcast %add3A_1650 : f32 to vector<16xf32>
      %add3A_1652 = arith.addf %add3A_1651, %exp3A_1649 : vector<16xf32>
      %div3A_1653 = arith.constant 1.000000e+00 : f32
      %div3A_1654 = vector.broadcast %div3A_1653 : f32 to vector<16xf32>
      %div3A_1655 = arith.divf %div3A_1654, %add3A_1652 : vector<16xf32>
      %add3A_1656 = arith.addf %add3A_1604, %div3A_1655 : vector<16xf32>
      %gather3A_1657 = tpu.vector_load_idx %arg39[%iota3A, %broadcast_in_dim3A_1630] : memref<16x32xf32, #tpu.memory_space<vmem>>[vector<16xi32>, vector<16xi32>], vector<16xf32>,
      %neg3A_1658 = arith.constant 0.000000e+00 : f32
      %neg3A_1659 = vector.broadcast %neg3A_1658 : f32 to vector<16xf32>
      %neg3A_1660 = arith.subf %neg3A_1659, %gather3A_1657 : vector<16xf32>
      %exp3A_1661 = math.exp %neg3A_1660 : vector<16xf32>
      %add3A_1662 = arith.constant 1.000000e+00 : f32
      %add3A_1663 = vector.broadcast %add3A_1662 : f32 to vector<16xf32>
      %add3A_1664 = arith.addf %add3A_1663, %exp3A_1661 : vector<16xf32>
      %div3A_1665 = arith.constant 1.000000e+00 : f32
      %div3A_1666 = vector.broadcast %div3A_1665 : f32 to vector<16xf32>
      %div3A_1667 = arith.divf %div3A_1666, %add3A_1664 : vector<16xf32>
      %add3A_1668 = arith.addf %add3A_1616, %div3A_1667 : vector<16xf32>
      %gather3A_1669 = tpu.vector_load_idx %arg39[%iota3A, %broadcast_in_dim3A_1632] : memref<16x32xf32, #tpu.memory_space<vmem>>[vector<16xi32>, vector<16xi32>], vector<16xf32>,
      %neg3A_1670 = arith.constant 0.000000e+00 : f32
      %neg3A_1671 = vector.broadcast %neg3A_1670 : f32 to vector<16xf32>
      %neg3A_1672 = arith.subf %neg3A_1671, %gather3A_1669 : vector<16xf32>
      %exp3A_1673 = math.exp %neg3A_1672 : vector<16xf32>
      %add3A_1674 = arith.constant 1.000000e+00 : f32
      %add3A_1675 = vector.broadcast %add3A_1674 : f32 to vector<16xf32>
      %add3A_1676 = arith.addf %add3A_1675, %exp3A_1673 : vector<16xf32>
      %div3A_1677 = arith.constant 1.000000e+00 : f32
      %div3A_1678 = vector.broadcast %div3A_1677 : f32 to vector<16xf32>
      %div3A_1679 = arith.divf %div3A_1678, %add3A_1676 : vector<16xf32>
      %add3A_1680 = arith.addf %add3A_1628, %div3A_1679 : vector<16xf32>
      %broadcast_in_dim3A_1681 = arith.constant 4 : i32
      %broadcast_in_dim3A_1682 = vector.broadcast %broadcast_in_dim3A_1681 : i32 to vector<16xi32>
      %broadcast_in_dim3A_1683 = arith.constant 5 : i32
      %broadcast_in_dim3A_1684 = vector.broadcast %broadcast_in_dim3A_1683 : i32 to vector<16xi32>
      %gather3A_1685 = tpu.vector_load_idx %arg38[%iota3A, %broadcast_in_dim3A_1682] : memref<16x32xf32, #tpu.memory_space<vmem>>[vector<16xi32>, vector<16xi32>], vector<16xf32>,
      %neg3A_1686 = arith.constant 0.000000e+00 : f32
      %neg3A_1687 = vector.broadcast %neg3A_1686 : f32 to vector<16xf32>
      %neg3A_1688 = arith.subf %neg3A_1687, %gather3A_1685 : vector<16xf32>
      %exp3A_1689 = math.exp %neg3A_1688 : vector<16xf32>
      %add3A_1690 = arith.constant 1.000000e+00 : f32
      %add3A_1691 = vector.broadcast %add3A_1690 : f32 to vector<16xf32>
      %add3A_1692 = arith.addf %add3A_1691, %exp3A_1689 : vector<16xf32>
      %div3A_1693 = arith.constant 1.000000e+00 : f32
      %div3A_1694 = vector.broadcast %div3A_1693 : f32 to vector<16xf32>
      %div3A_1695 = arith.divf %div3A_1694, %add3A_1692 : vector<16xf32>
      %add3A_1696 = arith.addf %add3A_1644, %div3A_1695 : vector<16xf32>
      %gather3A_1697 = tpu.vector_load_idx %arg38[%iota3A, %broadcast_in_dim3A_1684] : memref<16x32xf32, #tpu.memory_space<vmem>>[vector<16xi32>, vector<16xi32>], vector<16xf32>,
      %neg3A_1698 = arith.constant 0.000000e+00 : f32
      %neg3A_1699 = vector.broadcast %neg3A_1698 : f32 to vector<16xf32>
      %neg3A_1700 = arith.subf %neg3A_1699, %gather3A_1697 : vector<16xf32>
      %exp3A_1701 = math.exp %neg3A_1700 : vector<16xf32>
      %add3A_1702 = arith.constant 1.000000e+00 : f32
      %add3A_1703 = vector.broadcast %add3A_1702 : f32 to vector<16xf32>
      %add3A_1704 = arith.addf %add3A_1703, %exp3A_1701 : vector<16xf32>
      %div3A_1705 = arith.constant 1.000000e+00 : f32
      %div3A_1706 = vector.broadcast %div3A_1705 : f32 to vector<16xf32>
      %div3A_1707 = arith.divf %div3A_1706, %add3A_1704 : vector<16xf32>
      %add3A_1708 = arith.addf %add3A_1656, %div3A_1707 : vector<16xf32>
      %gather3A_1709 = tpu.vector_load_idx %arg39[%iota3A, %broadcast_in_dim3A_1682] : memref<16x32xf32, #tpu.memory_space<vmem>>[vector<16xi32>, vector<16xi32>], vector<16xf32>,
      %neg3A_1710 = arith.constant 0.000000e+00 : f32
      %neg3A_1711 = vector.broadcast %neg3A_1710 : f32 to vector<16xf32>
      %neg3A_1712 = arith.subf %neg3A_1711, %gather3A_1709 : vector<16xf32>
      %exp3A_1713 = math.exp %neg3A_1712 : vector<16xf32>
      %add3A_1714 = arith.constant 1.000000e+00 : f32
      %add3A_1715 = vector.broadcast %add3A_1714 : f32 to vector<16xf32>
      %add3A_1716 = arith.addf %add3A_1715, %exp3A_1713 : vector<16xf32>
      %div3A_1717 = arith.constant 1.000000e+00 : f32
      %div3A_1718 = vector.broadcast %div3A_1717 : f32 to vector<16xf32>
      %div3A_1719 = arith.divf %div3A_1718, %add3A_1716 : vector<16xf32>
      %add3A_1720 = arith.addf %add3A_1668, %div3A_1719 : vector<16xf32>
      %gather3A_1721 = tpu.vector_load_idx %arg39[%iota3A, %broadcast_in_dim3A_1684] : memref<16x32xf32, #tpu.memory_space<vmem>>[vector<16xi32>, vector<16xi32>], vector<16xf32>,
      %neg3A_1722 = arith.constant 0.000000e+00 : f32
      %neg3A_1723 = vector.broadcast %neg3A_1722 : f32 to vector<16xf32>
      %neg3A_1724 = arith.subf %neg3A_1723, %gather3A_1721 : vector<16xf32>
      %exp3A_1725 = math.exp %neg3A_1724 : vector<16xf32>
      %add3A_1726 = arith.constant 1.000000e+00 : f32
      %add3A_1727 = vector.broadcast %add3A_1726 : f32 to vector<16xf32>
      %add3A_1728 = arith.addf %add3A_1727, %exp3A_1725 : vector<16xf32>
      %div3A_1729 = arith.constant 1.000000e+00 : f32
      %div3A_1730 = vector.broadcast %div3A_1729 : f32 to vector<16xf32>
      %div3A_1731 = arith.divf %div3A_1730, %add3A_1728 : vector<16xf32>
      %add3A_1732 = arith.addf %add3A_1680, %div3A_1731 : vector<16xf32>
      %broadcast_in_dim3A_1733 = arith.constant 6 : i32
      %broadcast_in_dim3A_1734 = vector.broadcast %broadcast_in_dim3A_1733 : i32 to vector<16xi32>
      %broadcast_in_dim3A_1735 = arith.constant 7 : i32
      %broadcast_in_dim3A_1736 = vector.broadcast %broadcast_in_dim3A_1735 : i32 to vector<16xi32>
      %gather3A_1737 = tpu.vector_load_idx %arg38[%iota3A, %broadcast_in_dim3A_1734] : memref<16x32xf32, #tpu.memory_space<vmem>>[vector<16xi32>, vector<16xi32>], vector<16xf32>,
      %neg3A_1738 = arith.constant 0.000000e+00 : f32
      %neg3A_1739 = vector.broadcast %neg3A_1738 : f32 to vector<16xf32>
      %neg3A_1740 = arith.subf %neg3A_1739, %gather3A_1737 : vector<16xf32>
      %exp3A_1741 = math.exp %neg3A_1740 : vector<16xf32>
      %add3A_1742 = arith.constant 1.000000e+00 : f32
      %add3A_1743 = vector.broadcast %add3A_1742 : f32 to vector<16xf32>
      %add3A_1744 = arith.addf %add3A_1743, %exp3A_1741 : vector<16xf32>
      %div3A_1745 = arith.constant 1.000000e+00 : f32
      %div3A_1746 = vector.broadcast %div3A_1745 : f32 to vector<16xf32>
      %div3A_1747 = arith.divf %div3A_1746, %add3A_1744 : vector<16xf32>
      %add3A_1748 = arith.addf %add3A_1696, %div3A_1747 : vector<16xf32>
      %gather3A_1749 = tpu.vector_load_idx %arg38[%iota3A, %broadcast_in_dim3A_1736] : memref<16x32xf32, #tpu.memory_space<vmem>>[vector<16xi32>, vector<16xi32>], vector<16xf32>,
      %neg3A_1750 = arith.constant 0.000000e+00 : f32
      %neg3A_1751 = vector.broadcast %neg3A_1750 : f32 to vector<16xf32>
      %neg3A_1752 = arith.subf %neg3A_1751, %gather3A_1749 : vector<16xf32>
      %exp3A_1753 = math.exp %neg3A_1752 : vector<16xf32>
      %add3A_1754 = arith.constant 1.000000e+00 : f32
      %add3A_1755 = vector.broadcast %add3A_1754 : f32 to vector<16xf32>
      %add3A_1756 = arith.addf %add3A_1755, %exp3A_1753 : vector<16xf32>
      %div3A_1757 = arith.constant 1.000000e+00 : f32
      %div3A_1758 = vector.broadcast %div3A_1757 : f32 to vector<16xf32>
      %div3A_1759 = arith.divf %div3A_1758, %add3A_1756 : vector<16xf32>
      %add3A_1760 = arith.addf %add3A_1708, %div3A_1759 : vector<16xf32>
      %gather3A_1761 = tpu.vector_load_idx %arg39[%iota3A, %broadcast_in_dim3A_1734] : memref<16x32xf32, #tpu.memory_space<vmem>>[vector<16xi32>, vector<16xi32>], vector<16xf32>,
      %neg3A_1762 = arith.constant 0.000000e+00 : f32
      %neg3A_1763 = vector.broadcast %neg3A_1762 : f32 to vector<16xf32>
      %neg3A_1764 = arith.subf %neg3A_1763, %gather3A_1761 : vector<16xf32>
      %exp3A_1765 = math.exp %neg3A_1764 : vector<16xf32>
      %add3A_1766 = arith.constant 1.000000e+00 : f32
      %add3A_1767 = vector.broadcast %add3A_1766 : f32 to vector<16xf32>
      %add3A_1768 = arith.addf %add3A_1767, %exp3A_1765 : vector<16xf32>
      %div3A_1769 = arith.constant 1.000000e+00 : f32
      %div3A_1770 = vector.broadcast %div3A_1769 : f32 to vector<16xf32>
      %div3A_1771 = arith.divf %div3A_1770, %add3A_1768 : vector<16xf32>
      %add3A_1772 = arith.addf %add3A_1720, %div3A_1771 : vector<16xf32>
      %gather3A_1773 = tpu.vector_load_idx %arg39[%iota3A, %broadcast_in_dim3A_1736] : memref<16x32xf32, #tpu.memory_space<vmem>>[vector<16xi32>, vector<16xi32>], vector<16xf32>,
      %neg3A_1774 = arith.constant 0.000000e+00 : f32
      %neg3A_1775 = vector.broadcast %neg3A_1774 : f32 to vector<16xf32>
      %neg3A_1776 = arith.subf %neg3A_1775, %gather3A_1773 : vector<16xf32>
      %exp3A_1777 = math.exp %neg3A_1776 : vector<16xf32>
      %add3A_1778 = arith.constant 1.000000e+00 : f32
      %add3A_1779 = vector.broadcast %add3A_1778 : f32 to vector<16xf32>
      %add3A_1780 = arith.addf %add3A_1779, %exp3A_1777 : vector<16xf32>
      %div3A_1781 = arith.constant 1.000000e+00 : f32
      %div3A_1782 = vector.broadcast %div3A_1781 : f32 to vector<16xf32>
      %div3A_1783 = arith.divf %div3A_1782, %add3A_1780 : vector<16xf32>
      %add3A_1784 = arith.addf %add3A_1732, %div3A_1783 : vector<16xf32>
      %broadcast_in_dim3A_1785 = arith.constant 8 : i32
      %broadcast_in_dim3A_1786 = vector.broadcast %broadcast_in_dim3A_1785 : i32 to vector<16xi32>
      %broadcast_in_dim3A_1787 = arith.constant 9 : i32
      %broadcast_in_dim3A_1788 = vector.broadcast %broadcast_in_dim3A_1787 : i32 to vector<16xi32>
      %gather3A_1789 = tpu.vector_load_idx %arg38[%iota3A, %broadcast_in_dim3A_1786] : memref<16x32xf32, #tpu.memory_space<vmem>>[vector<16xi32>, vector<16xi32>], vector<16xf32>,
      %neg3A_1790 = arith.constant 0.000000e+00 : f32
      %neg3A_1791 = vector.broadcast %neg3A_1790 : f32 to vector<16xf32>
      %neg3A_1792 = arith.subf %neg3A_1791, %gather3A_1789 : vector<16xf32>
      %exp3A_1793 = math.exp %neg3A_1792 : vector<16xf32>
      %add3A_1794 = arith.constant 1.000000e+00 : f32
      %add3A_1795 = vector.broadcast %add3A_1794 : f32 to vector<16xf32>
      %add3A_1796 = arith.addf %add3A_1795, %exp3A_1793 : vector<16xf32>
      %div3A_1797 = arith.constant 1.000000e+00 : f32
      %div3A_1798 = vector.broadcast %div3A_1797 : f32 to vector<16xf32>
      %div3A_1799 = arith.divf %div3A_1798, %add3A_1796 : vector<16xf32>
      %add3A_1800 = arith.addf %add3A_1748, %div3A_1799 : vector<16xf32>
      %gather3A_1801 = tpu.vector_load_idx %arg38[%iota3A, %broadcast_in_dim3A_1788] : memref<16x32xf32, #tpu.memory_space<vmem>>[vector<16xi32>, vector<16xi32>], vector<16xf32>,
      %neg3A_1802 = arith.constant 0.000000e+00 : f32
      %neg3A_1803 = vector.broadcast %neg3A_1802 : f32 to vector<16xf32>
      %neg3A_1804 = arith.subf %neg3A_1803, %gather3A_1801 : vector<16xf32>
      %exp3A_1805 = math.exp %neg3A_1804 : vector<16xf32>
      %add3A_1806 = arith.constant 1.000000e+00 : f32
      %add3A_1807 = vector.broadcast %add3A_1806 : f32 to vector<16xf32>
      %add3A_1808 = arith.addf %add3A_1807, %exp3A_1805 : vector<16xf32>
      %div3A_1809 = arith.constant 1.000000e+00 : f32
      %div3A_1810 = vector.broadcast %div3A_1809 : f32 to vector<16xf32>
      %div3A_1811 = arith.divf %div3A_1810, %add3A_1808 : vector<16xf32>
      %add3A_1812 = arith.addf %add3A_1760, %div3A_1811 : vector<16xf32>
      %gather3A_1813 = tpu.vector_load_idx %arg39[%iota3A, %broadcast_in_dim3A_1786] : memref<16x32xf32, #tpu.memory_space<vmem>>[vector<16xi32>, vector<16xi32>], vector<16xf32>,
      %neg3A_1814 = arith.constant 0.000000e+00 : f32
      %neg3A_1815 = vector.broadcast %neg3A_1814 : f32 to vector<16xf32>
      %neg3A_1816 = arith.subf %neg3A_1815, %gather3A_1813 : vector<16xf32>
      %exp3A_1817 = math.exp %neg3A_1816 : vector<16xf32>
      %add3A_1818 = arith.constant 1.000000e+00 : f32
      %add3A_1819 = vector.broadcast %add3A_1818 : f32 to vector<16xf32>
      %add3A_1820 = arith.addf %add3A_1819, %exp3A_1817 : vector<16xf32>
      %div3A_1821 = arith.constant 1.000000e+00 : f32
      %div3A_1822 = vector.broadcast %div3A_1821 : f32 to vector<16xf32>
      %div3A_1823 = arith.divf %div3A_1822, %add3A_1820 : vector<16xf32>
      %add3A_1824 = arith.addf %add3A_1772, %div3A_1823 : vector<16xf32>
      %gather3A_1825 = tpu.vector_load_idx %arg39[%iota3A, %broadcast_in_dim3A_1788] : memref<16x32xf32, #tpu.memory_space<vmem>>[vector<16xi32>, vector<16xi32>], vector<16xf32>,
      %neg3A_1826 = arith.constant 0.000000e+00 : f32
      %neg3A_1827 = vector.broadcast %neg3A_1826 : f32 to vector<16xf32>
      %neg3A_1828 = arith.subf %neg3A_1827, %gather3A_1825 : vector<16xf32>
      %exp3A_1829 = math.exp %neg3A_1828 : vector<16xf32>
      %add3A_1830 = arith.constant 1.000000e+00 : f32
      %add3A_1831 = vector.broadcast %add3A_1830 : f32 to vector<16xf32>
      %add3A_1832 = arith.addf %add3A_1831, %exp3A_1829 : vector<16xf32>
      %div3A_1833 = arith.constant 1.000000e+00 : f32
      %div3A_1834 = vector.broadcast %div3A_1833 : f32 to vector<16xf32>
      %div3A_1835 = arith.divf %div3A_1834, %add3A_1832 : vector<16xf32>
      %add3A_1836 = arith.addf %add3A_1784, %div3A_1835 : vector<16xf32>
      %broadcast_in_dim3A_1837 = arith.constant 10 : i32
      %broadcast_in_dim3A_1838 = vector.broadcast %broadcast_in_dim3A_1837 : i32 to vector<16xi32>
      %broadcast_in_dim3A_1839 = arith.constant 11 : i32
      %broadcast_in_dim3A_1840 = vector.broadcast %broadcast_in_dim3A_1839 : i32 to vector<16xi32>
      %gather3A_1841 = tpu.vector_load_idx %arg38[%iota3A, %broadcast_in_dim3A_1838] : memref<16x32xf32, #tpu.memory_space<vmem>>[vector<16xi32>, vector<16xi32>], vector<16xf32>,
      %neg3A_1842 = arith.constant 0.000000e+00 : f32
      %neg3A_1843 = vector.broadcast %neg3A_1842 : f32 to vector<16xf32>
      %neg3A_1844 = arith.subf %neg3A_1843, %gather3A_1841 : vector<16xf32>
      %exp3A_1845 = math.exp %neg3A_1844 : vector<16xf32>
      %add3A_1846 = arith.constant 1.000000e+00 : f32
      %add3A_1847 = vector.broadcast %add3A_1846 : f32 to vector<16xf32>
      %add3A_1848 = arith.addf %add3A_1847, %exp3A_1845 : vector<16xf32>
      %div3A_1849 = arith.constant 1.000000e+00 : f32
      %div3A_1850 = vector.broadcast %div3A_1849 : f32 to vector<16xf32>
      %div3A_1851 = arith.divf %div3A_1850, %add3A_1848 : vector<16xf32>
      %add3A_1852 = arith.addf %add3A_1800, %div3A_1851 : vector<16xf32>
      %gather3A_1853 = tpu.vector_load_idx %arg38[%iota3A, %broadcast_in_dim3A_1840] : memref<16x32xf32, #tpu.memory_space<vmem>>[vector<16xi32>, vector<16xi32>], vector<16xf32>,
      %neg3A_1854 = arith.constant 0.000000e+00 : f32
      %neg3A_1855 = vector.broadcast %neg3A_1854 : f32 to vector<16xf32>
      %neg3A_1856 = arith.subf %neg3A_1855, %gather3A_1853 : vector<16xf32>
      %exp3A_1857 = math.exp %neg3A_1856 : vector<16xf32>
      %add3A_1858 = arith.constant 1.000000e+00 : f32
      %add3A_1859 = vector.broadcast %add3A_1858 : f32 to vector<16xf32>
      %add3A_1860 = arith.addf %add3A_1859, %exp3A_1857 : vector<16xf32>
      %div3A_1861 = arith.constant 1.000000e+00 : f32
      %div3A_1862 = vector.broadcast %div3A_1861 : f32 to vector<16xf32>
      %div3A_1863 = arith.divf %div3A_1862, %add3A_1860 : vector<16xf32>
      %add3A_1864 = arith.addf %add3A_1812, %div3A_1863 : vector<16xf32>
      %gather3A_1865 = tpu.vector_load_idx %arg39[%iota3A, %broadcast_in_dim3A_1838] : memref<16x32xf32, #tpu.memory_space<vmem>>[vector<16xi32>, vector<16xi32>], vector<16xf32>,
      %neg3A_1866 = arith.constant 0.000000e+00 : f32
      %neg3A_1867 = vector.broadcast %neg3A_1866 : f32 to vector<16xf32>
      %neg3A_1868 = arith.subf %neg3A_1867, %gather3A_1865 : vector<16xf32>
      %exp3A_1869 = math.exp %neg3A_1868 : vector<16xf32>
      %add3A_1870 = arith.constant 1.000000e+00 : f32
      %add3A_1871 = vector.broadcast %add3A_1870 : f32 to vector<16xf32>
      %add3A_1872 = arith.addf %add3A_1871, %exp3A_1869 : vector<16xf32>
      %div3A_1873 = arith.constant 1.000000e+00 : f32
      %div3A_1874 = vector.broadcast %div3A_1873 : f32 to vector<16xf32>
      %div3A_1875 = arith.divf %div3A_1874, %add3A_1872 : vector<16xf32>
      %add3A_1876 = arith.addf %add3A_1824, %div3A_1875 : vector<16xf32>
      %gather3A_1877 = tpu.vector_load_idx %arg39[%iota3A, %broadcast_in_dim3A_1840] : memref<16x32xf32, #tpu.memory_space<vmem>>[vector<16xi32>, vector<16xi32>], vector<16xf32>,
      %neg3A_1878 = arith.constant 0.000000e+00 : f32
      %neg3A_1879 = vector.broadcast %neg3A_1878 : f32 to vector<16xf32>
      %neg3A_1880 = arith.subf %neg3A_1879, %gather3A_1877 : vector<16xf32>
      %exp3A_1881 = math.exp %neg3A_1880 : vector<16xf32>
      %add3A_1882 = arith.constant 1.000000e+00 : f32
      %add3A_1883 = vector.broadcast %add3A_1882 : f32 to vector<16xf32>
      %add3A_1884 = arith.addf %add3A_1883, %exp3A_1881 : vector<16xf32>
      %div3A_1885 = arith.constant 1.000000e+00 : f32
      %div3A_1886 = vector.broadcast %div3A_1885 : f32 to vector<16xf32>
      %div3A_1887 = arith.divf %div3A_1886, %add3A_1884 : vector<16xf32>
      %add3A_1888 = arith.addf %add3A_1836, %div3A_1887 : vector<16xf32>
      %broadcast_in_dim3A_1889 = arith.constant 12 : i32
      %broadcast_in_dim3A_1890 = vector.broadcast %broadcast_in_dim3A_1889 : i32 to vector<16xi32>
      %broadcast_in_dim3A_1891 = arith.constant 13 : i32
      %broadcast_in_dim3A_1892 = vector.broadcast %broadcast_in_dim3A_1891 : i32 to vector<16xi32>
      %gather3A_1893 = tpu.vector_load_idx %arg38[%iota3A, %broadcast_in_dim3A_1890] : memref<16x32xf32, #tpu.memory_space<vmem>>[vector<16xi32>, vector<16xi32>], vector<16xf32>,
      %neg3A_1894 = arith.constant 0.000000e+00 : f32
      %neg3A_1895 = vector.broadcast %neg3A_1894 : f32 to vector<16xf32>
      %neg3A_1896 = arith.subf %neg3A_1895, %gather3A_1893 : vector<16xf32>
      %exp3A_1897 = math.exp %neg3A_1896 : vector<16xf32>
      %add3A_1898 = arith.constant 1.000000e+00 : f32
      %add3A_1899 = vector.broadcast %add3A_1898 : f32 to vector<16xf32>
      %add3A_1900 = arith.addf %add3A_1899, %exp3A_1897 : vector<16xf32>
      %div3A_1901 = arith.constant 1.000000e+00 : f32
      %div3A_1902 = vector.broadcast %div3A_1901 : f32 to vector<16xf32>
      %div3A_1903 = arith.divf %div3A_1902, %add3A_1900 : vector<16xf32>
      %add3A_1904 = arith.addf %add3A_1852, %div3A_1903 : vector<16xf32>
      %gather3A_1905 = tpu.vector_load_idx %arg38[%iota3A, %broadcast_in_dim3A_1892] : memref<16x32xf32, #tpu.memory_space<vmem>>[vector<16xi32>, vector<16xi32>], vector<16xf32>,
      %neg3A_1906 = arith.constant 0.000000e+00 : f32
      %neg3A_1907 = vector.broadcast %neg3A_1906 : f32 to vector<16xf32>
      %neg3A_1908 = arith.subf %neg3A_1907, %gather3A_1905 : vector<16xf32>
      %exp3A_1909 = math.exp %neg3A_1908 : vector<16xf32>
      %add3A_1910 = arith.constant 1.000000e+00 : f32
      %add3A_1911 = vector.broadcast %add3A_1910 : f32 to vector<16xf32>
      %add3A_1912 = arith.addf %add3A_1911, %exp3A_1909 : vector<16xf32>
      %div3A_1913 = arith.constant 1.000000e+00 : f32
      %div3A_1914 = vector.broadcast %div3A_1913 : f32 to vector<16xf32>
      %div3A_1915 = arith.divf %div3A_1914, %add3A_1912 : vector<16xf32>
      %add3A_1916 = arith.addf %add3A_1864, %div3A_1915 : vector<16xf32>
      %gather3A_1917 = tpu.vector_load_idx %arg39[%iota3A, %broadcast_in_dim3A_1890] : memref<16x32xf32, #tpu.memory_space<vmem>>[vector<16xi32>, vector<16xi32>], vector<16xf32>,
      %neg3A_1918 = arith.constant 0.000000e+00 : f32
      %neg3A_1919 = vector.broadcast %neg3A_1918 : f32 to vector<16xf32>
      %neg3A_1920 = arith.subf %neg3A_1919, %gather3A_1917 : vector<16xf32>
      %exp3A_1921 = math.exp %neg3A_1920 : vector<16xf32>
      %add3A_1922 = arith.constant 1.000000e+00 : f32
      %add3A_1923 = vector.broadcast %add3A_1922 : f32 to vector<16xf32>
      %add3A_1924 = arith.addf %add3A_1923, %exp3A_1921 : vector<16xf32>
      %div3A_1925 = arith.constant 1.000000e+00 : f32
      %div3A_1926 = vector.broadcast %div3A_1925 : f32 to vector<16xf32>
      %div3A_1927 = arith.divf %div3A_1926, %add3A_1924 : vector<16xf32>
      %add3A_1928 = arith.addf %add3A_1876, %div3A_1927 : vector<16xf32>
      %gather3A_1929 = tpu.vector_load_idx %arg39[%iota3A, %broadcast_in_dim3A_1892] : memref<16x32xf32, #tpu.memory_space<vmem>>[vector<16xi32>, vector<16xi32>], vector<16xf32>,
      %neg3A_1930 = arith.constant 0.000000e+00 : f32
      %neg3A_1931 = vector.broadcast %neg3A_1930 : f32 to vector<16xf32>
      %neg3A_1932 = arith.subf %neg3A_1931, %gather3A_1929 : vector<16xf32>
      %exp3A_1933 = math.exp %neg3A_1932 : vector<16xf32>
      %add3A_1934 = arith.constant 1.000000e+00 : f32
      %add3A_1935 = vector.broadcast %add3A_1934 : f32 to vector<16xf32>
      %add3A_1936 = arith.addf %add3A_1935, %exp3A_1933 : vector<16xf32>
      %div3A_1937 = arith.constant 1.000000e+00 : f32
      %div3A_1938 = vector.broadcast %div3A_1937 : f32 to vector<16xf32>
      %div3A_1939 = arith.divf %div3A_1938, %add3A_1936 : vector<16xf32>
      %add3A_1940 = arith.addf %add3A_1888, %div3A_1939 : vector<16xf32>
      %broadcast_in_dim3A_1941 = arith.constant 14 : i32
      %broadcast_in_dim3A_1942 = vector.broadcast %broadcast_in_dim3A_1941 : i32 to vector<16xi32>
      %broadcast_in_dim3A_1943 = arith.constant 15 : i32
      %broadcast_in_dim3A_1944 = vector.broadcast %broadcast_in_dim3A_1943 : i32 to vector<16xi32>
      %gather3A_1945 = tpu.vector_load_idx %arg38[%iota3A, %broadcast_in_dim3A_1942] : memref<16x32xf32, #tpu.memory_space<vmem>>[vector<16xi32>, vector<16xi32>], vector<16xf32>,
      %neg3A_1946 = arith.constant 0.000000e+00 : f32
      %neg3A_1947 = vector.broadcast %neg3A_1946 : f32 to vector<16xf32>
      %neg3A_1948 = arith.subf %neg3A_1947, %gather3A_1945 : vector<16xf32>
      %exp3A_1949 = math.exp %neg3A_1948 : vector<16xf32>
      %add3A_1950 = arith.constant 1.000000e+00 : f32
      %add3A_1951 = vector.broadcast %add3A_1950 : f32 to vector<16xf32>
      %add3A_1952 = arith.addf %add3A_1951, %exp3A_1949 : vector<16xf32>
      %div3A_1953 = arith.constant 1.000000e+00 : f32
      %div3A_1954 = vector.broadcast %div3A_1953 : f32 to vector<16xf32>
      %div3A_1955 = arith.divf %div3A_1954, %add3A_1952 : vector<16xf32>
      %add3A_1956 = arith.addf %add3A_1904, %div3A_1955 : vector<16xf32>
      %gather3A_1957 = tpu.vector_load_idx %arg38[%iota3A, %broadcast_in_dim3A_1944] : memref<16x32xf32, #tpu.memory_space<vmem>>[vector<16xi32>, vector<16xi32>], vector<16xf32>,
      %neg3A_1958 = arith.constant 0.000000e+00 : f32
      %neg3A_1959 = vector.broadcast %neg3A_1958 : f32 to vector<16xf32>
      %neg3A_1960 = arith.subf %neg3A_1959, %gather3A_1957 : vector<16xf32>
      %exp3A_1961 = math.exp %neg3A_1960 : vector<16xf32>
      %add3A_1962 = arith.constant 1.000000e+00 : f32
      %add3A_1963 = vector.broadcast %add3A_1962 : f32 to vector<16xf32>
      %add3A_1964 = arith.addf %add3A_1963, %exp3A_1961 : vector<16xf32>
      %div3A_1965 = arith.constant 1.000000e+00 : f32
      %div3A_1966 = vector.broadcast %div3A_1965 : f32 to vector<16xf32>
      %div3A_1967 = arith.divf %div3A_1966, %add3A_1964 : vector<16xf32>
      %add3A_1968 = arith.addf %add3A_1916, %div3A_1967 : vector<16xf32>
      %gather3A_1969 = tpu.vector_load_idx %arg39[%iota3A, %broadcast_in_dim3A_1942] : memref<16x32xf32, #tpu.memory_space<vmem>>[vector<16xi32>, vector<16xi32>], vector<16xf32>,
      %neg3A_1970 = arith.constant 0.000000e+00 : f32
      %neg3A_1971 = vector.broadcast %neg3A_1970 : f32 to vector<16xf32>
      %neg3A_1972 = arith.subf %neg3A_1971, %gather3A_1969 : vector<16xf32>
      %exp3A_1973 = math.exp %neg3A_1972 : vector<16xf32>
      %add3A_1974 = arith.constant 1.000000e+00 : f32
      %add3A_1975 = vector.broadcast %add3A_1974 : f32 to vector<16xf32>
      %add3A_1976 = arith.addf %add3A_1975, %exp3A_1973 : vector<16xf32>
      %div3A_1977 = arith.constant 1.000000e+00 : f32
      %div3A_1978 = vector.broadcast %div3A_1977 : f32 to vector<16xf32>
      %div3A_1979 = arith.divf %div3A_1978, %add3A_1976 : vector<16xf32>
      %add3A_1980 = arith.addf %add3A_1928, %div3A_1979 : vector<16xf32>
      %gather3A_1981 = tpu.vector_load_idx %arg39[%iota3A, %broadcast_in_dim3A_1944] : memref<16x32xf32, #tpu.memory_space<vmem>>[vector<16xi32>, vector<16xi32>], vector<16xf32>,
      %neg3A_1982 = arith.constant 0.000000e+00 : f32
      %neg3A_1983 = vector.broadcast %neg3A_1982 : f32 to vector<16xf32>
      %neg3A_1984 = arith.subf %neg3A_1983, %gather3A_1981 : vector<16xf32>
      %exp3A_1985 = math.exp %neg3A_1984 : vector<16xf32>
      %add3A_1986 = arith.constant 1.000000e+00 : f32
      %add3A_1987 = vector.broadcast %add3A_1986 : f32 to vector<16xf32>
      %add3A_1988 = arith.addf %add3A_1987, %exp3A_1985 : vector<16xf32>
      %div3A_1989 = arith.constant 1.000000e+00 : f32
      %div3A_1990 = vector.broadcast %div3A_1989 : f32 to vector<16xf32>
      %div3A_1991 = arith.divf %div3A_1990, %add3A_1988 : vector<16xf32>
      %add3A_1992 = arith.addf %add3A_1940, %div3A_1991 : vector<16xf32>
      %broadcast_in_dim3A_1993 = arith.constant 16 : i32
      %broadcast_in_dim3A_1994 = vector.broadcast %broadcast_in_dim3A_1993 : i32 to vector<16xi32>
      %broadcast_in_dim3A_1995 = arith.constant 17 : i32
      %broadcast_in_dim3A_1996 = vector.broadcast %broadcast_in_dim3A_1995 : i32 to vector<16xi32>
      %gather3A_1997 = tpu.vector_load_idx %arg38[%iota3A, %broadcast_in_dim3A_1994] : memref<16x32xf32, #tpu.memory_space<vmem>>[vector<16xi32>, vector<16xi32>], vector<16xf32>,
      %neg3A_1998 = arith.constant 0.000000e+00 : f32
      %neg3A_1999 = vector.broadcast %neg3A_1998 : f32 to vector<16xf32>
      %neg3A_2000 = arith.subf %neg3A_1999, %gather3A_1997 : vector<16xf32>
      %exp3A_2001 = math.exp %neg3A_2000 : vector<16xf32>
      %add3A_2002 = arith.constant 1.000000e+00 : f32
      %add3A_2003 = vector.broadcast %add3A_2002 : f32 to vector<16xf32>
      %add3A_2004 = arith.addf %add3A_2003, %exp3A_2001 : vector<16xf32>
      %div3A_2005 = arith.constant 1.000000e+00 : f32
      %div3A_2006 = vector.broadcast %div3A_2005 : f32 to vector<16xf32>
      %div3A_2007 = arith.divf %div3A_2006, %add3A_2004 : vector<16xf32>
      %add3A_2008 = arith.addf %add3A_1956, %div3A_2007 : vector<16xf32>
      %gather3A_2009 = tpu.vector_load_idx %arg38[%iota3A, %broadcast_in_dim3A_1996] : memref<16x32xf32, #tpu.memory_space<vmem>>[vector<16xi32>, vector<16xi32>], vector<16xf32>,
      %neg3A_2010 = arith.constant 0.000000e+00 : f32
      %neg3A_2011 = vector.broadcast %neg3A_2010 : f32 to vector<16xf32>
      %neg3A_2012 = arith.subf %neg3A_2011, %gather3A_2009 : vector<16xf32>
      %exp3A_2013 = math.exp %neg3A_2012 : vector<16xf32>
      %add3A_2014 = arith.constant 1.000000e+00 : f32
      %add3A_2015 = vector.broadcast %add3A_2014 : f32 to vector<16xf32>
      %add3A_2016 = arith.addf %add3A_2015, %exp3A_2013 : vector<16xf32>
      %div3A_2017 = arith.constant 1.000000e+00 : f32
      %div3A_2018 = vector.broadcast %div3A_2017 : f32 to vector<16xf32>
      %div3A_2019 = arith.divf %div3A_2018, %add3A_2016 : vector<16xf32>
      %add3A_2020 = arith.addf %add3A_1968, %div3A_2019 : vector<16xf32>
      %gather3A_2021 = tpu.vector_load_idx %arg39[%iota3A, %broadcast_in_dim3A_1994] : memref<16x32xf32, #tpu.memory_space<vmem>>[vector<16xi32>, vector<16xi32>], vector<16xf32>,
      %neg3A_2022 = arith.constant 0.000000e+00 : f32
      %neg3A_2023 = vector.broadcast %neg3A_2022 : f32 to vector<16xf32>
      %neg3A_2024 = arith.subf %neg3A_2023, %gather3A_2021 : vector<16xf32>
      %exp3A_2025 = math.exp %neg3A_2024 : vector<16xf32>
      %add3A_2026 = arith.constant 1.000000e+00 : f32
      %add3A_2027 = vector.broadcast %add3A_2026 : f32 to vector<16xf32>
      %add3A_2028 = arith.addf %add3A_2027, %exp3A_2025 : vector<16xf32>
      %div3A_2029 = arith.constant 1.000000e+00 : f32
      %div3A_2030 = vector.broadcast %div3A_2029 : f32 to vector<16xf32>
      %div3A_2031 = arith.divf %div3A_2030, %add3A_2028 : vector<16xf32>
      %add3A_2032 = arith.addf %add3A_1980, %div3A_2031 : vector<16xf32>
      %gather3A_2033 = tpu.vector_load_idx %arg39[%iota3A, %broadcast_in_dim3A_1996] : memref<16x32xf32, #tpu.memory_space<vmem>>[vector<16xi32>, vector<16xi32>], vector<16xf32>,
      %neg3A_2034 = arith.constant 0.000000e+00 : f32
      %neg3A_2035 = vector.broadcast %neg3A_2034 : f32 to vector<16xf32>
      %neg3A_2036 = arith.subf %neg3A_2035, %gather3A_2033 : vector<16xf32>
      %exp3A_2037 = math.exp %neg3A_2036 : vector<16xf32>
      %add3A_2038 = arith.constant 1.000000e+00 : f32
      %add3A_2039 = vector.broadcast %add3A_2038 : f32 to vector<16xf32>
      %add3A_2040 = arith.addf %add3A_2039, %exp3A_2037 : vector<16xf32>
      %div3A_2041 = arith.constant 1.000000e+00 : f32
      %div3A_2042 = vector.broadcast %div3A_2041 : f32 to vector<16xf32>
      %div3A_2043 = arith.divf %div3A_2042, %add3A_2040 : vector<16xf32>
      %add3A_2044 = arith.addf %add3A_1992, %div3A_2043 : vector<16xf32>
      %broadcast_in_dim3A_2045 = arith.constant 18 : i32
      %broadcast_in_dim3A_2046 = vector.broadcast %broadcast_in_dim3A_2045 : i32 to vector<16xi32>
      %broadcast_in_dim3A_2047 = arith.constant 19 : i32
      %broadcast_in_dim3A_2048 = vector.broadcast %broadcast_in_dim3A_2047 : i32 to vector<16xi32>
      %gather3A_2049 = tpu.vector_load_idx %arg38[%iota3A, %broadcast_in_dim3A_2046] : memref<16x32xf32, #tpu.memory_space<vmem>>[vector<16xi32>, vector<16xi32>], vector<16xf32>,
      %neg3A_2050 = arith.constant 0.000000e+00 : f32
      %neg3A_2051 = vector.broadcast %neg3A_2050 : f32 to vector<16xf32>
      %neg3A_2052 = arith.subf %neg3A_2051, %gather3A_2049 : vector<16xf32>
      %exp3A_2053 = math.exp %neg3A_2052 : vector<16xf32>
      %add3A_2054 = arith.constant 1.000000e+00 : f32
      %add3A_2055 = vector.broadcast %add3A_2054 : f32 to vector<16xf32>
      %add3A_2056 = arith.addf %add3A_2055, %exp3A_2053 : vector<16xf32>
      %div3A_2057 = arith.constant 1.000000e+00 : f32
      %div3A_2058 = vector.broadcast %div3A_2057 : f32 to vector<16xf32>
      %div3A_2059 = arith.divf %div3A_2058, %add3A_2056 : vector<16xf32>
      %add3A_2060 = arith.addf %add3A_2008, %div3A_2059 : vector<16xf32>
      %gather3A_2061 = tpu.vector_load_idx %arg38[%iota3A, %broadcast_in_dim3A_2048] : memref<16x32xf32, #tpu.memory_space<vmem>>[vector<16xi32>, vector<16xi32>], vector<16xf32>,
      %neg3A_2062 = arith.constant 0.000000e+00 : f32
      %neg3A_2063 = vector.broadcast %neg3A_2062 : f32 to vector<16xf32>
      %neg3A_2064 = arith.subf %neg3A_2063, %gather3A_2061 : vector<16xf32>
      %exp3A_2065 = math.exp %neg3A_2064 : vector<16xf32>
      %add3A_2066 = arith.constant 1.000000e+00 : f32
      %add3A_2067 = vector.broadcast %add3A_2066 : f32 to vector<16xf32>
      %add3A_2068 = arith.addf %add3A_2067, %exp3A_2065 : vector<16xf32>
      %div3A_2069 = arith.constant 1.000000e+00 : f32
      %div3A_2070 = vector.broadcast %div3A_2069 : f32 to vector<16xf32>
      %div3A_2071 = arith.divf %div3A_2070, %add3A_2068 : vector<16xf32>
      %add3A_2072 = arith.addf %add3A_2020, %div3A_2071 : vector<16xf32>
      %gather3A_2073 = tpu.vector_load_idx %arg39[%iota3A, %broadcast_in_dim3A_2046] : memref<16x32xf32, #tpu.memory_space<vmem>>[vector<16xi32>, vector<16xi32>], vector<16xf32>,
      %neg3A_2074 = arith.constant 0.000000e+00 : f32
      %neg3A_2075 = vector.broadcast %neg3A_2074 : f32 to vector<16xf32>
      %neg3A_2076 = arith.subf %neg3A_2075, %gather3A_2073 : vector<16xf32>
      %exp3A_2077 = math.exp %neg3A_2076 : vector<16xf32>
      %add3A_2078 = arith.constant 1.000000e+00 : f32
      %add3A_2079 = vector.broadcast %add3A_2078 : f32 to vector<16xf32>
      %add3A_2080 = arith.addf %add3A_2079, %exp3A_2077 : vector<16xf32>
      %div3A_2081 = arith.constant 1.000000e+00 : f32
      %div3A_2082 = vector.broadcast %div3A_2081 : f32 to vector<16xf32>
      %div3A_2083 = arith.divf %div3A_2082, %add3A_2080 : vector<16xf32>
      %add3A_2084 = arith.addf %add3A_2032, %div3A_2083 : vector<16xf32>
      %gather3A_2085 = tpu.vector_load_idx %arg39[%iota3A, %broadcast_in_dim3A_2048] : memref<16x32xf32, #tpu.memory_space<vmem>>[vector<16xi32>, vector<16xi32>], vector<16xf32>,
      %neg3A_2086 = arith.constant 0.000000e+00 : f32
      %neg3A_2087 = vector.broadcast %neg3A_2086 : f32 to vector<16xf32>
      %neg3A_2088 = arith.subf %neg3A_2087, %gather3A_2085 : vector<16xf32>
      %exp3A_2089 = math.exp %neg3A_2088 : vector<16xf32>
      %add3A_2090 = arith.constant 1.000000e+00 : f32
      %add3A_2091 = vector.broadcast %add3A_2090 : f32 to vector<16xf32>
      %add3A_2092 = arith.addf %add3A_2091, %exp3A_2089 : vector<16xf32>
      %div3A_2093 = arith.constant 1.000000e+00 : f32
      %div3A_2094 = vector.broadcast %div3A_2093 : f32 to vector<16xf32>
      %div3A_2095 = arith.divf %div3A_2094, %add3A_2092 : vector<16xf32>
      %add3A_2096 = arith.addf %add3A_2044, %div3A_2095 : vector<16xf32>
      %broadcast_in_dim3A_2097 = arith.constant 20 : i32
      %broadcast_in_dim3A_2098 = vector.broadcast %broadcast_in_dim3A_2097 : i32 to vector<16xi32>
      %broadcast_in_dim3A_2099 = arith.constant 21 : i32
      %broadcast_in_dim3A_2100 = vector.broadcast %broadcast_in_dim3A_2099 : i32 to vector<16xi32>
      %gather3A_2101 = tpu.vector_load_idx %arg38[%iota3A, %broadcast_in_dim3A_2098] : memref<16x32xf32, #tpu.memory_space<vmem>>[vector<16xi32>, vector<16xi32>], vector<16xf32>,
      %neg3A_2102 = arith.constant 0.000000e+00 : f32
      %neg3A_2103 = vector.broadcast %neg3A_2102 : f32 to vector<16xf32>
      %neg3A_2104 = arith.subf %neg3A_2103, %gather3A_2101 : vector<16xf32>
      %exp3A_2105 = math.exp %neg3A_2104 : vector<16xf32>
      %add3A_2106 = arith.constant 1.000000e+00 : f32
      %add3A_2107 = vector.broadcast %add3A_2106 : f32 to vector<16xf32>
      %add3A_2108 = arith.addf %add3A_2107, %exp3A_2105 : vector<16xf32>
      %div3A_2109 = arith.constant 1.000000e+00 : f32
      %div3A_2110 = vector.broadcast %div3A_2109 : f32 to vector<16xf32>
      %div3A_2111 = arith.divf %div3A_2110, %add3A_2108 : vector<16xf32>
      %add3A_2112 = arith.addf %add3A_2060, %div3A_2111 : vector<16xf32>
      %gather3A_2113 = tpu.vector_load_idx %arg38[%iota3A, %broadcast_in_dim3A_2100] : memref<16x32xf32, #tpu.memory_space<vmem>>[vector<16xi32>, vector<16xi32>], vector<16xf32>,
      %neg3A_2114 = arith.constant 0.000000e+00 : f32
      %neg3A_2115 = vector.broadcast %neg3A_2114 : f32 to vector<16xf32>
      %neg3A_2116 = arith.subf %neg3A_2115, %gather3A_2113 : vector<16xf32>
      %exp3A_2117 = math.exp %neg3A_2116 : vector<16xf32>
      %add3A_2118 = arith.constant 1.000000e+00 : f32
      %add3A_2119 = vector.broadcast %add3A_2118 : f32 to vector<16xf32>
      %add3A_2120 = arith.addf %add3A_2119, %exp3A_2117 : vector<16xf32>
      %div3A_2121 = arith.constant 1.000000e+00 : f32
      %div3A_2122 = vector.broadcast %div3A_2121 : f32 to vector<16xf32>
      %div3A_2123 = arith.divf %div3A_2122, %add3A_2120 : vector<16xf32>
      %add3A_2124 = arith.addf %add3A_2072, %div3A_2123 : vector<16xf32>
      %gather3A_2125 = tpu.vector_load_idx %arg39[%iota3A, %broadcast_in_dim3A_2098] : memref<16x32xf32, #tpu.memory_space<vmem>>[vector<16xi32>, vector<16xi32>], vector<16xf32>,
      %neg3A_2126 = arith.constant 0.000000e+00 : f32
      %neg3A_2127 = vector.broadcast %neg3A_2126 : f32 to vector<16xf32>
      %neg3A_2128 = arith.subf %neg3A_2127, %gather3A_2125 : vector<16xf32>
      %exp3A_2129 = math.exp %neg3A_2128 : vector<16xf32>
      %add3A_2130 = arith.constant 1.000000e+00 : f32
      %add3A_2131 = vector.broadcast %add3A_2130 : f32 to vector<16xf32>
      %add3A_2132 = arith.addf %add3A_2131, %exp3A_2129 : vector<16xf32>
      %div3A_2133 = arith.constant 1.000000e+00 : f32
      %div3A_2134 = vector.broadcast %div3A_2133 : f32 to vector<16xf32>
      %div3A_2135 = arith.divf %div3A_2134, %add3A_2132 : vector<16xf32>
      %add3A_2136 = arith.addf %add3A_2084, %div3A_2135 : vector<16xf32>
      %gather3A_2137 = tpu.vector_load_idx %arg39[%iota3A, %broadcast_in_dim3A_2100] : memref<16x32xf32, #tpu.memory_space<vmem>>[vector<16xi32>, vector<16xi32>], vector<16xf32>,
      %neg3A_2138 = arith.constant 0.000000e+00 : f32
      %neg3A_2139 = vector.broadcast %neg3A_2138 : f32 to vector<16xf32>
      %neg3A_2140 = arith.subf %neg3A_2139, %gather3A_2137 : vector<16xf32>
      %exp3A_2141 = math.exp %neg3A_2140 : vector<16xf32>
      %add3A_2142 = arith.constant 1.000000e+00 : f32
      %add3A_2143 = vector.broadcast %add3A_2142 : f32 to vector<16xf32>
      %add3A_2144 = arith.addf %add3A_2143, %exp3A_2141 : vector<16xf32>
      %div3A_2145 = arith.constant 1.000000e+00 : f32
      %div3A_2146 = vector.broadcast %div3A_2145 : f32 to vector<16xf32>
      %div3A_2147 = arith.divf %div3A_2146, %add3A_2144 : vector<16xf32>
      %add3A_2148 = arith.addf %add3A_2096, %div3A_2147 : vector<16xf32>
      %broadcast_in_dim3A_2149 = arith.constant 22 : i32
      %broadcast_in_dim3A_2150 = vector.broadcast %broadcast_in_dim3A_2149 : i32 to vector<16xi32>
      %broadcast_in_dim3A_2151 = arith.constant 23 : i32
      %broadcast_in_dim3A_2152 = vector.broadcast %broadcast_in_dim3A_2151 : i32 to vector<16xi32>
      %gather3A_2153 = tpu.vector_load_idx %arg38[%iota3A, %broadcast_in_dim3A_2150] : memref<16x32xf32, #tpu.memory_space<vmem>>[vector<16xi32>, vector<16xi32>], vector<16xf32>,
      %neg3A_2154 = arith.constant 0.000000e+00 : f32
      %neg3A_2155 = vector.broadcast %neg3A_2154 : f32 to vector<16xf32>
      %neg3A_2156 = arith.subf %neg3A_2155, %gather3A_2153 : vector<16xf32>
      %exp3A_2157 = math.exp %neg3A_2156 : vector<16xf32>
      %add3A_2158 = arith.constant 1.000000e+00 : f32
      %add3A_2159 = vector.broadcast %add3A_2158 : f32 to vector<16xf32>
      %add3A_2160 = arith.addf %add3A_2159, %exp3A_2157 : vector<16xf32>
      %div3A_2161 = arith.constant 1.000000e+00 : f32
      %div3A_2162 = vector.broadcast %div3A_2161 : f32 to vector<16xf32>
      %div3A_2163 = arith.divf %div3A_2162, %add3A_2160 : vector<16xf32>
      %add3A_2164 = arith.addf %add3A_2112, %div3A_2163 : vector<16xf32>
      %gather3A_2165 = tpu.vector_load_idx %arg38[%iota3A, %broadcast_in_dim3A_2152] : memref<16x32xf32, #tpu.memory_space<vmem>>[vector<16xi32>, vector<16xi32>], vector<16xf32>,
      %neg3A_2166 = arith.constant 0.000000e+00 : f32
      %neg3A_2167 = vector.broadcast %neg3A_2166 : f32 to vector<16xf32>
      %neg3A_2168 = arith.subf %neg3A_2167, %gather3A_2165 : vector<16xf32>
      %exp3A_2169 = math.exp %neg3A_2168 : vector<16xf32>
      %add3A_2170 = arith.constant 1.000000e+00 : f32
      %add3A_2171 = vector.broadcast %add3A_2170 : f32 to vector<16xf32>
      %add3A_2172 = arith.addf %add3A_2171, %exp3A_2169 : vector<16xf32>
      %div3A_2173 = arith.constant 1.000000e+00 : f32
      %div3A_2174 = vector.broadcast %div3A_2173 : f32 to vector<16xf32>
      %div3A_2175 = arith.divf %div3A_2174, %add3A_2172 : vector<16xf32>
      %add3A_2176 = arith.addf %add3A_2124, %div3A_2175 : vector<16xf32>
      %gather3A_2177 = tpu.vector_load_idx %arg39[%iota3A, %broadcast_in_dim3A_2150] : memref<16x32xf32, #tpu.memory_space<vmem>>[vector<16xi32>, vector<16xi32>], vector<16xf32>,
      %neg3A_2178 = arith.constant 0.000000e+00 : f32
      %neg3A_2179 = vector.broadcast %neg3A_2178 : f32 to vector<16xf32>
      %neg3A_2180 = arith.subf %neg3A_2179, %gather3A_2177 : vector<16xf32>
      %exp3A_2181 = math.exp %neg3A_2180 : vector<16xf32>
      %add3A_2182 = arith.constant 1.000000e+00 : f32
      %add3A_2183 = vector.broadcast %add3A_2182 : f32 to vector<16xf32>
      %add3A_2184 = arith.addf %add3A_2183, %exp3A_2181 : vector<16xf32>
      %div3A_2185 = arith.constant 1.000000e+00 : f32
      %div3A_2186 = vector.broadcast %div3A_2185 : f32 to vector<16xf32>
      %div3A_2187 = arith.divf %div3A_2186, %add3A_2184 : vector<16xf32>
      %add3A_2188 = arith.addf %add3A_2136, %div3A_2187 : vector<16xf32>
      %gather3A_2189 = tpu.vector_load_idx %arg39[%iota3A, %broadcast_in_dim3A_2152] : memref<16x32xf32, #tpu.memory_space<vmem>>[vector<16xi32>, vector<16xi32>], vector<16xf32>,
      %neg3A_2190 = arith.constant 0.000000e+00 : f32
      %neg3A_2191 = vector.broadcast %neg3A_2190 : f32 to vector<16xf32>
      %neg3A_2192 = arith.subf %neg3A_2191, %gather3A_2189 : vector<16xf32>
      %exp3A_2193 = math.exp %neg3A_2192 : vector<16xf32>
      %add3A_2194 = arith.constant 1.000000e+00 : f32
      %add3A_2195 = vector.broadcast %add3A_2194 : f32 to vector<16xf32>
      %add3A_2196 = arith.addf %add3A_2195, %exp3A_2193 : vector<16xf32>
      %div3A_2197 = arith.constant 1.000000e+00 : f32
      %div3A_2198 = vector.broadcast %div3A_2197 : f32 to vector<16xf32>
      %div3A_2199 = arith.divf %div3A_2198, %add3A_2196 : vector<16xf32>
      %add3A_2200 = arith.addf %add3A_2148, %div3A_2199 : vector<16xf32>
      %broadcast_in_dim3A_2201 = arith.constant 24 : i32
      %broadcast_in_dim3A_2202 = vector.broadcast %broadcast_in_dim3A_2201 : i32 to vector<16xi32>
      %broadcast_in_dim3A_2203 = arith.constant 25 : i32
      %broadcast_in_dim3A_2204 = vector.broadcast %broadcast_in_dim3A_2203 : i32 to vector<16xi32>
      %gather3A_2205 = tpu.vector_load_idx %arg38[%iota3A, %broadcast_in_dim3A_2202] : memref<16x32xf32, #tpu.memory_space<vmem>>[vector<16xi32>, vector<16xi32>], vector<16xf32>,
      %neg3A_2206 = arith.constant 0.000000e+00 : f32
      %neg3A_2207 = vector.broadcast %neg3A_2206 : f32 to vector<16xf32>
      %neg3A_2208 = arith.subf %neg3A_2207, %gather3A_2205 : vector<16xf32>
      %exp3A_2209 = math.exp %neg3A_2208 : vector<16xf32>
      %add3A_2210 = arith.constant 1.000000e+00 : f32
      %add3A_2211 = vector.broadcast %add3A_2210 : f32 to vector<16xf32>
      %add3A_2212 = arith.addf %add3A_2211, %exp3A_2209 : vector<16xf32>
      %div3A_2213 = arith.constant 1.000000e+00 : f32
      %div3A_2214 = vector.broadcast %div3A_2213 : f32 to vector<16xf32>
      %div3A_2215 = arith.divf %div3A_2214, %add3A_2212 : vector<16xf32>
      %add3A_2216 = arith.addf %add3A_2164, %div3A_2215 : vector<16xf32>
      %gather3A_2217 = tpu.vector_load_idx %arg38[%iota3A, %broadcast_in_dim3A_2204] : memref<16x32xf32, #tpu.memory_space<vmem>>[vector<16xi32>, vector<16xi32>], vector<16xf32>,
      %neg3A_2218 = arith.constant 0.000000e+00 : f32
      %neg3A_2219 = vector.broadcast %neg3A_2218 : f32 to vector<16xf32>
      %neg3A_2220 = arith.subf %neg3A_2219, %gather3A_2217 : vector<16xf32>
      %exp3A_2221 = math.exp %neg3A_2220 : vector<16xf32>
      %add3A_2222 = arith.constant 1.000000e+00 : f32
      %add3A_2223 = vector.broadcast %add3A_2222 : f32 to vector<16xf32>
      %add3A_2224 = arith.addf %add3A_2223, %exp3A_2221 : vector<16xf32>
      %div3A_2225 = arith.constant 1.000000e+00 : f32
      %div3A_2226 = vector.broadcast %div3A_2225 : f32 to vector<16xf32>
      %div3A_2227 = arith.divf %div3A_2226, %add3A_2224 : vector<16xf32>
      %add3A_2228 = arith.addf %add3A_2176, %div3A_2227 : vector<16xf32>
      %gather3A_2229 = tpu.vector_load_idx %arg39[%iota3A, %broadcast_in_dim3A_2202] : memref<16x32xf32, #tpu.memory_space<vmem>>[vector<16xi32>, vector<16xi32>], vector<16xf32>,
      %neg3A_2230 = arith.constant 0.000000e+00 : f32
      %neg3A_2231 = vector.broadcast %neg3A_2230 : f32 to vector<16xf32>
      %neg3A_2232 = arith.subf %neg3A_2231, %gather3A_2229 : vector<16xf32>
      %exp3A_2233 = math.exp %neg3A_2232 : vector<16xf32>
      %add3A_2234 = arith.constant 1.000000e+00 : f32
      %add3A_2235 = vector.broadcast %add3A_2234 : f32 to vector<16xf32>
      %add3A_2236 = arith.addf %add3A_2235, %exp3A_2233 : vector<16xf32>
      %div3A_2237 = arith.constant 1.000000e+00 : f32
      %div3A_2238 = vector.broadcast %div3A_2237 : f32 to vector<16xf32>
      %div3A_2239 = arith.divf %div3A_2238, %add3A_2236 : vector<16xf32>
      %add3A_2240 = arith.addf %add3A_2188, %div3A_2239 : vector<16xf32>
      %gather3A_2241 = tpu.vector_load_idx %arg39[%iota3A, %broadcast_in_dim3A_2204] : memref<16x32xf32, #tpu.memory_space<vmem>>[vector<16xi32>, vector<16xi32>], vector<16xf32>,
      %neg3A_2242 = arith.constant 0.000000e+00 : f32
      %neg3A_2243 = vector.broadcast %neg3A_2242 : f32 to vector<16xf32>
      %neg3A_2244 = arith.subf %neg3A_2243, %gather3A_2241 : vector<16xf32>
      %exp3A_2245 = math.exp %neg3A_2244 : vector<16xf32>
      %add3A_2246 = arith.constant 1.000000e+00 : f32
      %add3A_2247 = vector.broadcast %add3A_2246 : f32 to vector<16xf32>
      %add3A_2248 = arith.addf %add3A_2247, %exp3A_2245 : vector<16xf32>
      %div3A_2249 = arith.constant 1.000000e+00 : f32
      %div3A_2250 = vector.broadcast %div3A_2249 : f32 to vector<16xf32>
      %div3A_2251 = arith.divf %div3A_2250, %add3A_2248 : vector<16xf32>
      %add3A_2252 = arith.addf %add3A_2200, %div3A_2251 : vector<16xf32>
      %broadcast_in_dim3A_2253 = arith.constant 26 : i32
      %broadcast_in_dim3A_2254 = vector.broadcast %broadcast_in_dim3A_2253 : i32 to vector<16xi32>
      %broadcast_in_dim3A_2255 = arith.constant 27 : i32
      %broadcast_in_dim3A_2256 = vector.broadcast %broadcast_in_dim3A_2255 : i32 to vector<16xi32>
      %gather3A_2257 = tpu.vector_load_idx %arg38[%iota3A, %broadcast_in_dim3A_2254] : memref<16x32xf32, #tpu.memory_space<vmem>>[vector<16xi32>, vector<16xi32>], vector<16xf32>,
      %neg3A_2258 = arith.constant 0.000000e+00 : f32
      %neg3A_2259 = vector.broadcast %neg3A_2258 : f32 to vector<16xf32>
      %neg3A_2260 = arith.subf %neg3A_2259, %gather3A_2257 : vector<16xf32>
      %exp3A_2261 = math.exp %neg3A_2260 : vector<16xf32>
      %add3A_2262 = arith.constant 1.000000e+00 : f32
      %add3A_2263 = vector.broadcast %add3A_2262 : f32 to vector<16xf32>
      %add3A_2264 = arith.addf %add3A_2263, %exp3A_2261 : vector<16xf32>
      %div3A_2265 = arith.constant 1.000000e+00 : f32
      %div3A_2266 = vector.broadcast %div3A_2265 : f32 to vector<16xf32>
      %div3A_2267 = arith.divf %div3A_2266, %add3A_2264 : vector<16xf32>
      %add3A_2268 = arith.addf %add3A_2216, %div3A_2267 : vector<16xf32>
      %gather3A_2269 = tpu.vector_load_idx %arg38[%iota3A, %broadcast_in_dim3A_2256] : memref<16x32xf32, #tpu.memory_space<vmem>>[vector<16xi32>, vector<16xi32>], vector<16xf32>,
      %neg3A_2270 = arith.constant 0.000000e+00 : f32
      %neg3A_2271 = vector.broadcast %neg3A_2270 : f32 to vector<16xf32>
      %neg3A_2272 = arith.subf %neg3A_2271, %gather3A_2269 : vector<16xf32>
      %exp3A_2273 = math.exp %neg3A_2272 : vector<16xf32>
      %add3A_2274 = arith.constant 1.000000e+00 : f32
      %add3A_2275 = vector.broadcast %add3A_2274 : f32 to vector<16xf32>
      %add3A_2276 = arith.addf %add3A_2275, %exp3A_2273 : vector<16xf32>
      %div3A_2277 = arith.constant 1.000000e+00 : f32
      %div3A_2278 = vector.broadcast %div3A_2277 : f32 to vector<16xf32>
      %div3A_2279 = arith.divf %div3A_2278, %add3A_2276 : vector<16xf32>
      %add3A_2280 = arith.addf %add3A_2228, %div3A_2279 : vector<16xf32>
      %gather3A_2281 = tpu.vector_load_idx %arg39[%iota3A, %broadcast_in_dim3A_2254] : memref<16x32xf32, #tpu.memory_space<vmem>>[vector<16xi32>, vector<16xi32>], vector<16xf32>,
      %neg3A_2282 = arith.constant 0.000000e+00 : f32
      %neg3A_2283 = vector.broadcast %neg3A_2282 : f32 to vector<16xf32>
      %neg3A_2284 = arith.subf %neg3A_2283, %gather3A_2281 : vector<16xf32>
      %exp3A_2285 = math.exp %neg3A_2284 : vector<16xf32>
      %add3A_2286 = arith.constant 1.000000e+00 : f32
      %add3A_2287 = vector.broadcast %add3A_2286 : f32 to vector<16xf32>
      %add3A_2288 = arith.addf %add3A_2287, %exp3A_2285 : vector<16xf32>
      %div3A_2289 = arith.constant 1.000000e+00 : f32
      %div3A_2290 = vector.broadcast %div3A_2289 : f32 to vector<16xf32>
      %div3A_2291 = arith.divf %div3A_2290, %add3A_2288 : vector<16xf32>
      %add3A_2292 = arith.addf %add3A_2240, %div3A_2291 : vector<16xf32>
      %gather3A_2293 = tpu.vector_load_idx %arg39[%iota3A, %broadcast_in_dim3A_2256] : memref<16x32xf32, #tpu.memory_space<vmem>>[vector<16xi32>, vector<16xi32>], vector<16xf32>,
      %neg3A_2294 = arith.constant 0.000000e+00 : f32
      %neg3A_2295 = vector.broadcast %neg3A_2294 : f32 to vector<16xf32>
      %neg3A_2296 = arith.subf %neg3A_2295, %gather3A_2293 : vector<16xf32>
      %exp3A_2297 = math.exp %neg3A_2296 : vector<16xf32>
      %add3A_2298 = arith.constant 1.000000e+00 : f32
      %add3A_2299 = vector.broadcast %add3A_2298 : f32 to vector<16xf32>
      %add3A_2300 = arith.addf %add3A_2299, %exp3A_2297 : vector<16xf32>
      %div3A_2301 = arith.constant 1.000000e+00 : f32
      %div3A_2302 = vector.broadcast %div3A_2301 : f32 to vector<16xf32>
      %div3A_2303 = arith.divf %div3A_2302, %add3A_2300 : vector<16xf32>
      %add3A_2304 = arith.addf %add3A_2252, %div3A_2303 : vector<16xf32>
      %broadcast_in_dim3A_2305 = arith.constant 28 : i32
      %broadcast_in_dim3A_2306 = vector.broadcast %broadcast_in_dim3A_2305 : i32 to vector<16xi32>
      %broadcast_in_dim3A_2307 = arith.constant 29 : i32
      %broadcast_in_dim3A_2308 = vector.broadcast %broadcast_in_dim3A_2307 : i32 to vector<16xi32>
      %gather3A_2309 = tpu.vector_load_idx %arg38[%iota3A, %broadcast_in_dim3A_2306] : memref<16x32xf32, #tpu.memory_space<vmem>>[vector<16xi32>, vector<16xi32>], vector<16xf32>,
      %neg3A_2310 = arith.constant 0.000000e+00 : f32
      %neg3A_2311 = vector.broadcast %neg3A_2310 : f32 to vector<16xf32>
      %neg3A_2312 = arith.subf %neg3A_2311, %gather3A_2309 : vector<16xf32>
      %exp3A_2313 = math.exp %neg3A_2312 : vector<16xf32>
      %add3A_2314 = arith.constant 1.000000e+00 : f32
      %add3A_2315 = vector.broadcast %add3A_2314 : f32 to vector<16xf32>
      %add3A_2316 = arith.addf %add3A_2315, %exp3A_2313 : vector<16xf32>
      %div3A_2317 = arith.constant 1.000000e+00 : f32
      %div3A_2318 = vector.broadcast %div3A_2317 : f32 to vector<16xf32>
      %div3A_2319 = arith.divf %div3A_2318, %add3A_2316 : vector<16xf32>
      %add3A_2320 = arith.addf %add3A_2268, %div3A_2319 : vector<16xf32>
      %gather3A_2321 = tpu.vector_load_idx %arg38[%iota3A, %broadcast_in_dim3A_2308] : memref<16x32xf32, #tpu.memory_space<vmem>>[vector<16xi32>, vector<16xi32>], vector<16xf32>,
      %neg3A_2322 = arith.constant 0.000000e+00 : f32
      %neg3A_2323 = vector.broadcast %neg3A_2322 : f32 to vector<16xf32>
      %neg3A_2324 = arith.subf %neg3A_2323, %gather3A_2321 : vector<16xf32>
      %exp3A_2325 = math.exp %neg3A_2324 : vector<16xf32>
      %add3A_2326 = arith.constant 1.000000e+00 : f32
      %add3A_2327 = vector.broadcast %add3A_2326 : f32 to vector<16xf32>
      %add3A_2328 = arith.addf %add3A_2327, %exp3A_2325 : vector<16xf32>
      %div3A_2329 = arith.constant 1.000000e+00 : f32
      %div3A_2330 = vector.broadcast %div3A_2329 : f32 to vector<16xf32>
      %div3A_2331 = arith.divf %div3A_2330, %add3A_2328 : vector<16xf32>
      %add3A_2332 = arith.addf %add3A_2280, %div3A_2331 : vector<16xf32>
      %gather3A_2333 = tpu.vector_load_idx %arg39[%iota3A, %broadcast_in_dim3A_2306] : memref<16x32xf32, #tpu.memory_space<vmem>>[vector<16xi32>, vector<16xi32>], vector<16xf32>,
      %neg3A_2334 = arith.constant 0.000000e+00 : f32
      %neg3A_2335 = vector.broadcast %neg3A_2334 : f32 to vector<16xf32>
      %neg3A_2336 = arith.subf %neg3A_2335, %gather3A_2333 : vector<16xf32>
      %exp3A_2337 = math.exp %neg3A_2336 : vector<16xf32>
      %add3A_2338 = arith.constant 1.000000e+00 : f32
      %add3A_2339 = vector.broadcast %add3A_2338 : f32 to vector<16xf32>
      %add3A_2340 = arith.addf %add3A_2339, %exp3A_2337 : vector<16xf32>
      %div3A_2341 = arith.constant 1.000000e+00 : f32
      %div3A_2342 = vector.broadcast %div3A_2341 : f32 to vector<16xf32>
      %div3A_2343 = arith.divf %div3A_2342, %add3A_2340 : vector<16xf32>
      %add3A_2344 = arith.addf %add3A_2292, %div3A_2343 : vector<16xf32>
      %gather3A_2345 = tpu.vector_load_idx %arg39[%iota3A, %broadcast_in_dim3A_2308] : memref<16x32xf32, #tpu.memory_space<vmem>>[vector<16xi32>, vector<16xi32>], vector<16xf32>,
      %neg3A_2346 = arith.constant 0.000000e+00 : f32
      %neg3A_2347 = vector.broadcast %neg3A_2346 : f32 to vector<16xf32>
      %neg3A_2348 = arith.subf %neg3A_2347, %gather3A_2345 : vector<16xf32>
      %exp3A_2349 = math.exp %neg3A_2348 : vector<16xf32>
      %add3A_2350 = arith.constant 1.000000e+00 : f32
      %add3A_2351 = vector.broadcast %add3A_2350 : f32 to vector<16xf32>
      %add3A_2352 = arith.addf %add3A_2351, %exp3A_2349 : vector<16xf32>
      %div3A_2353 = arith.constant 1.000000e+00 : f32
      %div3A_2354 = vector.broadcast %div3A_2353 : f32 to vector<16xf32>
      %div3A_2355 = arith.divf %div3A_2354, %add3A_2352 : vector<16xf32>
      %add3A_2356 = arith.addf %add3A_2304, %div3A_2355 : vector<16xf32>
      %broadcast_in_dim3A_2357 = arith.constant 30 : i32
      %broadcast_in_dim3A_2358 = vector.broadcast %broadcast_in_dim3A_2357 : i32 to vector<16xi32>
      %broadcast_in_dim3A_2359 = arith.constant 31 : i32
      %broadcast_in_dim3A_2360 = vector.broadcast %broadcast_in_dim3A_2359 : i32 to vector<16xi32>
      %gather3A_2361 = tpu.vector_load_idx %arg38[%iota3A, %broadcast_in_dim3A_2358] : memref<16x32xf32, #tpu.memory_space<vmem>>[vector<16xi32>, vector<16xi32>], vector<16xf32>,
      %neg3A_2362 = arith.constant 0.000000e+00 : f32
      %neg3A_2363 = vector.broadcast %neg3A_2362 : f32 to vector<16xf32>
      %neg3A_2364 = arith.subf %neg3A_2363, %gather3A_2361 : vector<16xf32>
      %exp3A_2365 = math.exp %neg3A_2364 : vector<16xf32>
      %add3A_2366 = arith.constant 1.000000e+00 : f32
      %add3A_2367 = vector.broadcast %add3A_2366 : f32 to vector<16xf32>
      %add3A_2368 = arith.addf %add3A_2367, %exp3A_2365 : vector<16xf32>
      %div3A_2369 = arith.constant 1.000000e+00 : f32
      %div3A_2370 = vector.broadcast %div3A_2369 : f32 to vector<16xf32>
      %div3A_2371 = arith.divf %div3A_2370, %add3A_2368 : vector<16xf32>
      %add3A_2372 = arith.addf %add3A_2320, %div3A_2371 : vector<16xf32>
      %gather3A_2373 = tpu.vector_load_idx %arg38[%iota3A, %broadcast_in_dim3A_2360] : memref<16x32xf32, #tpu.memory_space<vmem>>[vector<16xi32>, vector<16xi32>], vector<16xf32>,
      %neg3A_2374 = arith.constant 0.000000e+00 : f32
      %neg3A_2375 = vector.broadcast %neg3A_2374 : f32 to vector<16xf32>
      %neg3A_2376 = arith.subf %neg3A_2375, %gather3A_2373 : vector<16xf32>
      %exp3A_2377 = math.exp %neg3A_2376 : vector<16xf32>
      %add3A_2378 = arith.constant 1.000000e+00 : f32
      %add3A_2379 = vector.broadcast %add3A_2378 : f32 to vector<16xf32>
      %add3A_2380 = arith.addf %add3A_2379, %exp3A_2377 : vector<16xf32>
      %div3A_2381 = arith.constant 1.000000e+00 : f32
      %div3A_2382 = vector.broadcast %div3A_2381 : f32 to vector<16xf32>
      %div3A_2383 = arith.divf %div3A_2382, %add3A_2380 : vector<16xf32>
      %add3A_2384 = arith.addf %add3A_2332, %div3A_2383 : vector<16xf32>
      %gather3A_2385 = tpu.vector_load_idx %arg39[%iota3A, %broadcast_in_dim3A_2358] : memref<16x32xf32, #tpu.memory_space<vmem>>[vector<16xi32>, vector<16xi32>], vector<16xf32>,
      %neg3A_2386 = arith.constant 0.000000e+00 : f32
      %neg3A_2387 = vector.broadcast %neg3A_2386 : f32 to vector<16xf32>
      %neg3A_2388 = arith.subf %neg3A_2387, %gather3A_2385 : vector<16xf32>
      %exp3A_2389 = math.exp %neg3A_2388 : vector<16xf32>
      %add3A_2390 = arith.constant 1.000000e+00 : f32
      %add3A_2391 = vector.broadcast %add3A_2390 : f32 to vector<16xf32>
      %add3A_2392 = arith.addf %add3A_2391, %exp3A_2389 : vector<16xf32>
      %div3A_2393 = arith.constant 1.000000e+00 : f32
      %div3A_2394 = vector.broadcast %div3A_2393 : f32 to vector<16xf32>
      %div3A_2395 = arith.divf %div3A_2394, %add3A_2392 : vector<16xf32>
      %add3A_2396 = arith.addf %add3A_2344, %div3A_2395 : vector<16xf32>
      %gather3A_2397 = tpu.vector_load_idx %arg39[%iota3A, %broadcast_in_dim3A_2360] : memref<16x32xf32, #tpu.memory_space<vmem>>[vector<16xi32>, vector<16xi32>], vector<16xf32>,
      %neg3A_2398 = arith.constant 0.000000e+00 : f32
      %neg3A_2399 = vector.broadcast %neg3A_2398 : f32 to vector<16xf32>
      %neg3A_2400 = arith.subf %neg3A_2399, %gather3A_2397 : vector<16xf32>
      %exp3A_2401 = math.exp %neg3A_2400 : vector<16xf32>
      %add3A_2402 = arith.constant 1.000000e+00 : f32
      %add3A_2403 = vector.broadcast %add3A_2402 : f32 to vector<16xf32>
      %add3A_2404 = arith.addf %add3A_2403, %exp3A_2401 : vector<16xf32>
      %div3A_2405 = arith.constant 1.000000e+00 : f32
      %div3A_2406 = vector.broadcast %div3A_2405 : f32 to vector<16xf32>
      %div3A_2407 = arith.divf %div3A_2406, %add3A_2404 : vector<16xf32>
      %add3A_2408 = arith.addf %add3A_2356, %div3A_2407 : vector<16xf32>
      %add3A_2409 = arith.addf %add3A_2372, %add3A_2384 : vector<16xf32>
      %add3A_2410 = arith.addf %add3A_2396, %add3A_2408 : vector<16xf32>
      %get3A_2411 = arith.index_cast %mul3A_654 : i32 to index
      %get3A_2412 = tpu.vector_load %arg40[%get3A_2411] {strides = array<i32>} : memref<512xf32, #tpu.memory_space<vmem>>, vector<16xf32>,
      %get3A_2413 = arith.index_cast %mul3A_654 : i32 to index
      %get3A_2414 = tpu.vector_load %arg41[%get3A_2413] {strides = array<i32>} : memref<512xf32, #tpu.memory_space<vmem>>, vector<16xf32>,
      %sub3A_2415 = arith.subf %add3A_2409, %get3A_2412 : vector<16xf32>
      %mul3A_2416 = arith.mulf %get3A_2414, %sub3A_2415 : vector<16xf32>
      %neg3A_2417 = arith.constant 0.000000e+00 : f32
      %neg3A_2418 = vector.broadcast %neg3A_2417 : f32 to vector<16xf32>
      %neg3A_2419 = arith.subf %neg3A_2418, %mul3A_2416 : vector<16xf32>
      %exp3A_2420 = math.exp %neg3A_2419 : vector<16xf32>
      %add3A_2421 = arith.constant 1.000000e+00 : f32
      %add3A_2422 = vector.broadcast %add3A_2421 : f32 to vector<16xf32>
      %add3A_2423 = arith.addf %add3A_2422, %exp3A_2420 : vector<16xf32>
      %div3A_2424 = arith.constant 1.000000e+00 : f32
      %div3A_2425 = vector.broadcast %div3A_2424 : f32 to vector<16xf32>
      %div3A_2426 = arith.divf %div3A_2425, %add3A_2423 : vector<16xf32>
      %mul3A_2427 = arith.constant 3.125000e-02 : f32
      %mul3A_2428 = vector.broadcast %mul3A_2427 : f32 to vector<16xf32>
      %mul3A_2429 = arith.mulf %add3A_2410, %mul3A_2428 : vector<16xf32>
      %mul3A_2430 = arith.constant 3.125000e-02 : f32
      %mul3A_2431 = vector.broadcast %mul3A_2430 : f32 to vector<16xf32>
      %mul3A_2432 = arith.mulf %get3A_2412, %mul3A_2431 : vector<16xf32>
      %mul3A_2433 = vector.broadcast %squeeze3A : f32 to vector<16xf32>
      %mul3A_2434 = arith.mulf %mul3A_2433, %mul3A_2429 : vector<16xf32>
      %mul3A_2435 = vector.broadcast %squeeze3A_324 : f32 to vector<16xf32>
      %mul3A_2436 = arith.mulf %mul3A_2435, %mul3A_2432 : vector<16xf32>
      %add3A_2437 = arith.addf %mul3A_2434, %mul3A_2436 : vector<16xf32>
      %add3A_2438 = vector.broadcast %squeeze3A_338 : f32 to vector<16xf32>
      %add3A_2439 = arith.addf %add3A_2437, %add3A_2438 : vector<16xf32>
      %neg3A_2440 = arith.constant 0.000000e+00 : f32
      %neg3A_2441 = vector.broadcast %neg3A_2440 : f32 to vector<16xf32>
      %neg3A_2442 = arith.subf %neg3A_2441, %add3A_2439 : vector<16xf32>
      %exp3A_2443 = math.exp %neg3A_2442 : vector<16xf32>
      %add3A_2444 = arith.constant 1.000000e+00 : f32
      %add3A_2445 = vector.broadcast %add3A_2444 : f32 to vector<16xf32>
      %add3A_2446 = arith.addf %add3A_2445, %exp3A_2443 : vector<16xf32>
      %div3A_2447 = arith.constant 1.000000e+00 : f32
      %div3A_2448 = vector.broadcast %div3A_2447 : f32 to vector<16xf32>
      %div3A_2449 = arith.divf %div3A_2448, %add3A_2446 : vector<16xf32>
      %mul3A_2450 = vector.broadcast %squeeze3A_326 : f32 to vector<16xf32>
      %mul3A_2451 = arith.mulf %mul3A_2450, %mul3A_2429 : vector<16xf32>
      %mul3A_2452 = vector.broadcast %squeeze3A_328 : f32 to vector<16xf32>
      %mul3A_2453 = arith.mulf %mul3A_2452, %mul3A_2432 : vector<16xf32>
      %add3A_2454 = arith.addf %mul3A_2451, %mul3A_2453 : vector<16xf32>
      %add3A_2455 = vector.broadcast %squeeze3A_340 : f32 to vector<16xf32>
      %add3A_2456 = arith.addf %add3A_2454, %add3A_2455 : vector<16xf32>
      %neg3A_2457 = arith.constant 0.000000e+00 : f32
      %neg3A_2458 = vector.broadcast %neg3A_2457 : f32 to vector<16xf32>
      %neg3A_2459 = arith.subf %neg3A_2458, %add3A_2456 : vector<16xf32>
      %exp3A_2460 = math.exp %neg3A_2459 : vector<16xf32>
      %add3A_2461 = arith.constant 1.000000e+00 : f32
      %add3A_2462 = vector.broadcast %add3A_2461 : f32 to vector<16xf32>
      %add3A_2463 = arith.addf %add3A_2462, %exp3A_2460 : vector<16xf32>
      %div3A_2464 = arith.constant 1.000000e+00 : f32
      %div3A_2465 = vector.broadcast %div3A_2464 : f32 to vector<16xf32>
      %div3A_2466 = arith.divf %div3A_2465, %add3A_2463 : vector<16xf32>
      %mul3A_2467 = vector.broadcast %squeeze3A_330 : f32 to vector<16xf32>
      %mul3A_2468 = arith.mulf %mul3A_2467, %mul3A_2429 : vector<16xf32>
      %mul3A_2469 = vector.broadcast %squeeze3A_332 : f32 to vector<16xf32>
      %mul3A_2470 = arith.mulf %mul3A_2469, %mul3A_2432 : vector<16xf32>
      %add3A_2471 = arith.addf %mul3A_2468, %mul3A_2470 : vector<16xf32>
      %add3A_2472 = vector.broadcast %squeeze3A_342 : f32 to vector<16xf32>
      %add3A_2473 = arith.addf %add3A_2471, %add3A_2472 : vector<16xf32>
      %neg3A_2474 = arith.constant 0.000000e+00 : f32
      %neg3A_2475 = vector.broadcast %neg3A_2474 : f32 to vector<16xf32>
      %neg3A_2476 = arith.subf %neg3A_2475, %add3A_2473 : vector<16xf32>
      %exp3A_2477 = math.exp %neg3A_2476 : vector<16xf32>
      %add3A_2478 = arith.constant 1.000000e+00 : f32
      %add3A_2479 = vector.broadcast %add3A_2478 : f32 to vector<16xf32>
      %add3A_2480 = arith.addf %add3A_2479, %exp3A_2477 : vector<16xf32>
      %div3A_2481 = arith.constant 1.000000e+00 : f32
      %div3A_2482 = vector.broadcast %div3A_2481 : f32 to vector<16xf32>
      %div3A_2483 = arith.divf %div3A_2482, %add3A_2480 : vector<16xf32>
      %mul3A_2484 = vector.broadcast %squeeze3A_334 : f32 to vector<16xf32>
      %mul3A_2485 = arith.mulf %mul3A_2484, %mul3A_2429 : vector<16xf32>
      %mul3A_2486 = vector.broadcast %squeeze3A_336 : f32 to vector<16xf32>
      %mul3A_2487 = arith.mulf %mul3A_2486, %mul3A_2432 : vector<16xf32>
      %add3A_2488 = arith.addf %mul3A_2485, %mul3A_2487 : vector<16xf32>
      %add3A_2489 = vector.broadcast %squeeze3A_344 : f32 to vector<16xf32>
      %add3A_2490 = arith.addf %add3A_2488, %add3A_2489 : vector<16xf32>
      %neg3A_2491 = arith.constant 0.000000e+00 : f32
      %neg3A_2492 = vector.broadcast %neg3A_2491 : f32 to vector<16xf32>
      %neg3A_2493 = arith.subf %neg3A_2492, %add3A_2490 : vector<16xf32>
      %exp3A_2494 = math.exp %neg3A_2493 : vector<16xf32>
      %add3A_2495 = arith.constant 1.000000e+00 : f32
      %add3A_2496 = vector.broadcast %add3A_2495 : f32 to vector<16xf32>
      %add3A_2497 = arith.addf %add3A_2496, %exp3A_2494 : vector<16xf32>
      %div3A_2498 = arith.constant 1.000000e+00 : f32
      %div3A_2499 = vector.broadcast %div3A_2498 : f32 to vector<16xf32>
      %div3A_2500 = arith.divf %div3A_2499, %add3A_2497 : vector<16xf32>
      %mul3A_2501 = vector.broadcast %squeeze3A_346 : f32 to vector<16xf32>
      %mul3A_2502 = arith.mulf %mul3A_2501, %div3A_2449 : vector<16xf32>
      %mul3A_2503 = vector.broadcast %squeeze3A_348 : f32 to vector<16xf32>
      %mul3A_2504 = arith.mulf %mul3A_2503, %div3A_2466 : vector<16xf32>
      %add3A_2505 = arith.addf %mul3A_2502, %mul3A_2504 : vector<16xf32>
      %mul3A_2506 = vector.broadcast %squeeze3A_350 : f32 to vector<16xf32>
      %mul3A_2507 = arith.mulf %mul3A_2506, %div3A_2483 : vector<16xf32>
      %add3A_2508 = arith.addf %add3A_2505, %mul3A_2507 : vector<16xf32>
      %mul3A_2509 = vector.broadcast %squeeze3A_352 : f32 to vector<16xf32>
      %mul3A_2510 = arith.mulf %mul3A_2509, %div3A_2500 : vector<16xf32>
      %add3A_2511 = arith.addf %add3A_2508, %mul3A_2510 : vector<16xf32>
      %add3A_2512 = vector.broadcast %squeeze3A_362 : f32 to vector<16xf32>
      %add3A_2513 = arith.addf %add3A_2511, %add3A_2512 : vector<16xf32>
      %neg3A_2514 = arith.constant 0.000000e+00 : f32
      %neg3A_2515 = vector.broadcast %neg3A_2514 : f32 to vector<16xf32>
      %neg3A_2516 = arith.subf %neg3A_2515, %add3A_2513 : vector<16xf32>
      %exp3A_2517 = math.exp %neg3A_2516 : vector<16xf32>
      %add3A_2518 = arith.constant 1.000000e+00 : f32
      %add3A_2519 = vector.broadcast %add3A_2518 : f32 to vector<16xf32>
      %add3A_2520 = arith.addf %add3A_2519, %exp3A_2517 : vector<16xf32>
      %div3A_2521 = arith.constant 1.000000e+00 : f32
      %div3A_2522 = vector.broadcast %div3A_2521 : f32 to vector<16xf32>
      %div3A_2523 = arith.divf %div3A_2522, %add3A_2520 : vector<16xf32>
      %mul3A_2524 = vector.broadcast %squeeze3A_354 : f32 to vector<16xf32>
      %mul3A_2525 = arith.mulf %mul3A_2524, %div3A_2449 : vector<16xf32>
      %mul3A_2526 = vector.broadcast %squeeze3A_356 : f32 to vector<16xf32>
      %mul3A_2527 = arith.mulf %mul3A_2526, %div3A_2466 : vector<16xf32>
      %add3A_2528 = arith.addf %mul3A_2525, %mul3A_2527 : vector<16xf32>
      %mul3A_2529 = vector.broadcast %squeeze3A_358 : f32 to vector<16xf32>
      %mul3A_2530 = arith.mulf %mul3A_2529, %div3A_2483 : vector<16xf32>
      %add3A_2531 = arith.addf %add3A_2528, %mul3A_2530 : vector<16xf32>
      %mul3A_2532 = vector.broadcast %squeeze3A_360 : f32 to vector<16xf32>
      %mul3A_2533 = arith.mulf %mul3A_2532, %div3A_2500 : vector<16xf32>
      %add3A_2534 = arith.addf %add3A_2531, %mul3A_2533 : vector<16xf32>
      %add3A_2535 = vector.broadcast %squeeze3A_364 : f32 to vector<16xf32>
      %add3A_2536 = arith.addf %add3A_2534, %add3A_2535 : vector<16xf32>
      %neg3A_2537 = arith.constant 0.000000e+00 : f32
      %neg3A_2538 = vector.broadcast %neg3A_2537 : f32 to vector<16xf32>
      %neg3A_2539 = arith.subf %neg3A_2538, %add3A_2536 : vector<16xf32>
      %exp3A_2540 = math.exp %neg3A_2539 : vector<16xf32>
      %add3A_2541 = arith.constant 1.000000e+00 : f32
      %add3A_2542 = vector.broadcast %add3A_2541 : f32 to vector<16xf32>
      %add3A_2543 = arith.addf %add3A_2542, %exp3A_2540 : vector<16xf32>
      %div3A_2544 = arith.constant 1.000000e+00 : f32
      %div3A_2545 = vector.broadcast %div3A_2544 : f32 to vector<16xf32>
      %div3A_2546 = arith.divf %div3A_2545, %add3A_2543 : vector<16xf32>
      %sub3A_2547 = arith.constant 1.000000e+00 : f32
      %sub3A_2548 = vector.broadcast %sub3A_2547 : f32 to vector<16xf32>
      %sub3A_2549 = arith.subf %sub3A_2548, %div3A_2546 : vector<16xf32>
      %mul3A_2550 = arith.mulf %sub3A_2549, %div3A_2426 : vector<16xf32>
      %sub3A_2551 = arith.constant 1.000000e+00 : f32
      %sub3A_2552 = vector.broadcast %sub3A_2551 : f32 to vector<16xf32>
      %sub3A_2553 = arith.subf %sub3A_2552, %div3A_2426 : vector<16xf32>
      %mul3A_2554 = arith.mulf %div3A_2523, %sub3A_2553 : vector<16xf32>
      %add3A_2555 = arith.addf %mul3A_2550, %mul3A_2554 : vector<16xf32>
      %swap3A_2556 = arith.index_cast %mul3A_654 : i32 to index
      %swap3A_2557 = tpu.vector_load %arg42[%swap3A_2556] {strides = array<i32>} : memref<512xf32, #tpu.memory_space<vmem>>, vector<16xf32>,
      tpu.vector_store %arg42[%swap3A_2556], %add3A_2555 {strides = array<i32>} : memref<512xf32, #tpu.memory_space<vmem>>, vector<16xf32>,
      %swap3A_2558 = arith.index_cast %mul3A_654 : i32 to index
      %swap3A_2559 = tpu.vector_load %arg43[%swap3A_2558] {strides = array<i32>} : memref<512xf32, #tpu.memory_space<vmem>>, vector<16xf32>,
      tpu.vector_store %arg43[%swap3A_2558], %div3A_2449 {strides = array<i32>} : memref<512xf32, #tpu.memory_space<vmem>>, vector<16xf32>,
      %swap3A_2560 = arith.index_cast %mul3A_654 : i32 to index
      %swap3A_2561 = tpu.vector_load %arg44[%swap3A_2560] {strides = array<i32>} : memref<512xf32, #tpu.memory_space<vmem>>, vector<16xf32>,
      tpu.vector_store %arg44[%swap3A_2560], %div3A_2466 {strides = array<i32>} : memref<512xf32, #tpu.memory_space<vmem>>, vector<16xf32>,
      %swap3A_2562 = arith.index_cast %mul3A_654 : i32 to index
      %swap3A_2563 = tpu.vector_load %arg45[%swap3A_2562] {strides = array<i32>} : memref<512xf32, #tpu.memory_space<vmem>>, vector<16xf32>,
      tpu.vector_store %arg45[%swap3A_2562], %div3A_2483 {strides = array<i32>} : memref<512xf32, #tpu.memory_space<vmem>>, vector<16xf32>,
      %swap3A_2564 = arith.index_cast %mul3A_654 : i32 to index
      %swap3A_2565 = tpu.vector_load %arg46[%swap3A_2564] {strides = array<i32>} : memref<512xf32, #tpu.memory_space<vmem>>, vector<16xf32>,
      tpu.vector_store %arg46[%swap3A_2564], %div3A_2500 {strides = array<i32>} : memref<512xf32, #tpu.memory_space<vmem>>, vector<16xf32>,
      scf.yield %get3A_697 : vector<16xi32>
    }
    %scan3A_519 = arith.constant 32 : i32
    %dma_wait3A = arith.constant 0 : i32
    %dma_wait3A_520 = arith.constant 0 : i32
    %dma_wait3A_521 = tpu.memref_slice %arg3[%dma_wait3A, %dma_wait3A_520] : memref<32x1000000xf32, #tpu.memory_space<hbm>> -> memref<32x128xf32, #tpu.memory_space<hbm>>
    %dma_wait3A_522 = arith.constant 0 : i32
    %dma_wait3A_523 = arith.constant 0 : i32
    %dma_wait3A_524 = tpu.memref_slice %arg3[%dma_wait3A_522, %dma_wait3A_523] : memref<32x1000000xf32, #tpu.memory_space<hbm>> -> memref<32x128xf32, #tpu.memory_space<hbm>>
    tpu.wait_dma2 semaphore(%arg48 : memref<!tpu.dma_semaphore, #tpu.memory_space<semaphore_mem>>) src(%dma_wait3A_524 : memref<32x128xf32, #tpu.memory_space<hbm>>) dst(%arg14 : memref<32x128xf32, #tpu.memory_space<vmem>>)
    %dma_wait3A_525 = arith.constant 0 : i32
    %dma_wait3A_526 = arith.constant 0 : i32
    %dma_wait3A_527 = tpu.memref_slice %arg4[%dma_wait3A_525, %dma_wait3A_526] : memref<32x1000000xf32, #tpu.memory_space<hbm>> -> memref<32x128xf32, #tpu.memory_space<hbm>>
    %dma_wait3A_528 = arith.constant 0 : i32
    %dma_wait3A_529 = arith.constant 0 : i32
    %dma_wait3A_530 = tpu.memref_slice %arg4[%dma_wait3A_528, %dma_wait3A_529] : memref<32x1000000xf32, #tpu.memory_space<hbm>> -> memref<32x128xf32, #tpu.memory_space<hbm>>
    tpu.wait_dma2 semaphore(%arg49 : memref<!tpu.dma_semaphore, #tpu.memory_space<semaphore_mem>>) src(%dma_wait3A_530 : memref<32x128xf32, #tpu.memory_space<hbm>>) dst(%arg26 : memref<32x128xf32, #tpu.memory_space<vmem>>)
    %dma_wait3A_531 = arith.constant 0 : i32
    %dma_wait3A_532 = arith.constant 0 : i32
    %dma_wait3A_533 = tpu.memref_slice %arg3[%dma_wait3A_531, %dma_wait3A_532] : memref<32x1000000xf32, #tpu.memory_space<hbm>> -> memref<32x128xf32, #tpu.memory_space<hbm>>
    %dma_wait3A_534 = arith.constant 0 : i32
    %dma_wait3A_535 = arith.constant 0 : i32
    %dma_wait3A_536 = tpu.memref_slice %arg3[%dma_wait3A_534, %dma_wait3A_535] : memref<32x1000000xf32, #tpu.memory_space<hbm>> -> memref<32x128xf32, #tpu.memory_space<hbm>>
    tpu.wait_dma2 semaphore(%arg48 : memref<!tpu.dma_semaphore, #tpu.memory_space<semaphore_mem>>) src(%dma_wait3A_536 : memref<32x128xf32, #tpu.memory_space<hbm>>) dst(%arg15 : memref<32x128xf32, #tpu.memory_space<vmem>>)
    %dma_wait3A_537 = arith.constant 0 : i32
    %dma_wait3A_538 = arith.constant 0 : i32
    %dma_wait3A_539 = tpu.memref_slice %arg4[%dma_wait3A_537, %dma_wait3A_538] : memref<32x1000000xf32, #tpu.memory_space<hbm>> -> memref<32x128xf32, #tpu.memory_space<hbm>>
    %dma_wait3A_540 = arith.constant 0 : i32
    %dma_wait3A_541 = arith.constant 0 : i32
    %dma_wait3A_542 = tpu.memref_slice %arg4[%dma_wait3A_540, %dma_wait3A_541] : memref<32x1000000xf32, #tpu.memory_space<hbm>> -> memref<32x128xf32, #tpu.memory_space<hbm>>
    tpu.wait_dma2 semaphore(%arg49 : memref<!tpu.dma_semaphore, #tpu.memory_space<semaphore_mem>>) src(%dma_wait3A_542 : memref<32x128xf32, #tpu.memory_space<hbm>>) dst(%arg27 : memref<32x128xf32, #tpu.memory_space<vmem>>)
    %dma_wait3A_543 = arith.constant 0 : i32
    %dma_wait3A_544 = arith.constant 0 : i32
    %dma_wait3A_545 = tpu.memref_slice %arg3[%dma_wait3A_543, %dma_wait3A_544] : memref<32x1000000xf32, #tpu.memory_space<hbm>> -> memref<32x128xf32, #tpu.memory_space<hbm>>
    %dma_wait3A_546 = arith.constant 0 : i32
    %dma_wait3A_547 = arith.constant 0 : i32
    %dma_wait3A_548 = tpu.memref_slice %arg3[%dma_wait3A_546, %dma_wait3A_547] : memref<32x1000000xf32, #tpu.memory_space<hbm>> -> memref<32x128xf32, #tpu.memory_space<hbm>>
    tpu.wait_dma2 semaphore(%arg48 : memref<!tpu.dma_semaphore, #tpu.memory_space<semaphore_mem>>) src(%dma_wait3A_548 : memref<32x128xf32, #tpu.memory_space<hbm>>) dst(%arg16 : memref<32x128xf32, #tpu.memory_space<vmem>>)
    %dma_wait3A_549 = arith.constant 0 : i32
    %dma_wait3A_550 = arith.constant 0 : i32
    %dma_wait3A_551 = tpu.memref_slice %arg4[%dma_wait3A_549, %dma_wait3A_550] : memref<32x1000000xf32, #tpu.memory_space<hbm>> -> memref<32x128xf32, #tpu.memory_space<hbm>>
    %dma_wait3A_552 = arith.constant 0 : i32
    %dma_wait3A_553 = arith.constant 0 : i32
    %dma_wait3A_554 = tpu.memref_slice %arg4[%dma_wait3A_552, %dma_wait3A_553] : memref<32x1000000xf32, #tpu.memory_space<hbm>> -> memref<32x128xf32, #tpu.memory_space<hbm>>
    tpu.wait_dma2 semaphore(%arg49 : memref<!tpu.dma_semaphore, #tpu.memory_space<semaphore_mem>>) src(%dma_wait3A_554 : memref<32x128xf32, #tpu.memory_space<hbm>>) dst(%arg28 : memref<32x128xf32, #tpu.memory_space<vmem>>)
    %dma_wait3A_555 = arith.constant 0 : i32
    %dma_wait3A_556 = arith.constant 0 : i32
    %dma_wait3A_557 = tpu.memref_slice %arg3[%dma_wait3A_555, %dma_wait3A_556] : memref<32x1000000xf32, #tpu.memory_space<hbm>> -> memref<32x128xf32, #tpu.memory_space<hbm>>
    %dma_wait3A_558 = arith.constant 0 : i32
    %dma_wait3A_559 = arith.constant 0 : i32
    %dma_wait3A_560 = tpu.memref_slice %arg3[%dma_wait3A_558, %dma_wait3A_559] : memref<32x1000000xf32, #tpu.memory_space<hbm>> -> memref<32x128xf32, #tpu.memory_space<hbm>>
    tpu.wait_dma2 semaphore(%arg48 : memref<!tpu.dma_semaphore, #tpu.memory_space<semaphore_mem>>) src(%dma_wait3A_560 : memref<32x128xf32, #tpu.memory_space<hbm>>) dst(%arg17 : memref<32x128xf32, #tpu.memory_space<vmem>>)
    %dma_wait3A_561 = arith.constant 0 : i32
    %dma_wait3A_562 = arith.constant 0 : i32
    %dma_wait3A_563 = tpu.memref_slice %arg4[%dma_wait3A_561, %dma_wait3A_562] : memref<32x1000000xf32, #tpu.memory_space<hbm>> -> memref<32x128xf32, #tpu.memory_space<hbm>>
    %dma_wait3A_564 = arith.constant 0 : i32
    %dma_wait3A_565 = arith.constant 0 : i32
    %dma_wait3A_566 = tpu.memref_slice %arg4[%dma_wait3A_564, %dma_wait3A_565] : memref<32x1000000xf32, #tpu.memory_space<hbm>> -> memref<32x128xf32, #tpu.memory_space<hbm>>
    tpu.wait_dma2 semaphore(%arg49 : memref<!tpu.dma_semaphore, #tpu.memory_space<semaphore_mem>>) src(%dma_wait3A_566 : memref<32x128xf32, #tpu.memory_space<hbm>>) dst(%arg29 : memref<32x128xf32, #tpu.memory_space<vmem>>)
    %dma_wait3A_567 = arith.constant 0 : i32
    %dma_wait3A_568 = arith.constant 0 : i32
    %dma_wait3A_569 = tpu.memref_slice %arg3[%dma_wait3A_567, %dma_wait3A_568] : memref<32x1000000xf32, #tpu.memory_space<hbm>> -> memref<32x128xf32, #tpu.memory_space<hbm>>
    %dma_wait3A_570 = arith.constant 0 : i32
    %dma_wait3A_571 = arith.constant 0 : i32
    %dma_wait3A_572 = tpu.memref_slice %arg3[%dma_wait3A_570, %dma_wait3A_571] : memref<32x1000000xf32, #tpu.memory_space<hbm>> -> memref<32x128xf32, #tpu.memory_space<hbm>>
    tpu.wait_dma2 semaphore(%arg48 : memref<!tpu.dma_semaphore, #tpu.memory_space<semaphore_mem>>) src(%dma_wait3A_572 : memref<32x128xf32, #tpu.memory_space<hbm>>) dst(%arg18 : memref<32x128xf32, #tpu.memory_space<vmem>>)
    %dma_wait3A_573 = arith.constant 0 : i32
    %dma_wait3A_574 = arith.constant 0 : i32
    %dma_wait3A_575 = tpu.memref_slice %arg4[%dma_wait3A_573, %dma_wait3A_574] : memref<32x1000000xf32, #tpu.memory_space<hbm>> -> memref<32x128xf32, #tpu.memory_space<hbm>>
    %dma_wait3A_576 = arith.constant 0 : i32
    %dma_wait3A_577 = arith.constant 0 : i32
    %dma_wait3A_578 = tpu.memref_slice %arg4[%dma_wait3A_576, %dma_wait3A_577] : memref<32x1000000xf32, #tpu.memory_space<hbm>> -> memref<32x128xf32, #tpu.memory_space<hbm>>
    tpu.wait_dma2 semaphore(%arg49 : memref<!tpu.dma_semaphore, #tpu.memory_space<semaphore_mem>>) src(%dma_wait3A_578 : memref<32x128xf32, #tpu.memory_space<hbm>>) dst(%arg30 : memref<32x128xf32, #tpu.memory_space<vmem>>)
    %dma_wait3A_579 = arith.constant 0 : i32
    %dma_wait3A_580 = arith.constant 0 : i32
    %dma_wait3A_581 = tpu.memref_slice %arg3[%dma_wait3A_579, %dma_wait3A_580] : memref<32x1000000xf32, #tpu.memory_space<hbm>> -> memref<32x128xf32, #tpu.memory_space<hbm>>
    %dma_wait3A_582 = arith.constant 0 : i32
    %dma_wait3A_583 = arith.constant 0 : i32
    %dma_wait3A_584 = tpu.memref_slice %arg3[%dma_wait3A_582, %dma_wait3A_583] : memref<32x1000000xf32, #tpu.memory_space<hbm>> -> memref<32x128xf32, #tpu.memory_space<hbm>>
    tpu.wait_dma2 semaphore(%arg48 : memref<!tpu.dma_semaphore, #tpu.memory_space<semaphore_mem>>) src(%dma_wait3A_584 : memref<32x128xf32, #tpu.memory_space<hbm>>) dst(%arg19 : memref<32x128xf32, #tpu.memory_space<vmem>>)
    %dma_wait3A_585 = arith.constant 0 : i32
    %dma_wait3A_586 = arith.constant 0 : i32
    %dma_wait3A_587 = tpu.memref_slice %arg4[%dma_wait3A_585, %dma_wait3A_586] : memref<32x1000000xf32, #tpu.memory_space<hbm>> -> memref<32x128xf32, #tpu.memory_space<hbm>>
    %dma_wait3A_588 = arith.constant 0 : i32
    %dma_wait3A_589 = arith.constant 0 : i32
    %dma_wait3A_590 = tpu.memref_slice %arg4[%dma_wait3A_588, %dma_wait3A_589] : memref<32x1000000xf32, #tpu.memory_space<hbm>> -> memref<32x128xf32, #tpu.memory_space<hbm>>
    tpu.wait_dma2 semaphore(%arg49 : memref<!tpu.dma_semaphore, #tpu.memory_space<semaphore_mem>>) src(%dma_wait3A_590 : memref<32x128xf32, #tpu.memory_space<hbm>>) dst(%arg31 : memref<32x128xf32, #tpu.memory_space<vmem>>)
    %dma_wait3A_591 = arith.constant 0 : i32
    %dma_wait3A_592 = arith.constant 0 : i32
    %dma_wait3A_593 = tpu.memref_slice %arg3[%dma_wait3A_591, %dma_wait3A_592] : memref<32x1000000xf32, #tpu.memory_space<hbm>> -> memref<32x128xf32, #tpu.memory_space<hbm>>
    %dma_wait3A_594 = arith.constant 0 : i32
    %dma_wait3A_595 = arith.constant 0 : i32
    %dma_wait3A_596 = tpu.memref_slice %arg3[%dma_wait3A_594, %dma_wait3A_595] : memref<32x1000000xf32, #tpu.memory_space<hbm>> -> memref<32x128xf32, #tpu.memory_space<hbm>>
    tpu.wait_dma2 semaphore(%arg48 : memref<!tpu.dma_semaphore, #tpu.memory_space<semaphore_mem>>) src(%dma_wait3A_596 : memref<32x128xf32, #tpu.memory_space<hbm>>) dst(%arg20 : memref<32x128xf32, #tpu.memory_space<vmem>>)
    %dma_wait3A_597 = arith.constant 0 : i32
    %dma_wait3A_598 = arith.constant 0 : i32
    %dma_wait3A_599 = tpu.memref_slice %arg4[%dma_wait3A_597, %dma_wait3A_598] : memref<32x1000000xf32, #tpu.memory_space<hbm>> -> memref<32x128xf32, #tpu.memory_space<hbm>>
    %dma_wait3A_600 = arith.constant 0 : i32
    %dma_wait3A_601 = arith.constant 0 : i32
    %dma_wait3A_602 = tpu.memref_slice %arg4[%dma_wait3A_600, %dma_wait3A_601] : memref<32x1000000xf32, #tpu.memory_space<hbm>> -> memref<32x128xf32, #tpu.memory_space<hbm>>
    tpu.wait_dma2 semaphore(%arg49 : memref<!tpu.dma_semaphore, #tpu.memory_space<semaphore_mem>>) src(%dma_wait3A_602 : memref<32x128xf32, #tpu.memory_space<hbm>>) dst(%arg32 : memref<32x128xf32, #tpu.memory_space<vmem>>)
    %dma_wait3A_603 = arith.constant 0 : i32
    %dma_wait3A_604 = arith.constant 0 : i32
    %dma_wait3A_605 = tpu.memref_slice %arg3[%dma_wait3A_603, %dma_wait3A_604] : memref<32x1000000xf32, #tpu.memory_space<hbm>> -> memref<32x128xf32, #tpu.memory_space<hbm>>
    %dma_wait3A_606 = arith.constant 0 : i32
    %dma_wait3A_607 = arith.constant 0 : i32
    %dma_wait3A_608 = tpu.memref_slice %arg3[%dma_wait3A_606, %dma_wait3A_607] : memref<32x1000000xf32, #tpu.memory_space<hbm>> -> memref<32x128xf32, #tpu.memory_space<hbm>>
    tpu.wait_dma2 semaphore(%arg48 : memref<!tpu.dma_semaphore, #tpu.memory_space<semaphore_mem>>) src(%dma_wait3A_608 : memref<32x128xf32, #tpu.memory_space<hbm>>) dst(%arg21 : memref<32x128xf32, #tpu.memory_space<vmem>>)
    %dma_wait3A_609 = arith.constant 0 : i32
    %dma_wait3A_610 = arith.constant 0 : i32
    %dma_wait3A_611 = tpu.memref_slice %arg4[%dma_wait3A_609, %dma_wait3A_610] : memref<32x1000000xf32, #tpu.memory_space<hbm>> -> memref<32x128xf32, #tpu.memory_space<hbm>>
    %dma_wait3A_612 = arith.constant 0 : i32
    %dma_wait3A_613 = arith.constant 0 : i32
    %dma_wait3A_614 = tpu.memref_slice %arg4[%dma_wait3A_612, %dma_wait3A_613] : memref<32x1000000xf32, #tpu.memory_space<hbm>> -> memref<32x128xf32, #tpu.memory_space<hbm>>
    tpu.wait_dma2 semaphore(%arg49 : memref<!tpu.dma_semaphore, #tpu.memory_space<semaphore_mem>>) src(%dma_wait3A_614 : memref<32x128xf32, #tpu.memory_space<hbm>>) dst(%arg33 : memref<32x128xf32, #tpu.memory_space<vmem>>)
    %dma_wait3A_615 = arith.constant 0 : i32
    %dma_wait3A_616 = arith.constant 0 : i32
    %dma_wait3A_617 = tpu.memref_slice %arg3[%dma_wait3A_615, %dma_wait3A_616] : memref<32x1000000xf32, #tpu.memory_space<hbm>> -> memref<32x128xf32, #tpu.memory_space<hbm>>
    %dma_wait3A_618 = arith.constant 0 : i32
    %dma_wait3A_619 = arith.constant 0 : i32
    %dma_wait3A_620 = tpu.memref_slice %arg3[%dma_wait3A_618, %dma_wait3A_619] : memref<32x1000000xf32, #tpu.memory_space<hbm>> -> memref<32x128xf32, #tpu.memory_space<hbm>>
    tpu.wait_dma2 semaphore(%arg48 : memref<!tpu.dma_semaphore, #tpu.memory_space<semaphore_mem>>) src(%dma_wait3A_620 : memref<32x128xf32, #tpu.memory_space<hbm>>) dst(%arg22 : memref<32x128xf32, #tpu.memory_space<vmem>>)
    %dma_wait3A_621 = arith.constant 0 : i32
    %dma_wait3A_622 = arith.constant 0 : i32
    %dma_wait3A_623 = tpu.memref_slice %arg4[%dma_wait3A_621, %dma_wait3A_622] : memref<32x1000000xf32, #tpu.memory_space<hbm>> -> memref<32x128xf32, #tpu.memory_space<hbm>>
    %dma_wait3A_624 = arith.constant 0 : i32
    %dma_wait3A_625 = arith.constant 0 : i32
    %dma_wait3A_626 = tpu.memref_slice %arg4[%dma_wait3A_624, %dma_wait3A_625] : memref<32x1000000xf32, #tpu.memory_space<hbm>> -> memref<32x128xf32, #tpu.memory_space<hbm>>
    tpu.wait_dma2 semaphore(%arg49 : memref<!tpu.dma_semaphore, #tpu.memory_space<semaphore_mem>>) src(%dma_wait3A_626 : memref<32x128xf32, #tpu.memory_space<hbm>>) dst(%arg34 : memref<32x128xf32, #tpu.memory_space<vmem>>)
    %dma_wait3A_627 = arith.constant 0 : i32
    %dma_wait3A_628 = arith.constant 0 : i32
    %dma_wait3A_629 = tpu.memref_slice %arg3[%dma_wait3A_627, %dma_wait3A_628] : memref<32x1000000xf32, #tpu.memory_space<hbm>> -> memref<32x128xf32, #tpu.memory_space<hbm>>
    %dma_wait3A_630 = arith.constant 0 : i32
    %dma_wait3A_631 = arith.constant 0 : i32
    %dma_wait3A_632 = tpu.memref_slice %arg3[%dma_wait3A_630, %dma_wait3A_631] : memref<32x1000000xf32, #tpu.memory_space<hbm>> -> memref<32x128xf32, #tpu.memory_space<hbm>>
    tpu.wait_dma2 semaphore(%arg48 : memref<!tpu.dma_semaphore, #tpu.memory_space<semaphore_mem>>) src(%dma_wait3A_632 : memref<32x128xf32, #tpu.memory_space<hbm>>) dst(%arg23 : memref<32x128xf32, #tpu.memory_space<vmem>>)
    %dma_wait3A_633 = arith.constant 0 : i32
    %dma_wait3A_634 = arith.constant 0 : i32
    %dma_wait3A_635 = tpu.memref_slice %arg4[%dma_wait3A_633, %dma_wait3A_634] : memref<32x1000000xf32, #tpu.memory_space<hbm>> -> memref<32x128xf32, #tpu.memory_space<hbm>>
    %dma_wait3A_636 = arith.constant 0 : i32
    %dma_wait3A_637 = arith.constant 0 : i32
    %dma_wait3A_638 = tpu.memref_slice %arg4[%dma_wait3A_636, %dma_wait3A_637] : memref<32x1000000xf32, #tpu.memory_space<hbm>> -> memref<32x128xf32, #tpu.memory_space<hbm>>
    tpu.wait_dma2 semaphore(%arg49 : memref<!tpu.dma_semaphore, #tpu.memory_space<semaphore_mem>>) src(%dma_wait3A_638 : memref<32x128xf32, #tpu.memory_space<hbm>>) dst(%arg35 : memref<32x128xf32, #tpu.memory_space<vmem>>)
    %dma_wait3A_639 = arith.constant 0 : i32
    %dma_wait3A_640 = arith.constant 0 : i32
    %dma_wait3A_641 = tpu.memref_slice %arg3[%dma_wait3A_639, %dma_wait3A_640] : memref<32x1000000xf32, #tpu.memory_space<hbm>> -> memref<32x128xf32, #tpu.memory_space<hbm>>
    %dma_wait3A_642 = arith.constant 0 : i32
    %dma_wait3A_643 = arith.constant 0 : i32
    %dma_wait3A_644 = tpu.memref_slice %arg3[%dma_wait3A_642, %dma_wait3A_643] : memref<32x1000000xf32, #tpu.memory_space<hbm>> -> memref<32x128xf32, #tpu.memory_space<hbm>>
    tpu.wait_dma2 semaphore(%arg48 : memref<!tpu.dma_semaphore, #tpu.memory_space<semaphore_mem>>) src(%dma_wait3A_644 : memref<32x128xf32, #tpu.memory_space<hbm>>) dst(%arg24 : memref<32x128xf32, #tpu.memory_space<vmem>>)
    %dma_wait3A_645 = arith.constant 0 : i32
    %dma_wait3A_646 = arith.constant 0 : i32
    %dma_wait3A_647 = tpu.memref_slice %arg4[%dma_wait3A_645, %dma_wait3A_646] : memref<32x1000000xf32, #tpu.memory_space<hbm>> -> memref<32x128xf32, #tpu.memory_space<hbm>>
    %dma_wait3A_648 = arith.constant 0 : i32
    %dma_wait3A_649 = arith.constant 0 : i32
    %dma_wait3A_650 = tpu.memref_slice %arg4[%dma_wait3A_648, %dma_wait3A_649] : memref<32x1000000xf32, #tpu.memory_space<hbm>> -> memref<32x128xf32, #tpu.memory_space<hbm>>
    tpu.wait_dma2 semaphore(%arg49 : memref<!tpu.dma_semaphore, #tpu.memory_space<semaphore_mem>>) src(%dma_wait3A_650 : memref<32x128xf32, #tpu.memory_space<hbm>>) dst(%arg36 : memref<32x128xf32, #tpu.memory_space<vmem>>)
    "tpu.region"() ({
      %run_scoped3A = tpu.sem_alloc : memref<!tpu.dma_semaphore, #tpu.memory_space<semaphore_mem>>
      %dma_start3A_651 = tpu.memref_slice %arg8[%mul3A_2] : memref<16384xf32, #tpu.memory_space<hbm>> -> memref<512xf32, #tpu.memory_space<hbm>>
      %dma_start3A_652 = tpu.memref_slice %arg8[%mul3A_2] : memref<16384xf32, #tpu.memory_space<hbm>> -> memref<512xf32, #tpu.memory_space<hbm>>
      tpu.enqueue_dma source(%arg42 : memref<512xf32, #tpu.memory_space<vmem>>) target(%dma_start3A_652 : memref<512xf32, #tpu.memory_space<hbm>>) target_semaphore(%run_scoped3A : memref<!tpu.dma_semaphore, #tpu.memory_space<semaphore_mem>>)
      %dma_wait3A_653 = tpu.memref_slice %arg8[%mul3A_2] : memref<16384xf32, #tpu.memory_space<hbm>> -> memref<512xf32, #tpu.memory_space<hbm>>
      %dma_wait3A_654 = tpu.memref_slice %arg8[%mul3A_2] : memref<16384xf32, #tpu.memory_space<hbm>> -> memref<512xf32, #tpu.memory_space<hbm>>
      tpu.wait_dma2 semaphore(%run_scoped3A : memref<!tpu.dma_semaphore, #tpu.memory_space<semaphore_mem>>) src(%arg42 : memref<512xf32, #tpu.memory_space<vmem>>) dst(%dma_wait3A_654 : memref<512xf32, #tpu.memory_space<hbm>>)
      tpu.yield
    }) : () -> ()
    "tpu.region"() ({
      %run_scoped3A = tpu.sem_alloc : memref<!tpu.dma_semaphore, #tpu.memory_space<semaphore_mem>>
      %dma_start3A_651 = tpu.memref_slice %arg9[%mul3A_2] : memref<16384xf32, #tpu.memory_space<hbm>> -> memref<512xf32, #tpu.memory_space<hbm>>
      %dma_start3A_652 = tpu.memref_slice %arg9[%mul3A_2] : memref<16384xf32, #tpu.memory_space<hbm>> -> memref<512xf32, #tpu.memory_space<hbm>>
      tpu.enqueue_dma source(%arg43 : memref<512xf32, #tpu.memory_space<vmem>>) target(%dma_start3A_652 : memref<512xf32, #tpu.memory_space<hbm>>) target_semaphore(%run_scoped3A : memref<!tpu.dma_semaphore, #tpu.memory_space<semaphore_mem>>)
      %dma_wait3A_653 = tpu.memref_slice %arg9[%mul3A_2] : memref<16384xf32, #tpu.memory_space<hbm>> -> memref<512xf32, #tpu.memory_space<hbm>>
      %dma_wait3A_654 = tpu.memref_slice %arg9[%mul3A_2] : memref<16384xf32, #tpu.memory_space<hbm>> -> memref<512xf32, #tpu.memory_space<hbm>>
      tpu.wait_dma2 semaphore(%run_scoped3A : memref<!tpu.dma_semaphore, #tpu.memory_space<semaphore_mem>>) src(%arg43 : memref<512xf32, #tpu.memory_space<vmem>>) dst(%dma_wait3A_654 : memref<512xf32, #tpu.memory_space<hbm>>)
      tpu.yield
    }) : () -> ()
    "tpu.region"() ({
      %run_scoped3A = tpu.sem_alloc : memref<!tpu.dma_semaphore, #tpu.memory_space<semaphore_mem>>
      %dma_start3A_651 = tpu.memref_slice %arg10[%mul3A_2] : memref<16384xf32, #tpu.memory_space<hbm>> -> memref<512xf32, #tpu.memory_space<hbm>>
      %dma_start3A_652 = tpu.memref_slice %arg10[%mul3A_2] : memref<16384xf32, #tpu.memory_space<hbm>> -> memref<512xf32, #tpu.memory_space<hbm>>
      tpu.enqueue_dma source(%arg44 : memref<512xf32, #tpu.memory_space<vmem>>) target(%dma_start3A_652 : memref<512xf32, #tpu.memory_space<hbm>>) target_semaphore(%run_scoped3A : memref<!tpu.dma_semaphore, #tpu.memory_space<semaphore_mem>>)
      %dma_wait3A_653 = tpu.memref_slice %arg10[%mul3A_2] : memref<16384xf32, #tpu.memory_space<hbm>> -> memref<512xf32, #tpu.memory_space<hbm>>
      %dma_wait3A_654 = tpu.memref_slice %arg10[%mul3A_2] : memref<16384xf32, #tpu.memory_space<hbm>> -> memref<512xf32, #tpu.memory_space<hbm>>
      tpu.wait_dma2 semaphore(%run_scoped3A : memref<!tpu.dma_semaphore, #tpu.memory_space<semaphore_mem>>) src(%arg44 : memref<512xf32, #tpu.memory_space<vmem>>) dst(%dma_wait3A_654 : memref<512xf32, #tpu.memory_space<hbm>>)
      tpu.yield
    }) : () -> ()
    "tpu.region"() ({
      %run_scoped3A = tpu.sem_alloc : memref<!tpu.dma_semaphore, #tpu.memory_space<semaphore_mem>>
      %dma_start3A_651 = tpu.memref_slice %arg11[%mul3A_2] : memref<16384xf32, #tpu.memory_space<hbm>> -> memref<512xf32, #tpu.memory_space<hbm>>
      %dma_start3A_652 = tpu.memref_slice %arg11[%mul3A_2] : memref<16384xf32, #tpu.memory_space<hbm>> -> memref<512xf32, #tpu.memory_space<hbm>>
      tpu.enqueue_dma source(%arg45 : memref<512xf32, #tpu.memory_space<vmem>>) target(%dma_start3A_652 : memref<512xf32, #tpu.memory_space<hbm>>) target_semaphore(%run_scoped3A : memref<!tpu.dma_semaphore, #tpu.memory_space<semaphore_mem>>)
      %dma_wait3A_653 = tpu.memref_slice %arg11[%mul3A_2] : memref<16384xf32, #tpu.memory_space<hbm>> -> memref<512xf32, #tpu.memory_space<hbm>>
      %dma_wait3A_654 = tpu.memref_slice %arg11[%mul3A_2] : memref<16384xf32, #tpu.memory_space<hbm>> -> memref<512xf32, #tpu.memory_space<hbm>>
      tpu.wait_dma2 semaphore(%run_scoped3A : memref<!tpu.dma_semaphore, #tpu.memory_space<semaphore_mem>>) src(%arg45 : memref<512xf32, #tpu.memory_space<vmem>>) dst(%dma_wait3A_654 : memref<512xf32, #tpu.memory_space<hbm>>)
      tpu.yield
    }) : () -> ()
    "tpu.region"() ({
      %run_scoped3A = tpu.sem_alloc : memref<!tpu.dma_semaphore, #tpu.memory_space<semaphore_mem>>
      %dma_start3A_651 = tpu.memref_slice %arg12[%mul3A_2] : memref<16384xf32, #tpu.memory_space<hbm>> -> memref<512xf32, #tpu.memory_space<hbm>>
      %dma_start3A_652 = tpu.memref_slice %arg12[%mul3A_2] : memref<16384xf32, #tpu.memory_space<hbm>> -> memref<512xf32, #tpu.memory_space<hbm>>
      tpu.enqueue_dma source(%arg46 : memref<512xf32, #tpu.memory_space<vmem>>) target(%dma_start3A_652 : memref<512xf32, #tpu.memory_space<hbm>>) target_semaphore(%run_scoped3A : memref<!tpu.dma_semaphore, #tpu.memory_space<semaphore_mem>>)
      %dma_wait3A_653 = tpu.memref_slice %arg12[%mul3A_2] : memref<16384xf32, #tpu.memory_space<hbm>> -> memref<512xf32, #tpu.memory_space<hbm>>
      %dma_wait3A_654 = tpu.memref_slice %arg12[%mul3A_2] : memref<16384xf32, #tpu.memory_space<hbm>> -> memref<512xf32, #tpu.memory_space<hbm>>
      tpu.wait_dma2 semaphore(%run_scoped3A : memref<!tpu.dma_semaphore, #tpu.memory_space<semaphore_mem>>) src(%arg46 : memref<512xf32, #tpu.memory_space<vmem>>) dst(%dma_wait3A_654 : memref<512xf32, #tpu.memory_space<hbm>>)
      tpu.yield
    }) : () -> ()
    return
  }
}

</mosaic_0001>

<sc_bundles>
// kernel: kernel.4.cloned.1.call-start
scs
__scs_entry_jumppad:
0x0: {  	(pc) =	sbr.rel $0x88, $3  }
0x1: {  	(tag) =	ssettag $0x0;
	lr =	simm.s32 $0x1  }
0x2: {  	[smem:$0x3F95] =	sst lr;
	_ =	strace $0xD0000000  }
0x3: {  	_ = 	snop  }
0x4: {  	_ = 	snop  }
0x5: {  	_ = 	snop  }
0x6: {  	_ = 	snop  }
0x7: {  	_ = 	snop  }
__scs_overlays_trampoline_lowered:
0x8: {  	[smem:$0x3FA4] =	sst s0  }
0x9: {  	[smem:$0x3FA5] =	sst s1  }
0xa: {  	[smem:$0x3FA6] =	sst s2  }
0xb: {  	[smem:$0x3FA7] =	sst s3  }
0xc: {  	[smem:$0x3FA8] =	sst s4  }
0xd: {  	[smem:$0x3FA9] =	sst s5  }
0xe: {  	[smem:$0x3FAA] =	sst s6  }
0xf: {  	[smem:$0x3FAB] =	sst s7  }
0x10: {  	[smem:$0x3FAC] =	sst s8  }
0x11: {  	[smem:$0x3FAD] =	sst s9;
	s0 =	simm.s32 @!p0 $0x0  }
0x12: {  	s1 =	sld [smem:$0x3F93];
	s0 =	simm.s32 @p0 $0x1  }
0x13: {  	[smem:$0x3FAE] =	sst s0;
	s0 =	simm.s32 @!p1 $0x0  }
0x14: {  	s2 =	sld [smem:$0x3F92];
	s0 =	simm.s32 @p1 $0x1  }
0x15: {  	[smem:$0x3FAF] =	sst s0;
	s0 =	simm.s32 @!p2 $0x0  }
0x16: {  	s3 =	sld [smem:$0x3FDB];
	s0 =	simm.s32 @p2 $0x1  }
0x17: {  	s4 =	simm.s32 $0x1BF5;
	[smem:$0x3FB1] =	sst s0  }
0x18: {  	s0 =	sld [smem:$0x3F94];
	_ =	swait.ge [sflag:s4], $0x0  }
0x19: {  	s7 =	sld [smem:$0x3F95]  }
0x1a: {  	s8 =	sadd.s32 $0xFFFFE003, lr  }
0x1b: {  	s9 =	sadd.s32 $0xFFFFFEF7, lr;
	s5 =	simm.s32 $0xFFFFFFFF;
	p2 =	slt.u32 s8, $0xFFFFF086  }
0x1c: {  	p1 =	slt.u32 s9, $0xF7A;
	s5 =	simm.s32 @!p2 $0x0  }
0x1d: {  	s5 =	simm.s32 @p1 $0x1;
	p0 =	seq.s32 s7, s2  }
0x1e: {  	s7 =	smul.u32 @!p0 $0xF7A, s2;
	p2 =	seq.s32 @!p0 s5, $0x0  }
0x1f: {  	s9 =	smul.u32 $0xF7A, s1;
	s8 =	simm.s32 @!p0 $0x1BF5;
	p2 =	por !p2, p0  }
0x20: {  	[sflag:s8] =	ssyncset.s32 @!p0 $0xFFFFF086;
	s6 =	sadd.s32 @!p0 s3, s7;
	s7 =	simm.s32 @!p0 $0x108  }
0x21: {  	s3 =	sadd.s32 s3, s9;
	s6 =	sadd.s32 @!p0 $0x88, s6;
	s7 =	simm.s32 @p2 $0x1082  }
0x22: {  	[simem:s7], [sflag:s8] =	dma.local @!p0 [hbm:s6], $0xF7A  }
0x23: {  	s9 =	sor.u32 $0xD0000000, s2;
	s6 =	simm.s32 $0x108;
	_ =	swait.ge @!p0 [sflag:s8], $0x0  }
0x24: {  	s3 =	sadd.s32 $0x88, s3;
	s6 =	simm.s32 @!p1 $0x1082;
	[sflag:s4] =	ssyncset.s32 $0xFFFFF086  }
0x25: {  	[simem:s6], [sflag:s4] =	dma.local [hbm:s3], $0xF7A  }
0x26: {  	[smem:$0x3F95] =	sst s1;
	(tag) =	ssettag s2;
	_ =	strace s9  }
0x27: {  	s1 =	sld [smem:$0x3FA5]  }
0x28: {  	s2 =	sld [smem:$0x3FA6]  }
0x29: {  	s4 =	sld [smem:$0x3FA8]  }
0x2a: {  	p0 =	seq.s32 s5, $0x0;
	s5 =	sld [smem:$0x3FA9]  }
0x2b: {  	s6 =	sld [smem:$0x3FAA]  }
0x2c: {  	s7 =	sld [smem:$0x3FAB]  }
0x2d: {  	s3 =	simm.s32 $0x108;
	s8 =	sld [smem:$0x3FAC]  }
0x2e: {  	s3 =	simm.s32 @!p0 $0x1082;
	s9 =	sld [smem:$0x3FAD]  }
0x2f: {  	lr =	sadd.s32 s0, s3;
	s0 =	sld [smem:$0x3FA4]  }
0x30: {  	s3 =	sld [smem:$0x3FA7]  }
0x31: {  	[smem:$0x3FB0] =	sst s10  }
0x32: {  	s10 =	sld [smem:$0x3FAE];
	_ =	sdelay $0x3  }
0x33: {  	p0 =	seq.s32 s10, $0x1;
	s10 =	sld [smem:$0x3FB0];
	_ =	sdelay $0x3  }
0x34: {  	[smem:$0x3FB0] =	sst s10  }
0x35: {  	s10 =	sld [smem:$0x3FAF];
	_ =	sdelay $0x3  }
0x36: {  	p1 =	seq.s32 s10, $0x1;
	s10 =	sld [smem:$0x3FB0];
	_ =	sdelay $0x3  }
0x37: {  	[smem:$0x3FB0] =	sst s10  }
0x38: {  	s10 =	sld [smem:$0x3FB1]  }
0x39: {  	_ = 	snop;
	(pc) =	sbr.ind lr, $3  }
0x3a: {  	_ = 	snop  }
0x3b: {  	_ = 	snop  }
0x3c: {  	p2 =	seq.s32 s10, $0x1;
	s10 =	sld [smem:$0x3FB0]  }
0x3d: {  	_ =	shalt  }
0x3e: {  	_ =	shalt  }
0x3f: {  	_ =	shalt  }
0x40: {  	_ =	shalt  }
0x41: {  	_ =	shalt  }
0x42: {  	_ =	shalt  }
0x43: {  	_ =	shalt  }
0x44: {  	_ =	shalt  }
0x45: {  	_ =	shalt  }
0x46: {  	_ =	shalt  }
0x47: {  	_ =	shalt  }
0x48: {  	_ =	shalt  }
0x49: {  	_ =	shalt  }
0x4a: {  	_ =	shalt  }
0x4b: {  	_ =	shalt  }
0x4c: {  	_ =	shalt  }
0x4d: {  	_ =	shalt  }
0x4e: {  	_ =	shalt  }
0x4f: {  	_ =	shalt  }
0x50: {  	_ =	shalt  }
0x51: {  	_ =	shalt  }
0x52: {  	_ =	shalt  }
0x53: {  	_ =	shalt  }
0x54: {  	_ =	shalt  }
0x55: {  	_ =	shalt  }
0x56: {  	_ =	shalt  }
0x57: {  	_ =	shalt  }
0x58: {  	_ =	shalt  }
0x59: {  	_ =	shalt  }
0x5a: {  	_ =	shalt  }
0x5b: {  	_ =	shalt  }
0x5c: {  	_ =	shalt  }
0x5d: {  	_ =	shalt  }
0x5e: {  	_ =	shalt  }
0x5f: {  	_ =	shalt  }
0x60: {  	_ =	shalt  }
0x61: {  	_ =	shalt  }
0x62: {  	_ =	shalt  }
0x63: {  	_ =	shalt  }
0x64: {  	_ =	shalt  }
0x65: {  	_ =	shalt  }
0x66: {  	_ =	shalt  }
0x67: {  	_ =	shalt  }
0x68: {  	_ =	shalt  }
0x69: {  	_ =	shalt  }
0x6a: {  	_ =	shalt  }
0x6b: {  	_ =	shalt  }
0x6c: {  	_ =	shalt  }
0x6d: {  	_ =	shalt  }
0x6e: {  	_ =	shalt  }
0x6f: {  	_ =	shalt  }
0x70: {  	_ =	shalt  }
0x71: {  	_ =	shalt  }
0x72: {  	_ =	shalt  }
0x73: {  	_ =	shalt  }
0x74: {  	_ =	shalt  }
0x75: {  	_ =	shalt  }
0x76: {  	_ =	shalt  }
0x77: {  	_ =	shalt  }
0x78: {  	_ =	shalt  }
0x79: {  	_ =	shalt  }
0x7a: {  	_ =	shalt  }
0x7b: {  	_ =	shalt  }
0x7c: {  	_ =	shalt  }
0x7d: {  	_ =	shalt  }
0x7e: {  	_ =	shalt  }
0x7f: {  	_ =	shalt  }
0x80: {  	_ =	shalt  }
0x81: {  	_ =	shalt  }
0x82: {  	_ =	shalt  }
0x83: {  	_ =	shalt  }
0x84: {  	_ =	shalt  }
0x85: {  	_ =	shalt  }
0x86: {  	_ =	shalt  }
0x87: {  	_ =	shalt  }
.Lfunc_end0:
.L_simem_size_0:
called_computation_lowered:
.L_overlay_start_0:
0x88: {  	s2 =	sld [smem:$0x3FD9]  }
0x89: {  	s3 =	sld [smem:$0x3FFE];
	_ =	sdelay $0x1  }
0x8a: {  	s1 =	srdreg.scid  }
0x8b: {  	s0 =	sand.u32 $0x1, s1  }
0x8c: {  	s14 =	sshll.u32 s0, $0xA;
	s2 =	sadd.s32 s3, s2  }
0x8d: {  	s2 =	sadd.s32 s2, s14  }
0x8e: {  	[smem:$0x3FBC] =	sst s2  }
0x8f: {  	_ = 	snop  }
0x90: {  	s2 =	sld [smem:$0x3FD0];
	_ =	sdelay $0x2  }
0x91: {  	s4 =	simm.s32 $0xA;
	s5 =	simm.s32 $0x10;
	s15 =	sld [smem:$0x3FC8]  }
0x92: {  	[smem:s5], [sflag:s4] =	dma.local [hbm:s2], $0x1  }
0x93: {  	_ =	swait.eq [sflag:s4], $0x1  }
0x94: {  	[sflag:s4] =	ssyncset.done $0x0  }
0x95: {  	[sflag:s4] =	ssyncadd.s32 $0xFFFFFFFF  }
0x96: {  	s16 =	sld [smem:$0x11];
	(tm) =	ssettm $0x1  }
0x97: {  	s17 =	sld [smem:$0x3FFB];
	_ =	sdelay $0x3  }
0x98: {  	_ =	strace s17  }
0x99: {  	s4 =	sld [smem:$0x3FFC];
	_ =	sdelay $0x3  }
0x9a: {  	_ =	strace s4  }
0x9b: {  	s4 =	sld [smem:$0x3FFD];
	_ =	sdelay $0x3  }
0x9c: {  	_ =	strace s4  }
0x9d: {  	_ =	strace $0x8FFFFFFF  }
0x9e: {  	s18 =	sld [smem:$0x3FDB];
	_ =	sdelay $0x1  }
0x9f: {  	s19 =	simm.s32 $_scs_section_size  }
0xa0: {  	s6 =	simm.s32 $_size__tile_overlayer_lowered;
	s7 =	simm.s32 $_tile_overlayer_lowered  }
0xa1: {  	s22 =	simm.s32 $0x1BFF;
	s21 =	sshll.u32 s7, $0x1;
	s4 =	sadd.s32 s19, s18  }
0xa2: {  	s8 =	simm.s32 $0x0;
	s20 =	sshll.u32 s6, $0x1;
	s6 =	sadd.s32 s21, s4  }
0xa3: {  	[timem:s8], [sflag:s22] =	dma.local [hbm:s6], s20  }
0xa4: {  	_ =	swait.ge [sflag:s22], s20  }
0xa5: {  	s5 =	ssub.s32 $0x0, s20;
	[sflag:s22] =	ssyncset.done $0x0  }
0xa6: {  	[sflag:s22] =	ssyncadd.s32 s5;
	_ =	sdelay $0x1  }
0xa7: {  	s23 =	simm.s32 $0x1B8B  }
0xa8: {  	_ =	swait.ge [sflag:s23], $0x1  }
0xa9: {  	[sflag:s23] =	ssyncset.done $0x0  }
0xaa: {  	s25 =	simm.s32 $0x1B8E;
	s24 =	sld [smem:$0x3FFE];
	[sflag:s23] =	ssyncadd.s32 $0xFFFFFFFF  }
0xab: {  	s26 =	simm.s32 $execute0_lowered;
	[smem:$0x3FD2] =	sst s25  }
0xac: {  	s6 =	sshll.u32 s26, $0x1;
	_ =	strace $0x80000046;
	[dreg:$0x1] =	wrdreg $0xFFFFFFFF  }
0xad: {  	s28 =	simm.s32 $_size_execute0_lowered;
	s4 =	sadd.s32 s4, s6;
	[dreg:$0x0] =	wrdreg $0x0  }
0xae: {  	s6 =	sshll.u32 s28, $0x1;
	[dreg:$0x2] =	wrdreg s4  }
0xaf: {  	[dreg:$0x3] =	wrdreg s6  }
0xb0: {  	[dreg:$0x4] =	wrdreg $0xC0  }
0xb1: {  	_ =	task [dreg:s8], $0x5FFFF  }
0xb2: {  	[dreg:$0x1] =	wrdreg $0xFFFFFFFF  }
0xb3: {  	[dreg:$0x0] =	wrdreg $0x60  }
0xb4: {  	[dreg:$0x2] =	wrdreg s15  }
0xb5: {  	[dreg:$0x3] =	wrdreg s24  }
0xb6: {  	[dreg:$0x4] =	wrdreg s16  }
0xb7: {  	[dreg:$0x5] =	wrdreg $0x9  }
0xb8: {  	_ =	task.clear_ibuf [dreg:s8], $0x6FFFF;
	_ =	strace $0x90000046  }
0xb9: {  	s29 =	simm.s32 $0x9;
	_ =	strace $0x80000048  }
0xba: {  	_ =	swait.ge [sflag:s29], $0x1  }
0xbb: {  	[sflag:s29] =	ssyncadd.s32 $0xFFFFFFFF  }
0xbc: {  	_ =	strace $0x90000048  }
0xbd: {  	_ =	sfence  }
0xbe: {  	s30 =	sld [smem:$0x0];
	_ =	sdelay $0x2  }
0xbf: {  	s31 =	sshll.u32 s1, $0xD;
	s1 =	sshrl.u32 s1, $0x2  }
0xc0: {  	s3 =	sand.u32 $0x4000, s31;
	s1 =	sadd.s32 s1, s30  }
0xc1: {  	s0 =	sor.u32 s3, s0;
	s1 =	sshll.u32 s1, $0x11  }
0xc2: {  	s0 =	sor.u32 s1, s0  }
0xc3: {  	s0 =	sadd.s32 $0x8F2B, s0  }
0xc4: {  	[sflag:s0] =	ssyncadd.remote.s32 $0x1  }
0xc5: {  	_ =	sfence.sel $0xFFFF  }
0xc6: {  	[dreg:$0x0] =	wrdreg $0xFFFFFFFF;
	(pc) =	sbr.abs _section_cstart, $3  }
0xc7: {  	[dreg:$0x1] =	wrdreg $0xFFFFFFFF  }
0xc8: {  	_ =	task.clear_ibuf [dreg:s8], $0x2FFFF;
	_ =	strace $0x9FFFFFFF  }
0xc9: {  	(tm) =	ssettm $0x7FFFFFFF  }
tec
execute0_lowered:
.L_overlay_start_1:
0x0: {  	(tag) =	ssettag $0x1  }
0x1: {  	s0 =	rddreg [dreg:$0x0]  }
0x2: {  	s1 =	rddreg [dreg:$0x1]  }
0x3: {  	s9 =	rddreg [dreg:$0x2];
	s2 =	simm.s32 $0x0;
	s3 =	srdreg.scid  }
0x4: {  	s5 =	stileid.u32;
	s12 =	simm.s32 $0x3;
	s13 =	simm.s32 $0x80  }
0x5: {  	s14 =	simm.s32 $0x100;
	s15 =	simm.s32 $0x180;
	s16 =	simm.s32 $0x200  }
0x6: {  	s20 =	simm.s32 $0x4300;
	s21 =	simm.s32 $0x3200;
	s22 =	simm.s32 $0x4380  }
0x7: {  	s23 =	simm.s32 $0x1;
	s24 =	simm.s32 $0x2;
	s25 =	simm.s32 $0x4400  }
0x8: {  	s26 =	simm.s32 $0x4600;
	s28 =	simm.s32 $0x0;
	[smem:$0x7FF] =	sst s2  }
0x9: {  	s4 =	sand.u32 $0x1, s3;
	s5 =	sshll.u32 s5, $0x7;
	s3 =	sadd.s32 $0x188000, s1  }
0xa: {  	_ =	strace $0x80000047;
	s6 =	sshll.u32 s4, $0x6;
	s29 =	ssub.s32 $0x2, s4  }
0xb: {  	s4 =	sadd.s32 $0x1600, s1;
	s10 =	sor.u32 s6, s5;
	s7 =	sshrl.u32 s29, $0x1  }
0xc: {  	s5 =	sadd.s32 s0, s10;
	s30 =	sadd.s32 s10, s1;
	s31 =	ssub.s32 s29, s7  }
0xd: {  	v0 =	vlaneseq.u32;
	s9 =	sadd.s32 s9, s10;
	s6 =	sadd.s32 $0x10, s5;
	s7 =	sadd.s32 $0x20, s5  }
0xe: {  	v0 =	vmul.u32 $0x20, v0;
	s8 =	sadd.s32 $0x30, s5;
	s10 =	sadd.s32 $0x4800, s30;
	s11 =	smax.u32 s31, $0x1  }
.LBB2_1:
0xf: {  	[tilespmem:s2], [sflag:$0x3] =	stream.linear.gather [hbm4b:s5+s2], $0x80, $0x38;
	[tilespmem:$0x4800] =	vst v63  }
0x10: {  	_ =	swait.ge [sflag:s12], $0x80  }
0x11: {  	[sflag:s12] =	ssyncset.done $0x0  }
0x12: {  	[sflag:s12] =	ssyncadd.s32 $0xFFFFFF80  }
0x13: {  	[tilespmem:s13], [sflag:$0x3] =	stream.linear.gather [hbm4b:s6+s2], $0x80, $0x38;
	[tilespmem:$0x4800] =	vst v63  }
0x14: {  	_ =	swait.ge [sflag:s12], $0x80  }
0x15: {  	[sflag:s12] =	ssyncset.done $0x0  }
0x16: {  	[sflag:s12] =	ssyncadd.s32 $0xFFFFFF80  }
0x17: {  	[tilespmem:s14], [sflag:$0x3] =	stream.linear.gather [hbm4b:s7+s2], $0x80, $0x38;
	[tilespmem:$0x4800] =	vst v63  }
0x18: {  	_ =	swait.ge [sflag:s12], $0x80  }
0x19: {  	[sflag:s12] =	ssyncset.done $0x0  }
0x1a: {  	[sflag:s12] =	ssyncadd.s32 $0xFFFFFF80  }
0x1b: {  	[tilespmem:s15], [sflag:$0x3] =	stream.linear.gather [hbm4b:s8+s2], $0x80, $0x38;
	[tilespmem:$0x4800] =	vst v63  }
0x1c: {  	_ =	swait.ge [sflag:s12], $0x80  }
0x1d: {  	[sflag:s12] =	ssyncset.done $0x0  }
0x1e: {  	[sflag:s12] =	ssyncadd.s32 $0xFFFFFF80  }
0x1f: {  	v1 =	vld [tilespmem:$0x0]  }
0x20: {  	v2 =	vld [tilespmem:$0x10]  }
0x21: {  	v3 =	vld [tilespmem:$0x20]  }
0x22: {  	v4 =	vld [tilespmem:$0x30]  }
0x23: {  	v5 =	vld [tilespmem:$0x40]  }
0x24: {  	v6 =	vld [tilespmem:$0x50];
	vm0 =	vgt.s32 v1, $0x0  }
0x25: {  	v7 =	vld [tilespmem:$0x60];
	vm9 =	vgt.s32 v2, $0x0;
	v1 =	vnsel vm0, $0x0, v1  }
0x26: {  	v8 =	vld [tilespmem:$0x70];
	vm10 =	vgt.s32 v3, $0x0;
	v2 =	vnsel vm9, $0x0, v2;
	v1 =	vmin.u32 v1, $0x1869F  }
0x27: {  	vm11 =	vgt.s32 v4, $0x0;
	[tilespmem:$0x0] =	vst v1;
	v1 =	vmin.u32 v2, $0x1869F;
	v2 =	vnsel vm10, $0x0, v3;
	v3 =	vld [tilespmem:$0x80]  }
0x28: {  	vm12 =	vgt.s32 v5, $0x0;
	[tilespmem:$0x10] =	vst v1;
	v1 =	vmin.u32 v2, $0x1869F;
	v2 =	vnsel vm11, $0x0, v4;
	v4 =	vld [tilespmem:$0x90]  }
0x29: {  	vm13 =	vgt.s32 v6, $0x0;
	[tilespmem:$0x20] =	vst v1;
	v1 =	vmin.u32 v2, $0x1869F;
	v2 =	vnsel vm12, $0x0, v5;
	v5 =	vld [tilespmem:$0xA0]  }
0x2a: {  	vm14 =	vgt.s32 v7, $0x0;
	[tilespmem:$0x30] =	vst v1;
	v1 =	vmin.u32 v2, $0x1869F;
	v2 =	vnsel vm13, $0x0, v6;
	v6 =	vld [tilespmem:$0xB0]  }
0x2b: {  	vm15 =	vgt.s32 v8, $0x0;
	[tilespmem:$0x40] =	vst v1;
	v1 =	vmin.u32 v2, $0x1869F;
	v2 =	vnsel vm14, $0x0, v7;
	v7 =	vld [tilespmem:$0xC0]  }
0x2c: {  	[tilespmem:$0x50] =	vst v1;
	v1 =	vmin.u32 v2, $0x1869F;
	v2 =	vnsel vm15, $0x0, v8;
	vm4 =	vgt.s32 v3, $0x0;
	v8 =	vld [tilespmem:$0xD0]  }
0x2d: {  	[tilespmem:$0x60] =	vst v1;
	v1 =	vmin.u32 v2, $0x1869F;
	v2 =	vnsel vm4, $0x0, v3;
	vm5 =	vgt.s32 v4, $0x0;
	v3 =	vld [tilespmem:$0xE0]  }
0x2e: {  	[tilespmem:$0x70] =	vst v1;
	v1 =	vmin.u32 v2, $0x1869F;
	v2 =	vnsel vm5, $0x0, v4;
	vm6 =	vgt.s32 v5, $0x0;
	v4 =	vld [tilespmem:$0xF0]  }
0x2f: {  	[tilespmem:$0x80] =	vst v1;
	v1 =	vmin.u32 v2, $0x1869F;
	v2 =	vnsel vm6, $0x0, v5;
	vm7 =	vgt.s32 v6, $0x0;
	v5 =	vld [tilespmem:$0x100]  }
0x30: {  	[tilespmem:$0x90] =	vst v1;
	v1 =	vmin.u32 v2, $0x1869F;
	v2 =	vnsel vm7, $0x0, v6;
	vm8 =	vgt.s32 v7, $0x0;
	v6 =	vld [tilespmem:$0x110]  }
0x31: {  	[tilespmem:$0xA0] =	vst v1;
	v1 =	vmin.u32 v2, $0x1869F;
	v2 =	vnsel vm8, $0x0, v7;
	vm9 =	vgt.s32 v8, $0x0;
	v7 =	vld [tilespmem:$0x120]  }
0x32: {  	[tilespmem:$0xB0] =	vst v1;
	v1 =	vmin.u32 v2, $0x1869F;
	v2 =	vnsel vm9, $0x0, v8;
	vm10 =	vgt.s32 v3, $0x0;
	v8 =	vld [tilespmem:$0x130]  }
0x33: {  	[tilespmem:$0xC0] =	vst v1;
	v1 =	vmin.u32 v2, $0x1869F;
	v2 =	vnsel vm10, $0x0, v3;
	vm11 =	vgt.s32 v4, $0x0;
	v3 =	vld [tilespmem:$0x140]  }
0x34: {  	[tilespmem:$0xD0] =	vst v1;
	v1 =	vmin.u32 v2, $0x1869F;
	v2 =	vnsel vm11, $0x0, v4;
	vm12 =	vgt.s32 v5, $0x0;
	v4 =	vld [tilespmem:$0x150]  }
0x35: {  	[tilespmem:$0xE0] =	vst v1;
	v1 =	vmin.u32 v2, $0x1869F;
	v2 =	vnsel vm12, $0x0, v5;
	vm13 =	vgt.s32 v6, $0x0;
	v5 =	vld [tilespmem:$0x160]  }
0x36: {  	[tilespmem:$0xF0] =	vst v1;
	v1 =	vmin.u32 v2, $0x1869F;
	v2 =	vnsel vm13, $0x0, v6;
	vm14 =	vgt.s32 v7, $0x0;
	v6 =	vld [tilespmem:$0x170]  }
0x37: {  	[tilespmem:$0x100] =	vst v1;
	v1 =	vmin.u32 v2, $0x1869F;
	v2 =	vnsel vm14, $0x0, v7;
	vm15 =	vgt.s32 v8, $0x0;
	v7 =	vld [tilespmem:$0x180]  }
0x38: {  	[tilespmem:$0x110] =	vst v1;
	v1 =	vmin.u32 v2, $0x1869F;
	v2 =	vnsel vm15, $0x0, v8;
	vm4 =	vgt.s32 v3, $0x0;
	v8 =	vld [tilespmem:$0x190]  }
0x39: {  	[tilespmem:$0x120] =	vst v1;
	v1 =	vmin.u32 v2, $0x1869F;
	v2 =	vnsel vm4, $0x0, v3;
	vm5 =	vgt.s32 v4, $0x0;
	v3 =	vld [tilespmem:$0x1A0]  }
0x3a: {  	[tilespmem:$0x130] =	vst v1;
	v1 =	vmin.u32 v2, $0x1869F;
	v2 =	vnsel vm5, $0x0, v4;
	vm6 =	vgt.s32 v5, $0x0;
	v4 =	vld [tilespmem:$0x1B0]  }
0x3b: {  	[tilespmem:$0x140] =	vst v1;
	v1 =	vmin.u32 v2, $0x1869F;
	v2 =	vnsel vm6, $0x0, v5;
	vm7 =	vgt.s32 v6, $0x0;
	v5 =	vld [tilespmem:$0x1C0]  }
0x3c: {  	[tilespmem:$0x150] =	vst v1;
	v1 =	vmin.u32 v2, $0x1869F;
	v2 =	vnsel vm7, $0x0, v6;
	vm8 =	vgt.s32 v7, $0x0;
	v6 =	vld [tilespmem:$0x1D0]  }
0x3d: {  	[tilespmem:$0x160] =	vst v1;
	v1 =	vmin.u32 v2, $0x1869F;
	v2 =	vnsel vm8, $0x0, v7;
	vm9 =	vgt.s32 v8, $0x0;
	v7 =	vld [tilespmem:$0x1E0]  }
0x3e: {  	[tilespmem:$0x170] =	vst v1;
	v1 =	vmin.u32 v2, $0x1869F;
	v2 =	vnsel vm9, $0x0, v8;
	vm10 =	vgt.s32 v3, $0x0;
	v8 =	vld [tilespmem:$0x1F0]  }
0x3f: {  	[tilespmem:$0x180] =	vst v1;
	v1 =	vmin.u32 v2, $0x1869F;
	v2 =	vnsel vm10, $0x0, v3;
	vm11 =	vgt.s32 v4, $0x0  }
0x40: {  	[tilespmem:$0x190] =	vst v1;
	v1 =	vmin.u32 v2, $0x1869F;
	v2 =	vnsel vm11, $0x0, v4;
	vm12 =	vgt.s32 v5, $0x0  }
0x41: {  	[tilespmem:$0x1A0] =	vst v1;
	v1 =	vmin.u32 v2, $0x1869F;
	v2 =	vnsel vm12, $0x0, v5;
	vm13 =	vgt.s32 v6, $0x0  }
0x42: {  	[tilespmem:$0x1B0] =	vst v1;
	v1 =	vmin.u32 v2, $0x1869F;
	v2 =	vnsel vm13, $0x0, v6;
	vm14 =	vgt.s32 v7, $0x0  }
0x43: {  	[tilespmem:$0x1C0] =	vst v1;
	v1 =	vmin.u32 v2, $0x1869F;
	v2 =	vnsel vm14, $0x0, v7;
	vm15 =	vgt.s32 v8, $0x0  }
0x44: {  	[tilespmem:$0x1D0] =	vst v1;
	v1 =	vmin.u32 v2, $0x1869F;
	v2 =	vnsel vm15, $0x0, v8  }
0x45: {  	[tilespmem:$0x1E0] =	vst v1;
	v1 =	vmin.u32 v2, $0x1869F  }
0x46: {  	[tilespmem:$0x1F0] =	vst v1  }
0x47: {  	[tilespmem:s16], [sflag:$0x1] =	stream.indirect.gather [hbm4b:s3+s13], $0x20, s2, s13, $0xb8;
	[tilespmem:$0x4800] =	vst v63  }
0x48: {  	s29 =	simm.s32 $0x4200  }
0x49: {  	[tilespmem:s29], [sflag:$0x2] =	stream.indirect.gather [hbm4b:s4+s13], $0x1, s2, s13, $0xb8;
	[tilespmem:$0x4800] =	vst v63  }
0x4a: {  	s0 =	simm.s32 $0x1200  }
0x4b: {  	[tilespmem:s0], [sflag:$0x1] =	stream.indirect.gather [hbm4b:s3+s13], $0x20, s13, s13, $0xb8;
	[tilespmem:$0x4800] =	vst v63  }
0x4c: {  	s18 =	simm.s32 $0x4280  }
0x4d: {  	[tilespmem:s18], [sflag:$0x2] =	stream.indirect.gather [hbm4b:s4+s13], $0x1, s13, s13, $0xb8;
	[tilespmem:$0x4800] =	vst v63  }
0x4e: {  	s19 =	simm.s32 $0x2200  }
0x4f: {  	[tilespmem:s19], [sflag:$0x1] =	stream.indirect.gather [hbm4b:s3+s13], $0x20, s14, s13, $0xb8;
	[tilespmem:$0x4800] =	vst v63  }
0x50: {  	_ = 	snop  }
0x51: {  	[tilespmem:s20], [sflag:$0x2] =	stream.indirect.gather [hbm4b:s4+s13], $0x1, s14, s13, $0xb8;
	[tilespmem:$0x4800] =	vst v63  }
0x52: {  	_ = 	snop  }
0x53: {  	[tilespmem:s21], [sflag:$0x1] =	stream.indirect.gather [hbm4b:s3+s13], $0x20, s15, s13, $0xb8;
	[tilespmem:$0x4800] =	vst v63  }
0x54: {  	_ = 	snop  }
0x55: {  	[tilespmem:s22], [sflag:$0x2] =	stream.indirect.gather [hbm4b:s4+s13], $0x1, s15, s13, $0xb8;
	[tilespmem:$0x4800] =	vst v63  }
0x56: {  	_ =	swait.ge [sflag:s23], $0x1000  }
0x57: {  	[sflag:s23] =	ssyncset.done $0x0  }
0x58: {  	[sflag:s23] =	ssyncadd.s32 $0xFFFFF000  }
0x59: {  	_ =	swait.ge [sflag:s24], $0x80  }
0x5a: {  	[sflag:s24] =	ssyncset.done $0x0  }
0x5b: {  	[sflag:s24] =	ssyncadd.s32 $0xFFFFFF80  }
0x5c: {  	_ =	swait.ge [sflag:s23], $0x1000  }
0x5d: {  	[sflag:s23] =	ssyncset.done $0x0  }
0x5e: {  	[sflag:s23] =	ssyncadd.s32 $0xFFFFF000  }
0x5f: {  	_ =	swait.ge [sflag:s24], $0x80  }
0x60: {  	[sflag:s24] =	ssyncset.done $0x0  }
0x61: {  	[sflag:s24] =	ssyncadd.s32 $0xFFFFFF80  }
0x62: {  	_ =	swait.ge [sflag:s23], $0x1000  }
0x63: {  	[sflag:s23] =	ssyncset.done $0x0  }
0x64: {  	[sflag:s23] =	ssyncadd.s32 $0xFFFFF000  }
0x65: {  	_ =	swait.ge [sflag:s24], $0x80  }
0x66: {  	[sflag:s24] =	ssyncset.done $0x0  }
0x67: {  	v1 =	vmov s2;
	[sflag:s24] =	ssyncadd.s32 $0xFFFFFF80  }
0x68: {  	v1 =	vshll.u32 v1, $0x5;
	_ =	swait.ge [sflag:s23], $0x1000  }
0x69: {  	v1 =	vor.u32 v0, v1;
	[sflag:s23] =	ssyncset.done $0x0  }
0x6a: {  	v2 =	vor.u32 $0x4, v1;
	[sflag:s23] =	ssyncadd.s32 $0xFFFFF000  }
0x6b: {  	v3 =	vor.u32 $0xC, v1;
	_ =	swait.ge [sflag:s24], $0x80  }
0x6c: {  	v4 =	vor.u32 $0x10, v1;
	[sflag:s24] =	ssyncset.done $0x0  }
0x6d: {  	v5 =	vor.u32 $0x8, v1;
	[sflag:s24] =	ssyncadd.s32 $0xFFFFFF80  }
0x6e: {  	v7 =	vor.u32 $0x7, v1;
	v6 =	vld.idx.msk [tilespmem:v1+s16+$0x0], $0xffff  }
0x6f: {  	v8 =	vor.u32 $0x3, v1;
	v2 =	vld.idx.msk [tilespmem:v2+s16+$0x0], $0xffff  }
0x70: {  	v11 =	vor.u32 $0x5, v1;
	v3 =	vld.idx.msk [tilespmem:v3+s16+$0x0], $0xffff  }
0x71: {  	v9 =	vor.u32 $0xB, v1;
	v4 =	vld.idx.msk [tilespmem:v4+s16+$0x0], $0xffff  }
0x72: {  	v12 =	vor.u32 $0x2, v1;
	v5 =	vld.idx.msk [tilespmem:v5+s16+$0x0], $0xffff  }
0x73: {  	v10 =	vor.u32 $0x1, v1;
	v13 =	vor.u32 $0xA, v1;
	v7 =	vld.idx.msk [tilespmem:v7+s16+$0x0], $0xffff;
	v6 =	vsub.f32 $0.0e+00, v6  }
0x74: {  	v14 =	vor.u32 $0xF, v1;
	v15 =	vor.u32 $0x9, v1;
	v8 =	vld.idx.msk [tilespmem:v8+s16+$0x0], $0xffff;
	v2 =	vsub.f32 $0.0e+00, v2  }
0x75: {  	v16 =	vor.u32 $0x6, v1;
	v11 =	vld.idx.msk [tilespmem:v11+s16+$0x0], $0xffff;
	v3 =	vsub.f32 $0.0e+00, v3;
	v6 =	vmul.f32 $1.442695020e+00, v6  }
0x76: {  	v17 =	vor.u32 $0xD, v1;
	v9 =	vld.idx.msk [tilespmem:v9+s16+$0x0], $0xffff;
	v4 =	vsub.f32 $0.0e+00, v4;
	v2 =	vmul.f32 $1.442695020e+00, v2  }
0x77: {  	v18 =	vor.u32 $0x13, v1;
	v35 =	vld.idx.msk [tilespmem:v12+s16+$0x0], $0xffff;
	v3 =	vmul.f32 $1.442695020e+00, v3;
	(erf) = vpow2.f32 v6  }
0x78: {  	v5 =	vsub.f32 $0.0e+00, v5;
	v6 =	vld.idx.msk [tilespmem:v10+s16+$0x0], $0xffff;
	(erf) = vpow2.f32 v2;
	v2 =	vmul.f32 $1.442695020e+00, v4  }
0x79: {  	v7 =	vsub.f32 $0.0e+00, v7;
	v8 =	vsub.f32 $0.0e+00, v8;
	(erf) = vpow2.f32 v3  }
0x7a: {  	v11 =	vsub.f32 $0.0e+00, v11;
	v5 =	vmul.f32 $1.442695020e+00, v5;
	v3 =	vld.idx.msk [tilespmem:v16+s16+$0x0], $0xffff;
	(erf) = vpow2.f32 v2  }
0x7b: {  	v42 =	vld.idx.msk [tilespmem:v15+s16+$0x0], $0xffff;
	v9 =	vsub.f32 $0.0e+00, v9;
	v7 =	vmul.f32 $1.442695020e+00, v7;
	v8 =	vmul.f32 $1.442695020e+00, v8  }
0x7c: {  	v36 =	vsub.f32 $0.0e+00, v35;
	v37 =	vmul.f32 $1.442695020e+00, v11;
	(erf) = vpow2.f32 v5  }
0x7d: {  	v5 =	vsub.f32 $0.0e+00, v6;
	v6 =	vmul.f32 $1.442695020e+00, v9;
	(erf) = vpow2.f32 v7  }
0x7e: {  	v4 =	vor.u32 $0xE, v1;
	v2 =	vor.u32 $0x17, v1;
	v7 =	vld.idx.msk [tilespmem:v14+s16+$0x0], $0xffff;
	(erf) = vpow2.f32 v8  }
0x7f: {  	v5 =	vmul.f32 $1.442695020e+00, v5;
	v3 =	vsub.f32 $0.0e+00, v3;
	(erf) = vpow2.f32 v6  }
0x80: {  	v49 =	vsub.f32 $0.0e+00, v42;
	v9 =	vmul.f32 $1.442695020e+00, v36;
	v8 =	vld.idx.msk [tilespmem:v18+s16+$0x0], $0xffff;
	v38 =	vpop (erf);
	(erf) = vpow2.f32 v37  }
0x81: {  	v39 =	vor.u32 $0x14, v1;
	v40 =	vld.idx.msk [tilespmem:v13+s16+$0x0], $0xffff;
	v3 =	vmul.f32 $1.442695020e+00, v3;
	v41 =	vpop (erf);
	(erf) = vpow2.f32 v5  }
0x82: {  	v52 =	vmul.f32 $1.442695020e+00, v49;
	v11 =	vadd.f32 $1.000000000e+00, v38;
	(erf) = vpow2.f32 v9;
	v43 =	vpop (erf)  }
0x83: {  	v4 =	vld.idx.msk [tilespmem:v4+s16+$0x0], $0xffff;
	v7 =	vsub.f32 $0.0e+00, v7;
	(erf) = vpow2.f32 v3;
	v3 =	vadd.f32 $1.000000000e+00, v41;
	v44 =	vpop (erf)  }
0x84: {  	v6 =	vor.u32 $0x12, v1;
	v2 =	vld.idx.msk [tilespmem:v2+s16+$0x0], $0xffff;
	(erf) = vrcp.f32 v11;
	v46 =	vadd.f32 $1.000000000e+00, v44  }
0x85: {  	v8 =	vsub.f32 $0.0e+00, v8;
	v7 =	vmul.f32 $1.442695020e+00, v7;
	v47 =	vpop (erf);
	(erf) = vrcp.f32 v3  }
0x86: {  	v9 =	vadd.f32 $1.000000000e+00, v43;
	v3 =	vsub.f32 $0.0e+00, v40;
	v48 =	vpop (erf);
	(erf) = vrcp.f32 v46  }
0x87: {  	v8 =	vmul.f32 $1.442695020e+00, v8;
	v50 =	vpop (erf);
	(erf) = vpow2.f32 v7  }
0x88: {  	v10 =	vld.idx.msk [tilespmem:v39+s16+$0x0], $0xffff;
	v5 =	vor.u32 $0x18, v1;
	v3 =	vmul.f32 $1.442695020e+00, v3;
	v51 =	vpop (erf);
	(erf) = vrcp.f32 v9  }
0x89: {  	v4 =	vsub.f32 $0.0e+00, v4;
	v6 =	vld.idx.msk [tilespmem:v6+s16+$0x0], $0xffff;
	v2 =	vsub.f32 $0.0e+00, v2;
	v53 =	vpop (erf);
	(erf) = vpow2.f32 v8  }
0x8a: {  	v7 =	vor.u32 $0x1B, v1;
	v8 =	vadd.f32 $1.000000000e+00, v51;
	v54 =	vpop (erf);
	(erf) = vpow2.f32 v3;
	v3 =	vld.idx.msk [tilespmem:v17+s16+$0x0], $0xffff  }
0x8b: {  	v2 =	vmul.f32 $1.442695020e+00, v2;
	v56 =	vpop (erf);
	(erf) = vpow2.f32 v52  }
0x8c: {  	v45 =	vor.u32 $0x11, v1;
	v19 =	vmul.f32 $1.442695020e+00, v4;
	v20 =	vpop (erf);
	(erf) = vrcp.f32 v8  }
0x8d: {  	v57 =	vor.u32 $0x16, v1;
	v5 =	vld.idx.msk [tilespmem:v5+s16+$0x0], $0xffff;
	v8 =	vadd.f32 $1.000000000e+00, v48;
	v58 =	vpop (erf);
	(erf) = vpow2.f32 v2  }
0x8e: {  	v10 =	vsub.f32 $0.0e+00, v10;
	v6 =	vsub.f32 $0.0e+00, v6;
	(erf) = vpow2.f32 v19  }
0x8f: {  	v14 =	vadd.f32 $1.000000000e+00, v50;
	v7 =	vld.idx.msk [tilespmem:v7+s16+$0x0], $0xffff;
	v4 =	vpop (erf);
	(erf) = vrcp.f32 v8;
	v8 =	vsub.f32 $0.0e+00, v3  }
0x90: {  	v6 =	vmul.f32 $1.442695020e+00, v6;
	v2 =	vpop (erf)  }
0x91: {  	v55 =	vor.u32 $0x15, v1;
	v10 =	vmul.f32 $1.442695020e+00, v10;
	(erf) = vrcp.f32 v14;
	v60 =	vpop (erf)  }
0x92: {  	v15 =	vld.idx.msk [tilespmem:v45+s16+$0x0], $0xffff;
	v5 =	vsub.f32 $0.0e+00, v5;
	v20 =	vadd.f32 $1.000000000e+00, v20;
	v3 =	vpop (erf);
	(erf) = vpow2.f32 v6  }
0x93: {  	v59 =	vor.u32 $0x1F, v1;
	v9 =	vld.idx.msk [tilespmem:v57+s16+$0x0], $0xffff;
	v6 =	vmul.f32 $1.442695020e+00, v8;
	v8 =	vpop (erf);
	(erf) = vpow2.f32 v10  }
0x94: {  	v5 =	vmul.f32 $1.442695020e+00, v5;
	v7 =	vsub.f32 $0.0e+00, v7;
	(erf) = vrcp.f32 v20;
	v61 =	vpop (erf)  }
0x95: {  	v21 =	vpop (erf);
	(erf) = vpow2.f32 v6;
	v6 =	vadd.f32 $1.000000000e+00, v56  }
0x96: {  	v62 =	vor.u32 $0x19, v1;
	v7 =	vmul.f32 $1.442695020e+00, v7;
	v63 =	vpop (erf);
	(erf) = vpow2.f32 v5;
	v5 =	vld.idx.msk [tilespmem:v55+s16+$0x0], $0xffff  }
0x97: {  	v22 =	vor.u32 $0x1D, v1;
	v15 =	vsub.f32 $0.0e+00, v15  }
0x98: {  	v9 =	vsub.f32 $0.0e+00, v9;
	v14 =	vadd.f32 $1.000000000e+00, v60;
	v28 =	vpop (erf);
	(erf) = vpow2.f32 v7  }
0x99: {  	v15 =	vmul.f32 $1.442695020e+00, v15;
	v19 =	vld.idx.msk [tilespmem:v59+s16+$0x0], $0xffff;
	v7 =	vor.u32 $0x1A, v1;
	(erf) = vrcp.f32 v6;
	v6 =	vpop (erf)  }
0x9a: {  	v29 =	vor.u32 $0x1C, v1;
	v9 =	vmul.f32 $1.442695020e+00, v9;
	(erf) = vrcp.f32 v14;
	v23 =	vpop (erf)  }
0x9b: {  	v13 =	vadd.f32 $1.000000000e+00, v47;
	v20 =	vld.idx.msk [tilespmem:v62+s16+$0x0], $0xffff;
	v24 =	vpop (erf);
	(erf) = vpow2.f32 v15;
	v5 =	vsub.f32 $0.0e+00, v5  }
0x9c: {  	v30 =	vadd.f32 $1.000000000e+00, v54;
	v1 =	vor.u32 $0x1E, v1;
	v31 =	vpop (erf);
	(erf) = vpow2.f32 v9  }
0x9d: {  	v32 =	vadd.f32 $1.000000000e+00, v53;
	(erf) = vrcp.f32 v13;
	v33 =	vpop (erf);
	v5 =	vmul.f32 $1.442695020e+00, v5  }
0x9e: {  	v34 =	vsub.f32 $0.0e+00, v19;
	v10 =	vadd.f32 $1.000000000e+00, v61;
	v7 =	vld.idx.msk [tilespmem:v7+s16+$0x0], $0xffff;
	(erf) = vrcp.f32 v30;
	v35 =	vpop (erf)  }
0x9f: {  	v36 =	vld.idx.msk [tilespmem:v22+s16+$0x0], $0xffff;
	(erf) = vrcp.f32 v32;
	v37 =	vpop (erf)  }
0xa0: {  	v20 =	vsub.f32 $0.0e+00, v20;
	v13 =	vmul.f32 $1.442695020e+00, v34;
	(erf) = vrcp.f32 v10;
	v38 =	vpop (erf)  }
0xa1: {  	v8 =	vadd.f32 $1.000000000e+00, v8;
	v1 =	vld.idx.msk [tilespmem:v1+s16+$0x0], $0xffff;
	(erf) = vpow2.f32 v5;
	v5 =	vpop (erf)  }
0xa2: {  	v20 =	vmul.f32 $1.442695020e+00, v20;
	v39 =	vpop (erf);
	(erf) = vpow2.f32 v13  }
0xa3: {  	v40 =	vadd.f32 $1.000000000e+00, v28;
	v14 =	vld.idx.msk [tilespmem:v29+s16+$0x0], $0xffff;
	v7 =	vsub.f32 $0.0e+00, v7;
	v41 =	vpop (erf);
	(erf) = vrcp.f32 v8  }
0xa4: {  	v19 =	vsub.f32 $0.0e+00, v36;
	v8 =	vadd.f32 $1.000000000e+00, v21;
	v42 =	vpop (erf);
	(erf) = vpow2.f32 v20  }
0xa5: {  	v7 =	vmul.f32 $1.442695020e+00, v7;
	v43 =	vpop (erf);
	(erf) = vrcp.f32 v40  }
0xa6: {  	v44 =	vmul.f32 $1.442695020e+00, v19;
	v1 =	vsub.f32 $0.0e+00, v1;
	v45 =	vpop (erf);
	(erf) = vrcp.f32 v8  }
0xa7: {  	v8 =	vadd.f32 $1.000000000e+00, v37;
	v46 =	vpop (erf);
	(erf) = vpow2.f32 v7;
	v7 =	vadd.f32 $1.000000000e+00, v33  }
0xa8: {  	v47 =	vsub.f32 $0.0e+00, v14;
	v48 =	vpop (erf);
	(erf) = vpow2.f32 v44  }
0xa9: {  	v1 =	vmul.f32 $1.442695020e+00, v1;
	v49 =	vpop (erf);
	(erf) = vrcp.f32 v8  }
0xaa: {  	v8 =	vmul.f32 $1.442695020e+00, v47;
	v50 =	vpop (erf);
	(erf) = vrcp.f32 v7  }
0xab: {  	v7 =	vpop (erf);
	(erf) = vpow2.f32 v1;
	v1 =	vadd.f32 $1.000000000e+00, v38  }
0xac: {  	v51 =	vpop (erf);
	(erf) = vpow2.f32 v8;
	v8 =	vadd.f32 $1.000000000e+00, v43  }
0xad: {  	v5 =	vadd.f32 $1.000000000e+00, v5  }
0xae: {  	v52 =	vpop (erf)  }
0xaf: {  	v6 =	vadd.f32 $1.000000000e+00, v6;
	(erf) = vrcp.f32 v1;
	v1 =	vpop (erf)  }
0xb0: {  	(erf) = vrcp.f32 v8;
	v8 =	vpop (erf)  }
0xb1: {  	v24 =	vadd.f32 $0.0e+00, v24;
	v16 =	vadd.f32 $1.000000000e+00, v31;
	(erf) = vrcp.f32 v5;
	v5 =	vpop (erf)  }
0xb2: {  	v21 =	vadd.f32 $1.000000000e+00, v42;
	(erf) = vrcp.f32 v6;
	v5 =	vadd.f32 $1.000000000e+00, v5  }
0xb3: {  	v12 =	vadd.f32 $0.0e+00, v58;
	v23 =	vadd.f32 v23, v24;
	v6 =	vpop (erf);
	(erf) = vrcp.f32 v16  }
0xb4: {  	v54 =	vadd.f32 $0.0e+00, v39;
	v53 =	vpop (erf);
	(erf) = vrcp.f32 v21  }
0xb5: {  	v4 =	vadd.f32 v4, v12;
	v17 =	vadd.f32 v63, v23;
	v55 =	vpop (erf)  }
0xb6: {  	v15 =	vadd.f32 v35, v54;
	v11 =	vadd.f32 $1.000000000e+00, v50;
	(erf) = vrcp.f32 v5;
	v5 =	vpop (erf)  }
0xb7: {  	v9 =	vadd.f32 $0.0e+00, v46;
	v20 =	vadd.f32 $1.000000000e+00, v52;
	v56 =	vpop (erf)  }
0xb8: {  	v4 =	vadd.f32 v45, v4;
	(erf) = vrcp.f32 v11;
	v5 =	vadd.f32 $1.000000000e+00, v5;
	v58 =	vpop (erf)  }
0xb9: {  	v9 =	vadd.f32 v48, v9;
	(erf) = vrcp.f32 v20;
	v11 =	vadd.f32 $1.000000000e+00, v56;
	v59 =	vpop (erf)  }
0xba: {  	v7 =	vadd.f32 $1.000000000e+00, v7;
	(erf) = vrcp.f32 v5;
	v5 =	vadd.f32 v49, v15;
	v60 =	vpop (erf)  }
0xbb: {  	v3 =	vadd.f32 v3, v4;
	v4 =	vadd.f32 $1.000000000e+00, v6;
	(erf) = vrcp.f32 v11;
	v6 =	vpop (erf)  }
0xbc: {  	v8 =	vadd.f32 v8, v9;
	(erf) = vrcp.f32 v7;
	v5 =	vadd.f32 v6, v5;
	v6 =	vpop (erf)  }
0xbd: {  	v57 =	vadd.f32 v41, v17;
	v61 =	vpop (erf);
	(erf) = vrcp.f32 v4  }
0xbe: {  	v2 =	vadd.f32 v2, v3;
	v8 =	vadd.f32 v53, v8  }
0xbf: {  	v3 =	vadd.f32 v51, v57;
	v5 =	vadd.f32 v6, v5  }
0xc0: {  	v8 =	vadd.f32 v61, v8;
	v6 =	vpop (erf)  }
0xc1: {  	v3 =	vadd.f32 v1, v3;
	v2 =	vadd.f32 v55, v2;
	v1 =	vpop (erf)  }
0xc2: {  	v8 =	vadd.f32 v1, v8;
	v62 =	vadd.f32 v59, v5;
	v63 =	vpop (erf)  }
0xc3: {  	s31 =	simm.s32 $0x10;
	s17 =	simm.s32 $0x4400;
	s1 =	simm.s32 $0x4200;
	v1 =	vadd.f32 v58, v2;
	v2 =	vadd.f32 v60, v3;
	v5 =	vpop (erf)  }
0xc4: {  	s30 =	simm.s32 $0x4600;
	s0 =	simm.s32 $0x4400;
	s18 =	simm.s32 $0x4600;
	v3 =	vadd.f32 v63, v8;
	v6 =	vadd.f32 v6, v62;
	v4 =	vpop (erf)  }
.LBB2_2:
0xc5: {  	s17 =	sadd.s32 $0x10, s17;
	s29 =	sadd.s32 $0x10, s29;
	s18 =	sadd.s32 $0x10, s18;
	v7 =	vpop (erf)  }
0xc6: {  	p0 =	sne.s32 s31, $0x1F0;
	v5 =	vadd.f32 v5, v6;
	s19 =	smov.u32 s31;
	s31 =	sadd.s32 $0x10, s31;
	v2 =	vadd.f32 v7, v2;
	v6 =	vpop (erf)  }
0xc7: {  	v1 =	vadd.f32 v4, v1;
	v3 =	vadd.f32 v6, v3;
	_ =	sdelay $0x1  }
0xc8: {  	v2 =	vadd.f32 v2, v5;
	v1 =	vadd.f32 v3, v1;
	_ =	sdelay $0x1  }
0xc9: {  	v1 =	vadd.f32 v2, v1;
	_ =	sdelay $0x1  }
0xca: {  	[tilespmem:s0+$0x0] =	vst v1;
	s0 =	smov.u32 s17  }
0xcb: {  	v1 =	vld [tilespmem:s1+$0x0];
	s1 =	smov.u32 s29;
	_ =	sdelay $0x4  }
0xcc: {  	v1 =	vsub.f32 $0.0e+00, v1;
	_ =	sdelay $0x1  }
0xcd: {  	v1 =	vmul.f32 $1.442695020e+00, v1;
	_ =	sdelay $0x1  }
0xce: {  	(erf) = vpow2.f32 v1;
	_ =	sdelay $0x8  }
0xcf: {  	v1 =	vpop (erf)  }
0xd0: {  	v1 =	vadd.f32 $1.000000000e+00, v1;
	_ =	sdelay $0x1  }
0xd1: {  	(erf) = vrcp.f32 v1;
	_ =	sdelay $0x5  }
0xd2: {  	v1 =	vmov s19  }
0xd3: {  	v1 =	vshll.u32 v1, $0x5  }
0xd4: {  	v3 =	vor.u32 v0, v1  }
0xd5: {  	v12 =	vor.u32 $0x1, v3;
	v13 =	vor.u32 $0x2, v3;
	v1 =	vor.u32 $0x4, v3;
	v2 =	vpop (erf)  }
0xd6: {  	v14 =	vor.u32 $0x7, v3;
	v4 =	vor.u32 $0xB, v3;
	v5 =	vor.u32 $0xC, v3  }
0xd7: {  	v15 =	vor.u32 $0x3, v3;
	v16 =	vor.u32 $0x8, v3;
	v2 =	vadd.f32 v2, v2  }
0xd8: {  	v17 =	vor.u32 $0xA, v3;
	v18 =	vor.u32 $0xF, v3;
	v19 =	vor.u32 $0x10, v3  }
0xd9: {  	v20 =	vor.u32 $0x9, v3;
	v21 =	vor.u32 $0xD, v3;
	v22 =	vor.u32 $0x13, v3;
	[tilespmem:s30+$0x0] =	vst v2;
	s30 =	smov.u32 s18  }
0xda: {  	v24 =	vor.u32 $0x5, v3;
	v25 =	vor.u32 $0xE, v3;
	v26 =	vor.u32 $0x17, v3;
	v23 =	vld.idx.msk [tilespmem:v3+s16+$0x0], $0xffff  }
0xdb: {  	v28 =	vor.u32 $0x12, v3;
	v29 =	vor.u32 $0x14, v3;
	v10 =	vor.u32 $0x18, v3;
	v27 =	vld.idx.msk [tilespmem:v1+s16+$0x0], $0xffff  }
0xdc: {  	v7 =	vor.u32 $0x11, v3;
	v8 =	vor.u32 $0x15, v3;
	v11 =	vor.u32 $0x1B, v3;
	v30 =	vld.idx.msk [tilespmem:v4+s16+$0x0], $0xffff  }
0xdd: {  	v9 =	vor.u32 $0x16, v3;
	v6 =	vor.u32 $0x1F, v3;
	v31 =	vld.idx.msk [tilespmem:v5+s16+$0x0], $0xffff;
	v5 =	vor.u32 $0x1A, v3  }
0xde: {  	v2 =	vor.u32 $0x1E, v3;
	v1 =	vor.u32 $0x1C, v3;
	v4 =	vor.u32 $0x1D, v3;
	v19 =	vld.idx.msk [tilespmem:v19+s16+$0x0], $0xffff  }
0xdf: {  	v16 =	vld.idx.msk [tilespmem:v16+s16+$0x0], $0xffff  }
0xe0: {  	v23 =	vsub.f32 $0.0e+00, v23;
	v14 =	vld.idx.msk [tilespmem:v14+s16+$0x0], $0xffff  }
0xe1: {  	v32 =	vor.u32 $0x6, v3;
	v27 =	vsub.f32 $0.0e+00, v27;
	v12 =	vld.idx.msk [tilespmem:v12+s16+$0x0], $0xffff  }
0xe2: {  	v23 =	vmul.f32 $1.442695020e+00, v23;
	v15 =	vld.idx.msk [tilespmem:v15+s16+$0x0], $0xffff  }
0xe3: {  	v27 =	vmul.f32 $1.442695020e+00, v27;
	v31 =	vsub.f32 $0.0e+00, v31;
	v24 =	vld.idx.msk [tilespmem:v24+s16+$0x0], $0xffff  }
0xe4: {  	v30 =	vsub.f32 $0.0e+00, v30;
	v19 =	vsub.f32 $0.0e+00, v19;
	v13 =	vld.idx.msk [tilespmem:v13+s16+$0x0], $0xffff;
	(erf) = vpow2.f32 v23  }
0xe5: {  	v16 =	vsub.f32 $0.0e+00, v16;
	v23 =	vmul.f32 $1.442695020e+00, v31;
	(erf) = vpow2.f32 v27  }
0xe6: {  	v14 =	vsub.f32 $0.0e+00, v14;
	v19 =	vmul.f32 $1.442695020e+00, v19;
	v27 =	vld.idx.msk [tilespmem:v32+s16+$0x0], $0xffff  }
0xe7: {  	v12 =	vsub.f32 $0.0e+00, v12;
	v16 =	vmul.f32 $1.442695020e+00, v16;
	v18 =	vld.idx.msk [tilespmem:v18+s16+$0x0], $0xffff;
	(erf) = vpow2.f32 v23  }
0xe8: {  	v15 =	vsub.f32 $0.0e+00, v15;
	v14 =	vmul.f32 $1.442695020e+00, v14;
	v23 =	vmul.f32 $1.442695020e+00, v30;
	v17 =	vld.idx.msk [tilespmem:v17+s16+$0x0], $0xffff  }
0xe9: {  	v12 =	vmul.f32 $1.442695020e+00, v12;
	v24 =	vsub.f32 $0.0e+00, v24;
	v20 =	vld.idx.msk [tilespmem:v20+s16+$0x0], $0xffff;
	(erf) = vpow2.f32 v19  }
0xea: {  	v13 =	vsub.f32 $0.0e+00, v13;
	v15 =	vmul.f32 $1.442695020e+00, v15;
	v19 =	vld.idx.msk [tilespmem:v22+s16+$0x0], $0xffff;
	(erf) = vpow2.f32 v16  }
0xeb: {  	v16 =	vmul.f32 $1.442695020e+00, v24;
	(erf) = vpow2.f32 v14  }
0xec: {  	v13 =	vmul.f32 $1.442695020e+00, v13;
	v14 =	vsub.f32 $0.0e+00, v27;
	(erf) = vpow2.f32 v15  }
0xed: {  	v18 =	vsub.f32 $0.0e+00, v18;
	v15 =	vld.idx.msk [tilespmem:v21+s16+$0x0], $0xffff;
	v21 =	vpop (erf);
	(erf) = vpow2.f32 v23  }
0xee: {  	v14 =	vmul.f32 $1.442695020e+00, v14;
	v21 =	vadd.f32 $1.000000000e+00, v21;
	v22 =	vpop (erf);
	(erf) = vpow2.f32 v16  }
0xef: {  	v16 =	vsub.f32 $0.0e+00, v20;
	v18 =	vmul.f32 $1.442695020e+00, v18;
	v20 =	vld.idx.msk [tilespmem:v26+s16+$0x0], $0xffff;
	(erf) = vpow2.f32 v12  }
0xf0: {  	v12 =	vsub.f32 $0.0e+00, v17;
	v17 =	vsub.f32 $0.0e+00, v19;
	(erf) = vpow2.f32 v13;
	v13 =	vpop (erf)  }
0xf1: {  	v16 =	vmul.f32 $1.442695020e+00, v16;
	v13 =	vadd.f32 $1.000000000e+00, v13;
	(erf) = vpow2.f32 v14  }
0xf2: {  	v24 =	vadd.f32 $1.000000000e+00, v22;
	v12 =	vmul.f32 $1.442695020e+00, v12;
	v19 =	vld.idx.msk [tilespmem:v25+s16+$0x0], $0xffff;
	(erf) = vrcp.f32 v21;
	v21 =	vpop (erf)  }
0xf3: {  	v17 =	vmul.f32 $1.442695020e+00, v17;
	v15 =	vsub.f32 $0.0e+00, v15;
	v21 =	vadd.f32 $1.000000000e+00, v21;
	v22 =	vpop (erf)  }
0xf4: {  	v22 =	vadd.f32 $1.000000000e+00, v22;
	(erf) = vrcp.f32 v24;
	v14 =	vpop (erf)  }
0xf5: {  	v15 =	vmul.f32 $1.442695020e+00, v15;
	v14 =	vadd.f32 $1.000000000e+00, v14;
	v23 =	vpop (erf);
	(erf) = vrcp.f32 v21  }
0xf6: {  	v20 =	vsub.f32 $0.0e+00, v20;
	v21 =	vadd.f32 $1.000000000e+00, v23;
	v23 =	vld.idx.msk [tilespmem:v28+s16+$0x0], $0xffff;
	v24 =	vpop (erf);
	(erf) = vpow2.f32 v18  }
0xf7: {  	v18 =	vadd.f32 $1.000000000e+00, v24;
	v24 =	vld.idx.msk [tilespmem:v29+s16+$0x0], $0xffff;
	v25 =	vpop (erf);
	(erf) = vrcp.f32 v13  }
0xf8: {  	v19 =	vsub.f32 $0.0e+00, v19;
	v13 =	vadd.f32 $1.000000000e+00, v25;
	v25 =	vpop (erf);
	(erf) = vpow2.f32 v17  }
0xf9: {  	v20 =	vmul.f32 $1.442695020e+00, v20;
	v17 =	vadd.f32 $1.000000000e+00, v25;
	v11 =	vld.idx.msk [tilespmem:v11+s16+$0x0], $0xffff;
	v25 =	vpop (erf);
	(erf) = vpow2.f32 v12  }
0xfa: {  	v19 =	vmul.f32 $1.442695020e+00, v19;
	v12 =	vadd.f32 $1.000000000e+00, v25;
	v10 =	vld.idx.msk [tilespmem:v10+s16+$0x0], $0xffff;
	v25 =	vpop (erf);
	(erf) = vpow2.f32 v16  }
0xfb: {  	v16 =	vadd.f32 $1.000000000e+00, v25;
	v25 =	vpop (erf);
	(erf) = vrcp.f32 v18  }
0xfc: {  	v23 =	vsub.f32 $0.0e+00, v23;
	v18 =	vadd.f32 $0.0e+00, v25;
	(erf) = vpow2.f32 v20  }
0xfd: {  	v24 =	vsub.f32 $0.0e+00, v24;
	v20 =	vld.idx.msk [tilespmem:v7+s16+$0x0], $0xffff;
	v25 =	vpop (erf);
	(erf) = vpow2.f32 v19  }
0xfe: {  	v26 =	vmul.f32 $1.442695020e+00, v23;
	(erf) = vrcp.f32 v14;
	v7 =	vpop (erf)  }
0xff: {  	v14 =	vmul.f32 $1.442695020e+00, v24;
	v9 =	vld.idx.msk [tilespmem:v9+s16+$0x0], $0xffff;
	(erf) = vrcp.f32 v21;
	v21 =	vpop (erf)  }
0x100: {  	v11 =	vsub.f32 $0.0e+00, v11;
	v10 =	vsub.f32 $0.0e+00, v10;
	v23 =	vld.idx.msk [tilespmem:v8+s16+$0x0], $0xffff;
	v8 =	vpop (erf);
	(erf) = vpow2.f32 v26  }
0x101: {  	v3 =	vor.u32 $0x19, v3;
	v19 =	vpop (erf);
	(erf) = vpow2.f32 v14  }
0x102: {  	v10 =	vmul.f32 $1.442695020e+00, v10;
	v14 =	vadd.f32 $1.000000000e+00, v19;
	(erf) = vrcp.f32 v16;
	v16 =	vpop (erf)  }
0x103: {  	v11 =	vmul.f32 $1.442695020e+00, v11;
	v16 =	vadd.f32 $1.000000000e+00, v16;
	v19 =	vpop (erf);
	(erf) = vpow2.f32 v15  }
0x104: {  	v20 =	vsub.f32 $0.0e+00, v20;
	v15 =	vadd.f32 $1.000000000e+00, v21;
	v6 =	vld.idx.msk [tilespmem:v6+s16+$0x0], $0xffff;
	v21 =	vpop (erf);
	(erf) = vpow2.f32 v10  }
0x105: {  	v10 =	vadd.f32 $1.000000000e+00, v19;
	v9 =	vsub.f32 $0.0e+00, v9;
	v19 =	vpop (erf);
	(erf) = vpow2.f32 v11  }
0x106: {  	v11 =	vmul.f32 $1.442695020e+00, v20;
	v19 =	vadd.f32 $1.000000000e+00, v19;
	v3 =	vld.idx.msk [tilespmem:v3+s16+$0x0], $0xffff;
	(erf) = vrcp.f32 v12;
	v12 =	vpop (erf)  }
0x107: {  	v24 =	vsub.f32 $0.0e+00, v23;
	v26 =	vmul.f32 $1.442695020e+00, v9;
	v23 =	vpop (erf);
	(erf) = vrcp.f32 v15  }
0x108: {  	v12 =	vadd.f32 $1.000000000e+00, v12;
	v5 =	vld.idx.msk [tilespmem:v5+s16+$0x0], $0xffff;
	v15 =	vpop (erf);
	(erf) = vpow2.f32 v11  }
0x109: {  	v11 =	vadd.f32 $0.0e+00, v15;
	v15 =	vmul.f32 $1.442695020e+00, v24;
	v20 =	vpop (erf);
	(erf) = vpow2.f32 v26  }
0x10a: {  	v6 =	vsub.f32 $0.0e+00, v6;
	v4 =	vld.idx.msk [tilespmem:v4+s16+$0x0], $0xffff;
	(erf) = vrcp.f32 v22;
	v9 =	vpop (erf)  }
0x10b: {  	v11 =	vadd.f32 v23, v11;
	v9 =	vadd.f32 $1.000000000e+00, v9;
	(erf) = vrcp.f32 v17;
	v17 =	vpop (erf)  }
0x10c: {  	v18 =	vadd.f32 v25, v18;
	v6 =	vmul.f32 $1.442695020e+00, v6;
	v2 =	vld.idx.msk [tilespmem:v2+s16+$0x0], $0xffff;
	(erf) = vrcp.f32 v13;
	v13 =	vpop (erf)  }
0x10d: {  	v3 =	vsub.f32 $0.0e+00, v3;
	v13 =	vadd.f32 $1.000000000e+00, v13;
	(erf) = vrcp.f32 v16;
	v16 =	vpop (erf)  }
0x10e: {  	v5 =	vsub.f32 $0.0e+00, v5;
	v16 =	vadd.f32 $1.000000000e+00, v16;
	(erf) = vpow2.f32 v15;
	v15 =	vpop (erf)  }
0x10f: {  	v3 =	vmul.f32 $1.442695020e+00, v3;
	v15 =	vadd.f32 $1.000000000e+00, v15;
	v1 =	vld.idx.msk [tilespmem:v1+s16+$0x0], $0xffff;
	v22 =	vpop (erf);
	(erf) = vpow2.f32 v6  }
0x110: {  	v5 =	vmul.f32 $1.442695020e+00, v5;
	v4 =	vsub.f32 $0.0e+00, v4;
	v6 =	vpop (erf);
	(erf) = vrcp.f32 v14  }
0x111: {  	v14 =	vadd.f32 $0.0e+00, v22;
	v22 =	vadd.f32 v21, v11;
	v21 =	vpop (erf);
	(erf) = vpow2.f32 v3  }
0x112: {  	v4 =	vmul.f32 $1.442695020e+00, v4;
	v2 =	vsub.f32 $0.0e+00, v2;
	v3 =	vadd.f32 $1.000000000e+00, v21;
	v21 =	vpop (erf)  }
0x113: {  	v14 =	vadd.f32 v17, v14;
	v6 =	vadd.f32 v6, v22;
	v11 =	vpop (erf);
	(erf) = vrcp.f32 v19  }
0x114: {  	v17 =	vadd.f32 $1.000000000e+00, v21;
	v2 =	vmul.f32 $1.442695020e+00, v2;
	v19 =	vpop (erf);
	(erf) = vrcp.f32 v10  }
0x115: {  	v1 =	vsub.f32 $0.0e+00, v1;
	v10 =	vadd.f32 $0.0e+00, v19;
	v19 =	vpop (erf);
	(erf) = vpow2.f32 v5  }
0x116: {  	v5 =	vadd.f32 $1.000000000e+00, v20;
	v20 =	vpop (erf);
	(erf) = vpow2.f32 v4  }
0x117: {  	v1 =	vmul.f32 $1.442695020e+00, v1;
	v4 =	vadd.f32 v20, v14;
	(erf) = vrcp.f32 v13;
	v13 =	vpop (erf)  }
0x118: {  	v10 =	vadd.f32 v19, v10;
	v13 =	vadd.f32 $1.000000000e+00, v13;
	(erf) = vrcp.f32 v9;
	v9 =	vpop (erf)  }
0x119: {  	v9 =	vadd.f32 $1.000000000e+00, v9;
	v14 =	vpop (erf);
	(erf) = vpow2.f32 v2  }
0x11a: {  	v2 =	vpop (erf);
	(erf) = vpow2.f32 v1  }
0x11b: {  	v1 =	vadd.f32 $1.000000000e+00, v2;
	(erf) = vrcp.f32 v16  }
0x11c: {  	(erf) = vrcp.f32 v17;
	v2 =	vpop (erf)  }
0x11d: {  	v11 =	vadd.f32 v11, v18;
	v16 =	vpop (erf);
	(erf) = vrcp.f32 v15  }
0x11e: {  	(erf) = vrcp.f32 v12;
	v12 =	vpop (erf)  }
0x11f: {  	v15 =	vadd.f32 v8, v11;
	v11 =	vadd.f32 $1.000000000e+00, v12;
	(erf) = vrcp.f32 v5;
	v5 =	vpop (erf)  }
0x120: {  	v5 =	vadd.f32 $1.000000000e+00, v5;
	v12 =	vpop (erf);
	(erf) = vrcp.f32 v3  }
0x121: {  	v3 =	vadd.f32 v7, v15;
	v7 =	vpop (erf);
	(erf) = vrcp.f32 v11  }
0x122: {  	v6 =	vadd.f32 v14, v6;
	(erf) = vrcp.f32 v13;
	v8 =	vpop (erf)  }
0x123: {  	v11 =	vadd.f32 v7, v3;
	v13 =	vadd.f32 $1.000000000e+00, v8;
	(erf) = vrcp.f32 v1;
	v1 =	vpop (erf)  }
0x124: {  	v8 =	vadd.f32 $1.000000000e+00, v1;
	v1 =	vpop (erf)  }
0x125: {  	v2 =	vadd.f32 v2, v6;
	v1 =	vadd.f32 v1, v11;
	v3 =	vpop (erf);
	(erf) = vrcp.f32 v13  }
0x126: {  	v6 =	vadd.f32 v16, v10;
	v7 =	vpop (erf);
	(erf) = vrcp.f32 v8  }
0x127: {  	v2 =	vadd.f32 v7, v2;
	v7 =	vpop (erf);
	(erf) = vrcp.f32 v9  }
0x128: {  	v8 =	vadd.f32 v12, v6;
	v4 =	vadd.f32 v7, v4;
	v7 =	vpop (erf);
	(erf) = vrcp.f32 v5  }
0x129: {  	v5 =	vpop (erf)  }
0x12a: {  	v5 =	vadd.f32 v5, v8;
	v4 =	vadd.f32 v7, v4;
	v6 =	vpop (erf)  }
.Ltmp0:
0x12b: {  	v7 =	vpop (erf);
	(pc) =	sbr.rel @p0 .LBB2_2-.Ltmp0, $3  }
0x12c: {  	v7 =	vadd.f32 v7, v5;
	v8 =	vadd.f32 v3, v4;
	v3 =	vpop (erf);
	_ =	sdelay $0x1  }
0x12d: {  	v3 =	vadd.f32 v3, v7;
	v6 =	vadd.f32 v6, v8;
	v5 =	vpop (erf)  }
0x12e: {  	v4 =	vpop (erf)  }
0x12f: {  	v7 =	vpop (erf)  }
0x130: {  	v5 =	vadd.f32 v5, v6;
	v1 =	vadd.f32 v4, v1;
	v63 =	vpop (erf)  }
0x131: {  	v2 =	vadd.f32 v7, v2;
	v3 =	vadd.f32 v63, v3;
	_ =	sdelay $0x1  }
0x132: {  	v2 =	vadd.f32 v2, v5;
	v1 =	vadd.f32 v3, v1;
	_ =	sdelay $0x1  }
0x133: {  	v1 =	vadd.f32 v2, v1;
	_ =	sdelay $0x1  }
0x134: {  	[tilespmem:s0+$0x0] =	vst v1  }
0x135: {  	v1 =	vld [tilespmem:s1+$0x0];
	_ =	sdelay $0x4  }
0x136: {  	v1 =	vsub.f32 $0.0e+00, v1;
	_ =	sdelay $0x1  }
0x137: {  	v1 =	vmul.f32 $1.442695020e+00, v1;
	_ =	sdelay $0x1  }
0x138: {  	(erf) = vpow2.f32 v1;
	_ =	sdelay $0x8  }
0x139: {  	v1 =	vpop (erf)  }
0x13a: {  	v1 =	vadd.f32 $1.000000000e+00, v1;
	_ =	sdelay $0x1  }
0x13b: {  	(erf) = vrcp.f32 v1;
	_ =	sdelay $0x8  }
0x13c: {  	v1 =	vpop (erf)  }
0x13d: {  	v1 =	vadd.f32 v1, v1;
	_ =	sdelay $0x1  }
0x13e: {  	[tilespmem:s30+$0x0] =	vst v1  }
0x13f: {  	[hbm4b:s9+s2] =	stream.linear.scatter [tilespmem:s25], [sflag:$0x3], $0x200, $0x38;
	[tilespmem:$0x4800] =	vst v63  }
0x140: {  	s28 =	sadd.s32 $0x1, s28;
	_ =	swait.ge [sflag:s12], $0x200  }
0x141: {  	p0 =	sne.s32 s28, s11;
	[sflag:s12] =	ssyncset.done $0x0  }
.Ltmp1:
0x142: {  	[sflag:s12] =	ssyncadd.s32 $0xFFFFFE00;
	(pc) =	sbr.rel @p0 .LBB2_1-.Ltmp1, $4  }
0x143: {  	[hbm4b:s10+s2] =	stream.linear.scatter [tilespmem:s26], [sflag:$0x3], $0x200, $0x38;
	[tilespmem:$0x4800] =	vst v63  }
0x144: {  	_ =	swait.ge [sflag:s12], $0x200  }
0x145: {  	[sflag:s12] =	ssyncset.done $0x0  }
0x146: {  	[sflag:s12] =	ssyncadd.s32 $0xFFFFFE00  }
0x147: {  	_ =	sfence.sel $0x180000  }
0x148: {  	[bflag:$0x0] =	sbarrier.arrive $0xFFFF  }
0x149: {  	_ =	strace $0x90000047  }
0x14a: {  	s0 =	stileid.u32;
	[bflag:$0x2] =	sbarrier.arrive $0xFFFF  }
0x14b: {  	p0 =	sne.s32 s0, $0x0;
	s0 =	rddreg [dreg:$0x3]  }
0x14c: {  	s0 =	sadd.s32 @!p0 $0x100000, s0  }
0x14d: {  	[sflag:s0] =	ssyncadd.tile.s32 @!p0 $0x1;
	_ =	shalt  }
.Lfunc_end2:
_tile_overlayer_lowered:
.L_overlay_start_2:
0x14e: {  	(tag) =	ssettag $0x2  }
0x14f: {  	s0 =	rddreg [dreg:$0x0];
	s2 =	stileid.u32  }
0x150: {  	s1 =	rddreg [dreg:$0x1];
	p0 =	sne.s32 s2, $0x0  }
0x151: {  	s3 =	rddreg [dreg:$0x2];
	[bflag:$0x3] =	sbarrier.arrive $0xFFFF;
	s2 =	simm.s32 @!p0 $0x1C03  }
0x152: {  	[timem:s3], [sflag:s2] =	dma.local @!p0 [hbm:s0], s1  }
0x153: {  	s0 =	simm.s32 @!p0 $0x3  }
0x154: {  	_ =	swait.ge @!p0 [sflag:s0], s1  }
0x155: {  	s1 =	ssub.s32 @!p0 $0x0, s1;
	[sflag:s0] =	ssyncset.done @!p0 $0x0  }
0x156: {  	[sflag:s0] =	ssyncadd.s32 @!p0 s1  }
0x157: {  	[bflag:$0x3] =	sbarrier.arrive $0xFFFF  }
0x158: {  	_ =	shalt  }

// kernel: kernel.7.cloned.1.call-start
scs
__scs_entry_jumppad:
0x0: {  	(pc) =	sbr.rel $0x88, $3  }
0x1: {  	(tag) =	ssettag $0x0;
	lr =	simm.s32 $0x1  }
0x2: {  	[smem:$0x3F95] =	sst lr;
	_ =	strace $0xD0000000  }
0x3: {  	_ = 	snop  }
0x4: {  	_ = 	snop  }
0x5: {  	_ = 	snop  }
0x6: {  	_ = 	snop  }
0x7: {  	_ = 	snop  }
__scs_overlays_trampoline_lowered:
0x8: {  	[smem:$0x3FA4] =	sst s0  }
0x9: {  	[smem:$0x3FA5] =	sst s1  }
0xa: {  	[smem:$0x3FA6] =	sst s2  }
0xb: {  	[smem:$0x3FA7] =	sst s3  }
0xc: {  	[smem:$0x3FA8] =	sst s4  }
0xd: {  	[smem:$0x3FA9] =	sst s5  }
0xe: {  	[smem:$0x3FAA] =	sst s6  }
0xf: {  	[smem:$0x3FAB] =	sst s7  }
0x10: {  	[smem:$0x3FAC] =	sst s8  }
0x11: {  	[smem:$0x3FAD] =	sst s9;
	s0 =	simm.s32 @!p0 $0x0  }
0x12: {  	s1 =	sld [smem:$0x3F93];
	s0 =	simm.s32 @p0 $0x1  }
0x13: {  	[smem:$0x3FAE] =	sst s0;
	s0 =	simm.s32 @!p1 $0x0  }
0x14: {  	s2 =	sld [smem:$0x3F92];
	s0 =	simm.s32 @p1 $0x1  }
0x15: {  	[smem:$0x3FAF] =	sst s0;
	s0 =	simm.s32 @!p2 $0x0  }
0x16: {  	s3 =	sld [smem:$0x3FDB];
	s0 =	simm.s32 @p2 $0x1  }
0x17: {  	s4 =	simm.s32 $0x1BF5;
	[smem:$0x3FB1] =	sst s0  }
0x18: {  	s0 =	sld [smem:$0x3F94];
	_ =	swait.ge [sflag:s4], $0x0  }
0x19: {  	s7 =	sld [smem:$0x3F95]  }
0x1a: {  	s8 =	sadd.s32 $0xFFFFE003, lr  }
0x1b: {  	s9 =	sadd.s32 $0xFFFFFEF7, lr;
	s5 =	simm.s32 $0xFFFFFFFF;
	p2 =	slt.u32 s8, $0xFFFFF086  }
0x1c: {  	p1 =	slt.u32 s9, $0xF7A;
	s5 =	simm.s32 @!p2 $0x0  }
0x1d: {  	s5 =	simm.s32 @p1 $0x1;
	p0 =	seq.s32 s7, s2  }
0x1e: {  	s7 =	smul.u32 @!p0 $0xF7A, s2;
	p2 =	seq.s32 @!p0 s5, $0x0  }
0x1f: {  	s9 =	smul.u32 $0xF7A, s1;
	s8 =	simm.s32 @!p0 $0x1BF5;
	p2 =	por !p2, p0  }
0x20: {  	[sflag:s8] =	ssyncset.s32 @!p0 $0xFFFFF086;
	s6 =	sadd.s32 @!p0 s3, s7;
	s7 =	simm.s32 @!p0 $0x108  }
0x21: {  	s3 =	sadd.s32 s3, s9;
	s6 =	sadd.s32 @!p0 $0x88, s6;
	s7 =	simm.s32 @p2 $0x1082  }
0x22: {  	[simem:s7], [sflag:s8] =	dma.local @!p0 [hbm:s6], $0xF7A  }
0x23: {  	s9 =	sor.u32 $0xD0000000, s2;
	s6 =	simm.s32 $0x108;
	_ =	swait.ge @!p0 [sflag:s8], $0x0  }
0x24: {  	s3 =	sadd.s32 $0x88, s3;
	s6 =	simm.s32 @!p1 $0x1082;
	[sflag:s4] =	ssyncset.s32 $0xFFFFF086  }
0x25: {  	[simem:s6], [sflag:s4] =	dma.local [hbm:s3], $0xF7A  }
0x26: {  	[smem:$0x3F95] =	sst s1;
	(tag) =	ssettag s2;
	_ =	strace s9  }
0x27: {  	s1 =	sld [smem:$0x3FA5]  }
0x28: {  	s2 =	sld [smem:$0x3FA6]  }
0x29: {  	s4 =	sld [smem:$0x3FA8]  }
0x2a: {  	p0 =	seq.s32 s5, $0x0;
	s5 =	sld [smem:$0x3FA9]  }
0x2b: {  	s6 =	sld [smem:$0x3FAA]  }
0x2c: {  	s7 =	sld [smem:$0x3FAB]  }
0x2d: {  	s3 =	simm.s32 $0x108;
	s8 =	sld [smem:$0x3FAC]  }
0x2e: {  	s3 =	simm.s32 @!p0 $0x1082;
	s9 =	sld [smem:$0x3FAD]  }
0x2f: {  	lr =	sadd.s32 s0, s3;
	s0 =	sld [smem:$0x3FA4]  }
0x30: {  	s3 =	sld [smem:$0x3FA7]  }
0x31: {  	[smem:$0x3FB0] =	sst s10  }
0x32: {  	s10 =	sld [smem:$0x3FAE];
	_ =	sdelay $0x3  }
0x33: {  	p0 =	seq.s32 s10, $0x1;
	s10 =	sld [smem:$0x3FB0];
	_ =	sdelay $0x3  }
0x34: {  	[smem:$0x3FB0] =	sst s10  }
0x35: {  	s10 =	sld [smem:$0x3FAF];
	_ =	sdelay $0x3  }
0x36: {  	p1 =	seq.s32 s10, $0x1;
	s10 =	sld [smem:$0x3FB0];
	_ =	sdelay $0x3  }
0x37: {  	[smem:$0x3FB0] =	sst s10  }
0x38: {  	s10 =	sld [smem:$0x3FB1]  }
0x39: {  	_ = 	snop;
	(pc) =	sbr.ind lr, $3  }
0x3a: {  	_ = 	snop  }
0x3b: {  	_ = 	snop  }
0x3c: {  	p2 =	seq.s32 s10, $0x1;
	s10 =	sld [smem:$0x3FB0]  }
0x3d: {  	_ =	shalt  }
0x3e: {  	_ =	shalt  }
0x3f: {  	_ =	shalt  }
0x40: {  	_ =	shalt  }
0x41: {  	_ =	shalt  }
0x42: {  	_ =	shalt  }
0x43: {  	_ =	shalt  }
0x44: {  	_ =	shalt  }
0x45: {  	_ =	shalt  }
0x46: {  	_ =	shalt  }
0x47: {  	_ =	shalt  }
0x48: {  	_ =	shalt  }
0x49: {  	_ =	shalt  }
0x4a: {  	_ =	shalt  }
0x4b: {  	_ =	shalt  }
0x4c: {  	_ =	shalt  }
0x4d: {  	_ =	shalt  }
0x4e: {  	_ =	shalt  }
0x4f: {  	_ =	shalt  }
0x50: {  	_ =	shalt  }
0x51: {  	_ =	shalt  }
0x52: {  	_ =	shalt  }
0x53: {  	_ =	shalt  }
0x54: {  	_ =	shalt  }
0x55: {  	_ =	shalt  }
0x56: {  	_ =	shalt  }
0x57: {  	_ =	shalt  }
0x58: {  	_ =	shalt  }
0x59: {  	_ =	shalt  }
0x5a: {  	_ =	shalt  }
0x5b: {  	_ =	shalt  }
0x5c: {  	_ =	shalt  }
0x5d: {  	_ =	shalt  }
0x5e: {  	_ =	shalt  }
0x5f: {  	_ =	shalt  }
0x60: {  	_ =	shalt  }
0x61: {  	_ =	shalt  }
0x62: {  	_ =	shalt  }
0x63: {  	_ =	shalt  }
0x64: {  	_ =	shalt  }
0x65: {  	_ =	shalt  }
0x66: {  	_ =	shalt  }
0x67: {  	_ =	shalt  }
0x68: {  	_ =	shalt  }
0x69: {  	_ =	shalt  }
0x6a: {  	_ =	shalt  }
0x6b: {  	_ =	shalt  }
0x6c: {  	_ =	shalt  }
0x6d: {  	_ =	shalt  }
0x6e: {  	_ =	shalt  }
0x6f: {  	_ =	shalt  }
0x70: {  	_ =	shalt  }
0x71: {  	_ =	shalt  }
0x72: {  	_ =	shalt  }
0x73: {  	_ =	shalt  }
0x74: {  	_ =	shalt  }
0x75: {  	_ =	shalt  }
0x76: {  	_ =	shalt  }
0x77: {  	_ =	shalt  }
0x78: {  	_ =	shalt  }
0x79: {  	_ =	shalt  }
0x7a: {  	_ =	shalt  }
0x7b: {  	_ =	shalt  }
0x7c: {  	_ =	shalt  }
0x7d: {  	_ =	shalt  }
0x7e: {  	_ =	shalt  }
0x7f: {  	_ =	shalt  }
0x80: {  	_ =	shalt  }
0x81: {  	_ =	shalt  }
0x82: {  	_ =	shalt  }
0x83: {  	_ =	shalt  }
0x84: {  	_ =	shalt  }
0x85: {  	_ =	shalt  }
0x86: {  	_ =	shalt  }
0x87: {  	_ =	shalt  }
.Lfunc_end0:
.L_simem_size_0:
called_computation.1_lowered:
.L_overlay_start_0:
0x88: {  	s2 =	sld [smem:$0x3FD9]  }
0x89: {  	s3 =	sld [smem:$0x3FFE];
	_ =	sdelay $0x1  }
0x8a: {  	s1 =	srdreg.scid  }
0x8b: {  	s0 =	sand.u32 $0x1, s1  }
0x8c: {  	s14 =	sshll.u32 s0, $0xA;
	s2 =	sadd.s32 s3, s2  }
0x8d: {  	s2 =	sadd.s32 s2, s14  }
0x8e: {  	[smem:$0x3FBC] =	sst s2  }
0x8f: {  	_ = 	snop  }
0x90: {  	s2 =	sld [smem:$0x3FD0]  }
0x91: {  	s15 =	sld [smem:$0x3FC9]  }
0x92: {  	s4 =	sld [smem:$0x3FC7]  }
0x93: {  	s6 =	simm.s32 $0xA;
	s7 =	simm.s32 $0x10;
	s5 =	sld [smem:$0x3FC6]  }
0x94: {  	[smem:s7], [sflag:s6] =	dma.local [hbm:s2], $0x1  }
0x95: {  	_ =	swait.eq [sflag:s6], $0x1  }
0x96: {  	[sflag:s6] =	ssyncset.done $0x0  }
0x97: {  	s16 =	sld [smem:$0x10];
	[sflag:s6] =	ssyncadd.s32 $0xFFFFFFFF  }
0x98: {  	s17 =	sld [smem:$0x11];
	(tm) =	ssettm $0x1  }
0x99: {  	s18 =	sld [smem:$0x3FFB];
	_ =	sdelay $0x3  }
0x9a: {  	_ =	strace s18  }
0x9b: {  	s7 =	sld [smem:$0x3FFC];
	_ =	sdelay $0x3  }
0x9c: {  	_ =	strace s7  }
0x9d: {  	s7 =	sld [smem:$0x3FFD];
	_ =	sdelay $0x3  }
0x9e: {  	_ =	strace s7  }
0x9f: {  	_ =	strace $0x8FFFFFFF  }
0xa0: {  	s19 =	sld [smem:$0x3FDB];
	_ =	sdelay $0x1  }
0xa1: {  	s8 =	simm.s32 $_scs_section_size  }
0xa2: {  	s9 =	simm.s32 $_size__tile_overlayer_lowered;
	s10 =	simm.s32 $_tile_overlayer_lowered  }
0xa3: {  	s22 =	simm.s32 $0x1BFF;
	s21 =	sshll.u32 s10, $0x1;
	s7 =	sadd.s32 s8, s19  }
0xa4: {  	s11 =	simm.s32 $0x0;
	s20 =	sshll.u32 s9, $0x1;
	s9 =	sadd.s32 s21, s7  }
0xa5: {  	[timem:s11], [sflag:s22] =	dma.local [hbm:s9], s20  }
0xa6: {  	_ =	swait.ge [sflag:s22], s20  }
0xa7: {  	s8 =	ssub.s32 $0x0, s20;
	[sflag:s22] =	ssyncset.done $0x0  }
0xa8: {  	[sflag:s22] =	ssyncadd.s32 s8;
	_ =	sdelay $0x1  }
0xa9: {  	s23 =	simm.s32 $0x1B8B  }
0xaa: {  	_ =	swait.ge [sflag:s23], $0x1  }
0xab: {  	[sflag:s23] =	ssyncset.done $0x0  }
0xac: {  	s25 =	simm.s32 $0x1B8E;
	s24 =	sld [smem:$0x3FFE];
	[sflag:s23] =	ssyncadd.s32 $0xFFFFFFFF  }
0xad: {  	s26 =	simm.s32 $execute0_lowered;
	[smem:$0x3FD2] =	sst s25  }
0xae: {  	s9 =	sshll.u32 s26, $0x1;
	_ =	strace $0x80000049;
	[dreg:$0x1] =	wrdreg $0xFFFFFFFF  }
0xaf: {  	s28 =	simm.s32 $_size_execute0_lowered;
	s7 =	sadd.s32 s7, s9;
	[dreg:$0x0] =	wrdreg $0x0  }
0xb0: {  	s9 =	sshll.u32 s28, $0x1;
	[dreg:$0x2] =	wrdreg s7  }
0xb1: {  	[dreg:$0x3] =	wrdreg s9  }
0xb2: {  	[dreg:$0x4] =	wrdreg $0xC0  }
0xb3: {  	_ =	task [dreg:s11], $0x5FFFF  }
0xb4: {  	[dreg:$0x1] =	wrdreg $0xFFFFFFFF  }
0xb5: {  	[dreg:$0x0] =	wrdreg $0x60  }
0xb6: {  	[dreg:$0x2] =	wrdreg s15  }
0xb7: {  	[dreg:$0x3] =	wrdreg s4  }
0xb8: {  	[dreg:$0x4] =	wrdreg s5  }
0xb9: {  	[dreg:$0x5] =	wrdreg s17  }
0xba: {  	[dreg:$0x6] =	wrdreg s24  }
0xbb: {  	[dreg:$0x7] =	wrdreg s16  }
0xbc: {  	[dreg:$0x8] =	wrdreg $0x9  }
0xbd: {  	_ =	task.clear_ibuf [dreg:s11], $0x9FFFF;
	_ =	strace $0x90000049  }
0xbe: {  	s29 =	simm.s32 $0x9;
	_ =	strace $0x8000004B  }
0xbf: {  	_ =	swait.ge [sflag:s29], $0x1  }
0xc0: {  	[sflag:s29] =	ssyncadd.s32 $0xFFFFFFFF  }
0xc1: {  	_ =	strace $0x9000004B  }
0xc2: {  	_ =	sfence  }
0xc3: {  	s30 =	sld [smem:$0x0];
	_ =	sdelay $0x2  }
0xc4: {  	s31 =	sshll.u32 s1, $0xD;
	s1 =	sshrl.u32 s1, $0x2  }
0xc5: {  	s3 =	sand.u32 $0x4000, s31;
	s1 =	sadd.s32 s1, s30  }
0xc6: {  	s0 =	sor.u32 s3, s0;
	s1 =	sshll.u32 s1, $0x11  }
0xc7: {  	s0 =	sor.u32 s1, s0  }
0xc8: {  	s0 =	sadd.s32 $0x8F2B, s0  }
0xc9: {  	[sflag:s0] =	ssyncadd.remote.s32 $0x1  }
0xca: {  	_ =	sfence.sel $0xFFFF  }
0xcb: {  	[dreg:$0x0] =	wrdreg $0xFFFFFFFF;
	(pc) =	sbr.abs _section_cstart, $3  }
0xcc: {  	[dreg:$0x1] =	wrdreg $0xFFFFFFFF  }
0xcd: {  	_ =	task.clear_ibuf [dreg:s11], $0x2FFFF;
	_ =	strace $0x9FFFFFFF  }
0xce: {  	(tm) =	ssettm $0x7FFFFFFF  }
0xcf: {  	_ =	shalt  }
tec
execute0_lowered:
.L_overlay_start_1:
0x0: {  	(tag) =	ssettag $0x1  }
0x1: {  	s0 =	rddreg [dreg:$0x0]  }
0x2: {  	s1 =	rddreg [dreg:$0x1]  }
0x3: {  	s2 =	rddreg [dreg:$0x2]  }
0x4: {  	s3 =	rddreg [dreg:$0x3]  }
0x5: {  	s4 =	rddreg [dreg:$0x4]  }
0x6: {  	s5 =	rddreg [dreg:$0x5];
	s6 =	srdreg.scid  }
0x7: {  	s16 =	simm.s32 $0x0;
	s7 =	stileid.u32;
	s17 =	simm.s32 $0x400  }
0x8: {  	s18 =	simm.s32 $0x7A1400;
	s9 =	simm.s32 $0x11200;
	s10 =	simm.s32 $0x6200  }
0x9: {  	s11 =	simm.s32 $0x12200;
	s12 =	simm.s32 $0x7200;
	s13 =	simm.s32 $0x13200  }
0xa: {  	s31 =	simm.s32 $0x8200;
	s14 =	simm.s32 $0x1;
	s15 =	simm.s32 $0x18200  }
0xb: {  	s28 =	simm.s32 $0x18A00;
	s6 =	sand.u32 $0x1, s6;
	[smem:$0x7FF] =	sst s16  }
0xc: {  	s7 =	sshll.u32 s7, $0x7;
	s19 =	sadd.s32 $0x5000, s4;
	s8 =	sshll.u32 s6, $0x6  }
0xd: {  	_ =	strace $0x8000004A;
	s6 =	ssub.s32 $0x2, s6;
	[dreg:$0x7] =	wrdreg s19  }
0xe: {  	s19 =	simm.s32 $0x200;
	s7 =	sor.u32 s8, s7;
	s20 =	sshrl.u32 s6, $0x1  }
0xf: {  	s8 =	simm.s32 $0x5200;
	s4 =	sadd.s32 s7, s4;
	s0 =	sadd.s32 s0, s7  }
0x10: {  	s6 =	ssub.s32 s6, s20;
	s21 =	sadd.s32 s3, s7;
	[dreg:$0x8] =	wrdreg s0  }
0x11: {  	s23 =	sadd.s32 s5, s7;
	s3 =	simm.s32 $0x3;
	[dreg:$0x9] =	wrdreg s21  }
0x12: {  	s20 =	simm.s32 $0xC200;
	s22 =	sadd.s32 $0x4800, s4;
	[dreg:$0xb] =	wrdreg s23  }
0x13: {  	s7 =	simm.s32 $0x10200;
	s24 =	sadd.s32 $0x1600, s4;
	[dreg:$0xa] =	wrdreg s22  }
0x14: {  	s5 =	simm.s32 $0x0;
	s25 =	sadd.s32 $0x1E00, s4;
	[dreg:$0xc] =	wrdreg s24  }
0x15: {  	v0 =	vlaneseq.u32;
	s26 =	sadd.s32 $0x2600, s4;
	s29 =	sadd.s32 $0x2E00, s4;
	[dreg:$0xd] =	wrdreg s25  }
0x16: {  	v0 =	vmul.u32 $0x80, v0;
	s30 =	smax.u32 s6, $0x1;
	s21 =	simm.s32 $0x1200;
	[dreg:$0xe] =	wrdreg s26  }
0x17: {  	s23 =	simm.s32 $0x2200;
	s6 =	simm.s32 $0x4200;
	[dreg:$0xf] =	wrdreg s29  }
0x18: {  	v3 =	vimm.s32 $0x0;
	v2 =	vor.u32 $0x800, v0;
	v4 =	vor.u32 $0x1, v0;
	s4 =	simm.s32 $0x2;
	[dreg:$0x10] =	wrdreg s30;
	s22 =	simm.s32 $0xD200  }
0x19: {  	v5 =	vor.u32 $0x2, v0;
	v6 =	vor.u32 $0x3, v0;
	v20 =	vor.u32 $0x4, v0;
	s24 =	simm.s32 $0xE200;
	s25 =	simm.s32 $0x3200;
	s26 =	simm.s32 $0xF200  }
.LBB2_1:
0x1a: {  	[dreg:$0x11] =	wrdreg s5  }
0x1b: {  	s0 =	rddreg [dreg:$0x8]  }
0x1c: {  	[tilespmem:s16], [sflag:$0x3] =	stream.linear.gather [hbm4b:s0+s16], $0x200, $0x38;
	[tilespmem:$0x1A080] =	vst v63  }
0x1d: {  	_ =	swait.ge [sflag:s3], $0x200  }
0x1e: {  	[sflag:s3] =	ssyncset.done $0x0  }
0x1f: {  	s29 =	simm.s32 $0x19200;
	s5 =	rddreg [dreg:$0x9];
	[sflag:s3] =	ssyncadd.s32 $0xFFFFFE00  }
0x20: {  	[tilespmem:s29], [sflag:$0x3] =	stream.linear.gather [hbm4b:s5+s16], $0x200, $0x38;
	[tilespmem:$0x1A080] =	vst v63  }
0x21: {  	_ =	swait.ge [sflag:s3], $0x200  }
0x22: {  	[sflag:s3] =	ssyncset.done $0x0  }
0x23: {  	s30 =	simm.s32 $0x19400;
	s5 =	rddreg [dreg:$0xa];
	[sflag:s3] =	ssyncadd.s32 $0xFFFFFE00  }
0x24: {  	[tilespmem:s30], [sflag:$0x3] =	stream.linear.gather [hbm4b:s5+s16], $0x200, $0x38;
	[tilespmem:$0x1A080] =	vst v63  }
0x25: {  	_ =	swait.ge [sflag:s3], $0x200  }
0x26: {  	[sflag:s3] =	ssyncset.done $0x0  }
0x27: {  	s5 =	simm.s32 $0x1A000;
	s0 =	rddreg [dreg:$0x7];
	[sflag:s3] =	ssyncadd.s32 $0xFFFFFE00  }
0x28: {  	[tilespmem:s5], [sflag:$0x3] =	stream.linear.gather [hbm4b:s0+s16], $0x80, $0x38;
	[tilespmem:$0x1A080] =	vst v63  }
0x29: {  	_ =	swait.ge [sflag:s3], $0x80  }
0x2a: {  	[sflag:s3] =	ssyncset.done $0x0  }
0x2b: {  	[sflag:s3] =	ssyncadd.s32 $0xFFFFFF80  }
0x2c: {  	v1 =	vld [tilespmem:$0x0]  }
0x2d: {  	v8 =	vld [tilespmem:$0x10]  }
0x2e: {  	v9 =	vld [tilespmem:$0x20]  }
0x2f: {  	v10 =	vld [tilespmem:$0x30]  }
0x30: {  	v11 =	vld [tilespmem:$0x40]  }
0x31: {  	v12 =	vld [tilespmem:$0x50]  }
0x32: {  	v13 =	vld [tilespmem:$0x60]  }
0x33: {  	v14 =	vld [tilespmem:$0x70]  }
0x34: {  	v15 =	vld [tilespmem:$0x80]  }
0x35: {  	v16 =	vld [tilespmem:$0x90]  }
0x36: {  	v17 =	vld [tilespmem:$0xA0]  }
0x37: {  	v18 =	vld [tilespmem:$0xB0]  }
0x38: {  	v19 =	vld [tilespmem:$0xC0]  }
0x39: {  	v25 =	vld [tilespmem:$0xD0];
	vm0 =	vgt.s32 v1, $0x0  }
0x3a: {  	vm8 =	vgt.s32 v8, $0x0;
	vm9 =	vgt.s32 v9, $0x0;
	vm1 =	vgt.s32 v10, $0x0  }
0x3b: {  	vm10 =	vgt.s32 v11, $0x0;
	vm11 =	vgt.s32 v12, $0x0;
	vm12 =	vgt.s32 v13, $0x0  }
0x3c: {  	v29 =	vld [tilespmem:$0xE0];
	vm13 =	vgt.s32 v14, $0x0;
	vm14 =	vgt.s32 v15, $0x0;
	vm15 =	vgt.s32 v16, $0x0  }
0x3d: {  	v32 =	vld [tilespmem:$0xF0];
	vm4 =	vgt.s32 v17, $0x0;
	vm5 =	vgt.s32 v18, $0x0;
	vm6 =	vgt.s32 v19, $0x0  }
0x3e: {  	v36 =	vld [tilespmem:$0x100];
	vm7 =	vgt.s32 v25, $0x0;
	v7 =	vnsel vm0, $0x0, v1;
	v8 =	vnsel vm8, $0x0, v8  }
0x3f: {  	v40 =	vld [tilespmem:$0x110];
	v9 =	vnsel vm9, $0x0, v9;
	v10 =	vnsel vm1, $0x0, v10;
	v11 =	vnsel vm10, $0x0, v11  }
0x40: {  	v43 =	vld [tilespmem:$0x120];
	v12 =	vnsel vm11, $0x0, v12;
	v13 =	vnsel vm12, $0x0, v13;
	v34 =	vmin.u32 v7, $0xF423F  }
0x41: {  	v45 =	vld [tilespmem:$0x140];
	v24 =	vnsel vm13, $0x0, v14;
	v27 =	vnsel vm14, $0x0, v15;
	v8 =	vmin.u32 v8, $0xF423F;
	[tilespmem:$0x0] =	vst v34  }
0x42: {  	v48 =	vld [tilespmem:$0x150];
	v28 =	vnsel vm15, $0x0, v16;
	v31 =	vnsel vm4, $0x0, v17;
	v9 =	vmin.u32 v9, $0xF423F;
	[tilespmem:$0x10] =	vst v8  }
0x43: {  	v50 =	vld [tilespmem:$0x160];
	v33 =	vnsel vm5, $0x0, v18;
	v35 =	vnsel vm6, $0x0, v19;
	v10 =	vmin.u32 v10, $0xF423F;
	[tilespmem:$0x20] =	vst v9  }
0x44: {  	v51 =	vld [tilespmem:$0x170];
	v14 =	vnsel vm7, $0x0, v25;
	vm8 =	vgt.s32 v29, $0x0;
	v11 =	vmin.u32 v11, $0xF423F;
	[tilespmem:$0x30] =	vst v10  }
0x45: {  	vm9 =	vlt.s32 v1, $0x1;
	vm11 =	vgt.s32 v32, $0x0;
	v63 =	vmin.u32 v13, $0xF423F;
	[tilespmem:$0x40] =	vst v11  }
0x46: {  	vm12 =	vgt.s32 v36, $0x0;
	vm13 =	vgt.s32 v40, $0x0;
	v26 =	vmin.u32 v24, $0xF423F;
	[tilespmem:$0x60] =	vst v63  }
0x47: {  	vm14 =	vgt.s32 v43, $0x0;
	vm4 =	vgt.s32 v45, $0x0;
	v30 =	vmin.u32 v28, $0xF423F;
	[tilespmem:$0x70] =	vst v26  }
0x48: {  	vm5 =	vgt.s32 v48, $0x0;
	vm6 =	vgt.s32 v50, $0x0;
	v8 =	vmin.u32 v12, $0xF423F;
	[tilespmem:$0x90] =	vst v30  }
0x49: {  	vm7 =	vgt.s32 v51, $0x0;
	v41 =	vand.u32 $0x7F, v34;
	[tilespmem:$0x50] =	vst v8;
	v8 =	vmin.u32 v31, $0xF423F  }
0x4a: {  	v37 =	vmin.u32 v33, $0xF423F;
	v38 =	vmin.u32 v35, $0xF423F;
	vm10 =	vne.s32 v41, $0x0;
	[tilespmem:$0xA0] =	vst v8;
	v8 =	vld [tilespmem:$0x130]  }
0x4b: {  	v39 =	vmin.u32 v14, $0xF423F;
	v42 =	vnsel vm8, $0x0, v29;
	[tilespmem:$0xB0] =	vst v37;
	vm0 =	vmand vm9, vm10  }
0x4c: {  	v44 =	vnsel vm11, $0x0, v32;
	v47 =	vnsel vm12, $0x0, v36;
	[tilespmem:$0xC0] =	vst v38;
	v46 =	vsel vm0, $0xFFFFFFFF, v3  }
0x4d: {  	v53 =	vld [tilespmem:$0x180];
	v52 =	vnsel vm14, $0x0, v43;
	v1 =	vmin.u32 v42, $0xF423F;
	[tilespmem:$0xD0] =	vst v39;
	v13 =	vshll.u32 v46, $0x7  }
0x4e: {  	v54 =	vld [tilespmem:$0x190];
	v10 =	vmin.u32 v27, $0xF423F;
	[tilespmem:$0xE0] =	vst v1;
	v1 =	vnsel vm13, $0x0, v40;
	v13 =	vadd.s32 v34, v13  }
0x4f: {  	v57 =	vld [tilespmem:$0x1B0];
	[tilespmem:$0x80] =	vst v10;
	v1 =	vmin.u32 v1, $0xF423F;
	v13 =	vand.u32 $0xFFFFFF80, v13;
	vm15 =	vgt.s32 v8, $0x0  }
0x50: {  	v9 =	vmin.u32 v44, $0xF423F;
	[tilespmem:$0x110] =	vst v1;
	(v2sf) =	vpush v13, $0x0;
	v1 =	vnsel vm15, $0x0, v8  }
0x51: {  	v55 =	vld [tilespmem:$0x1A0];
	[tilespmem:$0xF0] =	vst v9;
	v8 =	vnsel vm4, $0x0, v45;
	(v2sf) =	vpush v13, $0x1;
	v1 =	vmin.u32 v1, $0xF423F  }
0x52: {  	v59 =	vld [tilespmem:$0x1C0];
	v56 =	vnsel vm5, $0x0, v48;
	v58 =	vnsel vm7, $0x0, v51;
	v8 =	vmin.u32 v8, $0xF423F;
	[tilespmem:$0x130] =	vst v1  }
0x53: {  	v61 =	vld [tilespmem:$0x1E0];
	vm8 =	vgt.s32 v53, $0x0;
	v1 =	vmin.u32 v56, $0xF423F;
	[tilespmem:$0x140] =	vst v8;
	v8 =	vnsel vm6, $0x0, v50  }
0x54: {  	v60 =	vld [tilespmem:$0x1D0];
	vm11 =	vgt.s32 v57, $0x0;
	vm9 =	vgt.s32 v54, $0x0;
	[tilespmem:$0x150] =	vst v1;
	v1 =	vmin.u32 v8, $0xF423F  }
0x55: {  	v63 =	vld [tilespmem:$0x1F0];
	(v2sf) =	vpush v13, $0x2;
	v8 =	vmin.u32 v58, $0xF423F;
	[tilespmem:$0x160] =	vst v1;
	v1 =	vnsel vm8, $0x0, v53  }
0x56: {  	vm10 =	vgt.s32 v55, $0x0;
	[tilespmem:$0x170] =	vst v8;
	v8 =	vnsel vm9, $0x0, v54;
	v1 =	vmin.u32 v1, $0xF423F  }
0x57: {  	vm12 =	vgt.s32 v59, $0x0;
	v62 =	vnsel vm10, $0x0, v55;
	[tilespmem:$0x180] =	vst v1;
	v1 =	vmin.u32 v8, $0xF423F  }
0x58: {  	vm14 =	vgt.s32 v61, $0x0;
	v8 =	vmin.u32 v62, $0xF423F;
	[tilespmem:$0x190] =	vst v1;
	v1 =	vnsel vm11, $0x0, v57  }
0x59: {  	vm13 =	vgt.s32 v60, $0x0;
	[tilespmem:$0x1A0] =	vst v8;
	v8 =	vnsel vm12, $0x0, v59;
	v1 =	vmin.u32 v1, $0xF423F  }
0x5a: {  	vm15 =	vgt.s32 v63, $0x0;
	[tilespmem:$0x1B0] =	vst v1;
	v1 =	vmin.u32 v8, $0xF423F;
	v8 =	vnsel vm13, $0x0, v60  }
0x5b: {  	(v2sf) =	vpush v13, $0x3;
	[tilespmem:$0x1C0] =	vst v1;
	v1 =	vmin.u32 v8, $0xF423F;
	v8 =	vnsel vm14, $0x0, v61  }
0x5c: {  	[tilespmem:$0x1D0] =	vst v1;
	v1 =	vmin.u32 v8, $0xF423F;
	v8 =	vnsel vm15, $0x0, v63  }
0x5d: {  	v49 =	vmin.u32 v47, $0xF423F;
	[tilespmem:$0x1E0] =	vst v1;
	v1 =	vmin.u32 v8, $0xF423F;
	v8 =	vld [tilespmem:$0x1A000]  }
0x5e: {  	[tilespmem:$0x100] =	vst v49;
	v9 =	vmin.u32 v52, $0xF423F  }
0x5f: {  	[tilespmem:$0x120] =	vst v9;
	s16 =	spop (v2sf)  }
0x60: {  	[tilespmem:$0x1F0] =	vst v1;
	s5 =	sadd.s32 s1, s16;
	s0 =	sadd.s32 s2, s16;
	s16 =	spop (v2sf)  }
0x61: {  	v1 =	vld [tilespmem:$0x1A010];
	(v2sf) =	vpush v13, $0x4;
	[tilespmem:s19], [sflag:$0x1] =	stream.strided.gather [hbm4b:s5+s17], $0x1000, s18, s17, $0x38  }
0x62: {  	v7 =	vbroadcast v8, $0x0  }
0x63: {  	[tilespmem:s20], [sflag:$0x2] =	stream.strided.gather [hbm4b:s0+s17], $0x1000, s18, s17, $0x38;
	[tilespmem:$0x1A080] =	vst v63  }
0x64: {  	s5 =	sadd.s32 s1, s16;
	s0 =	sadd.s32 s2, s16;
	s16 =	spop (v2sf);
	(v2sf) =	vpush v13, $0x5;
	[tilespmem:$0x1FEA0] =	vst v7;
	v7 =	vbroadcast v8, $0x1  }
0x65: {  	[tilespmem:s21], [sflag:$0x1] =	stream.strided.gather [hbm4b:s5+s17], $0x1000, s18, s17, $0x38;
	[tilespmem:$0x1A080] =	vst v63  }
0x66: {  	[tilespmem:$0x1FEB0] =	vst v7;
	v7 =	vbroadcast v8, $0x8  }
0x67: {  	[tilespmem:s22], [sflag:$0x2] =	stream.strided.gather [hbm4b:s0+s17], $0x1000, s18, s17, $0x38;
	[tilespmem:$0x1A080] =	vst v63  }
0x68: {  	(v2sf) =	vpush v13, $0x6;
	s5 =	sadd.s32 s1, s16;
	[tilespmem:$0x1FEC0] =	vst v7;
	v7 =	vbroadcast v8, $0x2  }
0x69: {  	[tilespmem:s23], [sflag:$0x1] =	stream.strided.gather [hbm4b:s5+s17], $0x1000, s18, s17, $0x38;
	[tilespmem:$0x1A080] =	vst v63  }
0x6a: {  	s0 =	sadd.s32 s2, s16;
	s16 =	spop (v2sf);
	[tilespmem:$0x1FED0] =	vst v7;
	v7 =	vbroadcast v8, $0x3  }
0x6b: {  	[tilespmem:s24], [sflag:$0x2] =	stream.strided.gather [hbm4b:s0+s17], $0x1000, s18, s17, $0x38;
	[tilespmem:$0x1A080] =	vst v63  }
0x6c: {  	(v2sf) =	vpush v13, $0x7;
	s5 =	sadd.s32 s1, s16;
	[tilespmem:$0x1FEE0] =	vst v7;
	v7 =	vbroadcast v8, $0x9  }
0x6d: {  	[tilespmem:s25], [sflag:$0x1] =	stream.strided.gather [hbm4b:s5+s17], $0x1000, s18, s17, $0x38;
	[tilespmem:$0x1A080] =	vst v63  }
0x6e: {  	s0 =	sadd.s32 s2, s16;
	[tilespmem:$0x1FEF0] =	vst v7  }
0x6f: {  	v7 =	vbroadcast v8, $0x4;
	[tilespmem:s26], [sflag:$0x2] =	stream.strided.gather [hbm4b:s0+s17], $0x1000, s18, s17, $0x38;
	[tilespmem:$0x1A080] =	vst v63  }
0x70: {  	s16 =	spop (v2sf);
	(v2sf) =	vpush v13, $0x8  }
0x71: {  	s5 =	sadd.s32 s1, s16;
	[tilespmem:$0x1FF00] =	vst v7;
	v7 =	vbroadcast v8, $0x5  }
0x72: {  	[tilespmem:s6], [sflag:$0x1] =	stream.strided.gather [hbm4b:s5+s17], $0x1000, s18, s17, $0x38;
	[tilespmem:$0x1A080] =	vst v63  }
0x73: {  	s0 =	sadd.s32 s2, s16;
	s6 =	spop (v2sf);
	[tilespmem:$0x1FF10] =	vst v7;
	v7 =	vbroadcast v8, $0xA  }
0x74: {  	(v2sf) =	vpush v13, $0x9;
	[tilespmem:s7], [sflag:$0x2] =	stream.strided.gather [hbm4b:s0+s17], $0x1000, s18, s17, $0x38;
	[tilespmem:$0x1A080] =	vst v63  }
0x75: {  	s7 =	sadd.s32 s1, s6;
	[tilespmem:$0x1FF20] =	vst v7;
	v7 =	vbroadcast v8, $0x6  }
0x76: {  	[tilespmem:s8], [sflag:$0x1] =	stream.strided.gather [hbm4b:s7+s17], $0x1000, s18, s17, $0x38;
	[tilespmem:$0x1A080] =	vst v63  }
0x77: {  	s0 =	sadd.s32 s2, s6;
	s8 =	spop (v2sf);
	[tilespmem:$0x1FF30] =	vst v7;
	v7 =	vbroadcast v8, $0x7  }
0x78: {  	(v2sf) =	vpush v13, $0xA;
	[tilespmem:s9], [sflag:$0x2] =	stream.strided.gather [hbm4b:s0+s17], $0x1000, s18, s17, $0x38;
	[tilespmem:$0x1A080] =	vst v63  }
0x79: {  	s9 =	sadd.s32 s1, s8;
	[tilespmem:$0x1FF40] =	vst v7;
	v7 =	vbroadcast v8, $0xB  }
0x7a: {  	[tilespmem:s10], [sflag:$0x1] =	stream.strided.gather [hbm4b:s9+s17], $0x1000, s18, s17, $0x38;
	[tilespmem:$0x1A080] =	vst v63  }
0x7b: {  	s0 =	sadd.s32 s2, s8;
	s10 =	spop (v2sf);
	[tilespmem:$0x1FF50] =	vst v7;
	v7 =	vbroadcast v8, $0xC  }
0x7c: {  	[tilespmem:s11], [sflag:$0x2] =	stream.strided.gather [hbm4b:s0+s17], $0x1000, s18, s17, $0x38;
	[tilespmem:$0x1A080] =	vst v63  }
0x7d: {  	s11 =	sadd.s32 s1, s10;
	[tilespmem:$0x1FF60] =	vst v7;
	v7 =	vbroadcast v8, $0xD  }
0x7e: {  	[tilespmem:s12], [sflag:$0x1] =	stream.strided.gather [hbm4b:s11+s17], $0x1000, s18, s17, $0x38;
	[tilespmem:$0x1A080] =	vst v63  }
0x7f: {  	s3 =	sadd.s32 s2, s10;
	s12 =	spop (v2sf);
	[tilespmem:$0x1FF70] =	vst v7;
	v7 =	vbroadcast v8, $0xE  }
0x80: {  	[tilespmem:s13], [sflag:$0x2] =	stream.strided.gather [hbm4b:s3+s17], $0x1000, s18, s17, $0x38;
	[tilespmem:$0x1A080] =	vst v63  }
0x81: {  	s13 =	sadd.s32 s1, s12;
	[tilespmem:$0x1FF80] =	vst v7;
	v7 =	vbroadcast v8, $0xF  }
0x82: {  	[tilespmem:s31], [sflag:$0x1] =	stream.strided.gather [hbm4b:s13+s17], $0x1000, s18, s17, $0x38;
	[tilespmem:$0x1A080] =	vst v63  }
0x83: {  	s6 =	simm.s32 $0x14200;
	s0 =	sadd.s32 s2, s12;
	s16 =	spop (v2sf);
	[tilespmem:$0x1FF90] =	vst v7;
	v7 =	vbroadcast v1, $0x4  }
0x84: {  	[tilespmem:s6], [sflag:$0x2] =	stream.strided.gather [hbm4b:s0+s17], $0x1000, s18, s17, $0x38;
	[tilespmem:$0x1A080] =	vst v63  }
0x85: {  	s5 =	simm.s32 $0x19600;
	s8 =	simm.s32 $0x9200;
	s7 =	sadd.s32 s1, s16;
	[tilespmem:$0x1FFA0] =	vst v7;
	v7 =	vbroadcast v1, $0x0  }
0x86: {  	[tilespmem:s8], [sflag:$0x1] =	stream.strided.gather [hbm4b:s7+s17], $0x1000, s18, s17, $0x38;
	[tilespmem:$0x1A080] =	vst v63  }
0x87: {  	s10 =	simm.s32 $0x15200;
	s9 =	sadd.s32 s2, s16;
	s11 =	spop (v2sf);
	[tilespmem:$0x1FFB0] =	vst v7;
	v7 =	vbroadcast v1, $0x1  }
0x88: {  	[tilespmem:s10], [sflag:$0x2] =	stream.strided.gather [hbm4b:s9+s17], $0x1000, s18, s17, $0x38;
	[tilespmem:$0x1A080] =	vst v63  }
0x89: {  	s3 =	simm.s32 $0x19A00;
	s13 =	simm.s32 $0xA200;
	s12 =	sadd.s32 s1, s11;
	[tilespmem:$0x1FFC0] =	vst v7;
	v7 =	vbroadcast v1, $0x2  }
0x8a: {  	[tilespmem:s13], [sflag:$0x1] =	stream.strided.gather [hbm4b:s12+s17], $0x1000, s18, s17, $0x38;
	[tilespmem:$0x1A080] =	vst v63  }
0x8b: {  	s31 =	simm.s32 $0x19E00;
	s16 =	simm.s32 $0x16200;
	s0 =	sadd.s32 s2, s11;
	[tilespmem:$0x1FFD0] =	vst v7;
	v7 =	vbroadcast v1, $0x3  }
0x8c: {  	v1 =	vbroadcast v1, $0x5;
	[tilespmem:s16], [sflag:$0x2] =	stream.strided.gather [hbm4b:s0+s17], $0x1000, s18, s17, $0x38;
	[tilespmem:$0x1A080] =	vst v63  }
0x8d: {  	s6 =	simm.s32 $0x1;
	s10 =	simm.s32 $0xB200;
	s12 =	simm.s32 $0x12200;
	[tilespmem:$0x1FFE0] =	vst v7  }
0x8e: {  	s13 =	simm.s32 $0x17200;
	s0 =	simm.s32 $0x19C00;
	s16 =	simm.s32 $0x19800;
	[tilespmem:$0x1FFF0] =	vst v1  }
.LBB2_2:
0x8f: {  	v1 =	vshra.s32 v34, $0x1F;
	v8 =	vand.u32 $0x7F, v34  }
0x90: {  	vm0 =	vlt.s32 v34, $0x1;
	v1 =	vshrl.u32 v1, $0x19;
	vm1 =	vne.s32 v8, $0x0  }
0x91: {  	v1 =	vadd.s32 v1, v34;
	vm0 =	vmand vm0, vm1  }
0x92: {  	v1 =	vshrl.u32 v1, $0x7;
	v8 =	vsel vm0, $0xFFFFFFFF, v3  }
0x93: {  	v1 =	vadd.s32 v8, v1  }
0x94: {  	v1 =	vshll.u32 v1, $0x7  }
0x95: {  	(v2sf) =	vpush v1, $0xB;
	_ =	sdelay $0xe  }
0x96: {  	s7 =	smin.u32 s6, $0x1F;
	s8 =	spop (v2sf)  }
0x97: {  	s7 =	sshll.u32 s7, $0x4;
	s11 =	sadd.s32 s1, s8  }
0x98: {  	v30 =	vsub.s32 v34, v1;
	v34 =	vld [tilespmem:s7+$0x0];
	[tilespmem:s10], [sflag:$0x1] =	stream.strided.gather [hbm4b:s11+s17], $0x1000, s18, s17, $0x38  }
0x99: {  	s8 =	sadd.s32 s2, s8  }
0x9a: {  	v8 =	vbroadcast v30, $0x0;
	[tilespmem:s13], [sflag:$0x2] =	stream.strided.gather [hbm4b:s8+s17], $0x1000, s18, s17, $0x38;
	[tilespmem:$0x1A080] =	vst v63  }
0x9b: {  	_ =	swait.ge [sflag:s14], $0x1000  }
0x9c: {  	v9 =	vadd.s32 v0, v8;
	[sflag:s14] =	ssyncset.done $0x0  }
0x9d: {  	[sflag:s14] =	ssyncadd.s32 $0xFFFFF000  }
0x9e: {  	_ =	swait.ge [sflag:s4], $0x1000  }
0x9f: {  	[sflag:s4] =	ssyncset.done $0x0  }
0xa0: {  	[sflag:s4] =	ssyncadd.s32 $0xFFFFF000  }
0xa1: {  	v10 =	vld.idx.msk [tilespmem:v9+s19+$0x0], $0xffff  }
0xa2: {  	v8 =	vadd.s32 v2, v8;
	_ =	sdelay $0x3  }
0xa3: {  	[tilespmem:$0x18200] =	vst v10  }
0xa4: {  	v10 =	vld.idx.msk [tilespmem:v8+s19+$0x0], $0xffff  }
0xa5: {  	(v2sf) =	vpush v1, $0xC;
	_ =	sdelay $0x3  }
0xa6: {  	[tilespmem:$0x18210] =	vst v10  }
0xa7: {  	v9 =	vld.idx.msk [tilespmem:v9+s20+$0x0], $0xffff;
	_ =	sdelay $0x4  }
0xa8: {  	[tilespmem:$0x18A00] =	vst v9  }
0xa9: {  	v8 =	vld.idx.msk [tilespmem:v8+s20+$0x0], $0xffff;
	_ =	sdelay $0x3  }
0xaa: {  	s9 =	spop (v2sf)  }
0xab: {  	s11 =	sadd.s32 s1, s9;
	[tilespmem:$0x18A10] =	vst v8  }
0xac: {  	[tilespmem:s19], [sflag:$0x1] =	stream.strided.gather [hbm4b:s11+s17], $0x1000, s18, s17, $0x38;
	[tilespmem:$0x1A080] =	vst v63  }
0xad: {  	s7 =	sadd.s32 s2, s9  }
0xae: {  	v8 =	vbroadcast v30, $0x1;
	[tilespmem:s20], [sflag:$0x2] =	stream.strided.gather [hbm4b:s7+s17], $0x1000, s18, s17, $0x38;
	[tilespmem:$0x1A080] =	vst v63  }
0xaf: {  	_ =	swait.ge [sflag:s14], $0x1000  }
0xb0: {  	v24 =	vadd.s32 v0, v8;
	[sflag:s14] =	ssyncset.done $0x0  }
0xb1: {  	[sflag:s14] =	ssyncadd.s32 $0xFFFFF000  }
0xb2: {  	_ =	swait.ge [sflag:s4], $0x1000  }
0xb3: {  	[sflag:s4] =	ssyncset.done $0x0  }
0xb4: {  	[sflag:s4] =	ssyncadd.s32 $0xFFFFF000  }
0xb5: {  	v25 =	vld.idx.msk [tilespmem:v24+s21+$0x0], $0xffff  }
0xb6: {  	v8 =	vadd.s32 v2, v8;
	_ =	sdelay $0x3  }
0xb7: {  	[tilespmem:$0x18280] =	vst v25  }
0xb8: {  	v10 =	vld.idx.msk [tilespmem:v8+s21+$0x0], $0xffff  }
0xb9: {  	(v2sf) =	vpush v1, $0xD;
	_ =	sdelay $0x3  }
0xba: {  	[tilespmem:$0x18290] =	vst v10  }
0xbb: {  	v9 =	vld.idx.msk [tilespmem:v24+s22+$0x0], $0xffff;
	_ =	sdelay $0x4  }
0xbc: {  	[tilespmem:$0x18A80] =	vst v9  }
0xbd: {  	v8 =	vld.idx.msk [tilespmem:v8+s22+$0x0], $0xffff;
	_ =	sdelay $0x3  }
0xbe: {  	s9 =	spop (v2sf)  }
0xbf: {  	s11 =	sadd.s32 s1, s9;
	[tilespmem:$0x18A90] =	vst v8  }
0xc0: {  	[tilespmem:s21], [sflag:$0x1] =	stream.strided.gather [hbm4b:s11+s17], $0x1000, s18, s17, $0x38;
	[tilespmem:$0x1A080] =	vst v63  }
0xc1: {  	s7 =	sadd.s32 s2, s9  }
0xc2: {  	v8 =	vbroadcast v30, $0x2;
	[tilespmem:s22], [sflag:$0x2] =	stream.strided.gather [hbm4b:s7+s17], $0x1000, s18, s17, $0x38;
	[tilespmem:$0x1A080] =	vst v63  }
0xc3: {  	_ =	swait.ge [sflag:s14], $0x1000  }
0xc4: {  	v26 =	vadd.s32 v0, v8;
	[sflag:s14] =	ssyncset.done $0x0  }
0xc5: {  	[sflag:s14] =	ssyncadd.s32 $0xFFFFF000  }
0xc6: {  	_ =	swait.ge [sflag:s4], $0x1000  }
0xc7: {  	[sflag:s4] =	ssyncset.done $0x0  }
0xc8: {  	[sflag:s4] =	ssyncadd.s32 $0xFFFFF000  }
0xc9: {  	v27 =	vld.idx.msk [tilespmem:v26+s23+$0x0], $0xffff  }
0xca: {  	v8 =	vadd.s32 v2, v8;
	_ =	sdelay $0x3  }
0xcb: {  	[tilespmem:$0x18300] =	vst v27  }
0xcc: {  	v10 =	vld.idx.msk [tilespmem:v8+s23+$0x0], $0xffff  }
0xcd: {  	(v2sf) =	vpush v1, $0xE;
	_ =	sdelay $0x3  }
0xce: {  	[tilespmem:$0x18310] =	vst v10  }
0xcf: {  	v9 =	vld.idx.msk [tilespmem:v26+s24+$0x0], $0xffff;
	_ =	sdelay $0x4  }
0xd0: {  	[tilespmem:$0x18B00] =	vst v9  }
0xd1: {  	v8 =	vld.idx.msk [tilespmem:v8+s24+$0x0], $0xffff;
	_ =	sdelay $0x3  }
0xd2: {  	s9 =	spop (v2sf)  }
0xd3: {  	s11 =	sadd.s32 s1, s9;
	[tilespmem:$0x18B10] =	vst v8  }
0xd4: {  	[tilespmem:s23], [sflag:$0x1] =	stream.strided.gather [hbm4b:s11+s17], $0x1000, s18, s17, $0x38;
	[tilespmem:$0x1A080] =	vst v63  }
0xd5: {  	s7 =	sadd.s32 s2, s9  }
0xd6: {  	v8 =	vbroadcast v30, $0x3;
	[tilespmem:s24], [sflag:$0x2] =	stream.strided.gather [hbm4b:s7+s17], $0x1000, s18, s17, $0x38;
	[tilespmem:$0x1A080] =	vst v63  }
0xd7: {  	_ =	swait.ge [sflag:s14], $0x1000  }
0xd8: {  	v28 =	vadd.s32 v0, v8;
	[sflag:s14] =	ssyncset.done $0x0  }
0xd9: {  	[sflag:s14] =	ssyncadd.s32 $0xFFFFF000  }
0xda: {  	_ =	swait.ge [sflag:s4], $0x1000  }
0xdb: {  	[sflag:s4] =	ssyncset.done $0x0  }
0xdc: {  	[sflag:s4] =	ssyncadd.s32 $0xFFFFF000  }
0xdd: {  	v29 =	vld.idx.msk [tilespmem:v28+s25+$0x0], $0xffff  }
0xde: {  	v8 =	vadd.s32 v2, v8;
	_ =	sdelay $0x3  }
0xdf: {  	[tilespmem:$0x18380] =	vst v29  }
0xe0: {  	v10 =	vld.idx.msk [tilespmem:v8+s25+$0x0], $0xffff  }
0xe1: {  	(v2sf) =	vpush v1, $0xF;
	_ =	sdelay $0x3  }
0xe2: {  	[tilespmem:$0x18390] =	vst v10  }
0xe3: {  	v1 =	vld.idx.msk [tilespmem:v28+s26+$0x0], $0xffff;
	_ =	sdelay $0x4  }
0xe4: {  	[tilespmem:$0x18B80] =	vst v1  }
0xe5: {  	v1 =	vld.idx.msk [tilespmem:v8+s26+$0x0], $0xffff;
	_ =	sdelay $0x3  }
0xe6: {  	s9 =	spop (v2sf)  }
0xe7: {  	s11 =	sadd.s32 s1, s9;
	[tilespmem:$0x18B90] =	vst v1  }
0xe8: {  	[tilespmem:s25], [sflag:$0x1] =	stream.strided.gather [hbm4b:s11+s17], $0x1000, s18, s17, $0x38;
	[tilespmem:$0x1A080] =	vst v63  }
0xe9: {  	s7 =	sadd.s32 s2, s9  }
0xea: {  	v1 =	vbroadcast v30, $0x4;
	[tilespmem:s26], [sflag:$0x2] =	stream.strided.gather [hbm4b:s7+s17], $0x1000, s18, s17, $0x38;
	[tilespmem:$0x1A080] =	vst v63  }
0xeb: {  	_ =	swait.ge [sflag:s14], $0x1000  }
0xec: {  	v8 =	vadd.s32 v0, v1;
	[sflag:s14] =	ssyncset.done $0x0  }
0xed: {  	[sflag:s14] =	ssyncadd.s32 $0xFFFFF000  }
0xee: {  	_ =	swait.ge [sflag:s4], $0x1000  }
0xef: {  	[sflag:s4] =	ssyncset.done $0x0  }
0xf0: {  	s9 =	simm.s32 $0x4200;
	[sflag:s4] =	ssyncadd.s32 $0xFFFFF000  }
0xf1: {  	v31 =	vld.idx.msk [tilespmem:v8+s9+$0x0], $0xffff  }
0xf2: {  	v32 =	vshra.s32 v34, $0x1F;
	v11 =	vand.u32 $0x7F, v34;
	v12 =	vadd.s32 v2, v1  }
0xf3: {  	vm14 =	vlt.s32 v34, $0x1;
	vm15 =	vne.s32 v11, $0x0;
	v1 =	vshrl.u32 v32, $0x19  }
0xf4: {  	vm0 =	vmand vm14, vm15;
	v1 =	vadd.s32 v1, v34  }
0xf5: {  	v33 =	vsel vm0, $0xFFFFFFFF, v3;
	v1 =	vshrl.u32 v1, $0x7  }
0xf6: {  	v1 =	vadd.s32 v33, v1;
	[tilespmem:$0x18400] =	vst v31  }
0xf7: {  	v1 =	vshll.u32 v1, $0x7;
	v9 =	vld.idx.msk [tilespmem:v12+s9+$0x0], $0xffff  }
0xf8: {  	(v2sf) =	vpush v1, $0x0;
	_ =	sdelay $0x3  }
0xf9: {  	s11 =	simm.s32 $0x10200;
	[tilespmem:$0x18410] =	vst v9  }
0xfa: {  	v8 =	vld.idx.msk [tilespmem:v8+s11+$0x0], $0xffff;
	_ =	sdelay $0x4  }
0xfb: {  	[tilespmem:$0x18C00] =	vst v8  }
0xfc: {  	v8 =	vld.idx.msk [tilespmem:v12+s11+$0x0], $0xffff;
	_ =	sdelay $0x3  }
0xfd: {  	s7 =	spop (v2sf)  }
0xfe: {  	s8 =	sadd.s32 s1, s7;
	[tilespmem:$0x18C10] =	vst v8  }
0xff: {  	[tilespmem:s9], [sflag:$0x1] =	stream.strided.gather [hbm4b:s8+s17], $0x1000, s18, s17, $0x38;
	[tilespmem:$0x1A080] =	vst v63  }
0x100: {  	s7 =	sadd.s32 s2, s7  }
0x101: {  	v8 =	vbroadcast v30, $0x5;
	[tilespmem:s11], [sflag:$0x2] =	stream.strided.gather [hbm4b:s7+s17], $0x1000, s18, s17, $0x38;
	[tilespmem:$0x1A080] =	vst v63  }
0x102: {  	_ =	swait.ge [sflag:s14], $0x1000  }
0x103: {  	v35 =	vadd.s32 v0, v8;
	[sflag:s14] =	ssyncset.done $0x0  }
0x104: {  	[sflag:s14] =	ssyncadd.s32 $0xFFFFF000  }
0x105: {  	_ =	swait.ge [sflag:s4], $0x1000  }
0x106: {  	[sflag:s4] =	ssyncset.done $0x0  }
0x107: {  	s11 =	simm.s32 $0x5200;
	[sflag:s4] =	ssyncadd.s32 $0xFFFFF000  }
0x108: {  	v36 =	vld.idx.msk [tilespmem:v35+s11+$0x0], $0xffff  }
0x109: {  	v8 =	vadd.s32 v2, v8;
	_ =	sdelay $0x3  }
0x10a: {  	[tilespmem:$0x18480] =	vst v36  }
0x10b: {  	v10 =	vld.idx.msk [tilespmem:v8+s11+$0x0], $0xffff  }
0x10c: {  	(v2sf) =	vpush v1, $0x1;
	_ =	sdelay $0x3  }
0x10d: {  	s9 =	simm.s32 $0x11200;
	[tilespmem:$0x18490] =	vst v10  }
0x10e: {  	v9 =	vld.idx.msk [tilespmem:v35+s9+$0x0], $0xffff;
	_ =	sdelay $0x4  }
0x10f: {  	[tilespmem:$0x18C80] =	vst v9  }
0x110: {  	v8 =	vld.idx.msk [tilespmem:v8+s9+$0x0], $0xffff;
	_ =	sdelay $0x3  }
0x111: {  	s7 =	spop (v2sf)  }
0x112: {  	s8 =	sadd.s32 s1, s7;
	[tilespmem:$0x18C90] =	vst v8  }
0x113: {  	[tilespmem:s11], [sflag:$0x1] =	stream.strided.gather [hbm4b:s8+s17], $0x1000, s18, s17, $0x38;
	[tilespmem:$0x1A080] =	vst v63  }
0x114: {  	s7 =	sadd.s32 s2, s7  }
0x115: {  	v8 =	vbroadcast v30, $0x6;
	[tilespmem:s9], [sflag:$0x2] =	stream.strided.gather [hbm4b:s7+s17], $0x1000, s18, s17, $0x38;
	[tilespmem:$0x1A080] =	vst v63  }
0x116: {  	_ =	swait.ge [sflag:s14], $0x1000  }
0x117: {  	v37 =	vadd.s32 v0, v8;
	[sflag:s14] =	ssyncset.done $0x0  }
0x118: {  	[sflag:s14] =	ssyncadd.s32 $0xFFFFF000  }
0x119: {  	_ =	swait.ge [sflag:s4], $0x1000  }
0x11a: {  	[sflag:s4] =	ssyncset.done $0x0  }
0x11b: {  	s8 =	simm.s32 $0x6200;
	[sflag:s4] =	ssyncadd.s32 $0xFFFFF000  }
0x11c: {  	v38 =	vld.idx.msk [tilespmem:v37+s8+$0x0], $0xffff  }
0x11d: {  	v8 =	vadd.s32 v2, v8;
	_ =	sdelay $0x3  }
0x11e: {  	[tilespmem:$0x18500] =	vst v38  }
0x11f: {  	v10 =	vld.idx.msk [tilespmem:v8+s8+$0x0], $0xffff  }
0x120: {  	(v2sf) =	vpush v1, $0x2;
	_ =	sdelay $0x3  }
0x121: {  	[tilespmem:$0x18510] =	vst v10  }
0x122: {  	v9 =	vld.idx.msk [tilespmem:v37+s12+$0x0], $0xffff;
	_ =	sdelay $0x4  }
0x123: {  	[tilespmem:$0x18D00] =	vst v9  }
0x124: {  	v8 =	vld.idx.msk [tilespmem:v8+s12+$0x0], $0xffff;
	_ =	sdelay $0x3  }
0x125: {  	s7 =	spop (v2sf)  }
0x126: {  	s11 =	sadd.s32 s1, s7;
	[tilespmem:$0x18D10] =	vst v8  }
0x127: {  	[tilespmem:s8], [sflag:$0x1] =	stream.strided.gather [hbm4b:s11+s17], $0x1000, s18, s17, $0x38;
	[tilespmem:$0x1A080] =	vst v63  }
0x128: {  	s7 =	sadd.s32 s2, s7  }
0x129: {  	v8 =	vbroadcast v30, $0x7;
	[tilespmem:s12], [sflag:$0x2] =	stream.strided.gather [hbm4b:s7+s17], $0x1000, s18, s17, $0x38;
	[tilespmem:$0x1A080] =	vst v63  }
0x12a: {  	_ =	swait.ge [sflag:s14], $0x1000  }
0x12b: {  	v39 =	vadd.s32 v0, v8;
	[sflag:s14] =	ssyncset.done $0x0  }
0x12c: {  	[sflag:s14] =	ssyncadd.s32 $0xFFFFF000  }
0x12d: {  	_ =	swait.ge [sflag:s4], $0x1000  }
0x12e: {  	[sflag:s4] =	ssyncset.done $0x0  }
0x12f: {  	s11 =	simm.s32 $0x7200;
	[sflag:s4] =	ssyncadd.s32 $0xFFFFF000  }
0x130: {  	v40 =	vld.idx.msk [tilespmem:v39+s11+$0x0], $0xffff  }
0x131: {  	v8 =	vadd.s32 v2, v8;
	_ =	sdelay $0x3  }
0x132: {  	[tilespmem:$0x18580] =	vst v40  }
0x133: {  	v10 =	vld.idx.msk [tilespmem:v8+s11+$0x0], $0xffff  }
0x134: {  	(v2sf) =	vpush v1, $0x3;
	_ =	sdelay $0x3  }
0x135: {  	s9 =	simm.s32 $0x13200;
	[tilespmem:$0x18590] =	vst v10  }
0x136: {  	v9 =	vld.idx.msk [tilespmem:v39+s9+$0x0], $0xffff;
	_ =	sdelay $0x4  }
0x137: {  	[tilespmem:$0x18D80] =	vst v9  }
0x138: {  	v8 =	vld.idx.msk [tilespmem:v8+s9+$0x0], $0xffff;
	_ =	sdelay $0x3  }
0x139: {  	s7 =	spop (v2sf)  }
0x13a: {  	s8 =	sadd.s32 s1, s7;
	[tilespmem:$0x18D90] =	vst v8  }
0x13b: {  	[tilespmem:s11], [sflag:$0x1] =	stream.strided.gather [hbm4b:s8+s17], $0x1000, s18, s17, $0x38;
	[tilespmem:$0x1A080] =	vst v63  }
0x13c: {  	s7 =	sadd.s32 s2, s7  }
0x13d: {  	v8 =	vbroadcast v30, $0x8;
	[tilespmem:s9], [sflag:$0x2] =	stream.strided.gather [hbm4b:s7+s17], $0x1000, s18, s17, $0x38;
	[tilespmem:$0x1A080] =	vst v63  }
0x13e: {  	_ =	swait.ge [sflag:s14], $0x1000  }
0x13f: {  	v41 =	vadd.s32 v0, v8;
	[sflag:s14] =	ssyncset.done $0x0  }
0x140: {  	[sflag:s14] =	ssyncadd.s32 $0xFFFFF000  }
0x141: {  	_ =	swait.ge [sflag:s4], $0x1000  }
0x142: {  	[sflag:s4] =	ssyncset.done $0x0  }
0x143: {  	s11 =	simm.s32 $0x8200;
	[sflag:s4] =	ssyncadd.s32 $0xFFFFF000  }
0x144: {  	v42 =	vld.idx.msk [tilespmem:v41+s11+$0x0], $0xffff  }
0x145: {  	v8 =	vadd.s32 v2, v8;
	_ =	sdelay $0x3  }
0x146: {  	[tilespmem:$0x18600] =	vst v42  }
0x147: {  	v10 =	vld.idx.msk [tilespmem:v8+s11+$0x0], $0xffff  }
0x148: {  	(v2sf) =	vpush v1, $0x4;
	_ =	sdelay $0x3  }
0x149: {  	s9 =	simm.s32 $0x14200;
	[tilespmem:$0x18610] =	vst v10  }
0x14a: {  	v9 =	vld.idx.msk [tilespmem:v41+s9+$0x0], $0xffff;
	_ =	sdelay $0x4  }
0x14b: {  	[tilespmem:$0x18E00] =	vst v9  }
0x14c: {  	v8 =	vld.idx.msk [tilespmem:v8+s9+$0x0], $0xffff;
	_ =	sdelay $0x3  }
0x14d: {  	s7 =	spop (v2sf)  }
0x14e: {  	s8 =	sadd.s32 s1, s7;
	[tilespmem:$0x18E10] =	vst v8  }
0x14f: {  	[tilespmem:s11], [sflag:$0x1] =	stream.strided.gather [hbm4b:s8+s17], $0x1000, s18, s17, $0x38;
	[tilespmem:$0x1A080] =	vst v63  }
0x150: {  	s7 =	sadd.s32 s2, s7  }
0x151: {  	v8 =	vbroadcast v30, $0x9;
	[tilespmem:s9], [sflag:$0x2] =	stream.strided.gather [hbm4b:s7+s17], $0x1000, s18, s17, $0x38;
	[tilespmem:$0x1A080] =	vst v63  }
0x152: {  	_ =	swait.ge [sflag:s14], $0x1000  }
0x153: {  	v43 =	vadd.s32 v0, v8;
	[sflag:s14] =	ssyncset.done $0x0  }
0x154: {  	[sflag:s14] =	ssyncadd.s32 $0xFFFFF000  }
0x155: {  	_ =	swait.ge [sflag:s4], $0x1000  }
0x156: {  	[sflag:s4] =	ssyncset.done $0x0  }
0x157: {  	s9 =	simm.s32 $0x9200;
	[sflag:s4] =	ssyncadd.s32 $0xFFFFF000  }
0x158: {  	v44 =	vld.idx.msk [tilespmem:v43+s9+$0x0], $0xffff  }
0x159: {  	v8 =	vadd.s32 v2, v8;
	_ =	sdelay $0x3  }
0x15a: {  	[tilespmem:$0x18680] =	vst v44  }
0x15b: {  	v10 =	vld.idx.msk [tilespmem:v8+s9+$0x0], $0xffff  }
0x15c: {  	(v2sf) =	vpush v1, $0x5;
	_ =	sdelay $0x3  }
0x15d: {  	s11 =	simm.s32 $0x15200;
	[tilespmem:$0x18690] =	vst v10  }
0x15e: {  	v9 =	vld.idx.msk [tilespmem:v43+s11+$0x0], $0xffff;
	_ =	sdelay $0x4  }
0x15f: {  	[tilespmem:$0x18E80] =	vst v9  }
0x160: {  	v8 =	vld.idx.msk [tilespmem:v8+s11+$0x0], $0xffff;
	_ =	sdelay $0x3  }
0x161: {  	s7 =	spop (v2sf)  }
0x162: {  	s8 =	sadd.s32 s1, s7;
	[tilespmem:$0x18E90] =	vst v8  }
0x163: {  	[tilespmem:s9], [sflag:$0x1] =	stream.strided.gather [hbm4b:s8+s17], $0x1000, s18, s17, $0x38;
	[tilespmem:$0x1A080] =	vst v63  }
0x164: {  	s7 =	sadd.s32 s2, s7  }
0x165: {  	v8 =	vbroadcast v30, $0xA;
	[tilespmem:s11], [sflag:$0x2] =	stream.strided.gather [hbm4b:s7+s17], $0x1000, s18, s17, $0x38;
	[tilespmem:$0x1A080] =	vst v63  }
0x166: {  	_ =	swait.ge [sflag:s14], $0x1000  }
0x167: {  	v45 =	vadd.s32 v0, v8;
	[sflag:s14] =	ssyncset.done $0x0  }
0x168: {  	[sflag:s14] =	ssyncadd.s32 $0xFFFFF000  }
0x169: {  	_ =	swait.ge [sflag:s4], $0x1000  }
0x16a: {  	[sflag:s4] =	ssyncset.done $0x0  }
0x16b: {  	s9 =	simm.s32 $0xA200;
	[sflag:s4] =	ssyncadd.s32 $0xFFFFF000  }
0x16c: {  	v46 =	vld.idx.msk [tilespmem:v45+s9+$0x0], $0xffff  }
0x16d: {  	v8 =	vadd.s32 v2, v8;
	_ =	sdelay $0x3  }
0x16e: {  	[tilespmem:$0x18700] =	vst v46  }
0x16f: {  	v10 =	vld.idx.msk [tilespmem:v8+s9+$0x0], $0xffff  }
0x170: {  	(v2sf) =	vpush v1, $0x6;
	_ =	sdelay $0x3  }
0x171: {  	s11 =	simm.s32 $0x16200;
	[tilespmem:$0x18710] =	vst v10  }
0x172: {  	v9 =	vld.idx.msk [tilespmem:v45+s11+$0x0], $0xffff;
	_ =	sdelay $0x4  }
0x173: {  	[tilespmem:$0x18F00] =	vst v9  }
0x174: {  	v8 =	vld.idx.msk [tilespmem:v8+s11+$0x0], $0xffff;
	_ =	sdelay $0x3  }
0x175: {  	s7 =	spop (v2sf)  }
0x176: {  	s8 =	sadd.s32 s1, s7;
	[tilespmem:$0x18F10] =	vst v8  }
0x177: {  	[tilespmem:s9], [sflag:$0x1] =	stream.strided.gather [hbm4b:s8+s17], $0x1000, s18, s17, $0x38;
	[tilespmem:$0x1A080] =	vst v63  }
0x178: {  	s7 =	sadd.s32 s2, s7  }
0x179: {  	v8 =	vbroadcast v30, $0xB;
	[tilespmem:s11], [sflag:$0x2] =	stream.strided.gather [hbm4b:s7+s17], $0x1000, s18, s17, $0x38;
	[tilespmem:$0x1A080] =	vst v63  }
0x17a: {  	_ =	swait.ge [sflag:s14], $0x1000  }
0x17b: {  	v47 =	vadd.s32 v0, v8;
	[sflag:s14] =	ssyncset.done $0x0  }
0x17c: {  	[sflag:s14] =	ssyncadd.s32 $0xFFFFF000  }
0x17d: {  	_ =	swait.ge [sflag:s4], $0x1000  }
0x17e: {  	[sflag:s4] =	ssyncset.done $0x0  }
0x17f: {  	[sflag:s4] =	ssyncadd.s32 $0xFFFFF000  }
0x180: {  	v48 =	vld.idx.msk [tilespmem:v47+s10+$0x0], $0xffff  }
0x181: {  	v8 =	vadd.s32 v2, v8;
	_ =	sdelay $0x3  }
0x182: {  	[tilespmem:$0x18780] =	vst v48  }
0x183: {  	v10 =	vld.idx.msk [tilespmem:v8+s10+$0x0], $0xffff  }
0x184: {  	(v2sf) =	vpush v1, $0x7;
	_ =	sdelay $0x3  }
0x185: {  	[tilespmem:$0x18790] =	vst v10  }
0x186: {  	v9 =	vld.idx.msk [tilespmem:v47+s13+$0x0], $0xffff;
	_ =	sdelay $0x4  }
0x187: {  	[tilespmem:$0x18F80] =	vst v9  }
0x188: {  	v8 =	vld.idx.msk [tilespmem:v8+s13+$0x0], $0xffff;
	_ =	sdelay $0x3  }
0x189: {  	s9 =	spop (v2sf)  }
0x18a: {  	s11 =	sadd.s32 s1, s9;
	[tilespmem:$0x18F90] =	vst v8  }
0x18b: {  	[tilespmem:s10], [sflag:$0x1] =	stream.strided.gather [hbm4b:s11+s17], $0x1000, s18, s17, $0x38;
	[tilespmem:$0x1A080] =	vst v63  }
0x18c: {  	s7 =	sadd.s32 s2, s9  }
0x18d: {  	v8 =	vbroadcast v30, $0xC;
	[tilespmem:s13], [sflag:$0x2] =	stream.strided.gather [hbm4b:s7+s17], $0x1000, s18, s17, $0x38;
	[tilespmem:$0x1A080] =	vst v63  }
0x18e: {  	_ =	swait.ge [sflag:s14], $0x1000  }
0x18f: {  	v49 =	vadd.s32 v0, v8;
	[sflag:s14] =	ssyncset.done $0x0  }
0x190: {  	[sflag:s14] =	ssyncadd.s32 $0xFFFFF000  }
0x191: {  	_ =	swait.ge [sflag:s4], $0x1000  }
0x192: {  	[sflag:s4] =	ssyncset.done $0x0  }
0x193: {  	[sflag:s4] =	ssyncadd.s32 $0xFFFFF000  }
0x194: {  	v50 =	vld.idx.msk [tilespmem:v49+s19+$0x0], $0xffff  }
0x195: {  	v8 =	vadd.s32 v2, v8;
	_ =	sdelay $0x3  }
0x196: {  	[tilespmem:$0x18800] =	vst v50  }
0x197: {  	v10 =	vld.idx.msk [tilespmem:v8+s19+$0x0], $0xffff  }
0x198: {  	(v2sf) =	vpush v1, $0x8;
	_ =	sdelay $0x3  }
0x199: {  	[tilespmem:$0x18810] =	vst v10  }
0x19a: {  	v9 =	vld.idx.msk [tilespmem:v49+s20+$0x0], $0xffff;
	_ =	sdelay $0x4  }
0x19b: {  	[tilespmem:$0x19000] =	vst v9  }
0x19c: {  	v8 =	vld.idx.msk [tilespmem:v8+s20+$0x0], $0xffff;
	_ =	sdelay $0x3  }
0x19d: {  	s9 =	spop (v2sf)  }
0x19e: {  	s11 =	sadd.s32 s1, s9;
	[tilespmem:$0x19010] =	vst v8  }
0x19f: {  	[tilespmem:s19], [sflag:$0x1] =	stream.strided.gather [hbm4b:s11+s17], $0x1000, s18, s17, $0x38;
	[tilespmem:$0x1A080] =	vst v63  }
0x1a0: {  	s7 =	sadd.s32 s2, s9  }
0x1a1: {  	v8 =	vbroadcast v30, $0xD;
	[tilespmem:s20], [sflag:$0x2] =	stream.strided.gather [hbm4b:s7+s17], $0x1000, s18, s17, $0x38;
	[tilespmem:$0x1A080] =	vst v63  }
0x1a2: {  	_ =	swait.ge [sflag:s14], $0x1000  }
0x1a3: {  	v51 =	vadd.s32 v0, v8;
	[sflag:s14] =	ssyncset.done $0x0  }
0x1a4: {  	[sflag:s14] =	ssyncadd.s32 $0xFFFFF000  }
0x1a5: {  	_ =	swait.ge [sflag:s4], $0x1000  }
0x1a6: {  	[sflag:s4] =	ssyncset.done $0x0  }
0x1a7: {  	[sflag:s4] =	ssyncadd.s32 $0xFFFFF000  }
0x1a8: {  	v52 =	vld.idx.msk [tilespmem:v51+s21+$0x0], $0xffff  }
0x1a9: {  	v8 =	vadd.s32 v2, v8;
	_ =	sdelay $0x3  }
0x1aa: {  	[tilespmem:$0x18880] =	vst v52  }
0x1ab: {  	v10 =	vld.idx.msk [tilespmem:v8+s21+$0x0], $0xffff  }
0x1ac: {  	(v2sf) =	vpush v1, $0x9;
	_ =	sdelay $0x3  }
0x1ad: {  	[tilespmem:$0x18890] =	vst v10  }
0x1ae: {  	v9 =	vld.idx.msk [tilespmem:v51+s22+$0x0], $0xffff;
	_ =	sdelay $0x4  }
0x1af: {  	[tilespmem:$0x19080] =	vst v9  }
0x1b0: {  	v8 =	vld.idx.msk [tilespmem:v8+s22+$0x0], $0xffff;
	_ =	sdelay $0x3  }
0x1b1: {  	s9 =	spop (v2sf)  }
0x1b2: {  	s11 =	sadd.s32 s1, s9;
	[tilespmem:$0x19090] =	vst v8  }
0x1b3: {  	[tilespmem:s21], [sflag:$0x1] =	stream.strided.gather [hbm4b:s11+s17], $0x1000, s18, s17, $0x38;
	[tilespmem:$0x1A080] =	vst v63  }
0x1b4: {  	s7 =	sadd.s32 s2, s9  }
0x1b5: {  	v8 =	vbroadcast v30, $0xE;
	[tilespmem:s22], [sflag:$0x2] =	stream.strided.gather [hbm4b:s7+s17], $0x1000, s18, s17, $0x38;
	[tilespmem:$0x1A080] =	vst v63  }
0x1b6: {  	_ =	swait.ge [sflag:s14], $0x1000  }
0x1b7: {  	v53 =	vadd.s32 v0, v8;
	[sflag:s14] =	ssyncset.done $0x0  }
0x1b8: {  	[sflag:s14] =	ssyncadd.s32 $0xFFFFF000  }
0x1b9: {  	_ =	swait.ge [sflag:s4], $0x1000  }
0x1ba: {  	[sflag:s4] =	ssyncset.done $0x0  }
0x1bb: {  	[sflag:s4] =	ssyncadd.s32 $0xFFFFF000  }
0x1bc: {  	v54 =	vld.idx.msk [tilespmem:v53+s23+$0x0], $0xffff  }
0x1bd: {  	v8 =	vadd.s32 v2, v8;
	_ =	sdelay $0x3  }
0x1be: {  	[tilespmem:$0x18900] =	vst v54  }
0x1bf: {  	v10 =	vld.idx.msk [tilespmem:v8+s23+$0x0], $0xffff  }
0x1c0: {  	(v2sf) =	vpush v1, $0xA;
	_ =	sdelay $0x3  }
0x1c1: {  	[tilespmem:$0x18910] =	vst v10  }
0x1c2: {  	v1 =	vld.idx.msk [tilespmem:v53+s24+$0x0], $0xffff;
	_ =	sdelay $0x4  }
0x1c3: {  	[tilespmem:$0x19100] =	vst v1  }
0x1c4: {  	v1 =	vld.idx.msk [tilespmem:v8+s24+$0x0], $0xffff;
	_ =	sdelay $0x3  }
0x1c5: {  	s9 =	spop (v2sf)  }
0x1c6: {  	s11 =	sadd.s32 s1, s9;
	[tilespmem:$0x19110] =	vst v1  }
0x1c7: {  	[tilespmem:s23], [sflag:$0x1] =	stream.strided.gather [hbm4b:s11+s17], $0x1000, s18, s17, $0x38;
	[tilespmem:$0x1A080] =	vst v63  }
0x1c8: {  	s7 =	sadd.s32 s2, s9  }
0x1c9: {  	v1 =	vbroadcast v30, $0xF;
	[tilespmem:s24], [sflag:$0x2] =	stream.strided.gather [hbm4b:s7+s17], $0x1000, s18, s17, $0x38;
	[tilespmem:$0x1A080] =	vst v63  }
0x1ca: {  	_ =	swait.ge [sflag:s14], $0x1000  }
0x1cb: {  	v8 =	vadd.s32 v0, v1;
	[sflag:s14] =	ssyncset.done $0x0  }
0x1cc: {  	[sflag:s14] =	ssyncadd.s32 $0xFFFFF000  }
0x1cd: {  	_ =	swait.ge [sflag:s4], $0x1000  }
0x1ce: {  	[sflag:s4] =	ssyncset.done $0x0  }
0x1cf: {  	[sflag:s4] =	ssyncadd.s32 $0xFFFFF000  }
0x1d0: {  	v55 =	vld.idx.msk [tilespmem:v8+s25+$0x0], $0xffff  }
0x1d1: {  	v1 =	vadd.s32 v2, v1;
	_ =	sdelay $0x3  }
0x1d2: {  	[tilespmem:$0x18980] =	vst v55  }
0x1d3: {  	v9 =	vld.idx.msk [tilespmem:v1+s25+$0x0], $0xffff;
	_ =	sdelay $0x4  }
0x1d4: {  	[tilespmem:$0x18990] =	vst v9  }
0x1d5: {  	v8 =	vld.idx.msk [tilespmem:v8+s26+$0x0], $0xffff;
	_ =	sdelay $0x4  }
0x1d6: {  	[tilespmem:$0x19180] =	vst v8  }
0x1d7: {  	v1 =	vld.idx.msk [tilespmem:v1+s26+$0x0], $0xffff;
	_ =	sdelay $0x4  }
0x1d8: {  	[tilespmem:$0x19190] =	vst v1  }
0x1d9: {  	v1 =	vld.idx.msk [tilespmem:v0+s15+$0x0], $0xffff;
	_ =	sdelay $0x4  }
0x1da: {  	v1 =	vsub.f32 $0.0e+00, v1;
	_ =	sdelay $0x1  }
0x1db: {  	v1 =	vmul.f32 $1.442695020e+00, v1;
	_ =	sdelay $0x1  }
0x1dc: {  	(erf) = vpow2.f32 v1;
	_ =	sdelay $0x3  }
0x1dd: {  	v1 =	vld.idx.msk [tilespmem:v4+s15+$0x0], $0xffff;
	_ =	sdelay $0x4  }
0x1de: {  	v1 =	vsub.f32 $0.0e+00, v1;
	v8 =	vpop (erf)  }
0x1df: {  	v8 =	vadd.f32 $1.000000000e+00, v8  }
0x1e0: {  	v1 =	vmul.f32 $1.442695020e+00, v1  }
0x1e1: {  	(erf) = vrcp.f32 v8  }
0x1e2: {  	(erf) = vpow2.f32 v1;
	_ =	sdelay $0x3  }
0x1e3: {  	v1 =	vld.idx.msk [tilespmem:v0+s28+$0x0], $0xffff;
	_ =	sdelay $0x3  }
0x1e4: {  	v31 =	vpop (erf)  }
0x1e5: {  	v1 =	vsub.f32 $0.0e+00, v1;
	v8 =	vpop (erf)  }
0x1e6: {  	v8 =	vadd.f32 $1.000000000e+00, v8  }
0x1e7: {  	v1 =	vmul.f32 $1.442695020e+00, v1  }
0x1e8: {  	(erf) = vrcp.f32 v8  }
0x1e9: {  	(erf) = vpow2.f32 v1;
	_ =	sdelay $0x3  }
0x1ea: {  	v1 =	vld.idx.msk [tilespmem:v4+s28+$0x0], $0xffff;
	_ =	sdelay $0x3  }
0x1eb: {  	v33 =	vpop (erf)  }
0x1ec: {  	v1 =	vsub.f32 $0.0e+00, v1;
	v8 =	vpop (erf)  }
0x1ed: {  	v8 =	vadd.f32 $1.000000000e+00, v8  }
0x1ee: {  	v1 =	vmul.f32 $1.442695020e+00, v1  }
0x1ef: {  	(erf) = vrcp.f32 v8  }
0x1f0: {  	(erf) = vpow2.f32 v1;
	_ =	sdelay $0x3  }
0x1f1: {  	v1 =	vld.idx.msk [tilespmem:v5+s15+$0x0], $0xffff;
	_ =	sdelay $0x3  }
0x1f2: {  	v3 =	vpop (erf)  }
0x1f3: {  	v1 =	vsub.f32 $0.0e+00, v1;
	v8 =	vpop (erf)  }
0x1f4: {  	v8 =	vadd.f32 $1.000000000e+00, v8  }
0x1f5: {  	v1 =	vmul.f32 $1.442695020e+00, v1  }
0x1f6: {  	(erf) = vrcp.f32 v8  }
0x1f7: {  	(erf) = vpow2.f32 v1;
	_ =	sdelay $0x3  }
0x1f8: {  	v1 =	vld.idx.msk [tilespmem:v6+s15+$0x0], $0xffff;
	_ =	sdelay $0x3  }
0x1f9: {  	[tilespmem:$0x1FE50] =	vst v3;
	v3 =	vpop (erf)  }
0x1fa: {  	v1 =	vsub.f32 $0.0e+00, v1;
	v8 =	vpop (erf)  }
0x1fb: {  	v8 =	vadd.f32 $1.000000000e+00, v8  }
0x1fc: {  	v1 =	vmul.f32 $1.442695020e+00, v1  }
0x1fd: {  	(erf) = vrcp.f32 v8  }
0x1fe: {  	(erf) = vpow2.f32 v1;
	_ =	sdelay $0x3  }
0x1ff: {  	v1 =	vld.idx.msk [tilespmem:v5+s28+$0x0], $0xffff;
	_ =	sdelay $0x3  }
0x200: {  	[tilespmem:$0x1FE60] =	vst v3;
	v3 =	vpop (erf)  }
0x201: {  	v1 =	vsub.f32 $0.0e+00, v1;
	v8 =	vpop (erf)  }
0x202: {  	v8 =	vadd.f32 $1.000000000e+00, v8  }
0x203: {  	v1 =	vmul.f32 $1.442695020e+00, v1  }
0x204: {  	(erf) = vrcp.f32 v8  }
0x205: {  	(erf) = vpow2.f32 v1;
	_ =	sdelay $0x3  }
0x206: {  	v1 =	vld.idx.msk [tilespmem:v6+s28+$0x0], $0xffff;
	_ =	sdelay $0x3  }
0x207: {  	[tilespmem:$0x1FE20] =	vst v3;
	v3 =	vpop (erf)  }
0x208: {  	v1 =	vsub.f32 $0.0e+00, v1;
	v8 =	vpop (erf)  }
0x209: {  	v8 =	vadd.f32 $1.000000000e+00, v8  }
0x20a: {  	v1 =	vmul.f32 $1.442695020e+00, v1  }
0x20b: {  	(erf) = vrcp.f32 v8  }
0x20c: {  	(erf) = vpow2.f32 v1;
	_ =	sdelay $0x3  }
0x20d: {  	v1 =	vld.idx.msk [tilespmem:v20+s15+$0x0], $0xffff;
	_ =	sdelay $0x3  }
0x20e: {  	[tilespmem:$0x1FE30] =	vst v3;
	v3 =	vpop (erf)  }
0x20f: {  	v1 =	vsub.f32 $0.0e+00, v1;
	v8 =	vpop (erf)  }
0x210: {  	v8 =	vadd.f32 $1.000000000e+00, v8  }
0x211: {  	v1 =	vmul.f32 $1.442695020e+00, v1  }
0x212: {  	(erf) = vrcp.f32 v8;
	v8 =	vor.u32 $0x5, v0  }
0x213: {  	(erf) = vpow2.f32 v1;
	_ =	sdelay $0x3  }
0x214: {  	v1 =	vld.idx.msk [tilespmem:v8+s15+$0x0], $0xffff;
	_ =	sdelay $0x3  }
0x215: {  	[tilespmem:$0x1FE70] =	vst v3;
	v3 =	vpop (erf)  }
0x216: {  	v56 =	vpop (erf);
	v1 =	vsub.f32 $0.0e+00, v1  }
0x217: {  	v9 =	vadd.f32 $1.000000000e+00, v56  }
0x218: {  	v1 =	vmul.f32 $1.442695020e+00, v1  }
0x219: {  	(erf) = vrcp.f32 v9  }
0x21a: {  	(erf) = vpow2.f32 v1;
	_ =	sdelay $0x3  }
0x21b: {  	v1 =	vld.idx.msk [tilespmem:v20+s28+$0x0], $0xffff;
	_ =	sdelay $0x3  }
0x21c: {  	[tilespmem:$0x1FE80] =	vst v3;
	v3 =	vpop (erf)  }
0x21d: {  	v1 =	vsub.f32 $0.0e+00, v1;
	v57 =	vpop (erf)  }
0x21e: {  	v9 =	vadd.f32 $1.000000000e+00, v57  }
0x21f: {  	v1 =	vmul.f32 $1.442695020e+00, v1  }
0x220: {  	(erf) = vrcp.f32 v9  }
0x221: {  	(erf) = vpow2.f32 v1;
	_ =	sdelay $0x3  }
0x222: {  	v1 =	vld.idx.msk [tilespmem:v8+s28+$0x0], $0xffff;
	_ =	sdelay $0x3  }
0x223: {  	v35 =	vpop (erf)  }
0x224: {  	v1 =	vsub.f32 $0.0e+00, v1;
	v8 =	vpop (erf)  }
0x225: {  	v8 =	vadd.f32 $1.000000000e+00, v8  }
0x226: {  	v1 =	vmul.f32 $1.442695020e+00, v1  }
0x227: {  	(erf) = vrcp.f32 v8;
	v8 =	vor.u32 $0x6, v0  }
0x228: {  	(erf) = vpow2.f32 v1;
	_ =	sdelay $0x3  }
0x229: {  	v1 =	vld.idx.msk [tilespmem:v8+s15+$0x0], $0xffff;
	_ =	sdelay $0x3  }
0x22a: {  	[tilespmem:$0x1FE40] =	vst v3;
	v3 =	vpop (erf)  }
0x22b: {  	v58 =	vpop (erf);
	v1 =	vsub.f32 $0.0e+00, v1  }
0x22c: {  	v9 =	vadd.f32 $1.000000000e+00, v58  }
0x22d: {  	v1 =	vmul.f32 $1.442695020e+00, v1  }
0x22e: {  	v59 =	vor.u32 $0x7, v0;
	(erf) = vrcp.f32 v9  }
0x22f: {  	(erf) = vpow2.f32 v1;
	_ =	sdelay $0x3  }
0x230: {  	v1 =	vld.idx.msk [tilespmem:v59+s15+$0x0], $0xffff;
	_ =	sdelay $0x3  }
0x231: {  	v41 =	vpop (erf)  }
0x232: {  	v1 =	vsub.f32 $0.0e+00, v1;
	v60 =	vpop (erf)  }
0x233: {  	v10 =	vadd.f32 $1.000000000e+00, v60  }
0x234: {  	v1 =	vmul.f32 $1.442695020e+00, v1  }
0x235: {  	(erf) = vrcp.f32 v10  }
0x236: {  	(erf) = vpow2.f32 v1;
	_ =	sdelay $0x3  }
0x237: {  	v1 =	vld.idx.msk [tilespmem:v8+s28+$0x0], $0xffff;
	_ =	sdelay $0x3  }
0x238: {  	v42 =	vpop (erf)  }
0x239: {  	v1 =	vsub.f32 $0.0e+00, v1;
	v8 =	vpop (erf)  }
0x23a: {  	v8 =	vadd.f32 $1.000000000e+00, v8  }
0x23b: {  	v1 =	vmul.f32 $1.442695020e+00, v1  }
0x23c: {  	(erf) = vrcp.f32 v8  }
0x23d: {  	(erf) = vpow2.f32 v1;
	_ =	sdelay $0x3  }
0x23e: {  	v1 =	vld.idx.msk [tilespmem:v59+s28+$0x0], $0xffff;
	_ =	sdelay $0x3  }
0x23f: {  	v45 =	vpop (erf)  }
0x240: {  	v1 =	vsub.f32 $0.0e+00, v1;
	v8 =	vpop (erf)  }
0x241: {  	v8 =	vadd.f32 $1.000000000e+00, v8  }
0x242: {  	v1 =	vmul.f32 $1.442695020e+00, v1  }
0x243: {  	(erf) = vrcp.f32 v8;
	v8 =	vor.u32 $0x8, v0  }
0x244: {  	(erf) = vpow2.f32 v1;
	_ =	sdelay $0x3  }
0x245: {  	v1 =	vld.idx.msk [tilespmem:v8+s15+$0x0], $0xffff;
	_ =	sdelay $0x3  }
0x246: {  	v43 =	vpop (erf)  }
0x247: {  	v61 =	vpop (erf);
	v1 =	vsub.f32 $0.0e+00, v1  }
0x248: {  	v9 =	vadd.f32 $1.000000000e+00, v61  }
0x249: {  	v1 =	vmul.f32 $1.442695020e+00, v1  }
0x24a: {  	v62 =	vor.u32 $0x9, v0;
	(erf) = vrcp.f32 v9  }
0x24b: {  	(erf) = vpow2.f32 v1;
	_ =	sdelay $0x3  }
0x24c: {  	v1 =	vld.idx.msk [tilespmem:v62+s15+$0x0], $0xffff;
	_ =	sdelay $0x3  }
0x24d: {  	v44 =	vpop (erf)  }
0x24e: {  	v1 =	vsub.f32 $0.0e+00, v1;
	v63 =	vpop (erf)  }
0x24f: {  	v10 =	vadd.f32 $1.000000000e+00, v63  }
0x250: {  	v1 =	vmul.f32 $1.442695020e+00, v1  }
0x251: {  	(erf) = vrcp.f32 v10  }
0x252: {  	(erf) = vpow2.f32 v1;
	_ =	sdelay $0x3  }
0x253: {  	v1 =	vld.idx.msk [tilespmem:v8+s28+$0x0], $0xffff;
	_ =	sdelay $0x3  }
0x254: {  	v47 =	vpop (erf)  }
0x255: {  	v1 =	vsub.f32 $0.0e+00, v1;
	v8 =	vpop (erf)  }
0x256: {  	v8 =	vadd.f32 $1.000000000e+00, v8  }
0x257: {  	v1 =	vmul.f32 $1.442695020e+00, v1  }
0x258: {  	(erf) = vrcp.f32 v8  }
0x259: {  	(erf) = vpow2.f32 v1;
	_ =	sdelay $0x3  }
0x25a: {  	v1 =	vld.idx.msk [tilespmem:v62+s28+$0x0], $0xffff;
	_ =	sdelay $0x3  }
0x25b: {  	v49 =	vpop (erf)  }
0x25c: {  	v1 =	vsub.f32 $0.0e+00, v1;
	v8 =	vpop (erf)  }
0x25d: {  	v8 =	vadd.f32 $1.000000000e+00, v8  }
0x25e: {  	v1 =	vmul.f32 $1.442695020e+00, v1  }
0x25f: {  	(erf) = vrcp.f32 v8;
	v8 =	vor.u32 $0xA, v0  }
0x260: {  	(erf) = vpow2.f32 v1;
	_ =	sdelay $0x3  }
0x261: {  	v1 =	vld.idx.msk [tilespmem:v8+s15+$0x0], $0xffff;
	_ =	sdelay $0x3  }
0x262: {  	v46 =	vpop (erf)  }
0x263: {  	v12 =	vpop (erf);
	v1 =	vsub.f32 $0.0e+00, v1  }
0x264: {  	v9 =	vadd.f32 $1.000000000e+00, v12  }
0x265: {  	v1 =	vmul.f32 $1.442695020e+00, v1  }
0x266: {  	v13 =	vor.u32 $0xB, v0;
	(erf) = vrcp.f32 v9  }
0x267: {  	(erf) = vpow2.f32 v1;
	_ =	sdelay $0x3  }
0x268: {  	v1 =	vld.idx.msk [tilespmem:v13+s15+$0x0], $0xffff;
	_ =	sdelay $0x3  }
0x269: {  	v48 =	vpop (erf)  }
0x26a: {  	v1 =	vsub.f32 $0.0e+00, v1;
	v14 =	vpop (erf)  }
0x26b: {  	v10 =	vadd.f32 $1.000000000e+00, v14  }
0x26c: {  	v1 =	vmul.f32 $1.442695020e+00, v1  }
0x26d: {  	(erf) = vrcp.f32 v10  }
0x26e: {  	(erf) = vpow2.f32 v1;
	_ =	sdelay $0x3  }
0x26f: {  	v1 =	vld.idx.msk [tilespmem:v8+s28+$0x0], $0xffff;
	_ =	sdelay $0x3  }
0x270: {  	v51 =	vpop (erf)  }
0x271: {  	v1 =	vsub.f32 $0.0e+00, v1;
	v8 =	vpop (erf)  }
0x272: {  	v8 =	vadd.f32 $1.000000000e+00, v8  }
0x273: {  	v1 =	vmul.f32 $1.442695020e+00, v1  }
0x274: {  	(erf) = vrcp.f32 v8  }
0x275: {  	(erf) = vpow2.f32 v1;
	_ =	sdelay $0x3  }
0x276: {  	v1 =	vld.idx.msk [tilespmem:v13+s28+$0x0], $0xffff;
	_ =	sdelay $0x3  }
0x277: {  	v53 =	vpop (erf)  }
0x278: {  	v1 =	vsub.f32 $0.0e+00, v1;
	v8 =	vpop (erf)  }
0x279: {  	v8 =	vadd.f32 $1.000000000e+00, v8  }
0x27a: {  	v1 =	vmul.f32 $1.442695020e+00, v1  }
0x27b: {  	(erf) = vrcp.f32 v8;
	v8 =	vor.u32 $0xC, v0  }
0x27c: {  	(erf) = vpow2.f32 v1;
	_ =	sdelay $0x3  }
0x27d: {  	v1 =	vld.idx.msk [tilespmem:v8+s15+$0x0], $0xffff;
	_ =	sdelay $0x3  }
0x27e: {  	v50 =	vpop (erf)  }
0x27f: {  	v15 =	vpop (erf);
	v1 =	vsub.f32 $0.0e+00, v1  }
0x280: {  	v9 =	vadd.f32 $1.000000000e+00, v15  }
0x281: {  	v1 =	vmul.f32 $1.442695020e+00, v1  }
0x282: {  	v16 =	vor.u32 $0xD, v0;
	(erf) = vrcp.f32 v9  }
0x283: {  	(erf) = vpow2.f32 v1;
	_ =	sdelay $0x3  }
0x284: {  	v1 =	vld.idx.msk [tilespmem:v16+s15+$0x0], $0xffff;
	_ =	sdelay $0x3  }
0x285: {  	v52 =	vpop (erf)  }
0x286: {  	v1 =	vsub.f32 $0.0e+00, v1;
	v17 =	vpop (erf)  }
0x287: {  	v10 =	vadd.f32 $1.000000000e+00, v17  }
0x288: {  	v1 =	vmul.f32 $1.442695020e+00, v1  }
0x289: {  	(erf) = vrcp.f32 v10  }
0x28a: {  	(erf) = vpow2.f32 v1;
	_ =	sdelay $0x3  }
0x28b: {  	v1 =	vld.idx.msk [tilespmem:v8+s28+$0x0], $0xffff;
	_ =	sdelay $0x3  }
0x28c: {  	v55 =	vpop (erf)  }
0x28d: {  	v1 =	vsub.f32 $0.0e+00, v1;
	v8 =	vpop (erf)  }
0x28e: {  	v8 =	vadd.f32 $1.000000000e+00, v8  }
0x28f: {  	v1 =	vmul.f32 $1.442695020e+00, v1  }
0x290: {  	(erf) = vrcp.f32 v8  }
0x291: {  	(erf) = vpow2.f32 v1;
	_ =	sdelay $0x3  }
0x292: {  	v1 =	vld.idx.msk [tilespmem:v16+s28+$0x0], $0xffff;
	_ =	sdelay $0x3  }
0x293: {  	v57 =	vpop (erf)  }
0x294: {  	v1 =	vsub.f32 $0.0e+00, v1;
	v8 =	vpop (erf)  }
0x295: {  	v8 =	vadd.f32 $1.000000000e+00, v8  }
0x296: {  	v1 =	vmul.f32 $1.442695020e+00, v1  }
0x297: {  	(erf) = vrcp.f32 v8;
	v8 =	vor.u32 $0xE, v0  }
0x298: {  	(erf) = vpow2.f32 v1;
	_ =	sdelay $0x3  }
0x299: {  	v1 =	vld.idx.msk [tilespmem:v8+s15+$0x0], $0xffff;
	_ =	sdelay $0x3  }
0x29a: {  	v54 =	vpop (erf)  }
0x29b: {  	v24 =	vpop (erf);
	v1 =	vsub.f32 $0.0e+00, v1  }
0x29c: {  	v9 =	vadd.f32 $1.000000000e+00, v24  }
0x29d: {  	v1 =	vmul.f32 $1.442695020e+00, v1  }
0x29e: {  	v25 =	vor.u32 $0xF, v0;
	(erf) = vrcp.f32 v9  }
0x29f: {  	(erf) = vpow2.f32 v1;
	_ =	sdelay $0x3  }
0x2a0: {  	v1 =	vld.idx.msk [tilespmem:v25+s15+$0x0], $0xffff;
	_ =	sdelay $0x3  }
0x2a1: {  	v56 =	vpop (erf)  }
0x2a2: {  	v1 =	vsub.f32 $0.0e+00, v1;
	v26 =	vpop (erf)  }
0x2a3: {  	v10 =	vadd.f32 $1.000000000e+00, v26  }
0x2a4: {  	v1 =	vmul.f32 $1.442695020e+00, v1  }
0x2a5: {  	(erf) = vrcp.f32 v10  }
0x2a6: {  	(erf) = vpow2.f32 v1;
	_ =	sdelay $0x3  }
0x2a7: {  	v1 =	vld.idx.msk [tilespmem:v8+s28+$0x0], $0xffff;
	_ =	sdelay $0x3  }
0x2a8: {  	v59 =	vpop (erf)  }
0x2a9: {  	v1 =	vsub.f32 $0.0e+00, v1;
	v8 =	vpop (erf)  }
0x2aa: {  	v8 =	vadd.f32 $1.000000000e+00, v8  }
0x2ab: {  	v1 =	vmul.f32 $1.442695020e+00, v1  }
0x2ac: {  	(erf) = vrcp.f32 v8  }
0x2ad: {  	(erf) = vpow2.f32 v1;
	_ =	sdelay $0x3  }
0x2ae: {  	v1 =	vld.idx.msk [tilespmem:v25+s28+$0x0], $0xffff;
	_ =	sdelay $0x3  }
0x2af: {  	v61 =	vpop (erf)  }
0x2b0: {  	v1 =	vsub.f32 $0.0e+00, v1;
	v8 =	vpop (erf)  }
0x2b1: {  	v8 =	vadd.f32 $1.000000000e+00, v8  }
0x2b2: {  	v1 =	vmul.f32 $1.442695020e+00, v1  }
0x2b3: {  	(erf) = vrcp.f32 v8;
	v8 =	vor.u32 $0x10, v0  }
0x2b4: {  	(erf) = vpow2.f32 v1;
	_ =	sdelay $0x3  }
0x2b5: {  	v1 =	vld.idx.msk [tilespmem:v8+s15+$0x0], $0xffff;
	_ =	sdelay $0x3  }
0x2b6: {  	v58 =	vpop (erf)  }
0x2b7: {  	v27 =	vpop (erf);
	v1 =	vsub.f32 $0.0e+00, v1  }
0x2b8: {  	v9 =	vadd.f32 $1.000000000e+00, v27  }
0x2b9: {  	v1 =	vmul.f32 $1.442695020e+00, v1  }
0x2ba: {  	v28 =	vor.u32 $0x11, v0;
	(erf) = vrcp.f32 v9  }
0x2bb: {  	(erf) = vpow2.f32 v1;
	_ =	sdelay $0x3  }
0x2bc: {  	v1 =	vld.idx.msk [tilespmem:v28+s15+$0x0], $0xffff;
	_ =	sdelay $0x3  }
0x2bd: {  	v60 =	vpop (erf)  }
0x2be: {  	v1 =	vsub.f32 $0.0e+00, v1;
	v29 =	vpop (erf)  }
0x2bf: {  	v10 =	vadd.f32 $1.000000000e+00, v29  }
0x2c0: {  	v1 =	vmul.f32 $1.442695020e+00, v1  }
0x2c1: {  	(erf) = vrcp.f32 v10  }
0x2c2: {  	(erf) = vpow2.f32 v1;
	_ =	sdelay $0x3  }
0x2c3: {  	v1 =	vld.idx.msk [tilespmem:v8+s28+$0x0], $0xffff;
	_ =	sdelay $0x3  }
0x2c4: {  	v62 =	vpop (erf)  }
0x2c5: {  	v1 =	vsub.f32 $0.0e+00, v1;
	v8 =	vpop (erf)  }
0x2c6: {  	v8 =	vadd.f32 $1.000000000e+00, v8  }
0x2c7: {  	v1 =	vmul.f32 $1.442695020e+00, v1  }
0x2c8: {  	(erf) = vrcp.f32 v8  }
0x2c9: {  	(erf) = vpow2.f32 v1;
	_ =	sdelay $0x3  }
0x2ca: {  	v1 =	vld.idx.msk [tilespmem:v28+s28+$0x0], $0xffff;
	_ =	sdelay $0x3  }
0x2cb: {  	v8 =	vpop (erf)  }
0x2cc: {  	v1 =	vsub.f32 $0.0e+00, v1;
	v30 =	vpop (erf)  }
0x2cd: {  	v9 =	vadd.f32 $1.000000000e+00, v30  }
0x2ce: {  	v1 =	vmul.f32 $1.442695020e+00, v1  }
0x2cf: {  	v32 =	vor.u32 $0x12, v0;
	(erf) = vrcp.f32 v9  }
0x2d0: {  	(erf) = vpow2.f32 v1;
	_ =	sdelay $0x3  }
0x2d1: {  	v1 =	vld.idx.msk [tilespmem:v32+s15+$0x0], $0xffff;
	_ =	sdelay $0x3  }
0x2d2: {  	v63 =	vpop (erf)  }
0x2d3: {  	v1 =	vsub.f32 $0.0e+00, v1;
	v36 =	vpop (erf)  }
0x2d4: {  	v10 =	vadd.f32 $1.000000000e+00, v36  }
0x2d5: {  	v1 =	vmul.f32 $1.442695020e+00, v1  }
0x2d6: {  	v37 =	vor.u32 $0x13, v0;
	(erf) = vrcp.f32 v10  }
0x2d7: {  	(erf) = vpow2.f32 v1;
	_ =	sdelay $0x3  }
0x2d8: {  	v38 =	vld.idx.msk [tilespmem:v37+s15+$0x0], $0xffff;
	_ =	sdelay $0x3  }
0x2d9: {  	v40 =	vpop (erf)  }
0x2da: {  	v11 =	vsub.f32 $0.0e+00, v38;
	v39 =	vpop (erf)  }
0x2db: {  	v12 =	vadd.f32 $1.000000000e+00, v39  }
0x2dc: {  	v11 =	vmul.f32 $1.442695020e+00, v11  }
0x2dd: {  	(erf) = vrcp.f32 v12  }
0x2de: {  	(erf) = vpow2.f32 v11;
	_ =	sdelay $0x3  }
0x2df: {  	v16 =	vld.idx.msk [tilespmem:v32+s28+$0x0], $0xffff;
	_ =	sdelay $0x3  }
0x2e0: {  	v9 =	vpop (erf)  }
0x2e1: {  	v11 =	vsub.f32 $0.0e+00, v16;
	v17 =	vpop (erf)  }
0x2e2: {  	v12 =	vadd.f32 $1.000000000e+00, v17  }
0x2e3: {  	v11 =	vmul.f32 $1.442695020e+00, v11  }
0x2e4: {  	(erf) = vrcp.f32 v12  }
0x2e5: {  	(erf) = vpow2.f32 v11;
	_ =	sdelay $0x3  }
0x2e6: {  	v10 =	vld.idx.msk [tilespmem:v37+s28+$0x0], $0xffff;
	_ =	sdelay $0x3  }
0x2e7: {  	v12 =	vpop (erf)  }
0x2e8: {  	v10 =	vsub.f32 $0.0e+00, v10;
	v11 =	vpop (erf)  }
0x2e9: {  	v11 =	vadd.f32 $1.000000000e+00, v11  }
0x2ea: {  	v10 =	vmul.f32 $1.442695020e+00, v10  }
0x2eb: {  	v13 =	vor.u32 $0x14, v0;
	(erf) = vrcp.f32 v11  }
0x2ec: {  	(erf) = vpow2.f32 v10;
	_ =	sdelay $0x3  }
0x2ed: {  	v24 =	vld.idx.msk [tilespmem:v13+s15+$0x0], $0xffff;
	_ =	sdelay $0x3  }
0x2ee: {  	v39 =	vpop (erf)  }
0x2ef: {  	v11 =	vsub.f32 $0.0e+00, v24;
	v14 =	vpop (erf)  }
0x2f0: {  	v14 =	vadd.f32 $1.000000000e+00, v14  }
0x2f1: {  	v11 =	vmul.f32 $1.442695020e+00, v11  }
0x2f2: {  	v15 =	vor.u32 $0x15, v0;
	(erf) = vrcp.f32 v14  }
0x2f3: {  	(erf) = vpow2.f32 v11;
	_ =	sdelay $0x3  }
0x2f4: {  	v25 =	vld.idx.msk [tilespmem:v15+s15+$0x0], $0xffff;
	_ =	sdelay $0x3  }
0x2f5: {  	v38 =	vpop (erf)  }
0x2f6: {  	v14 =	vsub.f32 $0.0e+00, v25;
	v16 =	vpop (erf)  }
0x2f7: {  	v16 =	vadd.f32 $1.000000000e+00, v16  }
0x2f8: {  	v14 =	vmul.f32 $1.442695020e+00, v14  }
0x2f9: {  	(erf) = vrcp.f32 v16  }
0x2fa: {  	(erf) = vpow2.f32 v14;
	_ =	sdelay $0x3  }
0x2fb: {  	v13 =	vld.idx.msk [tilespmem:v13+s28+$0x0], $0xffff;
	_ =	sdelay $0x3  }
0x2fc: {  	v11 =	vpop (erf)  }
0x2fd: {  	v13 =	vsub.f32 $0.0e+00, v13;
	v26 =	vpop (erf)  }
0x2fe: {  	v16 =	vadd.f32 $1.000000000e+00, v26  }
0x2ff: {  	v13 =	vmul.f32 $1.442695020e+00, v13  }
0x300: {  	(erf) = vrcp.f32 v16  }
0x301: {  	(erf) = vpow2.f32 v13;
	_ =	sdelay $0x3  }
0x302: {  	v27 =	vld.idx.msk [tilespmem:v15+s28+$0x0], $0xffff;
	_ =	sdelay $0x3  }
0x303: {  	v16 =	vpop (erf)  }
0x304: {  	v13 =	vsub.f32 $0.0e+00, v27;
	v28 =	vpop (erf)  }
0x305: {  	v15 =	vadd.f32 $1.000000000e+00, v28  }
0x306: {  	v13 =	vmul.f32 $1.442695020e+00, v13  }
0x307: {  	v17 =	vor.u32 $0x16, v0;
	(erf) = vrcp.f32 v15  }
0x308: {  	(erf) = vpow2.f32 v13;
	_ =	sdelay $0x3  }
0x309: {  	v29 =	vld.idx.msk [tilespmem:v17+s15+$0x0], $0xffff;
	_ =	sdelay $0x3  }
0x30a: {  	v37 =	vpop (erf)  }
0x30b: {  	v15 =	vsub.f32 $0.0e+00, v29;
	v18 =	vpop (erf)  }
0x30c: {  	v18 =	vadd.f32 $1.000000000e+00, v18  }
0x30d: {  	v15 =	vmul.f32 $1.442695020e+00, v15  }
0x30e: {  	v19 =	vor.u32 $0x17, v0;
	(erf) = vrcp.f32 v18  }
0x30f: {  	(erf) = vpow2.f32 v15;
	_ =	sdelay $0x3  }
0x310: {  	v18 =	vld.idx.msk [tilespmem:v19+s15+$0x0], $0xffff;
	_ =	sdelay $0x3  }
0x311: {  	v15 =	vpop (erf)  }
0x312: {  	v10 =	vmov v20;
	v18 =	vsub.f32 $0.0e+00, v18;
	v20 =	vpop (erf)  }
0x313: {  	v20 =	vadd.f32 $1.000000000e+00, v20  }
0x314: {  	v18 =	vmul.f32 $1.442695020e+00, v18  }
0x315: {  	(erf) = vrcp.f32 v20  }
0x316: {  	(erf) = vpow2.f32 v18;
	_ =	sdelay $0x3  }
0x317: {  	v17 =	vld.idx.msk [tilespmem:v17+s28+$0x0], $0xffff;
	_ =	sdelay $0x3  }
0x318: {  	v18 =	vpop (erf)  }
0x319: {  	v17 =	vsub.f32 $0.0e+00, v17;
	v20 =	vpop (erf)  }
0x31a: {  	v20 =	vadd.f32 $1.000000000e+00, v20  }
0x31b: {  	v17 =	vmul.f32 $1.442695020e+00, v17  }
0x31c: {  	(erf) = vrcp.f32 v20  }
0x31d: {  	(erf) = vpow2.f32 v17;
	_ =	sdelay $0x3  }
0x31e: {  	v30 =	vld.idx.msk [tilespmem:v19+s28+$0x0], $0xffff;
	_ =	sdelay $0x3  }
0x31f: {  	v20 =	vpop (erf)  }
0x320: {  	v17 =	vsub.f32 $0.0e+00, v30;
	v19 =	vpop (erf)  }
0x321: {  	v19 =	vadd.f32 $1.000000000e+00, v19  }
0x322: {  	v17 =	vmul.f32 $1.442695020e+00, v17  }
0x323: {  	v21 =	vor.u32 $0x18, v0;
	(erf) = vrcp.f32 v19  }
0x324: {  	(erf) = vpow2.f32 v17;
	_ =	sdelay $0x3  }
0x325: {  	v19 =	vld.idx.msk [tilespmem:v21+s15+$0x0], $0xffff;
	_ =	sdelay $0x3  }
0x326: {  	v17 =	vpop (erf)  }
0x327: {  	v19 =	vsub.f32 $0.0e+00, v19;
	v22 =	vpop (erf)  }
0x328: {  	v22 =	vadd.f32 $1.000000000e+00, v22  }
0x329: {  	v19 =	vmul.f32 $1.442695020e+00, v19  }
0x32a: {  	v23 =	vor.u32 $0x19, v0;
	(erf) = vrcp.f32 v22  }
0x32b: {  	(erf) = vpow2.f32 v19;
	_ =	sdelay $0x3  }
0x32c: {  	v22 =	vld.idx.msk [tilespmem:v23+s15+$0x0], $0xffff;
	_ =	sdelay $0x3  }
0x32d: {  	v19 =	vpop (erf)  }
0x32e: {  	v22 =	vsub.f32 $0.0e+00, v22;
	v24 =	vpop (erf)  }
0x32f: {  	v24 =	vadd.f32 $1.000000000e+00, v24  }
0x330: {  	v22 =	vmul.f32 $1.442695020e+00, v22  }
0x331: {  	(erf) = vrcp.f32 v24  }
0x332: {  	(erf) = vpow2.f32 v22;
	_ =	sdelay $0x3  }
0x333: {  	v21 =	vld.idx.msk [tilespmem:v21+s28+$0x0], $0xffff;
	_ =	sdelay $0x3  }
0x334: {  	v22 =	vpop (erf)  }
0x335: {  	v21 =	vsub.f32 $0.0e+00, v21;
	v32 =	vpop (erf)  }
0x336: {  	v24 =	vadd.f32 $1.000000000e+00, v32  }
0x337: {  	v21 =	vmul.f32 $1.442695020e+00, v21  }
0x338: {  	(erf) = vrcp.f32 v24  }
0x339: {  	(erf) = vpow2.f32 v21;
	_ =	sdelay $0x3  }
0x33a: {  	v21 =	vld.idx.msk [tilespmem:v23+s28+$0x0], $0xffff;
	_ =	sdelay $0x3  }
0x33b: {  	v24 =	vpop (erf)  }
0x33c: {  	v21 =	vsub.f32 $0.0e+00, v21;
	v23 =	vpop (erf)  }
0x33d: {  	v23 =	vadd.f32 $1.000000000e+00, v23  }
0x33e: {  	v21 =	vmul.f32 $1.442695020e+00, v21  }
0x33f: {  	v25 =	vor.u32 $0x1A, v0;
	(erf) = vrcp.f32 v23  }
0x340: {  	(erf) = vpow2.f32 v21;
	_ =	sdelay $0x3  }
0x341: {  	v23 =	vld.idx.msk [tilespmem:v25+s15+$0x0], $0xffff;
	_ =	sdelay $0x3  }
0x342: {  	v21 =	vpop (erf)  }
0x343: {  	v23 =	vsub.f32 $0.0e+00, v23;
	v26 =	vpop (erf)  }
0x344: {  	v26 =	vadd.f32 $1.000000000e+00, v26  }
0x345: {  	v23 =	vmul.f32 $1.442695020e+00, v23  }
0x346: {  	v27 =	vor.u32 $0x1B, v0;
	(erf) = vrcp.f32 v26  }
0x347: {  	(erf) = vpow2.f32 v23;
	_ =	sdelay $0x3  }
0x348: {  	v36 =	vld.idx.msk [tilespmem:v27+s15+$0x0], $0xffff;
	_ =	sdelay $0x3  }
0x349: {  	v23 =	vpop (erf)  }
0x34a: {  	v26 =	vsub.f32 $0.0e+00, v36;
	v28 =	vpop (erf)  }
0x34b: {  	v28 =	vadd.f32 $1.000000000e+00, v28  }
0x34c: {  	v26 =	vmul.f32 $1.442695020e+00, v26  }
0x34d: {  	(erf) = vrcp.f32 v28  }
0x34e: {  	(erf) = vpow2.f32 v26;
	_ =	sdelay $0x3  }
0x34f: {  	v25 =	vld.idx.msk [tilespmem:v25+s28+$0x0], $0xffff;
	_ =	sdelay $0x3  }
0x350: {  	v26 =	vpop (erf)  }
0x351: {  	v25 =	vsub.f32 $0.0e+00, v25;
	v13 =	vpop (erf)  }
0x352: {  	v28 =	vadd.f32 $1.000000000e+00, v13  }
0x353: {  	v25 =	vmul.f32 $1.442695020e+00, v25  }
0x354: {  	(erf) = vrcp.f32 v28  }
0x355: {  	(erf) = vpow2.f32 v25;
	_ =	sdelay $0x3  }
0x356: {  	v14 =	vld.idx.msk [tilespmem:v27+s28+$0x0], $0xffff;
	_ =	sdelay $0x3  }
0x357: {  	v27 =	vpop (erf)  }
0x358: {  	v25 =	vsub.f32 $0.0e+00, v14;
	v32 =	vpop (erf)  }
0x359: {  	v28 =	vadd.f32 $1.000000000e+00, v32  }
0x35a: {  	v25 =	vmul.f32 $1.442695020e+00, v25  }
0x35b: {  	(erf) = vrcp.f32 v28;
	v28 =	vor.u32 $0x1C, v0  }
0x35c: {  	(erf) = vpow2.f32 v25;
	_ =	sdelay $0x3  }
0x35d: {  	v29 =	vld.idx.msk [tilespmem:v28+s15+$0x0], $0xffff;
	_ =	sdelay $0x3  }
0x35e: {  	v25 =	vpop (erf)  }
0x35f: {  	[tilespmem:$0x1FE90] =	vst v3;
	v3 =	vpop (erf);
	v29 =	vsub.f32 $0.0e+00, v29  }
0x360: {  	v3 =	vadd.f32 $1.000000000e+00, v3  }
0x361: {  	v29 =	vmul.f32 $1.442695020e+00, v29  }
0x362: {  	(erf) = vrcp.f32 v3;
	v3 =	vor.u32 $0x1D, v0  }
0x363: {  	(erf) = vpow2.f32 v29;
	_ =	sdelay $0x3  }
0x364: {  	v36 =	vld.idx.msk [tilespmem:v3+s15+$0x0], $0xffff;
	_ =	sdelay $0x3  }
0x365: {  	v30 =	vmov v4;
	v4 =	vpop (erf)  }
0x366: {  	v14 =	vmov v5;
	v5 =	vpop (erf);
	v29 =	vsub.f32 $0.0e+00, v36  }
0x367: {  	v5 =	vadd.f32 $1.000000000e+00, v5  }
0x368: {  	v29 =	vmul.f32 $1.442695020e+00, v29  }
0x369: {  	(erf) = vrcp.f32 v5  }
0x36a: {  	(erf) = vpow2.f32 v29;
	_ =	sdelay $0x3  }
0x36b: {  	v5 =	vld.idx.msk [tilespmem:v28+s28+$0x0], $0xffff;
	_ =	sdelay $0x3  }
0x36c: {  	v28 =	vpop (erf)  }
0x36d: {  	v5 =	vsub.f32 $0.0e+00, v5;
	v29 =	vpop (erf)  }
0x36e: {  	v29 =	vadd.f32 $1.000000000e+00, v29  }
0x36f: {  	v5 =	vmul.f32 $1.442695020e+00, v5  }
0x370: {  	(erf) = vrcp.f32 v29  }
0x371: {  	(erf) = vpow2.f32 v5;
	_ =	sdelay $0x3  }
0x372: {  	v3 =	vld.idx.msk [tilespmem:v3+s28+$0x0], $0xffff;
	_ =	sdelay $0x3  }
0x373: {  	v5 =	vpop (erf)  }
0x374: {  	v3 =	vsub.f32 $0.0e+00, v3;
	v32 =	vpop (erf)  }
0x375: {  	v29 =	vadd.f32 $1.000000000e+00, v32  }
0x376: {  	v3 =	vmul.f32 $1.442695020e+00, v3  }
0x377: {  	v36 =	vor.u32 $0x1E, v0;
	(erf) = vrcp.f32 v29  }
0x378: {  	(erf) = vpow2.f32 v3;
	_ =	sdelay $0x3  }
0x379: {  	v3 =	vld.idx.msk [tilespmem:v36+s15+$0x0], $0xffff;
	_ =	sdelay $0x3  }
0x37a: {  	v13 =	vmov v6;
	v6 =	vpop (erf)  }
0x37b: {  	v3 =	vsub.f32 $0.0e+00, v3;
	v7 =	vpop (erf)  }
0x37c: {  	v7 =	vadd.f32 $1.000000000e+00, v7  }
0x37d: {  	v3 =	vmul.f32 $1.442695020e+00, v3  }
0x37e: {  	(erf) = vrcp.f32 v7;
	v7 =	vor.u32 $0x1F, v0  }
0x37f: {  	(erf) = vpow2.f32 v3;
	_ =	sdelay $0x3  }
0x380: {  	v3 =	vld.idx.msk [tilespmem:v7+s15+$0x0], $0xffff;
	_ =	sdelay $0x3  }
0x381: {  	v1 =	vpop (erf)  }
0x382: {  	v3 =	vsub.f32 $0.0e+00, v3;
	v32 =	vpop (erf)  }
0x383: {  	v32 =	vadd.f32 $1.000000000e+00, v32  }
0x384: {  	v3 =	vmul.f32 $1.442695020e+00, v3  }
0x385: {  	(erf) = vrcp.f32 v32  }
0x386: {  	(erf) = vpow2.f32 v3;
	v3 =	vld.idx.msk [tilespmem:v36+s28+$0x0], $0xffff  }
0x387: {  	v36 =	vld [tilespmem:$0x1FE20];
	_ =	sdelay $0x2  }
0x388: {  	v29 =	vadd.f32 $0.0e+00, v31;
	_ =	sdelay $0x1  }
0x389: {  	v29 =	vadd.f32 v36, v29;
	v36 =	vld [tilespmem:$0x1FE30];
	_ =	sdelay $0x2  }
0x38a: {  	v31 =	vadd.f32 $0.0e+00, v33  }
0x38b: {  	v32 =	vpop (erf)  }
0x38c: {  	v3 =	vsub.f32 $0.0e+00, v3;
	v33 =	vpop (erf);
	v31 =	vadd.f32 v36, v31;
	v36 =	vld [tilespmem:$0x1FE40]  }
0x38d: {  	v33 =	vadd.f32 $1.000000000e+00, v33  }
0x38e: {  	v3 =	vmul.f32 $1.442695020e+00, v3  }
0x38f: {  	(erf) = vrcp.f32 v33  }
0x390: {  	v7 =	vld.idx.msk [tilespmem:v7+s28+$0x0], $0xffff;
	v31 =	vadd.f32 v35, v31;
	(erf) = vpow2.f32 v3  }
0x391: {  	v35 =	vld [tilespmem:$0x1FE50];
	v29 =	vadd.f32 v36, v29  }
0x392: {  	v45 =	vadd.f32 v45, v31;
	v36 =	vld [tilespmem:$0x1FE60]  }
0x393: {  	v3 =	vadd.f32 v42, v29;
	v42 =	vld [tilespmem:$0x1FE70]  }
0x394: {  	v29 =	vadd.f32 v49, v45;
	v45 =	vld [tilespmem:$0x1FE80]  }
0x395: {  	v7 =	vsub.f32 $0.0e+00, v7;
	v3 =	vadd.f32 v47, v3  }
0x396: {  	v31 =	vadd.f32 $0.0e+00, v35;
	v47 =	vld [tilespmem:$0x1FE90];
	v29 =	vadd.f32 v53, v29  }
0x397: {  	v33 =	vadd.f32 $0.0e+00, v36;
	v3 =	vadd.f32 v51, v3  }
0x398: {  	v29 =	vadd.f32 v57, v29;
	v49 =	vpop (erf);
	v31 =	vadd.f32 v42, v31  }
0x399: {  	v33 =	vadd.f32 v45, v33;
	v51 =	vpop (erf);
	v3 =	vadd.f32 v55, v3  }
0x39a: {  	v29 =	vadd.f32 v61, v29;
	v36 =	vadd.f32 $1.000000000e+00, v51  }
0x39b: {  	v31 =	vadd.f32 v47, v31;
	v33 =	vadd.f32 v41, v33  }
0x39c: {  	v7 =	vmul.f32 $1.442695020e+00, v7;
	v3 =	vadd.f32 v59, v3;
	v8 =	vadd.f32 v8, v29  }
0x39d: {  	(erf) = vrcp.f32 v36;
	v31 =	vadd.f32 v43, v31;
	v33 =	vadd.f32 v44, v33  }
0x39e: {  	(erf) = vpow2.f32 v7;
	v3 =	vadd.f32 v62, v3;
	v7 =	vadd.f32 v12, v8  }
0x39f: {  	v31 =	vadd.f32 v46, v31;
	v53 =	vadd.f32 v48, v33  }
0x3a0: {  	v3 =	vadd.f32 v9, v3;
	v7 =	vadd.f32 v16, v7  }
0x3a1: {  	v31 =	vadd.f32 v50, v31;
	v8 =	vadd.f32 v52, v53  }
0x3a2: {  	v3 =	vadd.f32 v11, v3;
	v7 =	vadd.f32 v20, v7  }
0x3a3: {  	v55 =	vadd.f32 v54, v31;
	v8 =	vadd.f32 v56, v8  }
0x3a4: {  	v3 =	vadd.f32 v18, v3;
	v7 =	vadd.f32 v24, v7  }
0x3a5: {  	v9 =	vadd.f32 v58, v55;
	v8 =	vadd.f32 v60, v8  }
0x3a6: {  	v57 =	vpop (erf);
	v3 =	vadd.f32 v22, v3;
	v7 =	vadd.f32 v27, v7  }
0x3a7: {  	v58 =	vpop (erf);
	v9 =	vadd.f32 v63, v9;
	v8 =	vadd.f32 v40, v8  }
0x3a8: {  	v59 =	vadd.f32 $1.000000000e+00, v58;
	v3 =	vadd.f32 v26, v3  }
0x3a9: {  	v9 =	vadd.f32 v39, v9;
	v8 =	vadd.f32 v38, v8  }
0x3aa: {  	v5 =	vadd.f32 v5, v7;
	v3 =	vadd.f32 v28, v3  }
0x3ab: {  	v7 =	vadd.f32 v37, v9;
	v8 =	vadd.f32 v15, v8  }
0x3ac: {  	v60 =	vld [tilespmem:s29+$0x0];
	(erf) = vrcp.f32 v59;
	v5 =	vadd.f32 v49, v5;
	v3 =	vadd.f32 v32, v3  }
0x3ad: {  	v7 =	vadd.f32 v17, v7;
	v8 =	vadd.f32 v19, v8  }
0x3ae: {  	v61 =	vld [tilespmem:s30+$0x0];
	v3 =	vadd.f32 v5, v3  }
0x3af: {  	v5 =	vadd.f32 v21, v7;
	v7 =	vadd.f32 v23, v8;
	_ =	sdelay $0x1  }
0x3b0: {  	v3 =	vsub.f32 v3, v60;
	v4 =	vadd.f32 v4, v7  }
0x3b1: {  	v5 =	vadd.f32 v25, v5  }
0x3b2: {  	v3 =	vmul.f32 v3, v61  }
0x3b3: {  	v5 =	vadd.f32 v6, v5;
	v1 =	vadd.f32 v1, v4  }
0x3b4: {  	v3 =	vsub.f32 $0.0e+00, v3;
	v4 =	vpop (erf)  }
0x3b5: {  	v5 =	vadd.f32 v57, v5;
	v1 =	vadd.f32 v4, v1  }
0x3b6: {  	v4 =	vld [tilespmem:$0x1FEA0]  }
0x3b7: {  	v3 =	vmul.f32 $1.442695020e+00, v3;
	v1 =	vadd.f32 v1, v5;
	v5 =	vld [tilespmem:$0x1FEB0];
	_ =	sdelay $0x1  }
0x3b8: {  	(erf) = vpow2.f32 v3  }
0x3b9: {  	v3 =	vmul.f32 $3.125000000e-02, v60;
	v1 =	vmul.f32 $3.125000000e-02, v1;
	_ =	sdelay $0x1  }
0x3ba: {  	v4 =	vmul.f32 v1, v4;
	v5 =	vmul.f32 v3, v5;
	_ =	sdelay $0x1  }
0x3bb: {  	v4 =	vadd.f32 v4, v5;
	v5 =	vld [tilespmem:$0x1FEC0];
	_ =	sdelay $0x4  }
0x3bc: {  	v4 =	vadd.f32 v4, v5;
	_ =	sdelay $0x1  }
0x3bd: {  	v5 =	vpop (erf);
	v4 =	vsub.f32 $0.0e+00, v4  }
0x3be: {  	v5 =	vadd.f32 $1.000000000e+00, v5  }
0x3bf: {  	v4 =	vmul.f32 $1.442695020e+00, v4  }
0x3c0: {  	(erf) = vrcp.f32 v5;
	v5 =	vld [tilespmem:$0x1FEE0]  }
0x3c1: {  	(erf) = vpow2.f32 v4;
	v4 =	vld [tilespmem:$0x1FED0];
	_ =	sdelay $0x4  }
0x3c2: {  	v5 =	vmul.f32 v3, v5;
	v4 =	vmul.f32 v1, v4;
	_ =	sdelay $0x1  }
0x3c3: {  	v4 =	vadd.f32 v4, v5;
	v5 =	vld [tilespmem:$0x1FEF0];
	_ =	sdelay $0x4  }
0x3c4: {  	v4 =	vadd.f32 v4, v5  }
0x3c5: {  	v5 =	vpop (erf)  }
0x3c6: {  	v6 =	vpop (erf);
	v4 =	vsub.f32 $0.0e+00, v4  }
0x3c7: {  	v6 =	vadd.f32 $1.000000000e+00, v6  }
0x3c8: {  	v4 =	vmul.f32 $1.442695020e+00, v4  }
0x3c9: {  	(erf) = vrcp.f32 v6;
	v6 =	vld [tilespmem:$0x1FF10]  }
0x3ca: {  	(erf) = vpow2.f32 v4;
	v4 =	vld [tilespmem:$0x1FF00];
	_ =	sdelay $0x4  }
0x3cb: {  	v6 =	vmul.f32 v3, v6;
	v4 =	vmul.f32 v1, v4;
	_ =	sdelay $0x1  }
0x3cc: {  	v4 =	vadd.f32 v4, v6;
	v6 =	vld [tilespmem:$0x1FF20];
	_ =	sdelay $0x4  }
0x3cd: {  	v4 =	vadd.f32 v4, v6  }
0x3ce: {  	v6 =	vpop (erf)  }
0x3cf: {  	v7 =	vpop (erf);
	v4 =	vsub.f32 $0.0e+00, v4  }
0x3d0: {  	v7 =	vadd.f32 $1.000000000e+00, v7  }
0x3d1: {  	v4 =	vmul.f32 $1.442695020e+00, v4  }
0x3d2: {  	(erf) = vrcp.f32 v7  }
0x3d3: {  	(erf) = vpow2.f32 v4;
	v4 =	vld [tilespmem:$0x1FF30];
	_ =	sdelay $0x4  }
0x3d4: {  	v1 =	vmul.f32 v1, v4;
	v4 =	vld [tilespmem:$0x1FF40];
	_ =	sdelay $0x4  }
0x3d5: {  	v3 =	vmul.f32 v3, v4;
	_ =	sdelay $0x1  }
0x3d6: {  	v1 =	vadd.f32 v1, v3;
	v3 =	vld [tilespmem:$0x1FF50];
	_ =	sdelay $0x4  }
0x3d7: {  	v1 =	vadd.f32 v1, v3  }
0x3d8: {  	v3 =	vpop (erf)  }
0x3d9: {  	v4 =	vpop (erf);
	v1 =	vsub.f32 $0.0e+00, v1  }
0x3da: {  	v4 =	vadd.f32 $1.000000000e+00, v4  }
0x3db: {  	v1 =	vmul.f32 $1.442695020e+00, v1  }
0x3dc: {  	(erf) = vrcp.f32 v4  }
0x3dd: {  	(erf) = vpow2.f32 v1;
	_ =	sdelay $0x7  }
0x3de: {  	v1 =	vpop (erf)  }
0x3df: {  	v4 =	vpop (erf)  }
0x3e0: {  	v4 =	vadd.f32 $1.000000000e+00, v4  }
0x3e1: {  	v7 =	vld [tilespmem:$0x1FF70]  }
0x3e2: {  	(erf) = vrcp.f32 v4;
	v4 =	vld [tilespmem:$0x1FF60];
	_ =	sdelay $0x4  }
0x3e3: {  	v7 =	vmul.f32 v3, v7;
	v4 =	vmul.f32 v6, v4;
	_ =	sdelay $0x1  }
0x3e4: {  	v4 =	vadd.f32 v7, v4;
	v7 =	vld [tilespmem:$0x1FF80];
	_ =	sdelay $0x4  }
0x3e5: {  	v7 =	vmul.f32 v1, v7;
	_ =	sdelay $0x1  }
0x3e6: {  	v4 =	vadd.f32 v4, v7;
	v7 =	vld [tilespmem:$0x1FF90];
	_ =	sdelay $0x3  }
0x3e7: {  	v8 =	vpop (erf)  }
0x3e8: {  	v7 =	vmul.f32 v8, v7;
	_ =	sdelay $0x1  }
0x3e9: {  	v4 =	vadd.f32 v4, v7;
	v7 =	vld [tilespmem:$0x1FFA0];
	_ =	sdelay $0x3  }
0x3ea: {  	v62 =	vld [tilespmem:$0x1FFC0]  }
0x3eb: {  	v4 =	vadd.f32 v4, v7;
	v7 =	vld [tilespmem:$0x1FFB0];
	_ =	sdelay $0x2  }
0x3ec: {  	v4 =	vsub.f32 $0.0e+00, v4  }
0x3ed: {  	v9 =	vmul.f32 v3, v62  }
0x3ee: {  	v4 =	vmul.f32 $1.442695020e+00, v4;
	v7 =	vmul.f32 v6, v7;
	_ =	sdelay $0x1  }
0x3ef: {  	(erf) = vpow2.f32 v4;
	v4 =	vadd.f32 v9, v7;
	v7 =	vld [tilespmem:$0x1FFD0];
	_ =	sdelay $0x4  }
0x3f0: {  	v7 =	vmul.f32 v1, v7;
	_ =	sdelay $0x1  }
0x3f1: {  	v4 =	vadd.f32 v4, v7;
	v7 =	vld [tilespmem:$0x1FFE0];
	_ =	sdelay $0x4  }
0x3f2: {  	v7 =	vmul.f32 v8, v7;
	_ =	sdelay $0x1  }
0x3f3: {  	v4 =	vadd.f32 v4, v7;
	v7 =	vld [tilespmem:$0x1FFF0];
	_ =	sdelay $0x4  }
0x3f4: {  	v4 =	vadd.f32 v4, v7;
	_ =	sdelay $0x1  }
0x3f5: {  	v7 =	vpop (erf);
	v4 =	vsub.f32 $0.0e+00, v4  }
0x3f6: {  	v7 =	vadd.f32 $1.000000000e+00, v7  }
0x3f7: {  	v4 =	vmul.f32 $1.442695020e+00, v4  }
0x3f8: {  	(erf) = vrcp.f32 v7  }
0x3f9: {  	(erf) = vpow2.f32 v4;
	_ =	sdelay $0x7  }
0x3fa: {  	v4 =	vpop (erf)  }
0x3fb: {  	v7 =	vpop (erf)  }
0x3fc: {  	v7 =	vadd.f32 $1.000000000e+00, v7;
	_ =	sdelay $0x1  }
0x3fd: {  	(erf) = vrcp.f32 v7;
	_ =	sdelay $0x8  }
0x3fe: {  	v7 =	vpop (erf)  }
0x3ff: {  	v63 =	vsub.f32 $1.000000000e+00, v5;
	v7 =	vsub.f32 $1.000000000e+00, v7;
	_ =	sdelay $0x1  }
0x400: {  	v4 =	vmul.f32 v4, v63;
	v5 =	vmul.f32 v7, v5;
	_ =	sdelay $0x1  }
0x401: {  	v4 =	vadd.f32 v5, v4  }
0x402: {  	p0 =	sne.s32 s6, $0x20  }
.Ltmp0:
0x403: {  	[tilespmem:s5+$0x0] =	vst v4;
	(pc) =	sbr.rel @p0 .LBB2_2-.Ltmp0, $4  }
0x404: {  	[tilespmem:s16+$0x0] =	vst v6  }
0x405: {  	s6 =	sadd.s32 $0x1, s6;
	s30 =	sadd.s32 $0x10, s30;
	[tilespmem:s3+$0x0] =	vst v3  }
0x406: {  	s29 =	sadd.s32 $0x10, s29;
	s5 =	sadd.s32 $0x10, s5;
	s16 =	sadd.s32 $0x10, s16;
	[tilespmem:s0+$0x0] =	vst v1  }
0x407: {  	v20 =	vmovc v10;
	v5 =	vmovc v14;
	v6 =	vmov v13;
	v4 =	vmov v30;
	v3 =	vimm.s32 $0x0;
	s3 =	sadd.s32 $0x10, s3;
	s0 =	sadd.s32 $0x10, s0;
	[tilespmem:s31+$0x0] =	vst v8;
	s31 =	sadd.s32 $0x10, s31  }
0x408: {  	_ =	swait.ge [sflag:s14], $0x1000  }
0x409: {  	[sflag:s14] =	ssyncset.done $0x0  }
0x40a: {  	[sflag:s14] =	ssyncadd.s32 $0xFFFFF000  }
0x40b: {  	_ =	swait.ge [sflag:s4], $0x1000  }
0x40c: {  	[sflag:s4] =	ssyncset.done $0x0  }
0x40d: {  	[sflag:s4] =	ssyncadd.s32 $0xFFFFF000  }
0x40e: {  	_ =	swait.ge [sflag:s14], $0x1000  }
0x40f: {  	[sflag:s14] =	ssyncset.done $0x0  }
0x410: {  	[sflag:s14] =	ssyncadd.s32 $0xFFFFF000  }
0x411: {  	_ =	swait.ge [sflag:s4], $0x1000  }
0x412: {  	[sflag:s4] =	ssyncset.done $0x0  }
0x413: {  	[sflag:s4] =	ssyncadd.s32 $0xFFFFF000  }
0x414: {  	_ =	swait.ge [sflag:s14], $0x1000  }
0x415: {  	[sflag:s14] =	ssyncset.done $0x0  }
0x416: {  	[sflag:s14] =	ssyncadd.s32 $0xFFFFF000  }
0x417: {  	_ =	swait.ge [sflag:s4], $0x1000  }
0x418: {  	[sflag:s4] =	ssyncset.done $0x0  }
0x419: {  	[sflag:s4] =	ssyncadd.s32 $0xFFFFF000  }
0x41a: {  	_ =	swait.ge [sflag:s14], $0x1000  }
0x41b: {  	[sflag:s14] =	ssyncset.done $0x0  }
0x41c: {  	[sflag:s14] =	ssyncadd.s32 $0xFFFFF000  }
0x41d: {  	_ =	swait.ge [sflag:s4], $0x1000  }
0x41e: {  	[sflag:s4] =	ssyncset.done $0x0  }
0x41f: {  	[sflag:s4] =	ssyncadd.s32 $0xFFFFF000  }
0x420: {  	_ =	swait.ge [sflag:s14], $0x1000  }
0x421: {  	[sflag:s14] =	ssyncset.done $0x0  }
0x422: {  	[sflag:s14] =	ssyncadd.s32 $0xFFFFF000  }
0x423: {  	_ =	swait.ge [sflag:s4], $0x1000  }
0x424: {  	[sflag:s4] =	ssyncset.done $0x0  }
0x425: {  	[sflag:s4] =	ssyncadd.s32 $0xFFFFF000  }
0x426: {  	_ =	swait.ge [sflag:s14], $0x1000  }
0x427: {  	[sflag:s14] =	ssyncset.done $0x0  }
0x428: {  	[sflag:s14] =	ssyncadd.s32 $0xFFFFF000  }
0x429: {  	_ =	swait.ge [sflag:s4], $0x1000  }
0x42a: {  	[sflag:s4] =	ssyncset.done $0x0  }
0x42b: {  	[sflag:s4] =	ssyncadd.s32 $0xFFFFF000  }
0x42c: {  	_ =	swait.ge [sflag:s14], $0x1000  }
0x42d: {  	[sflag:s14] =	ssyncset.done $0x0  }
0x42e: {  	[sflag:s14] =	ssyncadd.s32 $0xFFFFF000  }
0x42f: {  	_ =	swait.ge [sflag:s4], $0x1000  }
0x430: {  	[sflag:s4] =	ssyncset.done $0x0  }
0x431: {  	[sflag:s4] =	ssyncadd.s32 $0xFFFFF000  }
0x432: {  	_ =	swait.ge [sflag:s14], $0x1000  }
0x433: {  	[sflag:s14] =	ssyncset.done $0x0  }
0x434: {  	[sflag:s14] =	ssyncadd.s32 $0xFFFFF000  }
0x435: {  	_ =	swait.ge [sflag:s4], $0x1000  }
0x436: {  	[sflag:s4] =	ssyncset.done $0x0  }
0x437: {  	[sflag:s4] =	ssyncadd.s32 $0xFFFFF000  }
0x438: {  	_ =	swait.ge [sflag:s14], $0x1000  }
0x439: {  	[sflag:s14] =	ssyncset.done $0x0  }
0x43a: {  	[sflag:s14] =	ssyncadd.s32 $0xFFFFF000  }
0x43b: {  	_ =	swait.ge [sflag:s4], $0x1000  }
0x43c: {  	[sflag:s4] =	ssyncset.done $0x0  }
0x43d: {  	[sflag:s4] =	ssyncadd.s32 $0xFFFFF000  }
0x43e: {  	_ =	swait.ge [sflag:s14], $0x1000  }
0x43f: {  	[sflag:s14] =	ssyncset.done $0x0  }
0x440: {  	[sflag:s14] =	ssyncadd.s32 $0xFFFFF000  }
0x441: {  	_ =	swait.ge [sflag:s4], $0x1000  }
0x442: {  	[sflag:s4] =	ssyncset.done $0x0  }
0x443: {  	[sflag:s4] =	ssyncadd.s32 $0xFFFFF000  }
0x444: {  	_ =	swait.ge [sflag:s14], $0x1000  }
0x445: {  	[sflag:s14] =	ssyncset.done $0x0  }
0x446: {  	[sflag:s14] =	ssyncadd.s32 $0xFFFFF000  }
0x447: {  	_ =	swait.ge [sflag:s4], $0x1000  }
0x448: {  	s16 =	simm.s32 $0x0;
	[sflag:s4] =	ssyncset.done $0x0  }
0x449: {  	s3 =	simm.s32 $0x19600;
	s0 =	rddreg [dreg:$0xb];
	[sflag:s4] =	ssyncadd.s32 $0xFFFFF000  }
0x44a: {  	[hbm4b:s0+s16] =	stream.linear.scatter [tilespmem:s3], [sflag:$0x3], $0x200, $0x38;
	[tilespmem:$0x1A080] =	vst v63  }
0x44b: {  	s3 =	simm.s32 $0x3  }
0x44c: {  	_ =	swait.ge [sflag:s3], $0x200  }
0x44d: {  	[sflag:s3] =	ssyncset.done $0x0  }
0x44e: {  	s5 =	simm.s32 $0x19800;
	s7 =	rddreg [dreg:$0xc];
	[sflag:s3] =	ssyncadd.s32 $0xFFFFFE00  }
0x44f: {  	[hbm4b:s7+s16] =	stream.linear.scatter [tilespmem:s5], [sflag:$0x3], $0x200, $0x38;
	[tilespmem:$0x1A080] =	vst v63  }
0x450: {  	_ =	swait.ge [sflag:s3], $0x200  }
0x451: {  	[sflag:s3] =	ssyncset.done $0x0  }
0x452: {  	s9 =	simm.s32 $0x19A00;
	s8 =	rddreg [dreg:$0xd];
	[sflag:s3] =	ssyncadd.s32 $0xFFFFFE00  }
0x453: {  	[hbm4b:s8+s16] =	stream.linear.scatter [tilespmem:s9], [sflag:$0x3], $0x200, $0x38;
	[tilespmem:$0x1A080] =	vst v63  }
0x454: {  	_ =	swait.ge [sflag:s3], $0x200  }
0x455: {  	[sflag:s3] =	ssyncset.done $0x0  }
0x456: {  	s11 =	simm.s32 $0x19C00;
	s10 =	rddreg [dreg:$0xe];
	[sflag:s3] =	ssyncadd.s32 $0xFFFFFE00  }
0x457: {  	[hbm4b:s10+s16] =	stream.linear.scatter [tilespmem:s11], [sflag:$0x3], $0x200, $0x38;
	[tilespmem:$0x1A080] =	vst v63  }
0x458: {  	_ =	swait.ge [sflag:s3], $0x200  }
0x459: {  	[sflag:s3] =	ssyncset.done $0x0  }
0x45a: {  	s13 =	simm.s32 $0x19E00;
	s12 =	rddreg [dreg:$0xf];
	[sflag:s3] =	ssyncadd.s32 $0xFFFFFE00  }
0x45b: {  	[hbm4b:s12+s16] =	stream.linear.scatter [tilespmem:s13], [sflag:$0x3], $0x200, $0x38;
	[tilespmem:$0x1A080] =	vst v63  }
0x45c: {  	_ =	swait.ge [sflag:s3], $0x200  }
0x45d: {  	s29 =	rddreg [dreg:$0x11]  }
0x45e: {  	s30 =	rddreg [dreg:$0x10];
	s5 =	sadd.s32 $0x1, s29  }
0x45f: {  	p0 =	sne.s32 s5, s30  }
.Ltmp1:
0x460: {  	_ = 	snop;
	(pc) =	sbr.rel @p0 .LBB2_1-.Ltmp1, $4  }
0x461: {  	s6 =	simm.s32 $0x4200;
	s31 =	simm.s32 $0x8200  }
0x462: {  	s7 =	simm.s32 $0x10200;
	s8 =	simm.s32 $0x5200;
	s9 =	simm.s32 $0x11200  }
0x463: {  	s10 =	simm.s32 $0x6200;
	s11 =	simm.s32 $0x12200;
	[sflag:s3] =	ssyncset.done $0x0  }
0x464: {  	s12 =	simm.s32 $0x7200;
	s13 =	simm.s32 $0x13200;
	[sflag:s3] =	ssyncadd.s32 $0xFFFFFE00  }
0x465: {  	_ =	sfence.sel $0x180000  }
0x466: {  	[bflag:$0x0] =	sbarrier.arrive $0xFFFF  }
0x467: {  	_ =	strace $0x9000004A  }
0x468: {  	s0 =	stileid.u32;
	[bflag:$0x2] =	sbarrier.arrive $0xFFFF  }
0x469: {  	p0 =	sne.s32 s0, $0x0;
	s0 =	rddreg [dreg:$0x6]  }
0x46a: {  	s0 =	sadd.s32 @!p0 $0x100000, s0  }
0x46b: {  	[sflag:s0] =	ssyncadd.tile.s32 @!p0 $0x1;
	_ =	shalt  }
.Lfunc_end2:
_tile_overlayer_lowered:
.L_overlay_start_2:
0x46c: {  	(tag) =	ssettag $0x2  }
0x46d: {  	s0 =	rddreg [dreg:$0x0];
	s2 =	stileid.u32  }
0x46e: {  	s1 =	rddreg [dreg:$0x1];
	p0 =	sne.s32 s2, $0x0  }
0x46f: {  	s3 =	rddreg [dreg:$0x2];
	[bflag:$0x3] =	sbarrier.arrive $0xFFFF;
	s2 =	simm.s32 @!p0 $0x1C03  }
0x470: {  	[timem:s3], [sflag:s2] =	dma.local @!p0 [hbm:s0], s1  }
0x471: {  	s0 =	simm.s32 @!p0 $0x3  }
0x472: {  	_ =	swait.ge @!p0 [sflag:s0], s1  }
0x473: {  	s1 =	ssub.s32 @!p0 $0x0, s1;
	[sflag:s0] =	ssyncset.done @!p0 $0x0  }
0x474: {  	[sflag:s0] =	ssyncadd.s32 @!p0 s1  }
0x475: {  	[bflag:$0x3] =	sbarrier.arrive $0xFFFF  }
0x476: {  	_ =	shalt  }

</sc_bundles>
